<compile_context>
chip_gen: v7x
topology: tpu7x:2x2x1
jax: 0.10.2.dev20260603
libtpu: 0.0.44.dev20260713+nightly
codegen_flags: <defaults>
</compile_context>

<pallas_src>
import functools

import jax
import jax.numpy as jnp
from jax import lax
from jax.experimental import pallas as pl
from jax.experimental.pallas import tpu as pltpu
from jax.experimental.pallas import tpu_sc as plsc

N = 10000
NP = 10240
E = 320000
D = 128
NC, NS = 2, 16
NW = NC * NS
CK = 128
CHUNKS = 79
EP = NW * CHUNKS * CK
ROWS_PER_TILE = NP // NS
EPS = 1e-5

_mesh = plsc.VectorSubcoreMesh(core_axis_name="c", subcore_axis_name="s",
                               num_cores=NC, num_subcores=NS)



@functools.partial(
    pl.kernel,
    out_type=jax.ShapeDtypeStruct((NC, NP, D), jnp.float32),
    mesh=_mesh,
    scratch_types=[
        pltpu.VMEM((40, CK), jnp.int32),
        pltpu.VMEM((40, CK), jnp.int32),
        pltpu.VMEM((2, CK, D), jnp.float32),
        pltpu.VMEM_SHARED((NP, D), jnp.float32),
        pltpu.SemaphoreType.DMA,
        pltpu.SemaphoreType.DMA,
        pltpu.SemaphoreType.DMA,
        pltpu.SemaphoreType.DMA,
    ],
)
def _sc_scatter(g_hbm, src_hbm, dst_hbm, zeros_hbm, out_hbm,
                idx_s, idx_d, rows, acc, gsem0, gsem1, ssem0, ssem1):
    c = lax.axis_index("c")
    s = lax.axis_index("s")
    w = c * NS + s
    pltpu.sync_copy(zeros_hbm, acc.at[pl.ds(s * ROWS_PER_TILE, ROWS_PER_TILE)])
    plsc.subcore_barrier()

    for base, n in ((0, 40), (40, CHUNKS - 40)):
        pltpu.sync_copy(src_hbm.at[w, pl.ds(base, n)], idx_s.at[pl.ds(0, n)])
        pltpu.sync_copy(dst_hbm.at[w, pl.ds(base, n)], idx_d.at[pl.ds(0, n)])
        pltpu.async_copy(g_hbm.at[idx_s.at[0]], rows.at[0], gsem0)

        def body(i, carry):
            j0 = i * 2
            pltpu.async_copy(g_hbm.at[idx_s.at[j0 + 1]], rows.at[1], gsem1)
            pltpu.make_async_copy(g_hbm.at[idx_s.at[j0]], rows.at[0], gsem0).wait()
            pltpu.sync_copy(rows.at[0], acc.at[idx_d.at[j0]], add=True)

            @pl.when(j0 + 2 < n)
            def _():
                pltpu.async_copy(g_hbm.at[idx_s.at[j0 + 2]], rows.at[0], gsem0)

            pltpu.make_async_copy(g_hbm.at[idx_s.at[j0 + 1]], rows.at[1], gsem1).wait()
            pltpu.sync_copy(rows.at[1], acc.at[idx_d.at[j0 + 1]], add=True)
            return carry

        lax.fori_loop(0, n // 2, body, 0)
        if n % 2 == 1:
            pltpu.make_async_copy(g_hbm.at[idx_s.at[n - 1]], rows.at[0], gsem0).wait()
            pltpu.sync_copy(rows.at[0], acc.at[idx_d.at[n - 1]], add=True)
    plsc.subcore_barrier()
    pltpu.sync_copy(acc.at[pl.ds(s * ROWS_PER_TILE, ROWS_PER_TILE)],
                    out_hbm.at[c, pl.ds(s * ROWS_PER_TILE, ROWS_PER_TILE)])



@functools.partial(
    pl.kernel,
    out_type=jax.ShapeDtypeStruct((NC, NP, D), jnp.float32),
    mesh=_mesh,
    scratch_types=[
        pltpu.VMEM((CHUNKS, CK), jnp.int32),
        pltpu.VMEM((CK, D), jnp.float32),
        pltpu.VMEM_SHARED((NP, D), jnp.float32),
    ],
)
def _sc_degree(dst_hbm, zeros_hbm, ones_hbm, out_hbm, idx_d, ones_v, acc):
    c = lax.axis_index("c")
    s = lax.axis_index("s")
    w = c * NS + s
    pltpu.sync_copy(zeros_hbm, acc.at[pl.ds(s * ROWS_PER_TILE, ROWS_PER_TILE)])
    pltpu.sync_copy(ones_hbm, ones_v)
    pltpu.sync_copy(dst_hbm.at[w], idx_d)
    plsc.subcore_barrier()

    def body(j, carry):
        pltpu.sync_copy(ones_v, acc.at[idx_d.at[j]], add=True)
        return carry

    lax.fori_loop(0, CHUNKS, body, 0)
    plsc.subcore_barrier()
    pltpu.sync_copy(acc.at[pl.ds(s * ROWS_PER_TILE, ROWS_PER_TILE)],
                    out_hbm.at[c, pl.ds(s * ROWS_PER_TILE, ROWS_PER_TILE)])



def _t0_body(degp_ref, x_ref, w_ref, dinv_ref, g_ref):
    deg = degp_ref[0, :, 0:1] + degp_ref[1, :, 0:1] + 1.0
    row = lax.broadcasted_iota(jnp.int32, (NP, 1), 0)
    dinv = jnp.where(row < N, lax.rsqrt(deg), 0.0)
    dinv_ref[...] = dinv
    g_ref[...] = dinv * jnp.dot(x_ref[...], w_ref[...],
                                preferred_element_type=jnp.float32)


def _t1_body(p_ref, g_ref, dinv_ref, b_ref, wn_ref, h_ref, gn_ref):
    dinv = dinv_ref[...]
    mask = (dinv > 0.0).astype(jnp.float32)
    z = (dinv * (p_ref[0] + p_ref[1] + g_ref[...]) + b_ref[...]) * mask
    h = jnp.maximum(z, 0.0)
    h_ref[...] = h
    gn_ref[...] = dinv * jnp.dot(h, wn_ref[...],
                                 preferred_element_type=jnp.float32)


def _tmid_body(p_ref, g_ref, hin_ref, dinv_ref, b_ref, gam_ref, bet_ref,
               wn_ref, h_ref, gn_ref):
    dinv = dinv_ref[...]
    mask = (dinv > 0.0).astype(jnp.float32)
    z = (dinv * (p_ref[0] + p_ref[1] + g_ref[...]) + b_ref[...]) * mask
    mu = jnp.sum(z, axis=0, keepdims=True) * (1.0 / N)
    d0 = (z - mu) * mask
    var = jnp.sum(d0 * d0, axis=0, keepdims=True) * (1.0 / N)
    bn = (z - mu) * lax.rsqrt(var + EPS) * gam_ref[...] + bet_ref[...]
    h = hin_ref[...] + jnp.maximum(bn, 0.0)
    h_ref[...] = h
    gn_ref[...] = dinv * jnp.dot(h, wn_ref[...],
                                 preferred_element_type=jnp.float32)


def _tlast_body(p_ref, g_ref, hin_ref, dinv_ref, b_ref, gam_ref, bet_ref,
                batch_ref, wm0_ref, bm0_ref, wm1_ref, bm1_ref,
                wm2_ref, bm2_ref, y_ref):
    dinv = dinv_ref[...]
    mask = (dinv > 0.0).astype(jnp.float32)
    z = (dinv * (p_ref[0] + p_ref[1] + g_ref[...]) + b_ref[...]) * mask
    mu = jnp.sum(z, axis=0, keepdims=True) * (1.0 / N)
    d0 = (z - mu) * mask
    var = jnp.sum(d0 * d0, axis=0, keepdims=True) * (1.0 / N)
    bn = (z - mu) * lax.rsqrt(var + EPS) * gam_ref[...] + bet_ref[...]
    h = hin_ref[...] + jnp.maximum(bn, 0.0)
    b = batch_ref[...]
    gids = lax.broadcasted_iota(jnp.int32, (NP, 128), 1)
    onehot = (b == gids).astype(jnp.float32)
    dn = (((0,), (0,)), ((), ()))
    sums = lax.dot_general(onehot, h, dn,
                           preferred_element_type=jnp.float32)
    cnt = lax.dot_general(onehot, jnp.ones((NP, 1), jnp.float32), dn,
                          preferred_element_type=jnp.float32)
    pooled = sums / jnp.maximum(cnt, 1.0)
    y = jnp.maximum(jnp.dot(pooled, wm0_ref[...],
                            preferred_element_type=jnp.float32) + bm0_ref[...], 0.0)
    y = jnp.maximum(jnp.dot(y, wm1_ref[...],
                            preferred_element_type=jnp.float32) + bm1_ref[...], 0.0)
    y_ref[...] = jnp.dot(y, wm2_ref[...],
                         preferred_element_type=jnp.float32) + bm2_ref[...]


def _sds(shape):
    return jax.ShapeDtypeStruct(shape, jnp.float32)



def kernel(x, edge_index, batch, W0, b0, W1, b1, W2, b2, W3, b3,
           gamma, beta, Wm0, bm0, Wm1, bm1, Wm2, bm2):
    f32 = jnp.float32
    src = edge_index[0].astype(jnp.int32)
    dst = edge_index[1].astype(jnp.int32)
    pad_idx = N + (jnp.arange(EP - E, dtype=jnp.int32) % (NP - N))
    src_p = jnp.concatenate([src, pad_idx]).reshape(NW, CHUNKS, CK)
    dst_p = jnp.concatenate([dst, pad_idx]).reshape(NW, CHUNKS, CK)
    x_p = jnp.concatenate([x.astype(f32), jnp.zeros((NP - N, D), f32)])
    batch_p = jnp.concatenate(
        [batch.astype(jnp.int32), jnp.full((NP - N,), 1 << 20, jnp.int32)]
    ).reshape(NP, 1)
    zrow = jnp.zeros((ROWS_PER_TILE, D), f32)
    onesrow = jnp.ones((CK, D), f32)
    b0r, b1r, b2r, b3r = (v.reshape(1, D) for v in (b0, b1, b2, b3))
    gam, bet = gamma.reshape(1, D), beta.reshape(1, D)

    degp = _sc_degree(dst_p, zrow, onesrow)

    dinv, g = pl.pallas_call(
        _t0_body, out_shape=[_sds((NP, 1)), _sds((NP, D))])(degp, x_p, W0)

    parts = _sc_scatter(g, src_p, dst_p, zrow)
    h, g = pl.pallas_call(
        _t1_body, out_shape=[_sds((NP, D)), _sds((NP, D))])(
            parts, g, dinv, b0r, W1)

    for bb, wn in ((b1r, W2), (b2r, W3)):
        parts = _sc_scatter(g, src_p, dst_p, zrow)
        h, g = pl.pallas_call(
            _tmid_body, out_shape=[_sds((NP, D)), _sds((NP, D))])(
                parts, g, h, dinv, bb, gam, bet, wn)

    parts = _sc_scatter(g, src_p, dst_p, zrow)
    y = pl.pallas_call(_tlast_body, out_shape=_sds((128, 10)))(
        parts, g, h, dinv, b3r, gam, bet, batch_p, Wm0, bm0.reshape(1, -1),
        Wm1, bm1.reshape(1, -1), Wm2, bm2.reshape(1, -1))
    return y

# --- scband reference (transcript-rebuilt; emitter-appended) ---
"""Pipeline reference for scband-gcn-68839735820523 (READ-ONLY COPY).

The authoritative reference and input builder live on the scoring server;
editing this copy changes nothing except your own understanding.
"""

import jax, jax.numpy as jnp
import numpy as np

N_NODES = 10000
N_GRAPHS = 128
EPS = 1e-5


def gcn_conv(x, src, dst, W, b):
    # x: [N, d_in], W: [d_in, d_out] (PyG GCNConv: lin then normalized propagate, then bias)
    h = x @ W
    n = x.shape[0]
    loop = jnp.arange(n, dtype=src.dtype)
    s = jnp.concatenate([src, loop])
    d = jnp.concatenate([dst, loop])
    deg = jnp.zeros((n,), dtype=h.dtype).at[d].add(1.0)
    dinv = jnp.where(deg > 0, deg ** -0.5, 0.0)
    norm = dinv[s] * dinv[d]
    msg = h[s] * norm[:, None]
    out = jnp.zeros_like(h).at[d].add(msg)
    return out + b


def batchnorm_train(x, gamma, beta):
    mu = jnp.mean(x, axis=0)
    var = jnp.mean((x - mu) ** 2, axis=0)  # biased var, as in torch BN forward
    return (x - mu) / jnp.sqrt(var + EPS) * gamma + beta


def setup_inputs(seed: int = 0) -> dict:
    key = jax.random.key(seed)
    ks = jax.random.split(key, 24)
    d = 128
    x = jax.random.normal(ks[0], (N_NODES, d), dtype=jnp.float32)
    edge_index = jax.random.randint(ks[1], (2, 320000), 0, N_NODES, dtype=jnp.int64)
    batch = jnp.sort(jax.random.randint(ks[2], (N_NODES,), 0, N_GRAPHS, dtype=jnp.int64))
    def lin(k, fan_in, fan_out):
        bound = 1.0 / np.sqrt(fan_in)
        kw, kb = jax.random.split(k)
        W = jax.random.uniform(kw, (fan_in, fan_out), minval=-bound, maxval=bound, dtype=jnp.float32)
        b = jax.random.uniform(kb, (fan_out,), minval=-bound, maxval=bound, dtype=jnp.float32)
        return W, b
    W0, b0 = lin(ks[3], d, d)
    W1, b1 = lin(ks[4], d, d)
    W2, b2 = lin(ks[5], d, d)
    W3, b3 = lin(ks[6], d, d)
    gamma = jnp.ones((d,), dtype=jnp.float32)
    beta = jnp.zeros((d,), dtype=jnp.float32)
    Wm0, bm0 = lin(ks[7], 128, 64)
    Wm1, bm1 = lin(ks[8], 64, 32)
    Wm2, bm2 = lin(ks[9], 32, 10)
    return {"x": x, "edge_index": edge_index, "batch": batch,
            "W0": W0, "b0": b0, "W1": W1, "b1": b1, "W2": W2, "b2": b2,
            "W3": W3, "b3": b3, "gamma": gamma, "beta": beta,
            "Wm0": Wm0, "bm0": bm0, "Wm1": Wm1, "bm1": bm1, "Wm2": Wm2, "bm2": bm2}


def reference(x, edge_index, batch, W0, b0, W1, b1, W2, b2, W3, b3,
              gamma, beta, Wm0, bm0, Wm1, bm1, Wm2, bm2):
    src, dst = edge_index[0], edge_index[1]
    h = jax.nn.relu(gcn_conv(x, src, dst, W0, b0))
    for (W, b) in ((W1, b1), (W2, b2), (W3, b3)):
        h_in = h
        h = gcn_conv(h, src, dst, W, b)
        h = batchnorm_train(h, gamma, beta)
        h = jax.nn.relu(h)
        h = h_in + h
    # global_mean_pool
    sums = jax.ops.segment_sum(h, batch, num_segments=N_GRAPHS)
    cnt = jax.ops.segment_sum(jnp.ones((h.shape[0],), dtype=h.dtype), batch, num_segments=N_GRAPHS)
    pooled = sums / jnp.maximum(cnt, 1.0)[:, None]
    y = jax.nn.relu(pooled @ Wm0 + bm0)
    y = jax.nn.relu(y @ Wm1 + bm1)
    y = y @ Wm2 + bm2
    return y

if __name__ == "__main__":
    import jax
    _d = setup_inputs()
    print(jax.jit(kernel)(*tuple(_d.values())))

</pallas_src>

<mosaic_0001>
#map = affine_map<(d0, d1) -> (0, 0)>
#map1 = affine_map<(d0, d1) -> (0, 0, 0)>
module attributes {stable_mosaic.version = 14 : i64} {
  func.func @_sc_scatter(%arg0: i32, %arg1: i32, %arg2: memref<10240x128xf32, #tpu.memory_space<hbm>>, %arg3: memref<32x79x128xi32, #tpu.memory_space<hbm>>, %arg4: memref<32x79x128xi32, #tpu.memory_space<hbm>>, %arg5: memref<640x128xf32, #tpu.memory_space<hbm>>, %arg6: memref<2x10240x128xf32, #tpu.memory_space<hbm>>, %arg7: memref<40x128xi32, #tpu.memory_space<vmem>>, %arg8: memref<40x128xi32, #tpu.memory_space<vmem>>, %arg9: memref<2x128x128xf32, #tpu.memory_space<vmem>>, %arg10: memref<10240x128xf32, #tpu.memory_space<vmem_shared>>, %arg11: memref<!tpu.dma_semaphore, #tpu.memory_space<semaphore_mem>>, %arg12: memref<!tpu.dma_semaphore, #tpu.memory_space<semaphore_mem>>, %arg13: memref<!tpu.dma_semaphore, #tpu.memory_space<semaphore_mem>>, %arg14: memref<!tpu.dma_semaphore, #tpu.memory_space<semaphore_mem>>) attributes {dimension_semantics = [#tpu.dimension_semantics<core_parallel>, #tpu.dimension_semantics<subcore_parallel>], iteration_bounds = array<i64: 2, 16>, scalar_prefetch = 0 : i64, scratch_operands = 8 : i64, tpu.core_type = #tpu.core_type<sc_vector_subcore>, window_params = [{transform_indices = #map}, {transform_indices = #map1}, {transform_indices = #map1}, {transform_indices = #map}, {transform_indices = #map1}]} {
    %mul3A = arith.constant 16 : i32
    %mul3A_0 = arith.muli %arg0, %mul3A : i32
    %add3A = arith.addi %mul3A_0, %arg1 : i32
    %mul3A_1 = arith.constant 640 : i32
    %mul3A_2 = arith.muli %arg1, %mul3A_1 : i32
    "tpu.region"() ({
      %run_scoped3A_54 = tpu.sem_alloc : memref<!tpu.dma_semaphore, #tpu.memory_space<semaphore_mem>>
      %dma_start3A_55 = arith.constant 0 : i32
      %dma_start3A_56 = tpu.memref_slice %arg10[%mul3A_2, %dma_start3A_55] : memref<10240x128xf32, #tpu.memory_space<vmem_shared>> -> memref<640x128xf32, #tpu.memory_space<vmem_shared>>
      tpu.enqueue_dma source(%arg5 : memref<640x128xf32, #tpu.memory_space<hbm>>) target(%dma_start3A_56 : memref<640x128xf32, #tpu.memory_space<vmem_shared>>) target_semaphore(%run_scoped3A_54 : memref<!tpu.dma_semaphore, #tpu.memory_space<semaphore_mem>>)
      %dma_wait3A_57 = arith.constant 0 : i32
      %dma_wait3A_58 = tpu.memref_slice %arg10[%mul3A_2, %dma_wait3A_57] : memref<10240x128xf32, #tpu.memory_space<vmem_shared>> -> memref<640x128xf32, #tpu.memory_space<vmem_shared>>
      tpu.wait_dma2 semaphore(%run_scoped3A_54 : memref<!tpu.dma_semaphore, #tpu.memory_space<semaphore_mem>>) src(%arg5 : memref<640x128xf32, #tpu.memory_space<hbm>>) dst(%dma_wait3A_58 : memref<640x128xf32, #tpu.memory_space<vmem_shared>>)
      tpu.yield
    }) : () -> ()
    %barrier3A = arith.constant 0 : index
    tpu.barrier barrier_id(%barrier3A)
    "tpu.region"() ({
      %run_scoped3A_54 = tpu.sem_alloc : memref<!tpu.dma_semaphore, #tpu.memory_space<semaphore_mem>>
      %dma_start3A_55 = arith.constant 0 : i32
      %dma_start3A_56 = arith.constant 0 : i32
      %dma_start3A_57 = tpu.memref_slice %arg7[%dma_start3A_55, %dma_start3A_56] : memref<40x128xi32, #tpu.memory_space<vmem>> -> memref<40x128xi32, #tpu.memory_space<vmem>>
      %dma_start3A_58 = arith.constant 0 : i32
      %dma_start3A_59 = arith.constant 0 : i32
      %dma_start3A_60 = tpu.memref_slice %arg3[%add3A, %dma_start3A_58, %dma_start3A_59] : memref<32x79x128xi32, #tpu.memory_space<hbm>> -> memref<1x40x128xi32, #tpu.memory_space<hbm>>
      %dma_start3A_61 = tpu.memref_squeeze %dma_start3A_60 : memref<1x40x128xi32, #tpu.memory_space<hbm>> -> memref<40x128xi32, #tpu.memory_space<hbm>>
      %dma_start3A_62 = arith.constant 0 : i32
      %dma_start3A_63 = arith.constant 0 : i32
      %dma_start3A_64 = tpu.memref_slice %arg7[%dma_start3A_62, %dma_start3A_63] : memref<40x128xi32, #tpu.memory_space<vmem>> -> memref<40x128xi32, #tpu.memory_space<vmem>>
      %dma_start3A_65 = arith.constant 0 : i32
      %dma_start3A_66 = arith.constant 0 : i32
      %dma_start3A_67 = tpu.memref_slice %arg3[%add3A, %dma_start3A_65, %dma_start3A_66] : memref<32x79x128xi32, #tpu.memory_space<hbm>> -> memref<1x40x128xi32, #tpu.memory_space<hbm>>
      %dma_start3A_68 = tpu.memref_squeeze %dma_start3A_67 : memref<1x40x128xi32, #tpu.memory_space<hbm>> -> memref<40x128xi32, #tpu.memory_space<hbm>>
      tpu.enqueue_dma source(%dma_start3A_68 : memref<40x128xi32, #tpu.memory_space<hbm>>) target(%dma_start3A_64 : memref<40x128xi32, #tpu.memory_space<vmem>>) target_semaphore(%run_scoped3A_54 : memref<!tpu.dma_semaphore, #tpu.memory_space<semaphore_mem>>)
      %dma_wait3A_69 = arith.constant 0 : i32
      %dma_wait3A_70 = arith.constant 0 : i32
      %dma_wait3A_71 = tpu.memref_slice %arg7[%dma_wait3A_69, %dma_wait3A_70] : memref<40x128xi32, #tpu.memory_space<vmem>> -> memref<40x128xi32, #tpu.memory_space<vmem>>
      %dma_wait3A_72 = arith.constant 0 : i32
      %dma_wait3A_73 = arith.constant 0 : i32
      %dma_wait3A_74 = tpu.memref_slice %arg3[%add3A, %dma_wait3A_72, %dma_wait3A_73] : memref<32x79x128xi32, #tpu.memory_space<hbm>> -> memref<1x40x128xi32, #tpu.memory_space<hbm>>
      %dma_wait3A_75 = tpu.memref_squeeze %dma_wait3A_74 : memref<1x40x128xi32, #tpu.memory_space<hbm>> -> memref<40x128xi32, #tpu.memory_space<hbm>>
      %dma_wait3A_76 = arith.constant 0 : i32
      %dma_wait3A_77 = arith.constant 0 : i32
      %dma_wait3A_78 = tpu.memref_slice %arg7[%dma_wait3A_76, %dma_wait3A_77] : memref<40x128xi32, #tpu.memory_space<vmem>> -> memref<40x128xi32, #tpu.memory_space<vmem>>
      %dma_wait3A_79 = arith.constant 0 : i32
      %dma_wait3A_80 = arith.constant 0 : i32
      %dma_wait3A_81 = tpu.memref_slice %arg3[%add3A, %dma_wait3A_79, %dma_wait3A_80] : memref<32x79x128xi32, #tpu.memory_space<hbm>> -> memref<1x40x128xi32, #tpu.memory_space<hbm>>
      %dma_wait3A_82 = tpu.memref_squeeze %dma_wait3A_81 : memref<1x40x128xi32, #tpu.memory_space<hbm>> -> memref<40x128xi32, #tpu.memory_space<hbm>>
      tpu.wait_dma2 semaphore(%run_scoped3A_54 : memref<!tpu.dma_semaphore, #tpu.memory_space<semaphore_mem>>) src(%dma_wait3A_82 : memref<40x128xi32, #tpu.memory_space<hbm>>) dst(%dma_wait3A_78 : memref<40x128xi32, #tpu.memory_space<vmem>>)
      tpu.yield
    }) : () -> ()
    "tpu.region"() ({
      %run_scoped3A_54 = tpu.sem_alloc : memref<!tpu.dma_semaphore, #tpu.memory_space<semaphore_mem>>
      %dma_start3A_55 = arith.constant 0 : i32
      %dma_start3A_56 = arith.constant 0 : i32
      %dma_start3A_57 = tpu.memref_slice %arg8[%dma_start3A_55, %dma_start3A_56] : memref<40x128xi32, #tpu.memory_space<vmem>> -> memref<40x128xi32, #tpu.memory_space<vmem>>
      %dma_start3A_58 = arith.constant 0 : i32
      %dma_start3A_59 = arith.constant 0 : i32
      %dma_start3A_60 = tpu.memref_slice %arg4[%add3A, %dma_start3A_58, %dma_start3A_59] : memref<32x79x128xi32, #tpu.memory_space<hbm>> -> memref<1x40x128xi32, #tpu.memory_space<hbm>>
      %dma_start3A_61 = tpu.memref_squeeze %dma_start3A_60 : memref<1x40x128xi32, #tpu.memory_space<hbm>> -> memref<40x128xi32, #tpu.memory_space<hbm>>
      %dma_start3A_62 = arith.constant 0 : i32
      %dma_start3A_63 = arith.constant 0 : i32
      %dma_start3A_64 = tpu.memref_slice %arg8[%dma_start3A_62, %dma_start3A_63] : memref<40x128xi32, #tpu.memory_space<vmem>> -> memref<40x128xi32, #tpu.memory_space<vmem>>
      %dma_start3A_65 = arith.constant 0 : i32
      %dma_start3A_66 = arith.constant 0 : i32
      %dma_start3A_67 = tpu.memref_slice %arg4[%add3A, %dma_start3A_65, %dma_start3A_66] : memref<32x79x128xi32, #tpu.memory_space<hbm>> -> memref<1x40x128xi32, #tpu.memory_space<hbm>>
      %dma_start3A_68 = tpu.memref_squeeze %dma_start3A_67 : memref<1x40x128xi32, #tpu.memory_space<hbm>> -> memref<40x128xi32, #tpu.memory_space<hbm>>
      tpu.enqueue_dma source(%dma_start3A_68 : memref<40x128xi32, #tpu.memory_space<hbm>>) target(%dma_start3A_64 : memref<40x128xi32, #tpu.memory_space<vmem>>) target_semaphore(%run_scoped3A_54 : memref<!tpu.dma_semaphore, #tpu.memory_space<semaphore_mem>>)
      %dma_wait3A_69 = arith.constant 0 : i32
      %dma_wait3A_70 = arith.constant 0 : i32
      %dma_wait3A_71 = tpu.memref_slice %arg8[%dma_wait3A_69, %dma_wait3A_70] : memref<40x128xi32, #tpu.memory_space<vmem>> -> memref<40x128xi32, #tpu.memory_space<vmem>>
      %dma_wait3A_72 = arith.constant 0 : i32
      %dma_wait3A_73 = arith.constant 0 : i32
      %dma_wait3A_74 = tpu.memref_slice %arg4[%add3A, %dma_wait3A_72, %dma_wait3A_73] : memref<32x79x128xi32, #tpu.memory_space<hbm>> -> memref<1x40x128xi32, #tpu.memory_space<hbm>>
      %dma_wait3A_75 = tpu.memref_squeeze %dma_wait3A_74 : memref<1x40x128xi32, #tpu.memory_space<hbm>> -> memref<40x128xi32, #tpu.memory_space<hbm>>
      %dma_wait3A_76 = arith.constant 0 : i32
      %dma_wait3A_77 = arith.constant 0 : i32
      %dma_wait3A_78 = tpu.memref_slice %arg8[%dma_wait3A_76, %dma_wait3A_77] : memref<40x128xi32, #tpu.memory_space<vmem>> -> memref<40x128xi32, #tpu.memory_space<vmem>>
      %dma_wait3A_79 = arith.constant 0 : i32
      %dma_wait3A_80 = arith.constant 0 : i32
      %dma_wait3A_81 = tpu.memref_slice %arg4[%add3A, %dma_wait3A_79, %dma_wait3A_80] : memref<32x79x128xi32, #tpu.memory_space<hbm>> -> memref<1x40x128xi32, #tpu.memory_space<hbm>>
      %dma_wait3A_82 = tpu.memref_squeeze %dma_wait3A_81 : memref<1x40x128xi32, #tpu.memory_space<hbm>> -> memref<40x128xi32, #tpu.memory_space<hbm>>
      tpu.wait_dma2 semaphore(%run_scoped3A_54 : memref<!tpu.dma_semaphore, #tpu.memory_space<semaphore_mem>>) src(%dma_wait3A_82 : memref<40x128xi32, #tpu.memory_space<hbm>>) dst(%dma_wait3A_78 : memref<40x128xi32, #tpu.memory_space<vmem>>)
      tpu.yield
    }) : () -> ()
    %dma_start3A = arith.constant 0 : i32
    %dma_start3A_3 = arith.constant 0 : i32
    %dma_start3A_4 = arith.constant 0 : i32
    %dma_start3A_5 = arith.constant 0 : i32
    %dma_start3A_6 = tpu.memref_slice %arg9[%dma_start3A_3, %dma_start3A_4, %dma_start3A_5] : memref<2x128x128xf32, #tpu.memory_space<vmem>> -> memref<1x128x128xf32, #tpu.memory_space<vmem>>
    %dma_start3A_7 = tpu.memref_squeeze %dma_start3A_6 : memref<1x128x128xf32, #tpu.memory_space<vmem>> -> memref<128x128xf32, #tpu.memory_space<vmem>>
    %dma_start3A_8 = arith.constant 0 : i32
    %dma_start3A_9 = tpu.memref_slice %arg7[%dma_start3A, %dma_start3A_8] : memref<40x128xi32, #tpu.memory_space<vmem>> -> memref<1x128xi32, #tpu.memory_space<vmem>>
    %dma_start3A_10 = tpu.memref_squeeze %dma_start3A_9 : memref<1x128xi32, #tpu.memory_space<vmem>> -> memref<128xi32, #tpu.memory_space<vmem>>
    %dma_start3A_11 = arith.constant 0 : i32
    %dma_start3A_12 = arith.constant 0 : i32
    %dma_start3A_13 = tpu.memref_slice %arg2[%dma_start3A_11, %dma_start3A_12] : memref<10240x128xf32, #tpu.memory_space<hbm>> -> memref<10240x128xf32, #tpu.memory_space<hbm>>
    tpu.enqueue_indirect_dma source(%dma_start3A_13 : memref<10240x128xf32, #tpu.memory_space<hbm>>) target(%dma_start3A_7 : memref<128x128xf32, #tpu.memory_space<vmem>>) offsets(%dma_start3A_10 : memref<128xi32, #tpu.memory_space<vmem>>) semaphore(%arg11 : memref<!tpu.dma_semaphore, #tpu.memory_space<semaphore_mem>>)
    %scan3A = arith.constant 0 : i32
    %scan3A_14 = arith.constant 0 : i32
    %scan3A_15 = arith.constant 20 : i32
    %scan3A_16 = arith.addi %scan3A_14, %scan3A_15 : i32
    %scan3A_17 = arith.constant 1 : i32
    scf.for %scan3A_54 = %scan3A_14 to %scan3A_16 step %scan3A_17  : i32 {
      %mul3A_55 = arith.constant 2 : i32
      %mul3A_56 = arith.muli %scan3A_54, %mul3A_55 : i32
      %add3A_57 = arith.constant 1 : i32
      %add3A_58 = arith.addi %mul3A_56, %add3A_57 : i32
      %dma_start3A_59 = arith.constant 1 : i32
      %dma_start3A_60 = arith.constant 0 : i32
      %dma_start3A_61 = arith.constant 0 : i32
      %dma_start3A_62 = tpu.memref_slice %arg9[%dma_start3A_59, %dma_start3A_60, %dma_start3A_61] : memref<2x128x128xf32, #tpu.memory_space<vmem>> -> memref<1x128x128xf32, #tpu.memory_space<vmem>>
      %dma_start3A_63 = tpu.memref_squeeze %dma_start3A_62 : memref<1x128x128xf32, #tpu.memory_space<vmem>> -> memref<128x128xf32, #tpu.memory_space<vmem>>
      %dma_start3A_64 = arith.constant 0 : i32
      %dma_start3A_65 = tpu.memref_slice %arg7[%add3A_58, %dma_start3A_64] : memref<40x128xi32, #tpu.memory_space<vmem>> -> memref<1x128xi32, #tpu.memory_space<vmem>>
      %dma_start3A_66 = tpu.memref_squeeze %dma_start3A_65 : memref<1x128xi32, #tpu.memory_space<vmem>> -> memref<128xi32, #tpu.memory_space<vmem>>
      %dma_start3A_67 = arith.constant 0 : i32
      %dma_start3A_68 = arith.constant 0 : i32
      %dma_start3A_69 = tpu.memref_slice %arg2[%dma_start3A_67, %dma_start3A_68] : memref<10240x128xf32, #tpu.memory_space<hbm>> -> memref<10240x128xf32, #tpu.memory_space<hbm>>
      tpu.enqueue_indirect_dma source(%dma_start3A_69 : memref<10240x128xf32, #tpu.memory_space<hbm>>) target(%dma_start3A_63 : memref<128x128xf32, #tpu.memory_space<vmem>>) offsets(%dma_start3A_66 : memref<128xi32, #tpu.memory_space<vmem>>) semaphore(%arg12 : memref<!tpu.dma_semaphore, #tpu.memory_space<semaphore_mem>>)
      %dma_wait3A_70 = arith.constant 0 : i32
      %dma_wait3A_71 = arith.constant 0 : i32
      %dma_wait3A_72 = arith.constant 0 : i32
      %dma_wait3A_73 = tpu.memref_slice %arg9[%dma_wait3A_70, %dma_wait3A_71, %dma_wait3A_72] : memref<2x128x128xf32, #tpu.memory_space<vmem>> -> memref<1x128x128xf32, #tpu.memory_space<vmem>>
      %dma_wait3A_74 = tpu.memref_squeeze %dma_wait3A_73 : memref<1x128x128xf32, #tpu.memory_space<vmem>> -> memref<128x128xf32, #tpu.memory_space<vmem>>
      %dma_wait3A_75 = arith.constant 0 : i32
      %dma_wait3A_76 = tpu.memref_slice %arg7[%mul3A_56, %dma_wait3A_75] : memref<40x128xi32, #tpu.memory_space<vmem>> -> memref<1x128xi32, #tpu.memory_space<vmem>>
      %dma_wait3A_77 = tpu.memref_squeeze %dma_wait3A_76 : memref<1x128xi32, #tpu.memory_space<vmem>> -> memref<128xi32, #tpu.memory_space<vmem>>
      %dma_wait3A_78 = arith.constant 0 : i32
      %dma_wait3A_79 = arith.constant 0 : i32
      %dma_wait3A_80 = tpu.memref_slice %arg2[%dma_wait3A_78, %dma_wait3A_79] : memref<10240x128xf32, #tpu.memory_space<hbm>> -> memref<10240x128xf32, #tpu.memory_space<hbm>>
      tpu.wait_indirect_dma semaphore(%arg11 : memref<!tpu.dma_semaphore, #tpu.memory_space<semaphore_mem>>) src(%dma_wait3A_80 : memref<10240x128xf32, #tpu.memory_space<hbm>>) dst(%dma_wait3A_74 : memref<128x128xf32, #tpu.memory_space<vmem>>)
      %run_scoped3A_81 = arith.constant 0 : i32
      "tpu.region"() ({
        %run_scoped3A_102 = tpu.sem_alloc : memref<!tpu.dma_semaphore, #tpu.memory_space<semaphore_mem>>
        %dma_start3A_103 = arith.constant 0 : i32
        %dma_start3A_104 = arith.constant 0 : i32
        %dma_start3A_105 = tpu.memref_slice %arg9[%run_scoped3A_81, %dma_start3A_103, %dma_start3A_104] : memref<2x128x128xf32, #tpu.memory_space<vmem>> -> memref<1x128x128xf32, #tpu.memory_space<vmem>>
        %dma_start3A_106 = tpu.memref_squeeze %dma_start3A_105 : memref<1x128x128xf32, #tpu.memory_space<vmem>> -> memref<128x128xf32, #tpu.memory_space<vmem>>
        %dma_start3A_107 = arith.constant 0 : i32
        %dma_start3A_108 = tpu.memref_slice %arg8[%mul3A_56, %dma_start3A_107] : memref<40x128xi32, #tpu.memory_space<vmem>> -> memref<1x128xi32, #tpu.memory_space<vmem>>
        %dma_start3A_109 = tpu.memref_squeeze %dma_start3A_108 : memref<1x128xi32, #tpu.memory_space<vmem>> -> memref<128xi32, #tpu.memory_space<vmem>>
        %dma_start3A_110 = arith.constant 0 : i32
        %dma_start3A_111 = arith.constant 0 : i32
        %dma_start3A_112 = tpu.memref_slice %arg10[%dma_start3A_110, %dma_start3A_111] : memref<10240x128xf32, #tpu.memory_space<vmem_shared>> -> memref<10240x128xf32, #tpu.memory_space<vmem_shared>>
        tpu.enqueue_indirect_dma source(%dma_start3A_106 : memref<128x128xf32, #tpu.memory_space<vmem>>) target(%dma_start3A_112 : memref<10240x128xf32, #tpu.memory_space<vmem_shared>>) offsets(%dma_start3A_109 : memref<128xi32, #tpu.memory_space<vmem>>) semaphore(%run_scoped3A_102 : memref<!tpu.dma_semaphore, #tpu.memory_space<semaphore_mem>>) {add = true}
        %dma_wait3A_113 = arith.constant 0 : i32
        %dma_wait3A_114 = arith.constant 0 : i32
        %dma_wait3A_115 = tpu.memref_slice %arg9[%run_scoped3A_81, %dma_wait3A_113, %dma_wait3A_114] : memref<2x128x128xf32, #tpu.memory_space<vmem>> -> memref<1x128x128xf32, #tpu.memory_space<vmem>>
        %dma_wait3A_116 = tpu.memref_squeeze %dma_wait3A_115 : memref<1x128x128xf32, #tpu.memory_space<vmem>> -> memref<128x128xf32, #tpu.memory_space<vmem>>
        %dma_wait3A_117 = arith.constant 0 : i32
        %dma_wait3A_118 = tpu.memref_slice %arg8[%mul3A_56, %dma_wait3A_117] : memref<40x128xi32, #tpu.memory_space<vmem>> -> memref<1x128xi32, #tpu.memory_space<vmem>>
        %dma_wait3A_119 = tpu.memref_squeeze %dma_wait3A_118 : memref<1x128xi32, #tpu.memory_space<vmem>> -> memref<128xi32, #tpu.memory_space<vmem>>
        %dma_wait3A_120 = arith.constant 0 : i32
        %dma_wait3A_121 = arith.constant 0 : i32
        %dma_wait3A_122 = tpu.memref_slice %arg10[%dma_wait3A_120, %dma_wait3A_121] : memref<10240x128xf32, #tpu.memory_space<vmem_shared>> -> memref<10240x128xf32, #tpu.memory_space<vmem_shared>>
        tpu.wait_indirect_dma semaphore(%run_scoped3A_102 : memref<!tpu.dma_semaphore, #tpu.memory_space<semaphore_mem>>) src(%dma_wait3A_116 : memref<128x128xf32, #tpu.memory_space<vmem>>) dst(%dma_wait3A_122 : memref<10240x128xf32, #tpu.memory_space<vmem_shared>>)
        tpu.yield
      }) : () -> ()
      %add3A_82 = arith.constant 2 : i32
      %add3A_83 = arith.addi %mul3A_56, %add3A_82 : i32
      %lt3A = arith.constant 40 : i32
      %lt3A_84 = arith.cmpi slt, %add3A_83, %lt3A : i32
      %convert_element_type3A = arith.extui %lt3A_84 : i1 to i32
      %cond3A = arith.constant 0 : i32
      %cond3A_85 = arith.cmpi ne, %convert_element_type3A, %cond3A : i32
      scf.if %cond3A_85 {
        %add3A_102 = arith.constant 2 : i32
        %add3A_103 = arith.addi %mul3A_56, %add3A_102 : i32
        %dma_start3A_104 = arith.constant 0 : i32
        %dma_start3A_105 = arith.constant 0 : i32
        %dma_start3A_106 = arith.constant 0 : i32
        %dma_start3A_107 = tpu.memref_slice %arg9[%dma_start3A_104, %dma_start3A_105, %dma_start3A_106] : memref<2x128x128xf32, #tpu.memory_space<vmem>> -> memref<1x128x128xf32, #tpu.memory_space<vmem>>
        %dma_start3A_108 = tpu.memref_squeeze %dma_start3A_107 : memref<1x128x128xf32, #tpu.memory_space<vmem>> -> memref<128x128xf32, #tpu.memory_space<vmem>>
        %dma_start3A_109 = arith.constant 0 : i32
        %dma_start3A_110 = tpu.memref_slice %arg7[%add3A_103, %dma_start3A_109] : memref<40x128xi32, #tpu.memory_space<vmem>> -> memref<1x128xi32, #tpu.memory_space<vmem>>
        %dma_start3A_111 = tpu.memref_squeeze %dma_start3A_110 : memref<1x128xi32, #tpu.memory_space<vmem>> -> memref<128xi32, #tpu.memory_space<vmem>>
        %dma_start3A_112 = arith.constant 0 : i32
        %dma_start3A_113 = arith.constant 0 : i32
        %dma_start3A_114 = tpu.memref_slice %arg2[%dma_start3A_112, %dma_start3A_113] : memref<10240x128xf32, #tpu.memory_space<hbm>> -> memref<10240x128xf32, #tpu.memory_space<hbm>>
        tpu.enqueue_indirect_dma source(%dma_start3A_114 : memref<10240x128xf32, #tpu.memory_space<hbm>>) target(%dma_start3A_108 : memref<128x128xf32, #tpu.memory_space<vmem>>) offsets(%dma_start3A_111 : memref<128xi32, #tpu.memory_space<vmem>>) semaphore(%arg11 : memref<!tpu.dma_semaphore, #tpu.memory_space<semaphore_mem>>)
      } else {
      }
      %add3A_86 = arith.constant 1 : i32
      %add3A_87 = arith.addi %mul3A_56, %add3A_86 : i32
      %dma_wait3A_88 = arith.constant 1 : i32
      %dma_wait3A_89 = arith.constant 0 : i32
      %dma_wait3A_90 = arith.constant 0 : i32
      %dma_wait3A_91 = tpu.memref_slice %arg9[%dma_wait3A_88, %dma_wait3A_89, %dma_wait3A_90] : memref<2x128x128xf32, #tpu.memory_space<vmem>> -> memref<1x128x128xf32, #tpu.memory_space<vmem>>
      %dma_wait3A_92 = tpu.memref_squeeze %dma_wait3A_91 : memref<1x128x128xf32, #tpu.memory_space<vmem>> -> memref<128x128xf32, #tpu.memory_space<vmem>>
      %dma_wait3A_93 = arith.constant 0 : i32
      %dma_wait3A_94 = tpu.memref_slice %arg7[%add3A_87, %dma_wait3A_93] : memref<40x128xi32, #tpu.memory_space<vmem>> -> memref<1x128xi32, #tpu.memory_space<vmem>>
      %dma_wait3A_95 = tpu.memref_squeeze %dma_wait3A_94 : memref<1x128xi32, #tpu.memory_space<vmem>> -> memref<128xi32, #tpu.memory_space<vmem>>
      %dma_wait3A_96 = arith.constant 0 : i32
      %dma_wait3A_97 = arith.constant 0 : i32
      %dma_wait3A_98 = tpu.memref_slice %arg2[%dma_wait3A_96, %dma_wait3A_97] : memref<10240x128xf32, #tpu.memory_space<hbm>> -> memref<10240x128xf32, #tpu.memory_space<hbm>>
      tpu.wait_indirect_dma semaphore(%arg12 : memref<!tpu.dma_semaphore, #tpu.memory_space<semaphore_mem>>) src(%dma_wait3A_98 : memref<10240x128xf32, #tpu.memory_space<hbm>>) dst(%dma_wait3A_92 : memref<128x128xf32, #tpu.memory_space<vmem>>)
      %add3A_99 = arith.constant 1 : i32
      %add3A_100 = arith.addi %mul3A_56, %add3A_99 : i32
      %run_scoped3A_101 = arith.constant 1 : i32
      "tpu.region"() ({
        %run_scoped3A_102 = tpu.sem_alloc : memref<!tpu.dma_semaphore, #tpu.memory_space<semaphore_mem>>
        %dma_start3A_103 = arith.constant 0 : i32
        %dma_start3A_104 = arith.constant 0 : i32
        %dma_start3A_105 = tpu.memref_slice %arg9[%run_scoped3A_101, %dma_start3A_103, %dma_start3A_104] : memref<2x128x128xf32, #tpu.memory_space<vmem>> -> memref<1x128x128xf32, #tpu.memory_space<vmem>>
        %dma_start3A_106 = tpu.memref_squeeze %dma_start3A_105 : memref<1x128x128xf32, #tpu.memory_space<vmem>> -> memref<128x128xf32, #tpu.memory_space<vmem>>
        %dma_start3A_107 = arith.constant 0 : i32
        %dma_start3A_108 = tpu.memref_slice %arg8[%add3A_100, %dma_start3A_107] : memref<40x128xi32, #tpu.memory_space<vmem>> -> memref<1x128xi32, #tpu.memory_space<vmem>>
        %dma_start3A_109 = tpu.memref_squeeze %dma_start3A_108 : memref<1x128xi32, #tpu.memory_space<vmem>> -> memref<128xi32, #tpu.memory_space<vmem>>
        %dma_start3A_110 = arith.constant 0 : i32
        %dma_start3A_111 = arith.constant 0 : i32
        %dma_start3A_112 = tpu.memref_slice %arg10[%dma_start3A_110, %dma_start3A_111] : memref<10240x128xf32, #tpu.memory_space<vmem_shared>> -> memref<10240x128xf32, #tpu.memory_space<vmem_shared>>
        tpu.enqueue_indirect_dma source(%dma_start3A_106 : memref<128x128xf32, #tpu.memory_space<vmem>>) target(%dma_start3A_112 : memref<10240x128xf32, #tpu.memory_space<vmem_shared>>) offsets(%dma_start3A_109 : memref<128xi32, #tpu.memory_space<vmem>>) semaphore(%run_scoped3A_102 : memref<!tpu.dma_semaphore, #tpu.memory_space<semaphore_mem>>) {add = true}
        %dma_wait3A_113 = arith.constant 0 : i32
        %dma_wait3A_114 = arith.constant 0 : i32
        %dma_wait3A_115 = tpu.memref_slice %arg9[%run_scoped3A_101, %dma_wait3A_113, %dma_wait3A_114] : memref<2x128x128xf32, #tpu.memory_space<vmem>> -> memref<1x128x128xf32, #tpu.memory_space<vmem>>
        %dma_wait3A_116 = tpu.memref_squeeze %dma_wait3A_115 : memref<1x128x128xf32, #tpu.memory_space<vmem>> -> memref<128x128xf32, #tpu.memory_space<vmem>>
        %dma_wait3A_117 = arith.constant 0 : i32
        %dma_wait3A_118 = tpu.memref_slice %arg8[%add3A_100, %dma_wait3A_117] : memref<40x128xi32, #tpu.memory_space<vmem>> -> memref<1x128xi32, #tpu.memory_space<vmem>>
        %dma_wait3A_119 = tpu.memref_squeeze %dma_wait3A_118 : memref<1x128xi32, #tpu.memory_space<vmem>> -> memref<128xi32, #tpu.memory_space<vmem>>
        %dma_wait3A_120 = arith.constant 0 : i32
        %dma_wait3A_121 = arith.constant 0 : i32
        %dma_wait3A_122 = tpu.memref_slice %arg10[%dma_wait3A_120, %dma_wait3A_121] : memref<10240x128xf32, #tpu.memory_space<vmem_shared>> -> memref<10240x128xf32, #tpu.memory_space<vmem_shared>>
        tpu.wait_indirect_dma semaphore(%run_scoped3A_102 : memref<!tpu.dma_semaphore, #tpu.memory_space<semaphore_mem>>) src(%dma_wait3A_116 : memref<128x128xf32, #tpu.memory_space<vmem>>) dst(%dma_wait3A_122 : memref<10240x128xf32, #tpu.memory_space<vmem_shared>>)
        tpu.yield
      }) : () -> ()
    }
    %scan3A_18 = arith.constant 20 : i32
    "tpu.region"() ({
      %run_scoped3A_54 = tpu.sem_alloc : memref<!tpu.dma_semaphore, #tpu.memory_space<semaphore_mem>>
      %dma_start3A_55 = arith.constant 0 : i32
      %dma_start3A_56 = arith.constant 0 : i32
      %dma_start3A_57 = tpu.memref_slice %arg7[%dma_start3A_55, %dma_start3A_56] : memref<40x128xi32, #tpu.memory_space<vmem>> -> memref<39x128xi32, #tpu.memory_space<vmem>>
      %dma_start3A_58 = arith.constant 40 : i32
      %dma_start3A_59 = arith.constant 0 : i32
      %dma_start3A_60 = tpu.memref_slice %arg3[%add3A, %dma_start3A_58, %dma_start3A_59] : memref<32x79x128xi32, #tpu.memory_space<hbm>> -> memref<1x39x128xi32, #tpu.memory_space<hbm>>
      %dma_start3A_61 = tpu.memref_squeeze %dma_start3A_60 : memref<1x39x128xi32, #tpu.memory_space<hbm>> -> memref<39x128xi32, #tpu.memory_space<hbm>>
      %dma_start3A_62 = arith.constant 0 : i32
      %dma_start3A_63 = arith.constant 0 : i32
      %dma_start3A_64 = tpu.memref_slice %arg7[%dma_start3A_62, %dma_start3A_63] : memref<40x128xi32, #tpu.memory_space<vmem>> -> memref<39x128xi32, #tpu.memory_space<vmem>>
      %dma_start3A_65 = arith.constant 40 : i32
      %dma_start3A_66 = arith.constant 0 : i32
      %dma_start3A_67 = tpu.memref_slice %arg3[%add3A, %dma_start3A_65, %dma_start3A_66] : memref<32x79x128xi32, #tpu.memory_space<hbm>> -> memref<1x39x128xi32, #tpu.memory_space<hbm>>
      %dma_start3A_68 = tpu.memref_squeeze %dma_start3A_67 : memref<1x39x128xi32, #tpu.memory_space<hbm>> -> memref<39x128xi32, #tpu.memory_space<hbm>>
      tpu.enqueue_dma source(%dma_start3A_68 : memref<39x128xi32, #tpu.memory_space<hbm>>) target(%dma_start3A_64 : memref<39x128xi32, #tpu.memory_space<vmem>>) target_semaphore(%run_scoped3A_54 : memref<!tpu.dma_semaphore, #tpu.memory_space<semaphore_mem>>)
      %dma_wait3A_69 = arith.constant 0 : i32
      %dma_wait3A_70 = arith.constant 0 : i32
      %dma_wait3A_71 = tpu.memref_slice %arg7[%dma_wait3A_69, %dma_wait3A_70] : memref<40x128xi32, #tpu.memory_space<vmem>> -> memref<39x128xi32, #tpu.memory_space<vmem>>
      %dma_wait3A_72 = arith.constant 40 : i32
      %dma_wait3A_73 = arith.constant 0 : i32
      %dma_wait3A_74 = tpu.memref_slice %arg3[%add3A, %dma_wait3A_72, %dma_wait3A_73] : memref<32x79x128xi32, #tpu.memory_space<hbm>> -> memref<1x39x128xi32, #tpu.memory_space<hbm>>
      %dma_wait3A_75 = tpu.memref_squeeze %dma_wait3A_74 : memref<1x39x128xi32, #tpu.memory_space<hbm>> -> memref<39x128xi32, #tpu.memory_space<hbm>>
      %dma_wait3A_76 = arith.constant 0 : i32
      %dma_wait3A_77 = arith.constant 0 : i32
      %dma_wait3A_78 = tpu.memref_slice %arg7[%dma_wait3A_76, %dma_wait3A_77] : memref<40x128xi32, #tpu.memory_space<vmem>> -> memref<39x128xi32, #tpu.memory_space<vmem>>
      %dma_wait3A_79 = arith.constant 40 : i32
      %dma_wait3A_80 = arith.constant 0 : i32
      %dma_wait3A_81 = tpu.memref_slice %arg3[%add3A, %dma_wait3A_79, %dma_wait3A_80] : memref<32x79x128xi32, #tpu.memory_space<hbm>> -> memref<1x39x128xi32, #tpu.memory_space<hbm>>
      %dma_wait3A_82 = tpu.memref_squeeze %dma_wait3A_81 : memref<1x39x128xi32, #tpu.memory_space<hbm>> -> memref<39x128xi32, #tpu.memory_space<hbm>>
      tpu.wait_dma2 semaphore(%run_scoped3A_54 : memref<!tpu.dma_semaphore, #tpu.memory_space<semaphore_mem>>) src(%dma_wait3A_82 : memref<39x128xi32, #tpu.memory_space<hbm>>) dst(%dma_wait3A_78 : memref<39x128xi32, #tpu.memory_space<vmem>>)
      tpu.yield
    }) : () -> ()
    "tpu.region"() ({
      %run_scoped3A_54 = tpu.sem_alloc : memref<!tpu.dma_semaphore, #tpu.memory_space<semaphore_mem>>
      %dma_start3A_55 = arith.constant 0 : i32
      %dma_start3A_56 = arith.constant 0 : i32
      %dma_start3A_57 = tpu.memref_slice %arg8[%dma_start3A_55, %dma_start3A_56] : memref<40x128xi32, #tpu.memory_space<vmem>> -> memref<39x128xi32, #tpu.memory_space<vmem>>
      %dma_start3A_58 = arith.constant 40 : i32
      %dma_start3A_59 = arith.constant 0 : i32
      %dma_start3A_60 = tpu.memref_slice %arg4[%add3A, %dma_start3A_58, %dma_start3A_59] : memref<32x79x128xi32, #tpu.memory_space<hbm>> -> memref<1x39x128xi32, #tpu.memory_space<hbm>>
      %dma_start3A_61 = tpu.memref_squeeze %dma_start3A_60 : memref<1x39x128xi32, #tpu.memory_space<hbm>> -> memref<39x128xi32, #tpu.memory_space<hbm>>
      %dma_start3A_62 = arith.constant 0 : i32
      %dma_start3A_63 = arith.constant 0 : i32
      %dma_start3A_64 = tpu.memref_slice %arg8[%dma_start3A_62, %dma_start3A_63] : memref<40x128xi32, #tpu.memory_space<vmem>> -> memref<39x128xi32, #tpu.memory_space<vmem>>
      %dma_start3A_65 = arith.constant 40 : i32
      %dma_start3A_66 = arith.constant 0 : i32
      %dma_start3A_67 = tpu.memref_slice %arg4[%add3A, %dma_start3A_65, %dma_start3A_66] : memref<32x79x128xi32, #tpu.memory_space<hbm>> -> memref<1x39x128xi32, #tpu.memory_space<hbm>>
      %dma_start3A_68 = tpu.memref_squeeze %dma_start3A_67 : memref<1x39x128xi32, #tpu.memory_space<hbm>> -> memref<39x128xi32, #tpu.memory_space<hbm>>
      tpu.enqueue_dma source(%dma_start3A_68 : memref<39x128xi32, #tpu.memory_space<hbm>>) target(%dma_start3A_64 : memref<39x128xi32, #tpu.memory_space<vmem>>) target_semaphore(%run_scoped3A_54 : memref<!tpu.dma_semaphore, #tpu.memory_space<semaphore_mem>>)
      %dma_wait3A_69 = arith.constant 0 : i32
      %dma_wait3A_70 = arith.constant 0 : i32
      %dma_wait3A_71 = tpu.memref_slice %arg8[%dma_wait3A_69, %dma_wait3A_70] : memref<40x128xi32, #tpu.memory_space<vmem>> -> memref<39x128xi32, #tpu.memory_space<vmem>>
      %dma_wait3A_72 = arith.constant 40 : i32
      %dma_wait3A_73 = arith.constant 0 : i32
      %dma_wait3A_74 = tpu.memref_slice %arg4[%add3A, %dma_wait3A_72, %dma_wait3A_73] : memref<32x79x128xi32, #tpu.memory_space<hbm>> -> memref<1x39x128xi32, #tpu.memory_space<hbm>>
      %dma_wait3A_75 = tpu.memref_squeeze %dma_wait3A_74 : memref<1x39x128xi32, #tpu.memory_space<hbm>> -> memref<39x128xi32, #tpu.memory_space<hbm>>
      %dma_wait3A_76 = arith.constant 0 : i32
      %dma_wait3A_77 = arith.constant 0 : i32
      %dma_wait3A_78 = tpu.memref_slice %arg8[%dma_wait3A_76, %dma_wait3A_77] : memref<40x128xi32, #tpu.memory_space<vmem>> -> memref<39x128xi32, #tpu.memory_space<vmem>>
      %dma_wait3A_79 = arith.constant 40 : i32
      %dma_wait3A_80 = arith.constant 0 : i32
      %dma_wait3A_81 = tpu.memref_slice %arg4[%add3A, %dma_wait3A_79, %dma_wait3A_80] : memref<32x79x128xi32, #tpu.memory_space<hbm>> -> memref<1x39x128xi32, #tpu.memory_space<hbm>>
      %dma_wait3A_82 = tpu.memref_squeeze %dma_wait3A_81 : memref<1x39x128xi32, #tpu.memory_space<hbm>> -> memref<39x128xi32, #tpu.memory_space<hbm>>
      tpu.wait_dma2 semaphore(%run_scoped3A_54 : memref<!tpu.dma_semaphore, #tpu.memory_space<semaphore_mem>>) src(%dma_wait3A_82 : memref<39x128xi32, #tpu.memory_space<hbm>>) dst(%dma_wait3A_78 : memref<39x128xi32, #tpu.memory_space<vmem>>)
      tpu.yield
    }) : () -> ()
    %dma_start3A_19 = arith.constant 0 : i32
    %dma_start3A_20 = arith.constant 0 : i32
    %dma_start3A_21 = arith.constant 0 : i32
    %dma_start3A_22 = arith.constant 0 : i32
    %dma_start3A_23 = tpu.memref_slice %arg9[%dma_start3A_20, %dma_start3A_21, %dma_start3A_22] : memref<2x128x128xf32, #tpu.memory_space<vmem>> -> memref<1x128x128xf32, #tpu.memory_space<vmem>>
    %dma_start3A_24 = tpu.memref_squeeze %dma_start3A_23 : memref<1x128x128xf32, #tpu.memory_space<vmem>> -> memref<128x128xf32, #tpu.memory_space<vmem>>
    %dma_start3A_25 = arith.constant 0 : i32
    %dma_start3A_26 = tpu.memref_slice %arg7[%dma_start3A_19, %dma_start3A_25] : memref<40x128xi32, #tpu.memory_space<vmem>> -> memref<1x128xi32, #tpu.memory_space<vmem>>
    %dma_start3A_27 = tpu.memref_squeeze %dma_start3A_26 : memref<1x128xi32, #tpu.memory_space<vmem>> -> memref<128xi32, #tpu.memory_space<vmem>>
    %dma_start3A_28 = arith.constant 0 : i32
    %dma_start3A_29 = arith.constant 0 : i32
    %dma_start3A_30 = tpu.memref_slice %arg2[%dma_start3A_28, %dma_start3A_29] : memref<10240x128xf32, #tpu.memory_space<hbm>> -> memref<10240x128xf32, #tpu.memory_space<hbm>>
    tpu.enqueue_indirect_dma source(%dma_start3A_30 : memref<10240x128xf32, #tpu.memory_space<hbm>>) target(%dma_start3A_24 : memref<128x128xf32, #tpu.memory_space<vmem>>) offsets(%dma_start3A_27 : memref<128xi32, #tpu.memory_space<vmem>>) semaphore(%arg11 : memref<!tpu.dma_semaphore, #tpu.memory_space<semaphore_mem>>)
    %scan3A_31 = arith.constant 0 : i32
    %scan3A_32 = arith.constant 0 : i32
    %scan3A_33 = arith.constant 19 : i32
    %scan3A_34 = arith.addi %scan3A_32, %scan3A_33 : i32
    %scan3A_35 = arith.constant 1 : i32
    scf.for %scan3A_54 = %scan3A_32 to %scan3A_34 step %scan3A_35  : i32 {
      %mul3A_55 = arith.constant 2 : i32
      %mul3A_56 = arith.muli %scan3A_54, %mul3A_55 : i32
      %add3A_57 = arith.constant 1 : i32
      %add3A_58 = arith.addi %mul3A_56, %add3A_57 : i32
      %dma_start3A_59 = arith.constant 1 : i32
      %dma_start3A_60 = arith.constant 0 : i32
      %dma_start3A_61 = arith.constant 0 : i32
      %dma_start3A_62 = tpu.memref_slice %arg9[%dma_start3A_59, %dma_start3A_60, %dma_start3A_61] : memref<2x128x128xf32, #tpu.memory_space<vmem>> -> memref<1x128x128xf32, #tpu.memory_space<vmem>>
      %dma_start3A_63 = tpu.memref_squeeze %dma_start3A_62 : memref<1x128x128xf32, #tpu.memory_space<vmem>> -> memref<128x128xf32, #tpu.memory_space<vmem>>
      %dma_start3A_64 = arith.constant 0 : i32
      %dma_start3A_65 = tpu.memref_slice %arg7[%add3A_58, %dma_start3A_64] : memref<40x128xi32, #tpu.memory_space<vmem>> -> memref<1x128xi32, #tpu.memory_space<vmem>>
      %dma_start3A_66 = tpu.memref_squeeze %dma_start3A_65 : memref<1x128xi32, #tpu.memory_space<vmem>> -> memref<128xi32, #tpu.memory_space<vmem>>
      %dma_start3A_67 = arith.constant 0 : i32
      %dma_start3A_68 = arith.constant 0 : i32
      %dma_start3A_69 = tpu.memref_slice %arg2[%dma_start3A_67, %dma_start3A_68] : memref<10240x128xf32, #tpu.memory_space<hbm>> -> memref<10240x128xf32, #tpu.memory_space<hbm>>
      tpu.enqueue_indirect_dma source(%dma_start3A_69 : memref<10240x128xf32, #tpu.memory_space<hbm>>) target(%dma_start3A_63 : memref<128x128xf32, #tpu.memory_space<vmem>>) offsets(%dma_start3A_66 : memref<128xi32, #tpu.memory_space<vmem>>) semaphore(%arg12 : memref<!tpu.dma_semaphore, #tpu.memory_space<semaphore_mem>>)
      %dma_wait3A_70 = arith.constant 0 : i32
      %dma_wait3A_71 = arith.constant 0 : i32
      %dma_wait3A_72 = arith.constant 0 : i32
      %dma_wait3A_73 = tpu.memref_slice %arg9[%dma_wait3A_70, %dma_wait3A_71, %dma_wait3A_72] : memref<2x128x128xf32, #tpu.memory_space<vmem>> -> memref<1x128x128xf32, #tpu.memory_space<vmem>>
      %dma_wait3A_74 = tpu.memref_squeeze %dma_wait3A_73 : memref<1x128x128xf32, #tpu.memory_space<vmem>> -> memref<128x128xf32, #tpu.memory_space<vmem>>
      %dma_wait3A_75 = arith.constant 0 : i32
      %dma_wait3A_76 = tpu.memref_slice %arg7[%mul3A_56, %dma_wait3A_75] : memref<40x128xi32, #tpu.memory_space<vmem>> -> memref<1x128xi32, #tpu.memory_space<vmem>>
      %dma_wait3A_77 = tpu.memref_squeeze %dma_wait3A_76 : memref<1x128xi32, #tpu.memory_space<vmem>> -> memref<128xi32, #tpu.memory_space<vmem>>
      %dma_wait3A_78 = arith.constant 0 : i32
      %dma_wait3A_79 = arith.constant 0 : i32
      %dma_wait3A_80 = tpu.memref_slice %arg2[%dma_wait3A_78, %dma_wait3A_79] : memref<10240x128xf32, #tpu.memory_space<hbm>> -> memref<10240x128xf32, #tpu.memory_space<hbm>>
      tpu.wait_indirect_dma semaphore(%arg11 : memref<!tpu.dma_semaphore, #tpu.memory_space<semaphore_mem>>) src(%dma_wait3A_80 : memref<10240x128xf32, #tpu.memory_space<hbm>>) dst(%dma_wait3A_74 : memref<128x128xf32, #tpu.memory_space<vmem>>)
      %run_scoped3A_81 = arith.constant 0 : i32
      "tpu.region"() ({
        %run_scoped3A_102 = tpu.sem_alloc : memref<!tpu.dma_semaphore, #tpu.memory_space<semaphore_mem>>
        %dma_start3A_103 = arith.constant 0 : i32
        %dma_start3A_104 = arith.constant 0 : i32
        %dma_start3A_105 = tpu.memref_slice %arg9[%run_scoped3A_81, %dma_start3A_103, %dma_start3A_104] : memref<2x128x128xf32, #tpu.memory_space<vmem>> -> memref<1x128x128xf32, #tpu.memory_space<vmem>>
        %dma_start3A_106 = tpu.memref_squeeze %dma_start3A_105 : memref<1x128x128xf32, #tpu.memory_space<vmem>> -> memref<128x128xf32, #tpu.memory_space<vmem>>
        %dma_start3A_107 = arith.constant 0 : i32
        %dma_start3A_108 = tpu.memref_slice %arg8[%mul3A_56, %dma_start3A_107] : memref<40x128xi32, #tpu.memory_space<vmem>> -> memref<1x128xi32, #tpu.memory_space<vmem>>
        %dma_start3A_109 = tpu.memref_squeeze %dma_start3A_108 : memref<1x128xi32, #tpu.memory_space<vmem>> -> memref<128xi32, #tpu.memory_space<vmem>>
        %dma_start3A_110 = arith.constant 0 : i32
        %dma_start3A_111 = arith.constant 0 : i32
        %dma_start3A_112 = tpu.memref_slice %arg10[%dma_start3A_110, %dma_start3A_111] : memref<10240x128xf32, #tpu.memory_space<vmem_shared>> -> memref<10240x128xf32, #tpu.memory_space<vmem_shared>>
        tpu.enqueue_indirect_dma source(%dma_start3A_106 : memref<128x128xf32, #tpu.memory_space<vmem>>) target(%dma_start3A_112 : memref<10240x128xf32, #tpu.memory_space<vmem_shared>>) offsets(%dma_start3A_109 : memref<128xi32, #tpu.memory_space<vmem>>) semaphore(%run_scoped3A_102 : memref<!tpu.dma_semaphore, #tpu.memory_space<semaphore_mem>>) {add = true}
        %dma_wait3A_113 = arith.constant 0 : i32
        %dma_wait3A_114 = arith.constant 0 : i32
        %dma_wait3A_115 = tpu.memref_slice %arg9[%run_scoped3A_81, %dma_wait3A_113, %dma_wait3A_114] : memref<2x128x128xf32, #tpu.memory_space<vmem>> -> memref<1x128x128xf32, #tpu.memory_space<vmem>>
        %dma_wait3A_116 = tpu.memref_squeeze %dma_wait3A_115 : memref<1x128x128xf32, #tpu.memory_space<vmem>> -> memref<128x128xf32, #tpu.memory_space<vmem>>
        %dma_wait3A_117 = arith.constant 0 : i32
        %dma_wait3A_118 = tpu.memref_slice %arg8[%mul3A_56, %dma_wait3A_117] : memref<40x128xi32, #tpu.memory_space<vmem>> -> memref<1x128xi32, #tpu.memory_space<vmem>>
        %dma_wait3A_119 = tpu.memref_squeeze %dma_wait3A_118 : memref<1x128xi32, #tpu.memory_space<vmem>> -> memref<128xi32, #tpu.memory_space<vmem>>
        %dma_wait3A_120 = arith.constant 0 : i32
        %dma_wait3A_121 = arith.constant 0 : i32
        %dma_wait3A_122 = tpu.memref_slice %arg10[%dma_wait3A_120, %dma_wait3A_121] : memref<10240x128xf32, #tpu.memory_space<vmem_shared>> -> memref<10240x128xf32, #tpu.memory_space<vmem_shared>>
        tpu.wait_indirect_dma semaphore(%run_scoped3A_102 : memref<!tpu.dma_semaphore, #tpu.memory_space<semaphore_mem>>) src(%dma_wait3A_116 : memref<128x128xf32, #tpu.memory_space<vmem>>) dst(%dma_wait3A_122 : memref<10240x128xf32, #tpu.memory_space<vmem_shared>>)
        tpu.yield
      }) : () -> ()
      %add3A_82 = arith.constant 2 : i32
      %add3A_83 = arith.addi %mul3A_56, %add3A_82 : i32
      %lt3A = arith.constant 39 : i32
      %lt3A_84 = arith.cmpi slt, %add3A_83, %lt3A : i32
      %convert_element_type3A = arith.extui %lt3A_84 : i1 to i32
      %cond3A = arith.constant 0 : i32
      %cond3A_85 = arith.cmpi ne, %convert_element_type3A, %cond3A : i32
      scf.if %cond3A_85 {
        %add3A_102 = arith.constant 2 : i32
        %add3A_103 = arith.addi %mul3A_56, %add3A_102 : i32
        %dma_start3A_104 = arith.constant 0 : i32
        %dma_start3A_105 = arith.constant 0 : i32
        %dma_start3A_106 = arith.constant 0 : i32
        %dma_start3A_107 = tpu.memref_slice %arg9[%dma_start3A_104, %dma_start3A_105, %dma_start3A_106] : memref<2x128x128xf32, #tpu.memory_space<vmem>> -> memref<1x128x128xf32, #tpu.memory_space<vmem>>
        %dma_start3A_108 = tpu.memref_squeeze %dma_start3A_107 : memref<1x128x128xf32, #tpu.memory_space<vmem>> -> memref<128x128xf32, #tpu.memory_space<vmem>>
        %dma_start3A_109 = arith.constant 0 : i32
        %dma_start3A_110 = tpu.memref_slice %arg7[%add3A_103, %dma_start3A_109] : memref<40x128xi32, #tpu.memory_space<vmem>> -> memref<1x128xi32, #tpu.memory_space<vmem>>
        %dma_start3A_111 = tpu.memref_squeeze %dma_start3A_110 : memref<1x128xi32, #tpu.memory_space<vmem>> -> memref<128xi32, #tpu.memory_space<vmem>>
        %dma_start3A_112 = arith.constant 0 : i32
        %dma_start3A_113 = arith.constant 0 : i32
        %dma_start3A_114 = tpu.memref_slice %arg2[%dma_start3A_112, %dma_start3A_113] : memref<10240x128xf32, #tpu.memory_space<hbm>> -> memref<10240x128xf32, #tpu.memory_space<hbm>>
        tpu.enqueue_indirect_dma source(%dma_start3A_114 : memref<10240x128xf32, #tpu.memory_space<hbm>>) target(%dma_start3A_108 : memref<128x128xf32, #tpu.memory_space<vmem>>) offsets(%dma_start3A_111 : memref<128xi32, #tpu.memory_space<vmem>>) semaphore(%arg11 : memref<!tpu.dma_semaphore, #tpu.memory_space<semaphore_mem>>)
      } else {
      }
      %add3A_86 = arith.constant 1 : i32
      %add3A_87 = arith.addi %mul3A_56, %add3A_86 : i32
      %dma_wait3A_88 = arith.constant 1 : i32
      %dma_wait3A_89 = arith.constant 0 : i32
      %dma_wait3A_90 = arith.constant 0 : i32
      %dma_wait3A_91 = tpu.memref_slice %arg9[%dma_wait3A_88, %dma_wait3A_89, %dma_wait3A_90] : memref<2x128x128xf32, #tpu.memory_space<vmem>> -> memref<1x128x128xf32, #tpu.memory_space<vmem>>
      %dma_wait3A_92 = tpu.memref_squeeze %dma_wait3A_91 : memref<1x128x128xf32, #tpu.memory_space<vmem>> -> memref<128x128xf32, #tpu.memory_space<vmem>>
      %dma_wait3A_93 = arith.constant 0 : i32
      %dma_wait3A_94 = tpu.memref_slice %arg7[%add3A_87, %dma_wait3A_93] : memref<40x128xi32, #tpu.memory_space<vmem>> -> memref<1x128xi32, #tpu.memory_space<vmem>>
      %dma_wait3A_95 = tpu.memref_squeeze %dma_wait3A_94 : memref<1x128xi32, #tpu.memory_space<vmem>> -> memref<128xi32, #tpu.memory_space<vmem>>
      %dma_wait3A_96 = arith.constant 0 : i32
      %dma_wait3A_97 = arith.constant 0 : i32
      %dma_wait3A_98 = tpu.memref_slice %arg2[%dma_wait3A_96, %dma_wait3A_97] : memref<10240x128xf32, #tpu.memory_space<hbm>> -> memref<10240x128xf32, #tpu.memory_space<hbm>>
      tpu.wait_indirect_dma semaphore(%arg12 : memref<!tpu.dma_semaphore, #tpu.memory_space<semaphore_mem>>) src(%dma_wait3A_98 : memref<10240x128xf32, #tpu.memory_space<hbm>>) dst(%dma_wait3A_92 : memref<128x128xf32, #tpu.memory_space<vmem>>)
      %add3A_99 = arith.constant 1 : i32
      %add3A_100 = arith.addi %mul3A_56, %add3A_99 : i32
      %run_scoped3A_101 = arith.constant 1 : i32
      "tpu.region"() ({
        %run_scoped3A_102 = tpu.sem_alloc : memref<!tpu.dma_semaphore, #tpu.memory_space<semaphore_mem>>
        %dma_start3A_103 = arith.constant 0 : i32
        %dma_start3A_104 = arith.constant 0 : i32
        %dma_start3A_105 = tpu.memref_slice %arg9[%run_scoped3A_101, %dma_start3A_103, %dma_start3A_104] : memref<2x128x128xf32, #tpu.memory_space<vmem>> -> memref<1x128x128xf32, #tpu.memory_space<vmem>>
        %dma_start3A_106 = tpu.memref_squeeze %dma_start3A_105 : memref<1x128x128xf32, #tpu.memory_space<vmem>> -> memref<128x128xf32, #tpu.memory_space<vmem>>
        %dma_start3A_107 = arith.constant 0 : i32
        %dma_start3A_108 = tpu.memref_slice %arg8[%add3A_100, %dma_start3A_107] : memref<40x128xi32, #tpu.memory_space<vmem>> -> memref<1x128xi32, #tpu.memory_space<vmem>>
        %dma_start3A_109 = tpu.memref_squeeze %dma_start3A_108 : memref<1x128xi32, #tpu.memory_space<vmem>> -> memref<128xi32, #tpu.memory_space<vmem>>
        %dma_start3A_110 = arith.constant 0 : i32
        %dma_start3A_111 = arith.constant 0 : i32
        %dma_start3A_112 = tpu.memref_slice %arg10[%dma_start3A_110, %dma_start3A_111] : memref<10240x128xf32, #tpu.memory_space<vmem_shared>> -> memref<10240x128xf32, #tpu.memory_space<vmem_shared>>
        tpu.enqueue_indirect_dma source(%dma_start3A_106 : memref<128x128xf32, #tpu.memory_space<vmem>>) target(%dma_start3A_112 : memref<10240x128xf32, #tpu.memory_space<vmem_shared>>) offsets(%dma_start3A_109 : memref<128xi32, #tpu.memory_space<vmem>>) semaphore(%run_scoped3A_102 : memref<!tpu.dma_semaphore, #tpu.memory_space<semaphore_mem>>) {add = true}
        %dma_wait3A_113 = arith.constant 0 : i32
        %dma_wait3A_114 = arith.constant 0 : i32
        %dma_wait3A_115 = tpu.memref_slice %arg9[%run_scoped3A_101, %dma_wait3A_113, %dma_wait3A_114] : memref<2x128x128xf32, #tpu.memory_space<vmem>> -> memref<1x128x128xf32, #tpu.memory_space<vmem>>
        %dma_wait3A_116 = tpu.memref_squeeze %dma_wait3A_115 : memref<1x128x128xf32, #tpu.memory_space<vmem>> -> memref<128x128xf32, #tpu.memory_space<vmem>>
        %dma_wait3A_117 = arith.constant 0 : i32
        %dma_wait3A_118 = tpu.memref_slice %arg8[%add3A_100, %dma_wait3A_117] : memref<40x128xi32, #tpu.memory_space<vmem>> -> memref<1x128xi32, #tpu.memory_space<vmem>>
        %dma_wait3A_119 = tpu.memref_squeeze %dma_wait3A_118 : memref<1x128xi32, #tpu.memory_space<vmem>> -> memref<128xi32, #tpu.memory_space<vmem>>
        %dma_wait3A_120 = arith.constant 0 : i32
        %dma_wait3A_121 = arith.constant 0 : i32
        %dma_wait3A_122 = tpu.memref_slice %arg10[%dma_wait3A_120, %dma_wait3A_121] : memref<10240x128xf32, #tpu.memory_space<vmem_shared>> -> memref<10240x128xf32, #tpu.memory_space<vmem_shared>>
        tpu.wait_indirect_dma semaphore(%run_scoped3A_102 : memref<!tpu.dma_semaphore, #tpu.memory_space<semaphore_mem>>) src(%dma_wait3A_116 : memref<128x128xf32, #tpu.memory_space<vmem>>) dst(%dma_wait3A_122 : memref<10240x128xf32, #tpu.memory_space<vmem_shared>>)
        tpu.yield
      }) : () -> ()
    }
    %scan3A_36 = arith.constant 19 : i32
    %dma_wait3A = arith.constant 38 : i32
    %dma_wait3A_37 = arith.constant 0 : i32
    %dma_wait3A_38 = arith.constant 0 : i32
    %dma_wait3A_39 = arith.constant 0 : i32
    %dma_wait3A_40 = tpu.memref_slice %arg9[%dma_wait3A_37, %dma_wait3A_38, %dma_wait3A_39] : memref<2x128x128xf32, #tpu.memory_space<vmem>> -> memref<1x128x128xf32, #tpu.memory_space<vmem>>
    %dma_wait3A_41 = tpu.memref_squeeze %dma_wait3A_40 : memref<1x128x128xf32, #tpu.memory_space<vmem>> -> memref<128x128xf32, #tpu.memory_space<vmem>>
    %dma_wait3A_42 = arith.constant 0 : i32
    %dma_wait3A_43 = tpu.memref_slice %arg7[%dma_wait3A, %dma_wait3A_42] : memref<40x128xi32, #tpu.memory_space<vmem>> -> memref<1x128xi32, #tpu.memory_space<vmem>>
    %dma_wait3A_44 = tpu.memref_squeeze %dma_wait3A_43 : memref<1x128xi32, #tpu.memory_space<vmem>> -> memref<128xi32, #tpu.memory_space<vmem>>
    %dma_wait3A_45 = arith.constant 0 : i32
    %dma_wait3A_46 = arith.constant 0 : i32
    %dma_wait3A_47 = tpu.memref_slice %arg2[%dma_wait3A_45, %dma_wait3A_46] : memref<10240x128xf32, #tpu.memory_space<hbm>> -> memref<10240x128xf32, #tpu.memory_space<hbm>>
    tpu.wait_indirect_dma semaphore(%arg11 : memref<!tpu.dma_semaphore, #tpu.memory_space<semaphore_mem>>) src(%dma_wait3A_47 : memref<10240x128xf32, #tpu.memory_space<hbm>>) dst(%dma_wait3A_41 : memref<128x128xf32, #tpu.memory_space<vmem>>)
    %run_scoped3A = arith.constant 0 : i32
    %run_scoped3A_48 = arith.constant 38 : i32
    "tpu.region"() ({
      %run_scoped3A_54 = tpu.sem_alloc : memref<!tpu.dma_semaphore, #tpu.memory_space<semaphore_mem>>
      %dma_start3A_55 = arith.constant 0 : i32
      %dma_start3A_56 = arith.constant 0 : i32
      %dma_start3A_57 = tpu.memref_slice %arg9[%run_scoped3A, %dma_start3A_55, %dma_start3A_56] : memref<2x128x128xf32, #tpu.memory_space<vmem>> -> memref<1x128x128xf32, #tpu.memory_space<vmem>>
      %dma_start3A_58 = tpu.memref_squeeze %dma_start3A_57 : memref<1x128x128xf32, #tpu.memory_space<vmem>> -> memref<128x128xf32, #tpu.memory_space<vmem>>
      %dma_start3A_59 = arith.constant 0 : i32
      %dma_start3A_60 = tpu.memref_slice %arg8[%run_scoped3A_48, %dma_start3A_59] : memref<40x128xi32, #tpu.memory_space<vmem>> -> memref<1x128xi32, #tpu.memory_space<vmem>>
      %dma_start3A_61 = tpu.memref_squeeze %dma_start3A_60 : memref<1x128xi32, #tpu.memory_space<vmem>> -> memref<128xi32, #tpu.memory_space<vmem>>
      %dma_start3A_62 = arith.constant 0 : i32
      %dma_start3A_63 = arith.constant 0 : i32
      %dma_start3A_64 = tpu.memref_slice %arg10[%dma_start3A_62, %dma_start3A_63] : memref<10240x128xf32, #tpu.memory_space<vmem_shared>> -> memref<10240x128xf32, #tpu.memory_space<vmem_shared>>
      tpu.enqueue_indirect_dma source(%dma_start3A_58 : memref<128x128xf32, #tpu.memory_space<vmem>>) target(%dma_start3A_64 : memref<10240x128xf32, #tpu.memory_space<vmem_shared>>) offsets(%dma_start3A_61 : memref<128xi32, #tpu.memory_space<vmem>>) semaphore(%run_scoped3A_54 : memref<!tpu.dma_semaphore, #tpu.memory_space<semaphore_mem>>) {add = true}
      %dma_wait3A_65 = arith.constant 0 : i32
      %dma_wait3A_66 = arith.constant 0 : i32
      %dma_wait3A_67 = tpu.memref_slice %arg9[%run_scoped3A, %dma_wait3A_65, %dma_wait3A_66] : memref<2x128x128xf32, #tpu.memory_space<vmem>> -> memref<1x128x128xf32, #tpu.memory_space<vmem>>
      %dma_wait3A_68 = tpu.memref_squeeze %dma_wait3A_67 : memref<1x128x128xf32, #tpu.memory_space<vmem>> -> memref<128x128xf32, #tpu.memory_space<vmem>>
      %dma_wait3A_69 = arith.constant 0 : i32
      %dma_wait3A_70 = tpu.memref_slice %arg8[%run_scoped3A_48, %dma_wait3A_69] : memref<40x128xi32, #tpu.memory_space<vmem>> -> memref<1x128xi32, #tpu.memory_space<vmem>>
      %dma_wait3A_71 = tpu.memref_squeeze %dma_wait3A_70 : memref<1x128xi32, #tpu.memory_space<vmem>> -> memref<128xi32, #tpu.memory_space<vmem>>
      %dma_wait3A_72 = arith.constant 0 : i32
      %dma_wait3A_73 = arith.constant 0 : i32
      %dma_wait3A_74 = tpu.memref_slice %arg10[%dma_wait3A_72, %dma_wait3A_73] : memref<10240x128xf32, #tpu.memory_space<vmem_shared>> -> memref<10240x128xf32, #tpu.memory_space<vmem_shared>>
      tpu.wait_indirect_dma semaphore(%run_scoped3A_54 : memref<!tpu.dma_semaphore, #tpu.memory_space<semaphore_mem>>) src(%dma_wait3A_68 : memref<128x128xf32, #tpu.memory_space<vmem>>) dst(%dma_wait3A_74 : memref<10240x128xf32, #tpu.memory_space<vmem_shared>>)
      tpu.yield
    }) : () -> ()
    %barrier3A_49 = arith.constant 0 : index
    tpu.barrier barrier_id(%barrier3A_49)
    %mul3A_50 = arith.constant 640 : i32
    %mul3A_51 = arith.muli %arg1, %mul3A_50 : i32
    %mul3A_52 = arith.constant 640 : i32
    %mul3A_53 = arith.muli %arg1, %mul3A_52 : i32
    "tpu.region"() ({
      %run_scoped3A_54 = tpu.sem_alloc : memref<!tpu.dma_semaphore, #tpu.memory_space<semaphore_mem>>
      %dma_start3A_55 = arith.constant 0 : i32
      %dma_start3A_56 = tpu.memref_slice %arg6[%arg0, %mul3A_53, %dma_start3A_55] : memref<2x10240x128xf32, #tpu.memory_space<hbm>> -> memref<1x640x128xf32, #tpu.memory_space<hbm>>
      %dma_start3A_57 = tpu.memref_squeeze %dma_start3A_56 : memref<1x640x128xf32, #tpu.memory_space<hbm>> -> memref<640x128xf32, #tpu.memory_space<hbm>>
      %dma_start3A_58 = arith.constant 0 : i32
      %dma_start3A_59 = tpu.memref_slice %arg10[%mul3A_51, %dma_start3A_58] : memref<10240x128xf32, #tpu.memory_space<vmem_shared>> -> memref<640x128xf32, #tpu.memory_space<vmem_shared>>
      tpu.enqueue_dma source(%dma_start3A_59 : memref<640x128xf32, #tpu.memory_space<vmem_shared>>) target(%dma_start3A_57 : memref<640x128xf32, #tpu.memory_space<hbm>>) target_semaphore(%run_scoped3A_54 : memref<!tpu.dma_semaphore, #tpu.memory_space<semaphore_mem>>)
      %dma_wait3A_60 = arith.constant 0 : i32
      %dma_wait3A_61 = tpu.memref_slice %arg6[%arg0, %mul3A_53, %dma_wait3A_60] : memref<2x10240x128xf32, #tpu.memory_space<hbm>> -> memref<1x640x128xf32, #tpu.memory_space<hbm>>
      %dma_wait3A_62 = tpu.memref_squeeze %dma_wait3A_61 : memref<1x640x128xf32, #tpu.memory_space<hbm>> -> memref<640x128xf32, #tpu.memory_space<hbm>>
      %dma_wait3A_63 = arith.constant 0 : i32
      %dma_wait3A_64 = tpu.memref_slice %arg10[%mul3A_51, %dma_wait3A_63] : memref<10240x128xf32, #tpu.memory_space<vmem_shared>> -> memref<640x128xf32, #tpu.memory_space<vmem_shared>>
      tpu.wait_dma2 semaphore(%run_scoped3A_54 : memref<!tpu.dma_semaphore, #tpu.memory_space<semaphore_mem>>) src(%dma_wait3A_64 : memref<640x128xf32, #tpu.memory_space<vmem_shared>>) dst(%dma_wait3A_62 : memref<640x128xf32, #tpu.memory_space<hbm>>)
      tpu.yield
    }) : () -> ()
    return
  }
}

#map = affine_map<(d0, d1) -> (0, 0, 0)>
#map1 = affine_map<(d0, d1) -> (0, 0)>
module attributes {stable_mosaic.version = 14 : i64} {
  func.func @_sc_degree(%arg0: i32, %arg1: i32, %arg2: memref<32x79x128xi32, #tpu.memory_space<hbm>>, %arg3: memref<640x128xf32, #tpu.memory_space<hbm>>, %arg4: memref<128x128xf32, #tpu.memory_space<hbm>>, %arg5: memref<2x10240x128xf32, #tpu.memory_space<hbm>>, %arg6: memref<79x128xi32, #tpu.memory_space<vmem>>, %arg7: memref<128x128xf32, #tpu.memory_space<vmem>>, %arg8: memref<10240x128xf32, #tpu.memory_space<vmem_shared>>) attributes {dimension_semantics = [#tpu.dimension_semantics<core_parallel>, #tpu.dimension_semantics<subcore_parallel>], iteration_bounds = array<i64: 2, 16>, scalar_prefetch = 0 : i64, scratch_operands = 3 : i64, tpu.core_type = #tpu.core_type<sc_vector_subcore>, window_params = [{transform_indices = #map}, {transform_indices = #map1}, {transform_indices = #map1}, {transform_indices = #map}]} {
    %mul3A = arith.constant 16 : i32
    %mul3A_0 = arith.muli %arg0, %mul3A : i32
    %add3A = arith.addi %mul3A_0, %arg1 : i32
    %mul3A_1 = arith.constant 640 : i32
    %mul3A_2 = arith.muli %arg1, %mul3A_1 : i32
    "tpu.region"() ({
      %run_scoped3A = tpu.sem_alloc : memref<!tpu.dma_semaphore, #tpu.memory_space<semaphore_mem>>
      %dma_start3A = arith.constant 0 : i32
      %dma_start3A_13 = tpu.memref_slice %arg8[%mul3A_2, %dma_start3A] : memref<10240x128xf32, #tpu.memory_space<vmem_shared>> -> memref<640x128xf32, #tpu.memory_space<vmem_shared>>
      tpu.enqueue_dma source(%arg3 : memref<640x128xf32, #tpu.memory_space<hbm>>) target(%dma_start3A_13 : memref<640x128xf32, #tpu.memory_space<vmem_shared>>) target_semaphore(%run_scoped3A : memref<!tpu.dma_semaphore, #tpu.memory_space<semaphore_mem>>)
      %dma_wait3A = arith.constant 0 : i32
      %dma_wait3A_14 = tpu.memref_slice %arg8[%mul3A_2, %dma_wait3A] : memref<10240x128xf32, #tpu.memory_space<vmem_shared>> -> memref<640x128xf32, #tpu.memory_space<vmem_shared>>
      tpu.wait_dma2 semaphore(%run_scoped3A : memref<!tpu.dma_semaphore, #tpu.memory_space<semaphore_mem>>) src(%arg3 : memref<640x128xf32, #tpu.memory_space<hbm>>) dst(%dma_wait3A_14 : memref<640x128xf32, #tpu.memory_space<vmem_shared>>)
      tpu.yield
    }) : () -> ()
    "tpu.region"() ({
      %run_scoped3A = tpu.sem_alloc : memref<!tpu.dma_semaphore, #tpu.memory_space<semaphore_mem>>
      tpu.enqueue_dma source(%arg4 : memref<128x128xf32, #tpu.memory_space<hbm>>) target(%arg7 : memref<128x128xf32, #tpu.memory_space<vmem>>) target_semaphore(%run_scoped3A : memref<!tpu.dma_semaphore, #tpu.memory_space<semaphore_mem>>)
      tpu.wait_dma2 semaphore(%run_scoped3A : memref<!tpu.dma_semaphore, #tpu.memory_space<semaphore_mem>>) src(%arg4 : memref<128x128xf32, #tpu.memory_space<hbm>>) dst(%arg7 : memref<128x128xf32, #tpu.memory_space<vmem>>)
      tpu.yield
    }) : () -> ()
    "tpu.region"() ({
      %run_scoped3A = tpu.sem_alloc : memref<!tpu.dma_semaphore, #tpu.memory_space<semaphore_mem>>
      %dma_start3A = arith.constant 0 : i32
      %dma_start3A_13 = arith.constant 0 : i32
      %dma_start3A_14 = tpu.memref_slice %arg2[%add3A, %dma_start3A, %dma_start3A_13] : memref<32x79x128xi32, #tpu.memory_space<hbm>> -> memref<1x79x128xi32, #tpu.memory_space<hbm>>
      %dma_start3A_15 = tpu.memref_squeeze %dma_start3A_14 : memref<1x79x128xi32, #tpu.memory_space<hbm>> -> memref<79x128xi32, #tpu.memory_space<hbm>>
      %dma_start3A_16 = arith.constant 0 : i32
      %dma_start3A_17 = arith.constant 0 : i32
      %dma_start3A_18 = tpu.memref_slice %arg2[%add3A, %dma_start3A_16, %dma_start3A_17] : memref<32x79x128xi32, #tpu.memory_space<hbm>> -> memref<1x79x128xi32, #tpu.memory_space<hbm>>
      %dma_start3A_19 = tpu.memref_squeeze %dma_start3A_18 : memref<1x79x128xi32, #tpu.memory_space<hbm>> -> memref<79x128xi32, #tpu.memory_space<hbm>>
      tpu.enqueue_dma source(%dma_start3A_19 : memref<79x128xi32, #tpu.memory_space<hbm>>) target(%arg6 : memref<79x128xi32, #tpu.memory_space<vmem>>) target_semaphore(%run_scoped3A : memref<!tpu.dma_semaphore, #tpu.memory_space<semaphore_mem>>)
      %dma_wait3A = arith.constant 0 : i32
      %dma_wait3A_20 = arith.constant 0 : i32
      %dma_wait3A_21 = tpu.memref_slice %arg2[%add3A, %dma_wait3A, %dma_wait3A_20] : memref<32x79x128xi32, #tpu.memory_space<hbm>> -> memref<1x79x128xi32, #tpu.memory_space<hbm>>
      %dma_wait3A_22 = tpu.memref_squeeze %dma_wait3A_21 : memref<1x79x128xi32, #tpu.memory_space<hbm>> -> memref<79x128xi32, #tpu.memory_space<hbm>>
      %dma_wait3A_23 = arith.constant 0 : i32
      %dma_wait3A_24 = arith.constant 0 : i32
      %dma_wait3A_25 = tpu.memref_slice %arg2[%add3A, %dma_wait3A_23, %dma_wait3A_24] : memref<32x79x128xi32, #tpu.memory_space<hbm>> -> memref<1x79x128xi32, #tpu.memory_space<hbm>>
      %dma_wait3A_26 = tpu.memref_squeeze %dma_wait3A_25 : memref<1x79x128xi32, #tpu.memory_space<hbm>> -> memref<79x128xi32, #tpu.memory_space<hbm>>
      tpu.wait_dma2 semaphore(%run_scoped3A : memref<!tpu.dma_semaphore, #tpu.memory_space<semaphore_mem>>) src(%dma_wait3A_26 : memref<79x128xi32, #tpu.memory_space<hbm>>) dst(%arg6 : memref<79x128xi32, #tpu.memory_space<vmem>>)
      tpu.yield
    }) : () -> ()
    %barrier3A = arith.constant 0 : index
    tpu.barrier barrier_id(%barrier3A)
    %scan3A = arith.constant 0 : i32
    %scan3A_3 = arith.constant 0 : i32
    %scan3A_4 = arith.constant 79 : i32
    %scan3A_5 = arith.addi %scan3A_3, %scan3A_4 : i32
    %scan3A_6 = arith.constant 1 : i32
    scf.for %scan3A_13 = %scan3A_3 to %scan3A_5 step %scan3A_6  : i32 {
      "tpu.region"() ({
        %run_scoped3A = tpu.sem_alloc : memref<!tpu.dma_semaphore, #tpu.memory_space<semaphore_mem>>
        %dma_start3A = arith.constant 0 : i32
        %dma_start3A_14 = tpu.memref_slice %arg6[%scan3A_13, %dma_start3A] : memref<79x128xi32, #tpu.memory_space<vmem>> -> memref<1x128xi32, #tpu.memory_space<vmem>>
        %dma_start3A_15 = tpu.memref_squeeze %dma_start3A_14 : memref<1x128xi32, #tpu.memory_space<vmem>> -> memref<128xi32, #tpu.memory_space<vmem>>
        %dma_start3A_16 = arith.constant 0 : i32
        %dma_start3A_17 = arith.constant 0 : i32
        %dma_start3A_18 = tpu.memref_slice %arg8[%dma_start3A_16, %dma_start3A_17] : memref<10240x128xf32, #tpu.memory_space<vmem_shared>> -> memref<10240x128xf32, #tpu.memory_space<vmem_shared>>
        tpu.enqueue_indirect_dma source(%arg7 : memref<128x128xf32, #tpu.memory_space<vmem>>) target(%dma_start3A_18 : memref<10240x128xf32, #tpu.memory_space<vmem_shared>>) offsets(%dma_start3A_15 : memref<128xi32, #tpu.memory_space<vmem>>) semaphore(%run_scoped3A : memref<!tpu.dma_semaphore, #tpu.memory_space<semaphore_mem>>) {add = true}
        %dma_wait3A = arith.constant 0 : i32
        %dma_wait3A_19 = tpu.memref_slice %arg6[%scan3A_13, %dma_wait3A] : memref<79x128xi32, #tpu.memory_space<vmem>> -> memref<1x128xi32, #tpu.memory_space<vmem>>
        %dma_wait3A_20 = tpu.memref_squeeze %dma_wait3A_19 : memref<1x128xi32, #tpu.memory_space<vmem>> -> memref<128xi32, #tpu.memory_space<vmem>>
        %dma_wait3A_21 = arith.constant 0 : i32
        %dma_wait3A_22 = arith.constant 0 : i32
        %dma_wait3A_23 = tpu.memref_slice %arg8[%dma_wait3A_21, %dma_wait3A_22] : memref<10240x128xf32, #tpu.memory_space<vmem_shared>> -> memref<10240x128xf32, #tpu.memory_space<vmem_shared>>
        tpu.wait_indirect_dma semaphore(%run_scoped3A : memref<!tpu.dma_semaphore, #tpu.memory_space<semaphore_mem>>) src(%arg7 : memref<128x128xf32, #tpu.memory_space<vmem>>) dst(%dma_wait3A_23 : memref<10240x128xf32, #tpu.memory_space<vmem_shared>>)
        tpu.yield
      }) : () -> ()
    }
    %scan3A_7 = arith.constant 79 : i32
    %barrier3A_8 = arith.constant 0 : index
    tpu.barrier barrier_id(%barrier3A_8)
    %mul3A_9 = arith.constant 640 : i32
    %mul3A_10 = arith.muli %arg1, %mul3A_9 : i32
    %mul3A_11 = arith.constant 640 : i32
    %mul3A_12 = arith.muli %arg1, %mul3A_11 : i32
    "tpu.region"() ({
      %run_scoped3A = tpu.sem_alloc : memref<!tpu.dma_semaphore, #tpu.memory_space<semaphore_mem>>
      %dma_start3A = arith.constant 0 : i32
      %dma_start3A_13 = tpu.memref_slice %arg5[%arg0, %mul3A_12, %dma_start3A] : memref<2x10240x128xf32, #tpu.memory_space<hbm>> -> memref<1x640x128xf32, #tpu.memory_space<hbm>>
      %dma_start3A_14 = tpu.memref_squeeze %dma_start3A_13 : memref<1x640x128xf32, #tpu.memory_space<hbm>> -> memref<640x128xf32, #tpu.memory_space<hbm>>
      %dma_start3A_15 = arith.constant 0 : i32
      %dma_start3A_16 = tpu.memref_slice %arg8[%mul3A_10, %dma_start3A_15] : memref<10240x128xf32, #tpu.memory_space<vmem_shared>> -> memref<640x128xf32, #tpu.memory_space<vmem_shared>>
      tpu.enqueue_dma source(%dma_start3A_16 : memref<640x128xf32, #tpu.memory_space<vmem_shared>>) target(%dma_start3A_14 : memref<640x128xf32, #tpu.memory_space<hbm>>) target_semaphore(%run_scoped3A : memref<!tpu.dma_semaphore, #tpu.memory_space<semaphore_mem>>)
      %dma_wait3A = arith.constant 0 : i32
      %dma_wait3A_17 = tpu.memref_slice %arg5[%arg0, %mul3A_12, %dma_wait3A] : memref<2x10240x128xf32, #tpu.memory_space<hbm>> -> memref<1x640x128xf32, #tpu.memory_space<hbm>>
      %dma_wait3A_18 = tpu.memref_squeeze %dma_wait3A_17 : memref<1x640x128xf32, #tpu.memory_space<hbm>> -> memref<640x128xf32, #tpu.memory_space<hbm>>
      %dma_wait3A_19 = arith.constant 0 : i32
      %dma_wait3A_20 = tpu.memref_slice %arg8[%mul3A_10, %dma_wait3A_19] : memref<10240x128xf32, #tpu.memory_space<vmem_shared>> -> memref<640x128xf32, #tpu.memory_space<vmem_shared>>
      tpu.wait_dma2 semaphore(%run_scoped3A : memref<!tpu.dma_semaphore, #tpu.memory_space<semaphore_mem>>) src(%dma_wait3A_20 : memref<640x128xf32, #tpu.memory_space<vmem_shared>>) dst(%dma_wait3A_18 : memref<640x128xf32, #tpu.memory_space<hbm>>)
      tpu.yield
    }) : () -> ()
    return
  }
}

#map = affine_map<(d0, d1) -> (0, 0)>
#map1 = affine_map<(d0, d1) -> (0, 0, 0)>
module attributes {stable_mosaic.version = 14 : i64} {
  func.func @_sc_scatter(%arg0: i32, %arg1: i32, %arg2: memref<10240x128xf32, #tpu.memory_space<hbm>>, %arg3: memref<32x79x128xi32, #tpu.memory_space<hbm>>, %arg4: memref<32x79x128xi32, #tpu.memory_space<hbm>>, %arg5: memref<640x128xf32, #tpu.memory_space<hbm>>, %arg6: memref<2x10240x128xf32, #tpu.memory_space<hbm>>, %arg7: memref<40x128xi32, #tpu.memory_space<vmem>>, %arg8: memref<40x128xi32, #tpu.memory_space<vmem>>, %arg9: memref<2x128x128xf32, #tpu.memory_space<vmem>>, %arg10: memref<10240x128xf32, #tpu.memory_space<vmem_shared>>, %arg11: memref<!tpu.dma_semaphore, #tpu.memory_space<semaphore_mem>>, %arg12: memref<!tpu.dma_semaphore, #tpu.memory_space<semaphore_mem>>, %arg13: memref<!tpu.dma_semaphore, #tpu.memory_space<semaphore_mem>>, %arg14: memref<!tpu.dma_semaphore, #tpu.memory_space<semaphore_mem>>) attributes {dimension_semantics = [#tpu.dimension_semantics<core_parallel>, #tpu.dimension_semantics<subcore_parallel>], iteration_bounds = array<i64: 2, 16>, scalar_prefetch = 0 : i64, scratch_operands = 8 : i64, tpu.core_type = #tpu.core_type<sc_vector_subcore>, window_params = [{transform_indices = #map}, {transform_indices = #map1}, {transform_indices = #map1}, {transform_indices = #map}, {transform_indices = #map1}]} {
    %mul3A = arith.constant 16 : i32
    %mul3A_0 = arith.muli %arg0, %mul3A : i32
    %add3A = arith.addi %mul3A_0, %arg1 : i32
    %mul3A_1 = arith.constant 640 : i32
    %mul3A_2 = arith.muli %arg1, %mul3A_1 : i32
    "tpu.region"() ({
      %run_scoped3A_54 = tpu.sem_alloc : memref<!tpu.dma_semaphore, #tpu.memory_space<semaphore_mem>>
      %dma_start3A_55 = arith.constant 0 : i32
      %dma_start3A_56 = tpu.memref_slice %arg10[%mul3A_2, %dma_start3A_55] : memref<10240x128xf32, #tpu.memory_space<vmem_shared>> -> memref<640x128xf32, #tpu.memory_space<vmem_shared>>
      tpu.enqueue_dma source(%arg5 : memref<640x128xf32, #tpu.memory_space<hbm>>) target(%dma_start3A_56 : memref<640x128xf32, #tpu.memory_space<vmem_shared>>) target_semaphore(%run_scoped3A_54 : memref<!tpu.dma_semaphore, #tpu.memory_space<semaphore_mem>>)
      %dma_wait3A_57 = arith.constant 0 : i32
      %dma_wait3A_58 = tpu.memref_slice %arg10[%mul3A_2, %dma_wait3A_57] : memref<10240x128xf32, #tpu.memory_space<vmem_shared>> -> memref<640x128xf32, #tpu.memory_space<vmem_shared>>
      tpu.wait_dma2 semaphore(%run_scoped3A_54 : memref<!tpu.dma_semaphore, #tpu.memory_space<semaphore_mem>>) src(%arg5 : memref<640x128xf32, #tpu.memory_space<hbm>>) dst(%dma_wait3A_58 : memref<640x128xf32, #tpu.memory_space<vmem_shared>>)
      tpu.yield
    }) : () -> ()
    %barrier3A = arith.constant 0 : index
    tpu.barrier barrier_id(%barrier3A)
    "tpu.region"() ({
      %run_scoped3A_54 = tpu.sem_alloc : memref<!tpu.dma_semaphore, #tpu.memory_space<semaphore_mem>>
      %dma_start3A_55 = arith.constant 0 : i32
      %dma_start3A_56 = arith.constant 0 : i32
      %dma_start3A_57 = tpu.memref_slice %arg7[%dma_start3A_55, %dma_start3A_56] : memref<40x128xi32, #tpu.memory_space<vmem>> -> memref<40x128xi32, #tpu.memory_space<vmem>>
      %dma_start3A_58 = arith.constant 0 : i32
      %dma_start3A_59 = arith.constant 0 : i32
      %dma_start3A_60 = tpu.memref_slice %arg3[%add3A, %dma_start3A_58, %dma_start3A_59] : memref<32x79x128xi32, #tpu.memory_space<hbm>> -> memref<1x40x128xi32, #tpu.memory_space<hbm>>
      %dma_start3A_61 = tpu.memref_squeeze %dma_start3A_60 : memref<1x40x128xi32, #tpu.memory_space<hbm>> -> memref<40x128xi32, #tpu.memory_space<hbm>>
      %dma_start3A_62 = arith.constant 0 : i32
      %dma_start3A_63 = arith.constant 0 : i32
      %dma_start3A_64 = tpu.memref_slice %arg7[%dma_start3A_62, %dma_start3A_63] : memref<40x128xi32, #tpu.memory_space<vmem>> -> memref<40x128xi32, #tpu.memory_space<vmem>>
      %dma_start3A_65 = arith.constant 0 : i32
      %dma_start3A_66 = arith.constant 0 : i32
      %dma_start3A_67 = tpu.memref_slice %arg3[%add3A, %dma_start3A_65, %dma_start3A_66] : memref<32x79x128xi32, #tpu.memory_space<hbm>> -> memref<1x40x128xi32, #tpu.memory_space<hbm>>
      %dma_start3A_68 = tpu.memref_squeeze %dma_start3A_67 : memref<1x40x128xi32, #tpu.memory_space<hbm>> -> memref<40x128xi32, #tpu.memory_space<hbm>>
      tpu.enqueue_dma source(%dma_start3A_68 : memref<40x128xi32, #tpu.memory_space<hbm>>) target(%dma_start3A_64 : memref<40x128xi32, #tpu.memory_space<vmem>>) target_semaphore(%run_scoped3A_54 : memref<!tpu.dma_semaphore, #tpu.memory_space<semaphore_mem>>)
      %dma_wait3A_69 = arith.constant 0 : i32
      %dma_wait3A_70 = arith.constant 0 : i32
      %dma_wait3A_71 = tpu.memref_slice %arg7[%dma_wait3A_69, %dma_wait3A_70] : memref<40x128xi32, #tpu.memory_space<vmem>> -> memref<40x128xi32, #tpu.memory_space<vmem>>
      %dma_wait3A_72 = arith.constant 0 : i32
      %dma_wait3A_73 = arith.constant 0 : i32
      %dma_wait3A_74 = tpu.memref_slice %arg3[%add3A, %dma_wait3A_72, %dma_wait3A_73] : memref<32x79x128xi32, #tpu.memory_space<hbm>> -> memref<1x40x128xi32, #tpu.memory_space<hbm>>
      %dma_wait3A_75 = tpu.memref_squeeze %dma_wait3A_74 : memref<1x40x128xi32, #tpu.memory_space<hbm>> -> memref<40x128xi32, #tpu.memory_space<hbm>>
      %dma_wait3A_76 = arith.constant 0 : i32
      %dma_wait3A_77 = arith.constant 0 : i32
      %dma_wait3A_78 = tpu.memref_slice %arg7[%dma_wait3A_76, %dma_wait3A_77] : memref<40x128xi32, #tpu.memory_space<vmem>> -> memref<40x128xi32, #tpu.memory_space<vmem>>
      %dma_wait3A_79 = arith.constant 0 : i32
      %dma_wait3A_80 = arith.constant 0 : i32
      %dma_wait3A_81 = tpu.memref_slice %arg3[%add3A, %dma_wait3A_79, %dma_wait3A_80] : memref<32x79x128xi32, #tpu.memory_space<hbm>> -> memref<1x40x128xi32, #tpu.memory_space<hbm>>
      %dma_wait3A_82 = tpu.memref_squeeze %dma_wait3A_81 : memref<1x40x128xi32, #tpu.memory_space<hbm>> -> memref<40x128xi32, #tpu.memory_space<hbm>>
      tpu.wait_dma2 semaphore(%run_scoped3A_54 : memref<!tpu.dma_semaphore, #tpu.memory_space<semaphore_mem>>) src(%dma_wait3A_82 : memref<40x128xi32, #tpu.memory_space<hbm>>) dst(%dma_wait3A_78 : memref<40x128xi32, #tpu.memory_space<vmem>>)
      tpu.yield
    }) : () -> ()
    "tpu.region"() ({
      %run_scoped3A_54 = tpu.sem_alloc : memref<!tpu.dma_semaphore, #tpu.memory_space<semaphore_mem>>
      %dma_start3A_55 = arith.constant 0 : i32
      %dma_start3A_56 = arith.constant 0 : i32
      %dma_start3A_57 = tpu.memref_slice %arg8[%dma_start3A_55, %dma_start3A_56] : memref<40x128xi32, #tpu.memory_space<vmem>> -> memref<40x128xi32, #tpu.memory_space<vmem>>
      %dma_start3A_58 = arith.constant 0 : i32
      %dma_start3A_59 = arith.constant 0 : i32
      %dma_start3A_60 = tpu.memref_slice %arg4[%add3A, %dma_start3A_58, %dma_start3A_59] : memref<32x79x128xi32, #tpu.memory_space<hbm>> -> memref<1x40x128xi32, #tpu.memory_space<hbm>>
      %dma_start3A_61 = tpu.memref_squeeze %dma_start3A_60 : memref<1x40x128xi32, #tpu.memory_space<hbm>> -> memref<40x128xi32, #tpu.memory_space<hbm>>
      %dma_start3A_62 = arith.constant 0 : i32
      %dma_start3A_63 = arith.constant 0 : i32
      %dma_start3A_64 = tpu.memref_slice %arg8[%dma_start3A_62, %dma_start3A_63] : memref<40x128xi32, #tpu.memory_space<vmem>> -> memref<40x128xi32, #tpu.memory_space<vmem>>
      %dma_start3A_65 = arith.constant 0 : i32
      %dma_start3A_66 = arith.constant 0 : i32
      %dma_start3A_67 = tpu.memref_slice %arg4[%add3A, %dma_start3A_65, %dma_start3A_66] : memref<32x79x128xi32, #tpu.memory_space<hbm>> -> memref<1x40x128xi32, #tpu.memory_space<hbm>>
      %dma_start3A_68 = tpu.memref_squeeze %dma_start3A_67 : memref<1x40x128xi32, #tpu.memory_space<hbm>> -> memref<40x128xi32, #tpu.memory_space<hbm>>
      tpu.enqueue_dma source(%dma_start3A_68 : memref<40x128xi32, #tpu.memory_space<hbm>>) target(%dma_start3A_64 : memref<40x128xi32, #tpu.memory_space<vmem>>) target_semaphore(%run_scoped3A_54 : memref<!tpu.dma_semaphore, #tpu.memory_space<semaphore_mem>>)
      %dma_wait3A_69 = arith.constant 0 : i32
      %dma_wait3A_70 = arith.constant 0 : i32
      %dma_wait3A_71 = tpu.memref_slice %arg8[%dma_wait3A_69, %dma_wait3A_70] : memref<40x128xi32, #tpu.memory_space<vmem>> -> memref<40x128xi32, #tpu.memory_space<vmem>>
      %dma_wait3A_72 = arith.constant 0 : i32
      %dma_wait3A_73 = arith.constant 0 : i32
      %dma_wait3A_74 = tpu.memref_slice %arg4[%add3A, %dma_wait3A_72, %dma_wait3A_73] : memref<32x79x128xi32, #tpu.memory_space<hbm>> -> memref<1x40x128xi32, #tpu.memory_space<hbm>>
      %dma_wait3A_75 = tpu.memref_squeeze %dma_wait3A_74 : memref<1x40x128xi32, #tpu.memory_space<hbm>> -> memref<40x128xi32, #tpu.memory_space<hbm>>
      %dma_wait3A_76 = arith.constant 0 : i32
      %dma_wait3A_77 = arith.constant 0 : i32
      %dma_wait3A_78 = tpu.memref_slice %arg8[%dma_wait3A_76, %dma_wait3A_77] : memref<40x128xi32, #tpu.memory_space<vmem>> -> memref<40x128xi32, #tpu.memory_space<vmem>>
      %dma_wait3A_79 = arith.constant 0 : i32
      %dma_wait3A_80 = arith.constant 0 : i32
      %dma_wait3A_81 = tpu.memref_slice %arg4[%add3A, %dma_wait3A_79, %dma_wait3A_80] : memref<32x79x128xi32, #tpu.memory_space<hbm>> -> memref<1x40x128xi32, #tpu.memory_space<hbm>>
      %dma_wait3A_82 = tpu.memref_squeeze %dma_wait3A_81 : memref<1x40x128xi32, #tpu.memory_space<hbm>> -> memref<40x128xi32, #tpu.memory_space<hbm>>
      tpu.wait_dma2 semaphore(%run_scoped3A_54 : memref<!tpu.dma_semaphore, #tpu.memory_space<semaphore_mem>>) src(%dma_wait3A_82 : memref<40x128xi32, #tpu.memory_space<hbm>>) dst(%dma_wait3A_78 : memref<40x128xi32, #tpu.memory_space<vmem>>)
      tpu.yield
    }) : () -> ()
    %dma_start3A = arith.constant 0 : i32
    %dma_start3A_3 = arith.constant 0 : i32
    %dma_start3A_4 = arith.constant 0 : i32
    %dma_start3A_5 = arith.constant 0 : i32
    %dma_start3A_6 = tpu.memref_slice %arg9[%dma_start3A_3, %dma_start3A_4, %dma_start3A_5] : memref<2x128x128xf32, #tpu.memory_space<vmem>> -> memref<1x128x128xf32, #tpu.memory_space<vmem>>
    %dma_start3A_7 = tpu.memref_squeeze %dma_start3A_6 : memref<1x128x128xf32, #tpu.memory_space<vmem>> -> memref<128x128xf32, #tpu.memory_space<vmem>>
    %dma_start3A_8 = arith.constant 0 : i32
    %dma_start3A_9 = tpu.memref_slice %arg7[%dma_start3A, %dma_start3A_8] : memref<40x128xi32, #tpu.memory_space<vmem>> -> memref<1x128xi32, #tpu.memory_space<vmem>>
    %dma_start3A_10 = tpu.memref_squeeze %dma_start3A_9 : memref<1x128xi32, #tpu.memory_space<vmem>> -> memref<128xi32, #tpu.memory_space<vmem>>
    %dma_start3A_11 = arith.constant 0 : i32
    %dma_start3A_12 = arith.constant 0 : i32
    %dma_start3A_13 = tpu.memref_slice %arg2[%dma_start3A_11, %dma_start3A_12] : memref<10240x128xf32, #tpu.memory_space<hbm>> -> memref<10240x128xf32, #tpu.memory_space<hbm>>
    tpu.enqueue_indirect_dma source(%dma_start3A_13 : memref<10240x128xf32, #tpu.memory_space<hbm>>) target(%dma_start3A_7 : memref<128x128xf32, #tpu.memory_space<vmem>>) offsets(%dma_start3A_10 : memref<128xi32, #tpu.memory_space<vmem>>) semaphore(%arg11 : memref<!tpu.dma_semaphore, #tpu.memory_space<semaphore_mem>>)
    %scan3A = arith.constant 0 : i32
    %scan3A_14 = arith.constant 0 : i32
    %scan3A_15 = arith.constant 20 : i32
    %scan3A_16 = arith.addi %scan3A_14, %scan3A_15 : i32
    %scan3A_17 = arith.constant 1 : i32
    scf.for %scan3A_54 = %scan3A_14 to %scan3A_16 step %scan3A_17  : i32 {
      %mul3A_55 = arith.constant 2 : i32
      %mul3A_56 = arith.muli %scan3A_54, %mul3A_55 : i32
      %add3A_57 = arith.constant 1 : i32
      %add3A_58 = arith.addi %mul3A_56, %add3A_57 : i32
      %dma_start3A_59 = arith.constant 1 : i32
      %dma_start3A_60 = arith.constant 0 : i32
      %dma_start3A_61 = arith.constant 0 : i32
      %dma_start3A_62 = tpu.memref_slice %arg9[%dma_start3A_59, %dma_start3A_60, %dma_start3A_61] : memref<2x128x128xf32, #tpu.memory_space<vmem>> -> memref<1x128x128xf32, #tpu.memory_space<vmem>>
      %dma_start3A_63 = tpu.memref_squeeze %dma_start3A_62 : memref<1x128x128xf32, #tpu.memory_space<vmem>> -> memref<128x128xf32, #tpu.memory_space<vmem>>
      %dma_start3A_64 = arith.constant 0 : i32
      %dma_start3A_65 = tpu.memref_slice %arg7[%add3A_58, %dma_start3A_64] : memref<40x128xi32, #tpu.memory_space<vmem>> -> memref<1x128xi32, #tpu.memory_space<vmem>>
      %dma_start3A_66 = tpu.memref_squeeze %dma_start3A_65 : memref<1x128xi32, #tpu.memory_space<vmem>> -> memref<128xi32, #tpu.memory_space<vmem>>
      %dma_start3A_67 = arith.constant 0 : i32
      %dma_start3A_68 = arith.constant 0 : i32
      %dma_start3A_69 = tpu.memref_slice %arg2[%dma_start3A_67, %dma_start3A_68] : memref<10240x128xf32, #tpu.memory_space<hbm>> -> memref<10240x128xf32, #tpu.memory_space<hbm>>
      tpu.enqueue_indirect_dma source(%dma_start3A_69 : memref<10240x128xf32, #tpu.memory_space<hbm>>) target(%dma_start3A_63 : memref<128x128xf32, #tpu.memory_space<vmem>>) offsets(%dma_start3A_66 : memref<128xi32, #tpu.memory_space<vmem>>) semaphore(%arg12 : memref<!tpu.dma_semaphore, #tpu.memory_space<semaphore_mem>>)
      %dma_wait3A_70 = arith.constant 0 : i32
      %dma_wait3A_71 = arith.constant 0 : i32
      %dma_wait3A_72 = arith.constant 0 : i32
      %dma_wait3A_73 = tpu.memref_slice %arg9[%dma_wait3A_70, %dma_wait3A_71, %dma_wait3A_72] : memref<2x128x128xf32, #tpu.memory_space<vmem>> -> memref<1x128x128xf32, #tpu.memory_space<vmem>>
      %dma_wait3A_74 = tpu.memref_squeeze %dma_wait3A_73 : memref<1x128x128xf32, #tpu.memory_space<vmem>> -> memref<128x128xf32, #tpu.memory_space<vmem>>
      %dma_wait3A_75 = arith.constant 0 : i32
      %dma_wait3A_76 = tpu.memref_slice %arg7[%mul3A_56, %dma_wait3A_75] : memref<40x128xi32, #tpu.memory_space<vmem>> -> memref<1x128xi32, #tpu.memory_space<vmem>>
      %dma_wait3A_77 = tpu.memref_squeeze %dma_wait3A_76 : memref<1x128xi32, #tpu.memory_space<vmem>> -> memref<128xi32, #tpu.memory_space<vmem>>
      %dma_wait3A_78 = arith.constant 0 : i32
      %dma_wait3A_79 = arith.constant 0 : i32
      %dma_wait3A_80 = tpu.memref_slice %arg2[%dma_wait3A_78, %dma_wait3A_79] : memref<10240x128xf32, #tpu.memory_space<hbm>> -> memref<10240x128xf32, #tpu.memory_space<hbm>>
      tpu.wait_indirect_dma semaphore(%arg11 : memref<!tpu.dma_semaphore, #tpu.memory_space<semaphore_mem>>) src(%dma_wait3A_80 : memref<10240x128xf32, #tpu.memory_space<hbm>>) dst(%dma_wait3A_74 : memref<128x128xf32, #tpu.memory_space<vmem>>)
      %run_scoped3A_81 = arith.constant 0 : i32
      "tpu.region"() ({
        %run_scoped3A_102 = tpu.sem_alloc : memref<!tpu.dma_semaphore, #tpu.memory_space<semaphore_mem>>
        %dma_start3A_103 = arith.constant 0 : i32
        %dma_start3A_104 = arith.constant 0 : i32
        %dma_start3A_105 = tpu.memref_slice %arg9[%run_scoped3A_81, %dma_start3A_103, %dma_start3A_104] : memref<2x128x128xf32, #tpu.memory_space<vmem>> -> memref<1x128x128xf32, #tpu.memory_space<vmem>>
        %dma_start3A_106 = tpu.memref_squeeze %dma_start3A_105 : memref<1x128x128xf32, #tpu.memory_space<vmem>> -> memref<128x128xf32, #tpu.memory_space<vmem>>
        %dma_start3A_107 = arith.constant 0 : i32
        %dma_start3A_108 = tpu.memref_slice %arg8[%mul3A_56, %dma_start3A_107] : memref<40x128xi32, #tpu.memory_space<vmem>> -> memref<1x128xi32, #tpu.memory_space<vmem>>
        %dma_start3A_109 = tpu.memref_squeeze %dma_start3A_108 : memref<1x128xi32, #tpu.memory_space<vmem>> -> memref<128xi32, #tpu.memory_space<vmem>>
        %dma_start3A_110 = arith.constant 0 : i32
        %dma_start3A_111 = arith.constant 0 : i32
        %dma_start3A_112 = tpu.memref_slice %arg10[%dma_start3A_110, %dma_start3A_111] : memref<10240x128xf32, #tpu.memory_space<vmem_shared>> -> memref<10240x128xf32, #tpu.memory_space<vmem_shared>>
        tpu.enqueue_indirect_dma source(%dma_start3A_106 : memref<128x128xf32, #tpu.memory_space<vmem>>) target(%dma_start3A_112 : memref<10240x128xf32, #tpu.memory_space<vmem_shared>>) offsets(%dma_start3A_109 : memref<128xi32, #tpu.memory_space<vmem>>) semaphore(%run_scoped3A_102 : memref<!tpu.dma_semaphore, #tpu.memory_space<semaphore_mem>>) {add = true}
        %dma_wait3A_113 = arith.constant 0 : i32
        %dma_wait3A_114 = arith.constant 0 : i32
        %dma_wait3A_115 = tpu.memref_slice %arg9[%run_scoped3A_81, %dma_wait3A_113, %dma_wait3A_114] : memref<2x128x128xf32, #tpu.memory_space<vmem>> -> memref<1x128x128xf32, #tpu.memory_space<vmem>>
        %dma_wait3A_116 = tpu.memref_squeeze %dma_wait3A_115 : memref<1x128x128xf32, #tpu.memory_space<vmem>> -> memref<128x128xf32, #tpu.memory_space<vmem>>
        %dma_wait3A_117 = arith.constant 0 : i32
        %dma_wait3A_118 = tpu.memref_slice %arg8[%mul3A_56, %dma_wait3A_117] : memref<40x128xi32, #tpu.memory_space<vmem>> -> memref<1x128xi32, #tpu.memory_space<vmem>>
        %dma_wait3A_119 = tpu.memref_squeeze %dma_wait3A_118 : memref<1x128xi32, #tpu.memory_space<vmem>> -> memref<128xi32, #tpu.memory_space<vmem>>
        %dma_wait3A_120 = arith.constant 0 : i32
        %dma_wait3A_121 = arith.constant 0 : i32
        %dma_wait3A_122 = tpu.memref_slice %arg10[%dma_wait3A_120, %dma_wait3A_121] : memref<10240x128xf32, #tpu.memory_space<vmem_shared>> -> memref<10240x128xf32, #tpu.memory_space<vmem_shared>>
        tpu.wait_indirect_dma semaphore(%run_scoped3A_102 : memref<!tpu.dma_semaphore, #tpu.memory_space<semaphore_mem>>) src(%dma_wait3A_116 : memref<128x128xf32, #tpu.memory_space<vmem>>) dst(%dma_wait3A_122 : memref<10240x128xf32, #tpu.memory_space<vmem_shared>>)
        tpu.yield
      }) : () -> ()
      %add3A_82 = arith.constant 2 : i32
      %add3A_83 = arith.addi %mul3A_56, %add3A_82 : i32
      %lt3A = arith.constant 40 : i32
      %lt3A_84 = arith.cmpi slt, %add3A_83, %lt3A : i32
      %convert_element_type3A = arith.extui %lt3A_84 : i1 to i32
      %cond3A = arith.constant 0 : i32
      %cond3A_85 = arith.cmpi ne, %convert_element_type3A, %cond3A : i32
      scf.if %cond3A_85 {
        %add3A_102 = arith.constant 2 : i32
        %add3A_103 = arith.addi %mul3A_56, %add3A_102 : i32
        %dma_start3A_104 = arith.constant 0 : i32
        %dma_start3A_105 = arith.constant 0 : i32
        %dma_start3A_106 = arith.constant 0 : i32
        %dma_start3A_107 = tpu.memref_slice %arg9[%dma_start3A_104, %dma_start3A_105, %dma_start3A_106] : memref<2x128x128xf32, #tpu.memory_space<vmem>> -> memref<1x128x128xf32, #tpu.memory_space<vmem>>
        %dma_start3A_108 = tpu.memref_squeeze %dma_start3A_107 : memref<1x128x128xf32, #tpu.memory_space<vmem>> -> memref<128x128xf32, #tpu.memory_space<vmem>>
        %dma_start3A_109 = arith.constant 0 : i32
        %dma_start3A_110 = tpu.memref_slice %arg7[%add3A_103, %dma_start3A_109] : memref<40x128xi32, #tpu.memory_space<vmem>> -> memref<1x128xi32, #tpu.memory_space<vmem>>
        %dma_start3A_111 = tpu.memref_squeeze %dma_start3A_110 : memref<1x128xi32, #tpu.memory_space<vmem>> -> memref<128xi32, #tpu.memory_space<vmem>>
        %dma_start3A_112 = arith.constant 0 : i32
        %dma_start3A_113 = arith.constant 0 : i32
        %dma_start3A_114 = tpu.memref_slice %arg2[%dma_start3A_112, %dma_start3A_113] : memref<10240x128xf32, #tpu.memory_space<hbm>> -> memref<10240x128xf32, #tpu.memory_space<hbm>>
        tpu.enqueue_indirect_dma source(%dma_start3A_114 : memref<10240x128xf32, #tpu.memory_space<hbm>>) target(%dma_start3A_108 : memref<128x128xf32, #tpu.memory_space<vmem>>) offsets(%dma_start3A_111 : memref<128xi32, #tpu.memory_space<vmem>>) semaphore(%arg11 : memref<!tpu.dma_semaphore, #tpu.memory_space<semaphore_mem>>)
      } else {
      }
      %add3A_86 = arith.constant 1 : i32
      %add3A_87 = arith.addi %mul3A_56, %add3A_86 : i32
      %dma_wait3A_88 = arith.constant 1 : i32
      %dma_wait3A_89 = arith.constant 0 : i32
      %dma_wait3A_90 = arith.constant 0 : i32
      %dma_wait3A_91 = tpu.memref_slice %arg9[%dma_wait3A_88, %dma_wait3A_89, %dma_wait3A_90] : memref<2x128x128xf32, #tpu.memory_space<vmem>> -> memref<1x128x128xf32, #tpu.memory_space<vmem>>
      %dma_wait3A_92 = tpu.memref_squeeze %dma_wait3A_91 : memref<1x128x128xf32, #tpu.memory_space<vmem>> -> memref<128x128xf32, #tpu.memory_space<vmem>>
      %dma_wait3A_93 = arith.constant 0 : i32
      %dma_wait3A_94 = tpu.memref_slice %arg7[%add3A_87, %dma_wait3A_93] : memref<40x128xi32, #tpu.memory_space<vmem>> -> memref<1x128xi32, #tpu.memory_space<vmem>>
      %dma_wait3A_95 = tpu.memref_squeeze %dma_wait3A_94 : memref<1x128xi32, #tpu.memory_space<vmem>> -> memref<128xi32, #tpu.memory_space<vmem>>
      %dma_wait3A_96 = arith.constant 0 : i32
      %dma_wait3A_97 = arith.constant 0 : i32
      %dma_wait3A_98 = tpu.memref_slice %arg2[%dma_wait3A_96, %dma_wait3A_97] : memref<10240x128xf32, #tpu.memory_space<hbm>> -> memref<10240x128xf32, #tpu.memory_space<hbm>>
      tpu.wait_indirect_dma semaphore(%arg12 : memref<!tpu.dma_semaphore, #tpu.memory_space<semaphore_mem>>) src(%dma_wait3A_98 : memref<10240x128xf32, #tpu.memory_space<hbm>>) dst(%dma_wait3A_92 : memref<128x128xf32, #tpu.memory_space<vmem>>)
      %add3A_99 = arith.constant 1 : i32
      %add3A_100 = arith.addi %mul3A_56, %add3A_99 : i32
      %run_scoped3A_101 = arith.constant 1 : i32
      "tpu.region"() ({
        %run_scoped3A_102 = tpu.sem_alloc : memref<!tpu.dma_semaphore, #tpu.memory_space<semaphore_mem>>
        %dma_start3A_103 = arith.constant 0 : i32
        %dma_start3A_104 = arith.constant 0 : i32
        %dma_start3A_105 = tpu.memref_slice %arg9[%run_scoped3A_101, %dma_start3A_103, %dma_start3A_104] : memref<2x128x128xf32, #tpu.memory_space<vmem>> -> memref<1x128x128xf32, #tpu.memory_space<vmem>>
        %dma_start3A_106 = tpu.memref_squeeze %dma_start3A_105 : memref<1x128x128xf32, #tpu.memory_space<vmem>> -> memref<128x128xf32, #tpu.memory_space<vmem>>
        %dma_start3A_107 = arith.constant 0 : i32
        %dma_start3A_108 = tpu.memref_slice %arg8[%add3A_100, %dma_start3A_107] : memref<40x128xi32, #tpu.memory_space<vmem>> -> memref<1x128xi32, #tpu.memory_space<vmem>>
        %dma_start3A_109 = tpu.memref_squeeze %dma_start3A_108 : memref<1x128xi32, #tpu.memory_space<vmem>> -> memref<128xi32, #tpu.memory_space<vmem>>
        %dma_start3A_110 = arith.constant 0 : i32
        %dma_start3A_111 = arith.constant 0 : i32
        %dma_start3A_112 = tpu.memref_slice %arg10[%dma_start3A_110, %dma_start3A_111] : memref<10240x128xf32, #tpu.memory_space<vmem_shared>> -> memref<10240x128xf32, #tpu.memory_space<vmem_shared>>
        tpu.enqueue_indirect_dma source(%dma_start3A_106 : memref<128x128xf32, #tpu.memory_space<vmem>>) target(%dma_start3A_112 : memref<10240x128xf32, #tpu.memory_space<vmem_shared>>) offsets(%dma_start3A_109 : memref<128xi32, #tpu.memory_space<vmem>>) semaphore(%run_scoped3A_102 : memref<!tpu.dma_semaphore, #tpu.memory_space<semaphore_mem>>) {add = true}
        %dma_wait3A_113 = arith.constant 0 : i32
        %dma_wait3A_114 = arith.constant 0 : i32
        %dma_wait3A_115 = tpu.memref_slice %arg9[%run_scoped3A_101, %dma_wait3A_113, %dma_wait3A_114] : memref<2x128x128xf32, #tpu.memory_space<vmem>> -> memref<1x128x128xf32, #tpu.memory_space<vmem>>
        %dma_wait3A_116 = tpu.memref_squeeze %dma_wait3A_115 : memref<1x128x128xf32, #tpu.memory_space<vmem>> -> memref<128x128xf32, #tpu.memory_space<vmem>>
        %dma_wait3A_117 = arith.constant 0 : i32
        %dma_wait3A_118 = tpu.memref_slice %arg8[%add3A_100, %dma_wait3A_117] : memref<40x128xi32, #tpu.memory_space<vmem>> -> memref<1x128xi32, #tpu.memory_space<vmem>>
        %dma_wait3A_119 = tpu.memref_squeeze %dma_wait3A_118 : memref<1x128xi32, #tpu.memory_space<vmem>> -> memref<128xi32, #tpu.memory_space<vmem>>
        %dma_wait3A_120 = arith.constant 0 : i32
        %dma_wait3A_121 = arith.constant 0 : i32
        %dma_wait3A_122 = tpu.memref_slice %arg10[%dma_wait3A_120, %dma_wait3A_121] : memref<10240x128xf32, #tpu.memory_space<vmem_shared>> -> memref<10240x128xf32, #tpu.memory_space<vmem_shared>>
        tpu.wait_indirect_dma semaphore(%run_scoped3A_102 : memref<!tpu.dma_semaphore, #tpu.memory_space<semaphore_mem>>) src(%dma_wait3A_116 : memref<128x128xf32, #tpu.memory_space<vmem>>) dst(%dma_wait3A_122 : memref<10240x128xf32, #tpu.memory_space<vmem_shared>>)
        tpu.yield
      }) : () -> ()
    }
    %scan3A_18 = arith.constant 20 : i32
    "tpu.region"() ({
      %run_scoped3A_54 = tpu.sem_alloc : memref<!tpu.dma_semaphore, #tpu.memory_space<semaphore_mem>>
      %dma_start3A_55 = arith.constant 0 : i32
      %dma_start3A_56 = arith.constant 0 : i32
      %dma_start3A_57 = tpu.memref_slice %arg7[%dma_start3A_55, %dma_start3A_56] : memref<40x128xi32, #tpu.memory_space<vmem>> -> memref<39x128xi32, #tpu.memory_space<vmem>>
      %dma_start3A_58 = arith.constant 40 : i32
      %dma_start3A_59 = arith.constant 0 : i32
      %dma_start3A_60 = tpu.memref_slice %arg3[%add3A, %dma_start3A_58, %dma_start3A_59] : memref<32x79x128xi32, #tpu.memory_space<hbm>> -> memref<1x39x128xi32, #tpu.memory_space<hbm>>
      %dma_start3A_61 = tpu.memref_squeeze %dma_start3A_60 : memref<1x39x128xi32, #tpu.memory_space<hbm>> -> memref<39x128xi32, #tpu.memory_space<hbm>>
      %dma_start3A_62 = arith.constant 0 : i32
      %dma_start3A_63 = arith.constant 0 : i32
      %dma_start3A_64 = tpu.memref_slice %arg7[%dma_start3A_62, %dma_start3A_63] : memref<40x128xi32, #tpu.memory_space<vmem>> -> memref<39x128xi32, #tpu.memory_space<vmem>>
      %dma_start3A_65 = arith.constant 40 : i32
      %dma_start3A_66 = arith.constant 0 : i32
      %dma_start3A_67 = tpu.memref_slice %arg3[%add3A, %dma_start3A_65, %dma_start3A_66] : memref<32x79x128xi32, #tpu.memory_space<hbm>> -> memref<1x39x128xi32, #tpu.memory_space<hbm>>
      %dma_start3A_68 = tpu.memref_squeeze %dma_start3A_67 : memref<1x39x128xi32, #tpu.memory_space<hbm>> -> memref<39x128xi32, #tpu.memory_space<hbm>>
      tpu.enqueue_dma source(%dma_start3A_68 : memref<39x128xi32, #tpu.memory_space<hbm>>) target(%dma_start3A_64 : memref<39x128xi32, #tpu.memory_space<vmem>>) target_semaphore(%run_scoped3A_54 : memref<!tpu.dma_semaphore, #tpu.memory_space<semaphore_mem>>)
      %dma_wait3A_69 = arith.constant 0 : i32
      %dma_wait3A_70 = arith.constant 0 : i32
      %dma_wait3A_71 = tpu.memref_slice %arg7[%dma_wait3A_69, %dma_wait3A_70] : memref<40x128xi32, #tpu.memory_space<vmem>> -> memref<39x128xi32, #tpu.memory_space<vmem>>
      %dma_wait3A_72 = arith.constant 40 : i32
      %dma_wait3A_73 = arith.constant 0 : i32
      %dma_wait3A_74 = tpu.memref_slice %arg3[%add3A, %dma_wait3A_72, %dma_wait3A_73] : memref<32x79x128xi32, #tpu.memory_space<hbm>> -> memref<1x39x128xi32, #tpu.memory_space<hbm>>
      %dma_wait3A_75 = tpu.memref_squeeze %dma_wait3A_74 : memref<1x39x128xi32, #tpu.memory_space<hbm>> -> memref<39x128xi32, #tpu.memory_space<hbm>>
      %dma_wait3A_76 = arith.constant 0 : i32
      %dma_wait3A_77 = arith.constant 0 : i32
      %dma_wait3A_78 = tpu.memref_slice %arg7[%dma_wait3A_76, %dma_wait3A_77] : memref<40x128xi32, #tpu.memory_space<vmem>> -> memref<39x128xi32, #tpu.memory_space<vmem>>
      %dma_wait3A_79 = arith.constant 40 : i32
      %dma_wait3A_80 = arith.constant 0 : i32
      %dma_wait3A_81 = tpu.memref_slice %arg3[%add3A, %dma_wait3A_79, %dma_wait3A_80] : memref<32x79x128xi32, #tpu.memory_space<hbm>> -> memref<1x39x128xi32, #tpu.memory_space<hbm>>
      %dma_wait3A_82 = tpu.memref_squeeze %dma_wait3A_81 : memref<1x39x128xi32, #tpu.memory_space<hbm>> -> memref<39x128xi32, #tpu.memory_space<hbm>>
      tpu.wait_dma2 semaphore(%run_scoped3A_54 : memref<!tpu.dma_semaphore, #tpu.memory_space<semaphore_mem>>) src(%dma_wait3A_82 : memref<39x128xi32, #tpu.memory_space<hbm>>) dst(%dma_wait3A_78 : memref<39x128xi32, #tpu.memory_space<vmem>>)
      tpu.yield
    }) : () -> ()
    "tpu.region"() ({
      %run_scoped3A_54 = tpu.sem_alloc : memref<!tpu.dma_semaphore, #tpu.memory_space<semaphore_mem>>
      %dma_start3A_55 = arith.constant 0 : i32
      %dma_start3A_56 = arith.constant 0 : i32
      %dma_start3A_57 = tpu.memref_slice %arg8[%dma_start3A_55, %dma_start3A_56] : memref<40x128xi32, #tpu.memory_space<vmem>> -> memref<39x128xi32, #tpu.memory_space<vmem>>
      %dma_start3A_58 = arith.constant 40 : i32
      %dma_start3A_59 = arith.constant 0 : i32
      %dma_start3A_60 = tpu.memref_slice %arg4[%add3A, %dma_start3A_58, %dma_start3A_59] : memref<32x79x128xi32, #tpu.memory_space<hbm>> -> memref<1x39x128xi32, #tpu.memory_space<hbm>>
      %dma_start3A_61 = tpu.memref_squeeze %dma_start3A_60 : memref<1x39x128xi32, #tpu.memory_space<hbm>> -> memref<39x128xi32, #tpu.memory_space<hbm>>
      %dma_start3A_62 = arith.constant 0 : i32
      %dma_start3A_63 = arith.constant 0 : i32
      %dma_start3A_64 = tpu.memref_slice %arg8[%dma_start3A_62, %dma_start3A_63] : memref<40x128xi32, #tpu.memory_space<vmem>> -> memref<39x128xi32, #tpu.memory_space<vmem>>
      %dma_start3A_65 = arith.constant 40 : i32
      %dma_start3A_66 = arith.constant 0 : i32
      %dma_start3A_67 = tpu.memref_slice %arg4[%add3A, %dma_start3A_65, %dma_start3A_66] : memref<32x79x128xi32, #tpu.memory_space<hbm>> -> memref<1x39x128xi32, #tpu.memory_space<hbm>>
      %dma_start3A_68 = tpu.memref_squeeze %dma_start3A_67 : memref<1x39x128xi32, #tpu.memory_space<hbm>> -> memref<39x128xi32, #tpu.memory_space<hbm>>
      tpu.enqueue_dma source(%dma_start3A_68 : memref<39x128xi32, #tpu.memory_space<hbm>>) target(%dma_start3A_64 : memref<39x128xi32, #tpu.memory_space<vmem>>) target_semaphore(%run_scoped3A_54 : memref<!tpu.dma_semaphore, #tpu.memory_space<semaphore_mem>>)
      %dma_wait3A_69 = arith.constant 0 : i32
      %dma_wait3A_70 = arith.constant 0 : i32
      %dma_wait3A_71 = tpu.memref_slice %arg8[%dma_wait3A_69, %dma_wait3A_70] : memref<40x128xi32, #tpu.memory_space<vmem>> -> memref<39x128xi32, #tpu.memory_space<vmem>>
      %dma_wait3A_72 = arith.constant 40 : i32
      %dma_wait3A_73 = arith.constant 0 : i32
      %dma_wait3A_74 = tpu.memref_slice %arg4[%add3A, %dma_wait3A_72, %dma_wait3A_73] : memref<32x79x128xi32, #tpu.memory_space<hbm>> -> memref<1x39x128xi32, #tpu.memory_space<hbm>>
      %dma_wait3A_75 = tpu.memref_squeeze %dma_wait3A_74 : memref<1x39x128xi32, #tpu.memory_space<hbm>> -> memref<39x128xi32, #tpu.memory_space<hbm>>
      %dma_wait3A_76 = arith.constant 0 : i32
      %dma_wait3A_77 = arith.constant 0 : i32
      %dma_wait3A_78 = tpu.memref_slice %arg8[%dma_wait3A_76, %dma_wait3A_77] : memref<40x128xi32, #tpu.memory_space<vmem>> -> memref<39x128xi32, #tpu.memory_space<vmem>>
      %dma_wait3A_79 = arith.constant 40 : i32
      %dma_wait3A_80 = arith.constant 0 : i32
      %dma_wait3A_81 = tpu.memref_slice %arg4[%add3A, %dma_wait3A_79, %dma_wait3A_80] : memref<32x79x128xi32, #tpu.memory_space<hbm>> -> memref<1x39x128xi32, #tpu.memory_space<hbm>>
      %dma_wait3A_82 = tpu.memref_squeeze %dma_wait3A_81 : memref<1x39x128xi32, #tpu.memory_space<hbm>> -> memref<39x128xi32, #tpu.memory_space<hbm>>
      tpu.wait_dma2 semaphore(%run_scoped3A_54 : memref<!tpu.dma_semaphore, #tpu.memory_space<semaphore_mem>>) src(%dma_wait3A_82 : memref<39x128xi32, #tpu.memory_space<hbm>>) dst(%dma_wait3A_78 : memref<39x128xi32, #tpu.memory_space<vmem>>)
      tpu.yield
    }) : () -> ()
    %dma_start3A_19 = arith.constant 0 : i32
    %dma_start3A_20 = arith.constant 0 : i32
    %dma_start3A_21 = arith.constant 0 : i32
    %dma_start3A_22 = arith.constant 0 : i32
    %dma_start3A_23 = tpu.memref_slice %arg9[%dma_start3A_20, %dma_start3A_21, %dma_start3A_22] : memref<2x128x128xf32, #tpu.memory_space<vmem>> -> memref<1x128x128xf32, #tpu.memory_space<vmem>>
    %dma_start3A_24 = tpu.memref_squeeze %dma_start3A_23 : memref<1x128x128xf32, #tpu.memory_space<vmem>> -> memref<128x128xf32, #tpu.memory_space<vmem>>
    %dma_start3A_25 = arith.constant 0 : i32
    %dma_start3A_26 = tpu.memref_slice %arg7[%dma_start3A_19, %dma_start3A_25] : memref<40x128xi32, #tpu.memory_space<vmem>> -> memref<1x128xi32, #tpu.memory_space<vmem>>
    %dma_start3A_27 = tpu.memref_squeeze %dma_start3A_26 : memref<1x128xi32, #tpu.memory_space<vmem>> -> memref<128xi32, #tpu.memory_space<vmem>>
    %dma_start3A_28 = arith.constant 0 : i32
    %dma_start3A_29 = arith.constant 0 : i32
    %dma_start3A_30 = tpu.memref_slice %arg2[%dma_start3A_28, %dma_start3A_29] : memref<10240x128xf32, #tpu.memory_space<hbm>> -> memref<10240x128xf32, #tpu.memory_space<hbm>>
    tpu.enqueue_indirect_dma source(%dma_start3A_30 : memref<10240x128xf32, #tpu.memory_space<hbm>>) target(%dma_start3A_24 : memref<128x128xf32, #tpu.memory_space<vmem>>) offsets(%dma_start3A_27 : memref<128xi32, #tpu.memory_space<vmem>>) semaphore(%arg11 : memref<!tpu.dma_semaphore, #tpu.memory_space<semaphore_mem>>)
    %scan3A_31 = arith.constant 0 : i32
    %scan3A_32 = arith.constant 0 : i32
    %scan3A_33 = arith.constant 19 : i32
    %scan3A_34 = arith.addi %scan3A_32, %scan3A_33 : i32
    %scan3A_35 = arith.constant 1 : i32
    scf.for %scan3A_54 = %scan3A_32 to %scan3A_34 step %scan3A_35  : i32 {
      %mul3A_55 = arith.constant 2 : i32
      %mul3A_56 = arith.muli %scan3A_54, %mul3A_55 : i32
      %add3A_57 = arith.constant 1 : i32
      %add3A_58 = arith.addi %mul3A_56, %add3A_57 : i32
      %dma_start3A_59 = arith.constant 1 : i32
      %dma_start3A_60 = arith.constant 0 : i32
      %dma_start3A_61 = arith.constant 0 : i32
      %dma_start3A_62 = tpu.memref_slice %arg9[%dma_start3A_59, %dma_start3A_60, %dma_start3A_61] : memref<2x128x128xf32, #tpu.memory_space<vmem>> -> memref<1x128x128xf32, #tpu.memory_space<vmem>>
      %dma_start3A_63 = tpu.memref_squeeze %dma_start3A_62 : memref<1x128x128xf32, #tpu.memory_space<vmem>> -> memref<128x128xf32, #tpu.memory_space<vmem>>
      %dma_start3A_64 = arith.constant 0 : i32
      %dma_start3A_65 = tpu.memref_slice %arg7[%add3A_58, %dma_start3A_64] : memref<40x128xi32, #tpu.memory_space<vmem>> -> memref<1x128xi32, #tpu.memory_space<vmem>>
      %dma_start3A_66 = tpu.memref_squeeze %dma_start3A_65 : memref<1x128xi32, #tpu.memory_space<vmem>> -> memref<128xi32, #tpu.memory_space<vmem>>
      %dma_start3A_67 = arith.constant 0 : i32
      %dma_start3A_68 = arith.constant 0 : i32
      %dma_start3A_69 = tpu.memref_slice %arg2[%dma_start3A_67, %dma_start3A_68] : memref<10240x128xf32, #tpu.memory_space<hbm>> -> memref<10240x128xf32, #tpu.memory_space<hbm>>
      tpu.enqueue_indirect_dma source(%dma_start3A_69 : memref<10240x128xf32, #tpu.memory_space<hbm>>) target(%dma_start3A_63 : memref<128x128xf32, #tpu.memory_space<vmem>>) offsets(%dma_start3A_66 : memref<128xi32, #tpu.memory_space<vmem>>) semaphore(%arg12 : memref<!tpu.dma_semaphore, #tpu.memory_space<semaphore_mem>>)
      %dma_wait3A_70 = arith.constant 0 : i32
      %dma_wait3A_71 = arith.constant 0 : i32
      %dma_wait3A_72 = arith.constant 0 : i32
      %dma_wait3A_73 = tpu.memref_slice %arg9[%dma_wait3A_70, %dma_wait3A_71, %dma_wait3A_72] : memref<2x128x128xf32, #tpu.memory_space<vmem>> -> memref<1x128x128xf32, #tpu.memory_space<vmem>>
      %dma_wait3A_74 = tpu.memref_squeeze %dma_wait3A_73 : memref<1x128x128xf32, #tpu.memory_space<vmem>> -> memref<128x128xf32, #tpu.memory_space<vmem>>
      %dma_wait3A_75 = arith.constant 0 : i32
      %dma_wait3A_76 = tpu.memref_slice %arg7[%mul3A_56, %dma_wait3A_75] : memref<40x128xi32, #tpu.memory_space<vmem>> -> memref<1x128xi32, #tpu.memory_space<vmem>>
      %dma_wait3A_77 = tpu.memref_squeeze %dma_wait3A_76 : memref<1x128xi32, #tpu.memory_space<vmem>> -> memref<128xi32, #tpu.memory_space<vmem>>
      %dma_wait3A_78 = arith.constant 0 : i32
      %dma_wait3A_79 = arith.constant 0 : i32
      %dma_wait3A_80 = tpu.memref_slice %arg2[%dma_wait3A_78, %dma_wait3A_79] : memref<10240x128xf32, #tpu.memory_space<hbm>> -> memref<10240x128xf32, #tpu.memory_space<hbm>>
      tpu.wait_indirect_dma semaphore(%arg11 : memref<!tpu.dma_semaphore, #tpu.memory_space<semaphore_mem>>) src(%dma_wait3A_80 : memref<10240x128xf32, #tpu.memory_space<hbm>>) dst(%dma_wait3A_74 : memref<128x128xf32, #tpu.memory_space<vmem>>)
      %run_scoped3A_81 = arith.constant 0 : i32
      "tpu.region"() ({
        %run_scoped3A_102 = tpu.sem_alloc : memref<!tpu.dma_semaphore, #tpu.memory_space<semaphore_mem>>
        %dma_start3A_103 = arith.constant 0 : i32
        %dma_start3A_104 = arith.constant 0 : i32
        %dma_start3A_105 = tpu.memref_slice %arg9[%run_scoped3A_81, %dma_start3A_103, %dma_start3A_104] : memref<2x128x128xf32, #tpu.memory_space<vmem>> -> memref<1x128x128xf32, #tpu.memory_space<vmem>>
        %dma_start3A_106 = tpu.memref_squeeze %dma_start3A_105 : memref<1x128x128xf32, #tpu.memory_space<vmem>> -> memref<128x128xf32, #tpu.memory_space<vmem>>
        %dma_start3A_107 = arith.constant 0 : i32
        %dma_start3A_108 = tpu.memref_slice %arg8[%mul3A_56, %dma_start3A_107] : memref<40x128xi32, #tpu.memory_space<vmem>> -> memref<1x128xi32, #tpu.memory_space<vmem>>
        %dma_start3A_109 = tpu.memref_squeeze %dma_start3A_108 : memref<1x128xi32, #tpu.memory_space<vmem>> -> memref<128xi32, #tpu.memory_space<vmem>>
        %dma_start3A_110 = arith.constant 0 : i32
        %dma_start3A_111 = arith.constant 0 : i32
        %dma_start3A_112 = tpu.memref_slice %arg10[%dma_start3A_110, %dma_start3A_111] : memref<10240x128xf32, #tpu.memory_space<vmem_shared>> -> memref<10240x128xf32, #tpu.memory_space<vmem_shared>>
        tpu.enqueue_indirect_dma source(%dma_start3A_106 : memref<128x128xf32, #tpu.memory_space<vmem>>) target(%dma_start3A_112 : memref<10240x128xf32, #tpu.memory_space<vmem_shared>>) offsets(%dma_start3A_109 : memref<128xi32, #tpu.memory_space<vmem>>) semaphore(%run_scoped3A_102 : memref<!tpu.dma_semaphore, #tpu.memory_space<semaphore_mem>>) {add = true}
        %dma_wait3A_113 = arith.constant 0 : i32
        %dma_wait3A_114 = arith.constant 0 : i32
        %dma_wait3A_115 = tpu.memref_slice %arg9[%run_scoped3A_81, %dma_wait3A_113, %dma_wait3A_114] : memref<2x128x128xf32, #tpu.memory_space<vmem>> -> memref<1x128x128xf32, #tpu.memory_space<vmem>>
        %dma_wait3A_116 = tpu.memref_squeeze %dma_wait3A_115 : memref<1x128x128xf32, #tpu.memory_space<vmem>> -> memref<128x128xf32, #tpu.memory_space<vmem>>
        %dma_wait3A_117 = arith.constant 0 : i32
        %dma_wait3A_118 = tpu.memref_slice %arg8[%mul3A_56, %dma_wait3A_117] : memref<40x128xi32, #tpu.memory_space<vmem>> -> memref<1x128xi32, #tpu.memory_space<vmem>>
        %dma_wait3A_119 = tpu.memref_squeeze %dma_wait3A_118 : memref<1x128xi32, #tpu.memory_space<vmem>> -> memref<128xi32, #tpu.memory_space<vmem>>
        %dma_wait3A_120 = arith.constant 0 : i32
        %dma_wait3A_121 = arith.constant 0 : i32
        %dma_wait3A_122 = tpu.memref_slice %arg10[%dma_wait3A_120, %dma_wait3A_121] : memref<10240x128xf32, #tpu.memory_space<vmem_shared>> -> memref<10240x128xf32, #tpu.memory_space<vmem_shared>>
        tpu.wait_indirect_dma semaphore(%run_scoped3A_102 : memref<!tpu.dma_semaphore, #tpu.memory_space<semaphore_mem>>) src(%dma_wait3A_116 : memref<128x128xf32, #tpu.memory_space<vmem>>) dst(%dma_wait3A_122 : memref<10240x128xf32, #tpu.memory_space<vmem_shared>>)
        tpu.yield
      }) : () -> ()
      %add3A_82 = arith.constant 2 : i32
      %add3A_83 = arith.addi %mul3A_56, %add3A_82 : i32
      %lt3A = arith.constant 39 : i32
      %lt3A_84 = arith.cmpi slt, %add3A_83, %lt3A : i32
      %convert_element_type3A = arith.extui %lt3A_84 : i1 to i32
      %cond3A = arith.constant 0 : i32
      %cond3A_85 = arith.cmpi ne, %convert_element_type3A, %cond3A : i32
      scf.if %cond3A_85 {
        %add3A_102 = arith.constant 2 : i32
        %add3A_103 = arith.addi %mul3A_56, %add3A_102 : i32
        %dma_start3A_104 = arith.constant 0 : i32
        %dma_start3A_105 = arith.constant 0 : i32
        %dma_start3A_106 = arith.constant 0 : i32
        %dma_start3A_107 = tpu.memref_slice %arg9[%dma_start3A_104, %dma_start3A_105, %dma_start3A_106] : memref<2x128x128xf32, #tpu.memory_space<vmem>> -> memref<1x128x128xf32, #tpu.memory_space<vmem>>
        %dma_start3A_108 = tpu.memref_squeeze %dma_start3A_107 : memref<1x128x128xf32, #tpu.memory_space<vmem>> -> memref<128x128xf32, #tpu.memory_space<vmem>>
        %dma_start3A_109 = arith.constant 0 : i32
        %dma_start3A_110 = tpu.memref_slice %arg7[%add3A_103, %dma_start3A_109] : memref<40x128xi32, #tpu.memory_space<vmem>> -> memref<1x128xi32, #tpu.memory_space<vmem>>
        %dma_start3A_111 = tpu.memref_squeeze %dma_start3A_110 : memref<1x128xi32, #tpu.memory_space<vmem>> -> memref<128xi32, #tpu.memory_space<vmem>>
        %dma_start3A_112 = arith.constant 0 : i32
        %dma_start3A_113 = arith.constant 0 : i32
        %dma_start3A_114 = tpu.memref_slice %arg2[%dma_start3A_112, %dma_start3A_113] : memref<10240x128xf32, #tpu.memory_space<hbm>> -> memref<10240x128xf32, #tpu.memory_space<hbm>>
        tpu.enqueue_indirect_dma source(%dma_start3A_114 : memref<10240x128xf32, #tpu.memory_space<hbm>>) target(%dma_start3A_108 : memref<128x128xf32, #tpu.memory_space<vmem>>) offsets(%dma_start3A_111 : memref<128xi32, #tpu.memory_space<vmem>>) semaphore(%arg11 : memref<!tpu.dma_semaphore, #tpu.memory_space<semaphore_mem>>)
      } else {
      }
      %add3A_86 = arith.constant 1 : i32
      %add3A_87 = arith.addi %mul3A_56, %add3A_86 : i32
      %dma_wait3A_88 = arith.constant 1 : i32
      %dma_wait3A_89 = arith.constant 0 : i32
      %dma_wait3A_90 = arith.constant 0 : i32
      %dma_wait3A_91 = tpu.memref_slice %arg9[%dma_wait3A_88, %dma_wait3A_89, %dma_wait3A_90] : memref<2x128x128xf32, #tpu.memory_space<vmem>> -> memref<1x128x128xf32, #tpu.memory_space<vmem>>
      %dma_wait3A_92 = tpu.memref_squeeze %dma_wait3A_91 : memref<1x128x128xf32, #tpu.memory_space<vmem>> -> memref<128x128xf32, #tpu.memory_space<vmem>>
      %dma_wait3A_93 = arith.constant 0 : i32
      %dma_wait3A_94 = tpu.memref_slice %arg7[%add3A_87, %dma_wait3A_93] : memref<40x128xi32, #tpu.memory_space<vmem>> -> memref<1x128xi32, #tpu.memory_space<vmem>>
      %dma_wait3A_95 = tpu.memref_squeeze %dma_wait3A_94 : memref<1x128xi32, #tpu.memory_space<vmem>> -> memref<128xi32, #tpu.memory_space<vmem>>
      %dma_wait3A_96 = arith.constant 0 : i32
      %dma_wait3A_97 = arith.constant 0 : i32
      %dma_wait3A_98 = tpu.memref_slice %arg2[%dma_wait3A_96, %dma_wait3A_97] : memref<10240x128xf32, #tpu.memory_space<hbm>> -> memref<10240x128xf32, #tpu.memory_space<hbm>>
      tpu.wait_indirect_dma semaphore(%arg12 : memref<!tpu.dma_semaphore, #tpu.memory_space<semaphore_mem>>) src(%dma_wait3A_98 : memref<10240x128xf32, #tpu.memory_space<hbm>>) dst(%dma_wait3A_92 : memref<128x128xf32, #tpu.memory_space<vmem>>)
      %add3A_99 = arith.constant 1 : i32
      %add3A_100 = arith.addi %mul3A_56, %add3A_99 : i32
      %run_scoped3A_101 = arith.constant 1 : i32
      "tpu.region"() ({
        %run_scoped3A_102 = tpu.sem_alloc : memref<!tpu.dma_semaphore, #tpu.memory_space<semaphore_mem>>
        %dma_start3A_103 = arith.constant 0 : i32
        %dma_start3A_104 = arith.constant 0 : i32
        %dma_start3A_105 = tpu.memref_slice %arg9[%run_scoped3A_101, %dma_start3A_103, %dma_start3A_104] : memref<2x128x128xf32, #tpu.memory_space<vmem>> -> memref<1x128x128xf32, #tpu.memory_space<vmem>>
        %dma_start3A_106 = tpu.memref_squeeze %dma_start3A_105 : memref<1x128x128xf32, #tpu.memory_space<vmem>> -> memref<128x128xf32, #tpu.memory_space<vmem>>
        %dma_start3A_107 = arith.constant 0 : i32
        %dma_start3A_108 = tpu.memref_slice %arg8[%add3A_100, %dma_start3A_107] : memref<40x128xi32, #tpu.memory_space<vmem>> -> memref<1x128xi32, #tpu.memory_space<vmem>>
        %dma_start3A_109 = tpu.memref_squeeze %dma_start3A_108 : memref<1x128xi32, #tpu.memory_space<vmem>> -> memref<128xi32, #tpu.memory_space<vmem>>
        %dma_start3A_110 = arith.constant 0 : i32
        %dma_start3A_111 = arith.constant 0 : i32
        %dma_start3A_112 = tpu.memref_slice %arg10[%dma_start3A_110, %dma_start3A_111] : memref<10240x128xf32, #tpu.memory_space<vmem_shared>> -> memref<10240x128xf32, #tpu.memory_space<vmem_shared>>
        tpu.enqueue_indirect_dma source(%dma_start3A_106 : memref<128x128xf32, #tpu.memory_space<vmem>>) target(%dma_start3A_112 : memref<10240x128xf32, #tpu.memory_space<vmem_shared>>) offsets(%dma_start3A_109 : memref<128xi32, #tpu.memory_space<vmem>>) semaphore(%run_scoped3A_102 : memref<!tpu.dma_semaphore, #tpu.memory_space<semaphore_mem>>) {add = true}
        %dma_wait3A_113 = arith.constant 0 : i32
        %dma_wait3A_114 = arith.constant 0 : i32
        %dma_wait3A_115 = tpu.memref_slice %arg9[%run_scoped3A_101, %dma_wait3A_113, %dma_wait3A_114] : memref<2x128x128xf32, #tpu.memory_space<vmem>> -> memref<1x128x128xf32, #tpu.memory_space<vmem>>
        %dma_wait3A_116 = tpu.memref_squeeze %dma_wait3A_115 : memref<1x128x128xf32, #tpu.memory_space<vmem>> -> memref<128x128xf32, #tpu.memory_space<vmem>>
        %dma_wait3A_117 = arith.constant 0 : i32
        %dma_wait3A_118 = tpu.memref_slice %arg8[%add3A_100, %dma_wait3A_117] : memref<40x128xi32, #tpu.memory_space<vmem>> -> memref<1x128xi32, #tpu.memory_space<vmem>>
        %dma_wait3A_119 = tpu.memref_squeeze %dma_wait3A_118 : memref<1x128xi32, #tpu.memory_space<vmem>> -> memref<128xi32, #tpu.memory_space<vmem>>
        %dma_wait3A_120 = arith.constant 0 : i32
        %dma_wait3A_121 = arith.constant 0 : i32
        %dma_wait3A_122 = tpu.memref_slice %arg10[%dma_wait3A_120, %dma_wait3A_121] : memref<10240x128xf32, #tpu.memory_space<vmem_shared>> -> memref<10240x128xf32, #tpu.memory_space<vmem_shared>>
        tpu.wait_indirect_dma semaphore(%run_scoped3A_102 : memref<!tpu.dma_semaphore, #tpu.memory_space<semaphore_mem>>) src(%dma_wait3A_116 : memref<128x128xf32, #tpu.memory_space<vmem>>) dst(%dma_wait3A_122 : memref<10240x128xf32, #tpu.memory_space<vmem_shared>>)
        tpu.yield
      }) : () -> ()
    }
    %scan3A_36 = arith.constant 19 : i32
    %dma_wait3A = arith.constant 38 : i32
    %dma_wait3A_37 = arith.constant 0 : i32
    %dma_wait3A_38 = arith.constant 0 : i32
    %dma_wait3A_39 = arith.constant 0 : i32
    %dma_wait3A_40 = tpu.memref_slice %arg9[%dma_wait3A_37, %dma_wait3A_38, %dma_wait3A_39] : memref<2x128x128xf32, #tpu.memory_space<vmem>> -> memref<1x128x128xf32, #tpu.memory_space<vmem>>
    %dma_wait3A_41 = tpu.memref_squeeze %dma_wait3A_40 : memref<1x128x128xf32, #tpu.memory_space<vmem>> -> memref<128x128xf32, #tpu.memory_space<vmem>>
    %dma_wait3A_42 = arith.constant 0 : i32
    %dma_wait3A_43 = tpu.memref_slice %arg7[%dma_wait3A, %dma_wait3A_42] : memref<40x128xi32, #tpu.memory_space<vmem>> -> memref<1x128xi32, #tpu.memory_space<vmem>>
    %dma_wait3A_44 = tpu.memref_squeeze %dma_wait3A_43 : memref<1x128xi32, #tpu.memory_space<vmem>> -> memref<128xi32, #tpu.memory_space<vmem>>
    %dma_wait3A_45 = arith.constant 0 : i32
    %dma_wait3A_46 = arith.constant 0 : i32
    %dma_wait3A_47 = tpu.memref_slice %arg2[%dma_wait3A_45, %dma_wait3A_46] : memref<10240x128xf32, #tpu.memory_space<hbm>> -> memref<10240x128xf32, #tpu.memory_space<hbm>>
    tpu.wait_indirect_dma semaphore(%arg11 : memref<!tpu.dma_semaphore, #tpu.memory_space<semaphore_mem>>) src(%dma_wait3A_47 : memref<10240x128xf32, #tpu.memory_space<hbm>>) dst(%dma_wait3A_41 : memref<128x128xf32, #tpu.memory_space<vmem>>)
    %run_scoped3A = arith.constant 0 : i32
    %run_scoped3A_48 = arith.constant 38 : i32
    "tpu.region"() ({
      %run_scoped3A_54 = tpu.sem_alloc : memref<!tpu.dma_semaphore, #tpu.memory_space<semaphore_mem>>
      %dma_start3A_55 = arith.constant 0 : i32
      %dma_start3A_56 = arith.constant 0 : i32
      %dma_start3A_57 = tpu.memref_slice %arg9[%run_scoped3A, %dma_start3A_55, %dma_start3A_56] : memref<2x128x128xf32, #tpu.memory_space<vmem>> -> memref<1x128x128xf32, #tpu.memory_space<vmem>>
      %dma_start3A_58 = tpu.memref_squeeze %dma_start3A_57 : memref<1x128x128xf32, #tpu.memory_space<vmem>> -> memref<128x128xf32, #tpu.memory_space<vmem>>
      %dma_start3A_59 = arith.constant 0 : i32
      %dma_start3A_60 = tpu.memref_slice %arg8[%run_scoped3A_48, %dma_start3A_59] : memref<40x128xi32, #tpu.memory_space<vmem>> -> memref<1x128xi32, #tpu.memory_space<vmem>>
      %dma_start3A_61 = tpu.memref_squeeze %dma_start3A_60 : memref<1x128xi32, #tpu.memory_space<vmem>> -> memref<128xi32, #tpu.memory_space<vmem>>
      %dma_start3A_62 = arith.constant 0 : i32
      %dma_start3A_63 = arith.constant 0 : i32
      %dma_start3A_64 = tpu.memref_slice %arg10[%dma_start3A_62, %dma_start3A_63] : memref<10240x128xf32, #tpu.memory_space<vmem_shared>> -> memref<10240x128xf32, #tpu.memory_space<vmem_shared>>
      tpu.enqueue_indirect_dma source(%dma_start3A_58 : memref<128x128xf32, #tpu.memory_space<vmem>>) target(%dma_start3A_64 : memref<10240x128xf32, #tpu.memory_space<vmem_shared>>) offsets(%dma_start3A_61 : memref<128xi32, #tpu.memory_space<vmem>>) semaphore(%run_scoped3A_54 : memref<!tpu.dma_semaphore, #tpu.memory_space<semaphore_mem>>) {add = true}
      %dma_wait3A_65 = arith.constant 0 : i32
      %dma_wait3A_66 = arith.constant 0 : i32
      %dma_wait3A_67 = tpu.memref_slice %arg9[%run_scoped3A, %dma_wait3A_65, %dma_wait3A_66] : memref<2x128x128xf32, #tpu.memory_space<vmem>> -> memref<1x128x128xf32, #tpu.memory_space<vmem>>
      %dma_wait3A_68 = tpu.memref_squeeze %dma_wait3A_67 : memref<1x128x128xf32, #tpu.memory_space<vmem>> -> memref<128x128xf32, #tpu.memory_space<vmem>>
      %dma_wait3A_69 = arith.constant 0 : i32
      %dma_wait3A_70 = tpu.memref_slice %arg8[%run_scoped3A_48, %dma_wait3A_69] : memref<40x128xi32, #tpu.memory_space<vmem>> -> memref<1x128xi32, #tpu.memory_space<vmem>>
      %dma_wait3A_71 = tpu.memref_squeeze %dma_wait3A_70 : memref<1x128xi32, #tpu.memory_space<vmem>> -> memref<128xi32, #tpu.memory_space<vmem>>
      %dma_wait3A_72 = arith.constant 0 : i32
      %dma_wait3A_73 = arith.constant 0 : i32
      %dma_wait3A_74 = tpu.memref_slice %arg10[%dma_wait3A_72, %dma_wait3A_73] : memref<10240x128xf32, #tpu.memory_space<vmem_shared>> -> memref<10240x128xf32, #tpu.memory_space<vmem_shared>>
      tpu.wait_indirect_dma semaphore(%run_scoped3A_54 : memref<!tpu.dma_semaphore, #tpu.memory_space<semaphore_mem>>) src(%dma_wait3A_68 : memref<128x128xf32, #tpu.memory_space<vmem>>) dst(%dma_wait3A_74 : memref<10240x128xf32, #tpu.memory_space<vmem_shared>>)
      tpu.yield
    }) : () -> ()
    %barrier3A_49 = arith.constant 0 : index
    tpu.barrier barrier_id(%barrier3A_49)
    %mul3A_50 = arith.constant 640 : i32
    %mul3A_51 = arith.muli %arg1, %mul3A_50 : i32
    %mul3A_52 = arith.constant 640 : i32
    %mul3A_53 = arith.muli %arg1, %mul3A_52 : i32
    "tpu.region"() ({
      %run_scoped3A_54 = tpu.sem_alloc : memref<!tpu.dma_semaphore, #tpu.memory_space<semaphore_mem>>
      %dma_start3A_55 = arith.constant 0 : i32
      %dma_start3A_56 = tpu.memref_slice %arg6[%arg0, %mul3A_53, %dma_start3A_55] : memref<2x10240x128xf32, #tpu.memory_space<hbm>> -> memref<1x640x128xf32, #tpu.memory_space<hbm>>
      %dma_start3A_57 = tpu.memref_squeeze %dma_start3A_56 : memref<1x640x128xf32, #tpu.memory_space<hbm>> -> memref<640x128xf32, #tpu.memory_space<hbm>>
      %dma_start3A_58 = arith.constant 0 : i32
      %dma_start3A_59 = tpu.memref_slice %arg10[%mul3A_51, %dma_start3A_58] : memref<10240x128xf32, #tpu.memory_space<vmem_shared>> -> memref<640x128xf32, #tpu.memory_space<vmem_shared>>
      tpu.enqueue_dma source(%dma_start3A_59 : memref<640x128xf32, #tpu.memory_space<vmem_shared>>) target(%dma_start3A_57 : memref<640x128xf32, #tpu.memory_space<hbm>>) target_semaphore(%run_scoped3A_54 : memref<!tpu.dma_semaphore, #tpu.memory_space<semaphore_mem>>)
      %dma_wait3A_60 = arith.constant 0 : i32
      %dma_wait3A_61 = tpu.memref_slice %arg6[%arg0, %mul3A_53, %dma_wait3A_60] : memref<2x10240x128xf32, #tpu.memory_space<hbm>> -> memref<1x640x128xf32, #tpu.memory_space<hbm>>
      %dma_wait3A_62 = tpu.memref_squeeze %dma_wait3A_61 : memref<1x640x128xf32, #tpu.memory_space<hbm>> -> memref<640x128xf32, #tpu.memory_space<hbm>>
      %dma_wait3A_63 = arith.constant 0 : i32
      %dma_wait3A_64 = tpu.memref_slice %arg10[%mul3A_51, %dma_wait3A_63] : memref<10240x128xf32, #tpu.memory_space<vmem_shared>> -> memref<640x128xf32, #tpu.memory_space<vmem_shared>>
      tpu.wait_dma2 semaphore(%run_scoped3A_54 : memref<!tpu.dma_semaphore, #tpu.memory_space<semaphore_mem>>) src(%dma_wait3A_64 : memref<640x128xf32, #tpu.memory_space<vmem_shared>>) dst(%dma_wait3A_62 : memref<640x128xf32, #tpu.memory_space<hbm>>)
      tpu.yield
    }) : () -> ()
    return
  }
}

#map = affine_map<(d0, d1) -> (0, 0)>
#map1 = affine_map<(d0, d1) -> (0, 0, 0)>
module attributes {stable_mosaic.version = 14 : i64} {
  func.func @_sc_scatter(%arg0: i32, %arg1: i32, %arg2: memref<10240x128xf32, #tpu.memory_space<hbm>>, %arg3: memref<32x79x128xi32, #tpu.memory_space<hbm>>, %arg4: memref<32x79x128xi32, #tpu.memory_space<hbm>>, %arg5: memref<640x128xf32, #tpu.memory_space<hbm>>, %arg6: memref<2x10240x128xf32, #tpu.memory_space<hbm>>, %arg7: memref<40x128xi32, #tpu.memory_space<vmem>>, %arg8: memref<40x128xi32, #tpu.memory_space<vmem>>, %arg9: memref<2x128x128xf32, #tpu.memory_space<vmem>>, %arg10: memref<10240x128xf32, #tpu.memory_space<vmem_shared>>, %arg11: memref<!tpu.dma_semaphore, #tpu.memory_space<semaphore_mem>>, %arg12: memref<!tpu.dma_semaphore, #tpu.memory_space<semaphore_mem>>, %arg13: memref<!tpu.dma_semaphore, #tpu.memory_space<semaphore_mem>>, %arg14: memref<!tpu.dma_semaphore, #tpu.memory_space<semaphore_mem>>) attributes {dimension_semantics = [#tpu.dimension_semantics<core_parallel>, #tpu.dimension_semantics<subcore_parallel>], iteration_bounds = array<i64: 2, 16>, scalar_prefetch = 0 : i64, scratch_operands = 8 : i64, tpu.core_type = #tpu.core_type<sc_vector_subcore>, window_params = [{transform_indices = #map}, {transform_indices = #map1}, {transform_indices = #map1}, {transform_indices = #map}, {transform_indices = #map1}]} {
    %mul3A = arith.constant 16 : i32
    %mul3A_0 = arith.muli %arg0, %mul3A : i32
    %add3A = arith.addi %mul3A_0, %arg1 : i32
    %mul3A_1 = arith.constant 640 : i32
    %mul3A_2 = arith.muli %arg1, %mul3A_1 : i32
    "tpu.region"() ({
      %run_scoped3A_54 = tpu.sem_alloc : memref<!tpu.dma_semaphore, #tpu.memory_space<semaphore_mem>>
      %dma_start3A_55 = arith.constant 0 : i32
      %dma_start3A_56 = tpu.memref_slice %arg10[%mul3A_2, %dma_start3A_55] : memref<10240x128xf32, #tpu.memory_space<vmem_shared>> -> memref<640x128xf32, #tpu.memory_space<vmem_shared>>
      tpu.enqueue_dma source(%arg5 : memref<640x128xf32, #tpu.memory_space<hbm>>) target(%dma_start3A_56 : memref<640x128xf32, #tpu.memory_space<vmem_shared>>) target_semaphore(%run_scoped3A_54 : memref<!tpu.dma_semaphore, #tpu.memory_space<semaphore_mem>>)
      %dma_wait3A_57 = arith.constant 0 : i32
      %dma_wait3A_58 = tpu.memref_slice %arg10[%mul3A_2, %dma_wait3A_57] : memref<10240x128xf32, #tpu.memory_space<vmem_shared>> -> memref<640x128xf32, #tpu.memory_space<vmem_shared>>
      tpu.wait_dma2 semaphore(%run_scoped3A_54 : memref<!tpu.dma_semaphore, #tpu.memory_space<semaphore_mem>>) src(%arg5 : memref<640x128xf32, #tpu.memory_space<hbm>>) dst(%dma_wait3A_58 : memref<640x128xf32, #tpu.memory_space<vmem_shared>>)
      tpu.yield
    }) : () -> ()
    %barrier3A = arith.constant 0 : index
    tpu.barrier barrier_id(%barrier3A)
    "tpu.region"() ({
      %run_scoped3A_54 = tpu.sem_alloc : memref<!tpu.dma_semaphore, #tpu.memory_space<semaphore_mem>>
      %dma_start3A_55 = arith.constant 0 : i32
      %dma_start3A_56 = arith.constant 0 : i32
      %dma_start3A_57 = tpu.memref_slice %arg7[%dma_start3A_55, %dma_start3A_56] : memref<40x128xi32, #tpu.memory_space<vmem>> -> memref<40x128xi32, #tpu.memory_space<vmem>>
      %dma_start3A_58 = arith.constant 0 : i32
      %dma_start3A_59 = arith.constant 0 : i32
      %dma_start3A_60 = tpu.memref_slice %arg3[%add3A, %dma_start3A_58, %dma_start3A_59] : memref<32x79x128xi32, #tpu.memory_space<hbm>> -> memref<1x40x128xi32, #tpu.memory_space<hbm>>
      %dma_start3A_61 = tpu.memref_squeeze %dma_start3A_60 : memref<1x40x128xi32, #tpu.memory_space<hbm>> -> memref<40x128xi32, #tpu.memory_space<hbm>>
      %dma_start3A_62 = arith.constant 0 : i32
      %dma_start3A_63 = arith.constant 0 : i32
      %dma_start3A_64 = tpu.memref_slice %arg7[%dma_start3A_62, %dma_start3A_63] : memref<40x128xi32, #tpu.memory_space<vmem>> -> memref<40x128xi32, #tpu.memory_space<vmem>>
      %dma_start3A_65 = arith.constant 0 : i32
      %dma_start3A_66 = arith.constant 0 : i32
      %dma_start3A_67 = tpu.memref_slice %arg3[%add3A, %dma_start3A_65, %dma_start3A_66] : memref<32x79x128xi32, #tpu.memory_space<hbm>> -> memref<1x40x128xi32, #tpu.memory_space<hbm>>
      %dma_start3A_68 = tpu.memref_squeeze %dma_start3A_67 : memref<1x40x128xi32, #tpu.memory_space<hbm>> -> memref<40x128xi32, #tpu.memory_space<hbm>>
      tpu.enqueue_dma source(%dma_start3A_68 : memref<40x128xi32, #tpu.memory_space<hbm>>) target(%dma_start3A_64 : memref<40x128xi32, #tpu.memory_space<vmem>>) target_semaphore(%run_scoped3A_54 : memref<!tpu.dma_semaphore, #tpu.memory_space<semaphore_mem>>)
      %dma_wait3A_69 = arith.constant 0 : i32
      %dma_wait3A_70 = arith.constant 0 : i32
      %dma_wait3A_71 = tpu.memref_slice %arg7[%dma_wait3A_69, %dma_wait3A_70] : memref<40x128xi32, #tpu.memory_space<vmem>> -> memref<40x128xi32, #tpu.memory_space<vmem>>
      %dma_wait3A_72 = arith.constant 0 : i32
      %dma_wait3A_73 = arith.constant 0 : i32
      %dma_wait3A_74 = tpu.memref_slice %arg3[%add3A, %dma_wait3A_72, %dma_wait3A_73] : memref<32x79x128xi32, #tpu.memory_space<hbm>> -> memref<1x40x128xi32, #tpu.memory_space<hbm>>
      %dma_wait3A_75 = tpu.memref_squeeze %dma_wait3A_74 : memref<1x40x128xi32, #tpu.memory_space<hbm>> -> memref<40x128xi32, #tpu.memory_space<hbm>>
      %dma_wait3A_76 = arith.constant 0 : i32
      %dma_wait3A_77 = arith.constant 0 : i32
      %dma_wait3A_78 = tpu.memref_slice %arg7[%dma_wait3A_76, %dma_wait3A_77] : memref<40x128xi32, #tpu.memory_space<vmem>> -> memref<40x128xi32, #tpu.memory_space<vmem>>
      %dma_wait3A_79 = arith.constant 0 : i32
      %dma_wait3A_80 = arith.constant 0 : i32
      %dma_wait3A_81 = tpu.memref_slice %arg3[%add3A, %dma_wait3A_79, %dma_wait3A_80] : memref<32x79x128xi32, #tpu.memory_space<hbm>> -> memref<1x40x128xi32, #tpu.memory_space<hbm>>
      %dma_wait3A_82 = tpu.memref_squeeze %dma_wait3A_81 : memref<1x40x128xi32, #tpu.memory_space<hbm>> -> memref<40x128xi32, #tpu.memory_space<hbm>>
      tpu.wait_dma2 semaphore(%run_scoped3A_54 : memref<!tpu.dma_semaphore, #tpu.memory_space<semaphore_mem>>) src(%dma_wait3A_82 : memref<40x128xi32, #tpu.memory_space<hbm>>) dst(%dma_wait3A_78 : memref<40x128xi32, #tpu.memory_space<vmem>>)
      tpu.yield
    }) : () -> ()
    "tpu.region"() ({
      %run_scoped3A_54 = tpu.sem_alloc : memref<!tpu.dma_semaphore, #tpu.memory_space<semaphore_mem>>
      %dma_start3A_55 = arith.constant 0 : i32
      %dma_start3A_56 = arith.constant 0 : i32
      %dma_start3A_57 = tpu.memref_slice %arg8[%dma_start3A_55, %dma_start3A_56] : memref<40x128xi32, #tpu.memory_space<vmem>> -> memref<40x128xi32, #tpu.memory_space<vmem>>
      %dma_start3A_58 = arith.constant 0 : i32
      %dma_start3A_59 = arith.constant 0 : i32
      %dma_start3A_60 = tpu.memref_slice %arg4[%add3A, %dma_start3A_58, %dma_start3A_59] : memref<32x79x128xi32, #tpu.memory_space<hbm>> -> memref<1x40x128xi32, #tpu.memory_space<hbm>>
      %dma_start3A_61 = tpu.memref_squeeze %dma_start3A_60 : memref<1x40x128xi32, #tpu.memory_space<hbm>> -> memref<40x128xi32, #tpu.memory_space<hbm>>
      %dma_start3A_62 = arith.constant 0 : i32
      %dma_start3A_63 = arith.constant 0 : i32
      %dma_start3A_64 = tpu.memref_slice %arg8[%dma_start3A_62, %dma_start3A_63] : memref<40x128xi32, #tpu.memory_space<vmem>> -> memref<40x128xi32, #tpu.memory_space<vmem>>
      %dma_start3A_65 = arith.constant 0 : i32
      %dma_start3A_66 = arith.constant 0 : i32
      %dma_start3A_67 = tpu.memref_slice %arg4[%add3A, %dma_start3A_65, %dma_start3A_66] : memref<32x79x128xi32, #tpu.memory_space<hbm>> -> memref<1x40x128xi32, #tpu.memory_space<hbm>>
      %dma_start3A_68 = tpu.memref_squeeze %dma_start3A_67 : memref<1x40x128xi32, #tpu.memory_space<hbm>> -> memref<40x128xi32, #tpu.memory_space<hbm>>
      tpu.enqueue_dma source(%dma_start3A_68 : memref<40x128xi32, #tpu.memory_space<hbm>>) target(%dma_start3A_64 : memref<40x128xi32, #tpu.memory_space<vmem>>) target_semaphore(%run_scoped3A_54 : memref<!tpu.dma_semaphore, #tpu.memory_space<semaphore_mem>>)
      %dma_wait3A_69 = arith.constant 0 : i32
      %dma_wait3A_70 = arith.constant 0 : i32
      %dma_wait3A_71 = tpu.memref_slice %arg8[%dma_wait3A_69, %dma_wait3A_70] : memref<40x128xi32, #tpu.memory_space<vmem>> -> memref<40x128xi32, #tpu.memory_space<vmem>>
      %dma_wait3A_72 = arith.constant 0 : i32
      %dma_wait3A_73 = arith.constant 0 : i32
      %dma_wait3A_74 = tpu.memref_slice %arg4[%add3A, %dma_wait3A_72, %dma_wait3A_73] : memref<32x79x128xi32, #tpu.memory_space<hbm>> -> memref<1x40x128xi32, #tpu.memory_space<hbm>>
      %dma_wait3A_75 = tpu.memref_squeeze %dma_wait3A_74 : memref<1x40x128xi32, #tpu.memory_space<hbm>> -> memref<40x128xi32, #tpu.memory_space<hbm>>
      %dma_wait3A_76 = arith.constant 0 : i32
      %dma_wait3A_77 = arith.constant 0 : i32
      %dma_wait3A_78 = tpu.memref_slice %arg8[%dma_wait3A_76, %dma_wait3A_77] : memref<40x128xi32, #tpu.memory_space<vmem>> -> memref<40x128xi32, #tpu.memory_space<vmem>>
      %dma_wait3A_79 = arith.constant 0 : i32
      %dma_wait3A_80 = arith.constant 0 : i32
      %dma_wait3A_81 = tpu.memref_slice %arg4[%add3A, %dma_wait3A_79, %dma_wait3A_80] : memref<32x79x128xi32, #tpu.memory_space<hbm>> -> memref<1x40x128xi32, #tpu.memory_space<hbm>>
      %dma_wait3A_82 = tpu.memref_squeeze %dma_wait3A_81 : memref<1x40x128xi32, #tpu.memory_space<hbm>> -> memref<40x128xi32, #tpu.memory_space<hbm>>
      tpu.wait_dma2 semaphore(%run_scoped3A_54 : memref<!tpu.dma_semaphore, #tpu.memory_space<semaphore_mem>>) src(%dma_wait3A_82 : memref<40x128xi32, #tpu.memory_space<hbm>>) dst(%dma_wait3A_78 : memref<40x128xi32, #tpu.memory_space<vmem>>)
      tpu.yield
    }) : () -> ()
    %dma_start3A = arith.constant 0 : i32
    %dma_start3A_3 = arith.constant 0 : i32
    %dma_start3A_4 = arith.constant 0 : i32
    %dma_start3A_5 = arith.constant 0 : i32
    %dma_start3A_6 = tpu.memref_slice %arg9[%dma_start3A_3, %dma_start3A_4, %dma_start3A_5] : memref<2x128x128xf32, #tpu.memory_space<vmem>> -> memref<1x128x128xf32, #tpu.memory_space<vmem>>
    %dma_start3A_7 = tpu.memref_squeeze %dma_start3A_6 : memref<1x128x128xf32, #tpu.memory_space<vmem>> -> memref<128x128xf32, #tpu.memory_space<vmem>>
    %dma_start3A_8 = arith.constant 0 : i32
    %dma_start3A_9 = tpu.memref_slice %arg7[%dma_start3A, %dma_start3A_8] : memref<40x128xi32, #tpu.memory_space<vmem>> -> memref<1x128xi32, #tpu.memory_space<vmem>>
    %dma_start3A_10 = tpu.memref_squeeze %dma_start3A_9 : memref<1x128xi32, #tpu.memory_space<vmem>> -> memref<128xi32, #tpu.memory_space<vmem>>
    %dma_start3A_11 = arith.constant 0 : i32
    %dma_start3A_12 = arith.constant 0 : i32
    %dma_start3A_13 = tpu.memref_slice %arg2[%dma_start3A_11, %dma_start3A_12] : memref<10240x128xf32, #tpu.memory_space<hbm>> -> memref<10240x128xf32, #tpu.memory_space<hbm>>
    tpu.enqueue_indirect_dma source(%dma_start3A_13 : memref<10240x128xf32, #tpu.memory_space<hbm>>) target(%dma_start3A_7 : memref<128x128xf32, #tpu.memory_space<vmem>>) offsets(%dma_start3A_10 : memref<128xi32, #tpu.memory_space<vmem>>) semaphore(%arg11 : memref<!tpu.dma_semaphore, #tpu.memory_space<semaphore_mem>>)
    %scan3A = arith.constant 0 : i32
    %scan3A_14 = arith.constant 0 : i32
    %scan3A_15 = arith.constant 20 : i32
    %scan3A_16 = arith.addi %scan3A_14, %scan3A_15 : i32
    %scan3A_17 = arith.constant 1 : i32
    scf.for %scan3A_54 = %scan3A_14 to %scan3A_16 step %scan3A_17  : i32 {
      %mul3A_55 = arith.constant 2 : i32
      %mul3A_56 = arith.muli %scan3A_54, %mul3A_55 : i32
      %add3A_57 = arith.constant 1 : i32
      %add3A_58 = arith.addi %mul3A_56, %add3A_57 : i32
      %dma_start3A_59 = arith.constant 1 : i32
      %dma_start3A_60 = arith.constant 0 : i32
      %dma_start3A_61 = arith.constant 0 : i32
      %dma_start3A_62 = tpu.memref_slice %arg9[%dma_start3A_59, %dma_start3A_60, %dma_start3A_61] : memref<2x128x128xf32, #tpu.memory_space<vmem>> -> memref<1x128x128xf32, #tpu.memory_space<vmem>>
      %dma_start3A_63 = tpu.memref_squeeze %dma_start3A_62 : memref<1x128x128xf32, #tpu.memory_space<vmem>> -> memref<128x128xf32, #tpu.memory_space<vmem>>
      %dma_start3A_64 = arith.constant 0 : i32
      %dma_start3A_65 = tpu.memref_slice %arg7[%add3A_58, %dma_start3A_64] : memref<40x128xi32, #tpu.memory_space<vmem>> -> memref<1x128xi32, #tpu.memory_space<vmem>>
      %dma_start3A_66 = tpu.memref_squeeze %dma_start3A_65 : memref<1x128xi32, #tpu.memory_space<vmem>> -> memref<128xi32, #tpu.memory_space<vmem>>
      %dma_start3A_67 = arith.constant 0 : i32
      %dma_start3A_68 = arith.constant 0 : i32
      %dma_start3A_69 = tpu.memref_slice %arg2[%dma_start3A_67, %dma_start3A_68] : memref<10240x128xf32, #tpu.memory_space<hbm>> -> memref<10240x128xf32, #tpu.memory_space<hbm>>
      tpu.enqueue_indirect_dma source(%dma_start3A_69 : memref<10240x128xf32, #tpu.memory_space<hbm>>) target(%dma_start3A_63 : memref<128x128xf32, #tpu.memory_space<vmem>>) offsets(%dma_start3A_66 : memref<128xi32, #tpu.memory_space<vmem>>) semaphore(%arg12 : memref<!tpu.dma_semaphore, #tpu.memory_space<semaphore_mem>>)
      %dma_wait3A_70 = arith.constant 0 : i32
      %dma_wait3A_71 = arith.constant 0 : i32
      %dma_wait3A_72 = arith.constant 0 : i32
      %dma_wait3A_73 = tpu.memref_slice %arg9[%dma_wait3A_70, %dma_wait3A_71, %dma_wait3A_72] : memref<2x128x128xf32, #tpu.memory_space<vmem>> -> memref<1x128x128xf32, #tpu.memory_space<vmem>>
      %dma_wait3A_74 = tpu.memref_squeeze %dma_wait3A_73 : memref<1x128x128xf32, #tpu.memory_space<vmem>> -> memref<128x128xf32, #tpu.memory_space<vmem>>
      %dma_wait3A_75 = arith.constant 0 : i32
      %dma_wait3A_76 = tpu.memref_slice %arg7[%mul3A_56, %dma_wait3A_75] : memref<40x128xi32, #tpu.memory_space<vmem>> -> memref<1x128xi32, #tpu.memory_space<vmem>>
      %dma_wait3A_77 = tpu.memref_squeeze %dma_wait3A_76 : memref<1x128xi32, #tpu.memory_space<vmem>> -> memref<128xi32, #tpu.memory_space<vmem>>
      %dma_wait3A_78 = arith.constant 0 : i32
      %dma_wait3A_79 = arith.constant 0 : i32
      %dma_wait3A_80 = tpu.memref_slice %arg2[%dma_wait3A_78, %dma_wait3A_79] : memref<10240x128xf32, #tpu.memory_space<hbm>> -> memref<10240x128xf32, #tpu.memory_space<hbm>>
      tpu.wait_indirect_dma semaphore(%arg11 : memref<!tpu.dma_semaphore, #tpu.memory_space<semaphore_mem>>) src(%dma_wait3A_80 : memref<10240x128xf32, #tpu.memory_space<hbm>>) dst(%dma_wait3A_74 : memref<128x128xf32, #tpu.memory_space<vmem>>)
      %run_scoped3A_81 = arith.constant 0 : i32
      "tpu.region"() ({
        %run_scoped3A_102 = tpu.sem_alloc : memref<!tpu.dma_semaphore, #tpu.memory_space<semaphore_mem>>
        %dma_start3A_103 = arith.constant 0 : i32
        %dma_start3A_104 = arith.constant 0 : i32
        %dma_start3A_105 = tpu.memref_slice %arg9[%run_scoped3A_81, %dma_start3A_103, %dma_start3A_104] : memref<2x128x128xf32, #tpu.memory_space<vmem>> -> memref<1x128x128xf32, #tpu.memory_space<vmem>>
        %dma_start3A_106 = tpu.memref_squeeze %dma_start3A_105 : memref<1x128x128xf32, #tpu.memory_space<vmem>> -> memref<128x128xf32, #tpu.memory_space<vmem>>
        %dma_start3A_107 = arith.constant 0 : i32
        %dma_start3A_108 = tpu.memref_slice %arg8[%mul3A_56, %dma_start3A_107] : memref<40x128xi32, #tpu.memory_space<vmem>> -> memref<1x128xi32, #tpu.memory_space<vmem>>
        %dma_start3A_109 = tpu.memref_squeeze %dma_start3A_108 : memref<1x128xi32, #tpu.memory_space<vmem>> -> memref<128xi32, #tpu.memory_space<vmem>>
        %dma_start3A_110 = arith.constant 0 : i32
        %dma_start3A_111 = arith.constant 0 : i32
        %dma_start3A_112 = tpu.memref_slice %arg10[%dma_start3A_110, %dma_start3A_111] : memref<10240x128xf32, #tpu.memory_space<vmem_shared>> -> memref<10240x128xf32, #tpu.memory_space<vmem_shared>>
        tpu.enqueue_indirect_dma source(%dma_start3A_106 : memref<128x128xf32, #tpu.memory_space<vmem>>) target(%dma_start3A_112 : memref<10240x128xf32, #tpu.memory_space<vmem_shared>>) offsets(%dma_start3A_109 : memref<128xi32, #tpu.memory_space<vmem>>) semaphore(%run_scoped3A_102 : memref<!tpu.dma_semaphore, #tpu.memory_space<semaphore_mem>>) {add = true}
        %dma_wait3A_113 = arith.constant 0 : i32
        %dma_wait3A_114 = arith.constant 0 : i32
        %dma_wait3A_115 = tpu.memref_slice %arg9[%run_scoped3A_81, %dma_wait3A_113, %dma_wait3A_114] : memref<2x128x128xf32, #tpu.memory_space<vmem>> -> memref<1x128x128xf32, #tpu.memory_space<vmem>>
        %dma_wait3A_116 = tpu.memref_squeeze %dma_wait3A_115 : memref<1x128x128xf32, #tpu.memory_space<vmem>> -> memref<128x128xf32, #tpu.memory_space<vmem>>
        %dma_wait3A_117 = arith.constant 0 : i32
        %dma_wait3A_118 = tpu.memref_slice %arg8[%mul3A_56, %dma_wait3A_117] : memref<40x128xi32, #tpu.memory_space<vmem>> -> memref<1x128xi32, #tpu.memory_space<vmem>>
        %dma_wait3A_119 = tpu.memref_squeeze %dma_wait3A_118 : memref<1x128xi32, #tpu.memory_space<vmem>> -> memref<128xi32, #tpu.memory_space<vmem>>
        %dma_wait3A_120 = arith.constant 0 : i32
        %dma_wait3A_121 = arith.constant 0 : i32
        %dma_wait3A_122 = tpu.memref_slice %arg10[%dma_wait3A_120, %dma_wait3A_121] : memref<10240x128xf32, #tpu.memory_space<vmem_shared>> -> memref<10240x128xf32, #tpu.memory_space<vmem_shared>>
        tpu.wait_indirect_dma semaphore(%run_scoped3A_102 : memref<!tpu.dma_semaphore, #tpu.memory_space<semaphore_mem>>) src(%dma_wait3A_116 : memref<128x128xf32, #tpu.memory_space<vmem>>) dst(%dma_wait3A_122 : memref<10240x128xf32, #tpu.memory_space<vmem_shared>>)
        tpu.yield
      }) : () -> ()
      %add3A_82 = arith.constant 2 : i32
      %add3A_83 = arith.addi %mul3A_56, %add3A_82 : i32
      %lt3A = arith.constant 40 : i32
      %lt3A_84 = arith.cmpi slt, %add3A_83, %lt3A : i32
      %convert_element_type3A = arith.extui %lt3A_84 : i1 to i32
      %cond3A = arith.constant 0 : i32
      %cond3A_85 = arith.cmpi ne, %convert_element_type3A, %cond3A : i32
      scf.if %cond3A_85 {
        %add3A_102 = arith.constant 2 : i32
        %add3A_103 = arith.addi %mul3A_56, %add3A_102 : i32
        %dma_start3A_104 = arith.constant 0 : i32
        %dma_start3A_105 = arith.constant 0 : i32
        %dma_start3A_106 = arith.constant 0 : i32
        %dma_start3A_107 = tpu.memref_slice %arg9[%dma_start3A_104, %dma_start3A_105, %dma_start3A_106] : memref<2x128x128xf32, #tpu.memory_space<vmem>> -> memref<1x128x128xf32, #tpu.memory_space<vmem>>
        %dma_start3A_108 = tpu.memref_squeeze %dma_start3A_107 : memref<1x128x128xf32, #tpu.memory_space<vmem>> -> memref<128x128xf32, #tpu.memory_space<vmem>>
        %dma_start3A_109 = arith.constant 0 : i32
        %dma_start3A_110 = tpu.memref_slice %arg7[%add3A_103, %dma_start3A_109] : memref<40x128xi32, #tpu.memory_space<vmem>> -> memref<1x128xi32, #tpu.memory_space<vmem>>
        %dma_start3A_111 = tpu.memref_squeeze %dma_start3A_110 : memref<1x128xi32, #tpu.memory_space<vmem>> -> memref<128xi32, #tpu.memory_space<vmem>>
        %dma_start3A_112 = arith.constant 0 : i32
        %dma_start3A_113 = arith.constant 0 : i32
        %dma_start3A_114 = tpu.memref_slice %arg2[%dma_start3A_112, %dma_start3A_113] : memref<10240x128xf32, #tpu.memory_space<hbm>> -> memref<10240x128xf32, #tpu.memory_space<hbm>>
        tpu.enqueue_indirect_dma source(%dma_start3A_114 : memref<10240x128xf32, #tpu.memory_space<hbm>>) target(%dma_start3A_108 : memref<128x128xf32, #tpu.memory_space<vmem>>) offsets(%dma_start3A_111 : memref<128xi32, #tpu.memory_space<vmem>>) semaphore(%arg11 : memref<!tpu.dma_semaphore, #tpu.memory_space<semaphore_mem>>)
      } else {
      }
      %add3A_86 = arith.constant 1 : i32
      %add3A_87 = arith.addi %mul3A_56, %add3A_86 : i32
      %dma_wait3A_88 = arith.constant 1 : i32
      %dma_wait3A_89 = arith.constant 0 : i32
      %dma_wait3A_90 = arith.constant 0 : i32
      %dma_wait3A_91 = tpu.memref_slice %arg9[%dma_wait3A_88, %dma_wait3A_89, %dma_wait3A_90] : memref<2x128x128xf32, #tpu.memory_space<vmem>> -> memref<1x128x128xf32, #tpu.memory_space<vmem>>
      %dma_wait3A_92 = tpu.memref_squeeze %dma_wait3A_91 : memref<1x128x128xf32, #tpu.memory_space<vmem>> -> memref<128x128xf32, #tpu.memory_space<vmem>>
      %dma_wait3A_93 = arith.constant 0 : i32
      %dma_wait3A_94 = tpu.memref_slice %arg7[%add3A_87, %dma_wait3A_93] : memref<40x128xi32, #tpu.memory_space<vmem>> -> memref<1x128xi32, #tpu.memory_space<vmem>>
      %dma_wait3A_95 = tpu.memref_squeeze %dma_wait3A_94 : memref<1x128xi32, #tpu.memory_space<vmem>> -> memref<128xi32, #tpu.memory_space<vmem>>
      %dma_wait3A_96 = arith.constant 0 : i32
      %dma_wait3A_97 = arith.constant 0 : i32
      %dma_wait3A_98 = tpu.memref_slice %arg2[%dma_wait3A_96, %dma_wait3A_97] : memref<10240x128xf32, #tpu.memory_space<hbm>> -> memref<10240x128xf32, #tpu.memory_space<hbm>>
      tpu.wait_indirect_dma semaphore(%arg12 : memref<!tpu.dma_semaphore, #tpu.memory_space<semaphore_mem>>) src(%dma_wait3A_98 : memref<10240x128xf32, #tpu.memory_space<hbm>>) dst(%dma_wait3A_92 : memref<128x128xf32, #tpu.memory_space<vmem>>)
      %add3A_99 = arith.constant 1 : i32
      %add3A_100 = arith.addi %mul3A_56, %add3A_99 : i32
      %run_scoped3A_101 = arith.constant 1 : i32
      "tpu.region"() ({
        %run_scoped3A_102 = tpu.sem_alloc : memref<!tpu.dma_semaphore, #tpu.memory_space<semaphore_mem>>
        %dma_start3A_103 = arith.constant 0 : i32
        %dma_start3A_104 = arith.constant 0 : i32
        %dma_start3A_105 = tpu.memref_slice %arg9[%run_scoped3A_101, %dma_start3A_103, %dma_start3A_104] : memref<2x128x128xf32, #tpu.memory_space<vmem>> -> memref<1x128x128xf32, #tpu.memory_space<vmem>>
        %dma_start3A_106 = tpu.memref_squeeze %dma_start3A_105 : memref<1x128x128xf32, #tpu.memory_space<vmem>> -> memref<128x128xf32, #tpu.memory_space<vmem>>
        %dma_start3A_107 = arith.constant 0 : i32
        %dma_start3A_108 = tpu.memref_slice %arg8[%add3A_100, %dma_start3A_107] : memref<40x128xi32, #tpu.memory_space<vmem>> -> memref<1x128xi32, #tpu.memory_space<vmem>>
        %dma_start3A_109 = tpu.memref_squeeze %dma_start3A_108 : memref<1x128xi32, #tpu.memory_space<vmem>> -> memref<128xi32, #tpu.memory_space<vmem>>
        %dma_start3A_110 = arith.constant 0 : i32
        %dma_start3A_111 = arith.constant 0 : i32
        %dma_start3A_112 = tpu.memref_slice %arg10[%dma_start3A_110, %dma_start3A_111] : memref<10240x128xf32, #tpu.memory_space<vmem_shared>> -> memref<10240x128xf32, #tpu.memory_space<vmem_shared>>
        tpu.enqueue_indirect_dma source(%dma_start3A_106 : memref<128x128xf32, #tpu.memory_space<vmem>>) target(%dma_start3A_112 : memref<10240x128xf32, #tpu.memory_space<vmem_shared>>) offsets(%dma_start3A_109 : memref<128xi32, #tpu.memory_space<vmem>>) semaphore(%run_scoped3A_102 : memref<!tpu.dma_semaphore, #tpu.memory_space<semaphore_mem>>) {add = true}
        %dma_wait3A_113 = arith.constant 0 : i32
        %dma_wait3A_114 = arith.constant 0 : i32
        %dma_wait3A_115 = tpu.memref_slice %arg9[%run_scoped3A_101, %dma_wait3A_113, %dma_wait3A_114] : memref<2x128x128xf32, #tpu.memory_space<vmem>> -> memref<1x128x128xf32, #tpu.memory_space<vmem>>
        %dma_wait3A_116 = tpu.memref_squeeze %dma_wait3A_115 : memref<1x128x128xf32, #tpu.memory_space<vmem>> -> memref<128x128xf32, #tpu.memory_space<vmem>>
        %dma_wait3A_117 = arith.constant 0 : i32
        %dma_wait3A_118 = tpu.memref_slice %arg8[%add3A_100, %dma_wait3A_117] : memref<40x128xi32, #tpu.memory_space<vmem>> -> memref<1x128xi32, #tpu.memory_space<vmem>>
        %dma_wait3A_119 = tpu.memref_squeeze %dma_wait3A_118 : memref<1x128xi32, #tpu.memory_space<vmem>> -> memref<128xi32, #tpu.memory_space<vmem>>
        %dma_wait3A_120 = arith.constant 0 : i32
        %dma_wait3A_121 = arith.constant 0 : i32
        %dma_wait3A_122 = tpu.memref_slice %arg10[%dma_wait3A_120, %dma_wait3A_121] : memref<10240x128xf32, #tpu.memory_space<vmem_shared>> -> memref<10240x128xf32, #tpu.memory_space<vmem_shared>>
        tpu.wait_indirect_dma semaphore(%run_scoped3A_102 : memref<!tpu.dma_semaphore, #tpu.memory_space<semaphore_mem>>) src(%dma_wait3A_116 : memref<128x128xf32, #tpu.memory_space<vmem>>) dst(%dma_wait3A_122 : memref<10240x128xf32, #tpu.memory_space<vmem_shared>>)
        tpu.yield
      }) : () -> ()
    }
    %scan3A_18 = arith.constant 20 : i32
    "tpu.region"() ({
      %run_scoped3A_54 = tpu.sem_alloc : memref<!tpu.dma_semaphore, #tpu.memory_space<semaphore_mem>>
      %dma_start3A_55 = arith.constant 0 : i32
      %dma_start3A_56 = arith.constant 0 : i32
      %dma_start3A_57 = tpu.memref_slice %arg7[%dma_start3A_55, %dma_start3A_56] : memref<40x128xi32, #tpu.memory_space<vmem>> -> memref<39x128xi32, #tpu.memory_space<vmem>>
      %dma_start3A_58 = arith.constant 40 : i32
      %dma_start3A_59 = arith.constant 0 : i32
      %dma_start3A_60 = tpu.memref_slice %arg3[%add3A, %dma_start3A_58, %dma_start3A_59] : memref<32x79x128xi32, #tpu.memory_space<hbm>> -> memref<1x39x128xi32, #tpu.memory_space<hbm>>
      %dma_start3A_61 = tpu.memref_squeeze %dma_start3A_60 : memref<1x39x128xi32, #tpu.memory_space<hbm>> -> memref<39x128xi32, #tpu.memory_space<hbm>>
      %dma_start3A_62 = arith.constant 0 : i32
      %dma_start3A_63 = arith.constant 0 : i32
      %dma_start3A_64 = tpu.memref_slice %arg7[%dma_start3A_62, %dma_start3A_63] : memref<40x128xi32, #tpu.memory_space<vmem>> -> memref<39x128xi32, #tpu.memory_space<vmem>>
      %dma_start3A_65 = arith.constant 40 : i32
      %dma_start3A_66 = arith.constant 0 : i32
      %dma_start3A_67 = tpu.memref_slice %arg3[%add3A, %dma_start3A_65, %dma_start3A_66] : memref<32x79x128xi32, #tpu.memory_space<hbm>> -> memref<1x39x128xi32, #tpu.memory_space<hbm>>
      %dma_start3A_68 = tpu.memref_squeeze %dma_start3A_67 : memref<1x39x128xi32, #tpu.memory_space<hbm>> -> memref<39x128xi32, #tpu.memory_space<hbm>>
      tpu.enqueue_dma source(%dma_start3A_68 : memref<39x128xi32, #tpu.memory_space<hbm>>) target(%dma_start3A_64 : memref<39x128xi32, #tpu.memory_space<vmem>>) target_semaphore(%run_scoped3A_54 : memref<!tpu.dma_semaphore, #tpu.memory_space<semaphore_mem>>)
      %dma_wait3A_69 = arith.constant 0 : i32
      %dma_wait3A_70 = arith.constant 0 : i32
      %dma_wait3A_71 = tpu.memref_slice %arg7[%dma_wait3A_69, %dma_wait3A_70] : memref<40x128xi32, #tpu.memory_space<vmem>> -> memref<39x128xi32, #tpu.memory_space<vmem>>
      %dma_wait3A_72 = arith.constant 40 : i32
      %dma_wait3A_73 = arith.constant 0 : i32
      %dma_wait3A_74 = tpu.memref_slice %arg3[%add3A, %dma_wait3A_72, %dma_wait3A_73] : memref<32x79x128xi32, #tpu.memory_space<hbm>> -> memref<1x39x128xi32, #tpu.memory_space<hbm>>
      %dma_wait3A_75 = tpu.memref_squeeze %dma_wait3A_74 : memref<1x39x128xi32, #tpu.memory_space<hbm>> -> memref<39x128xi32, #tpu.memory_space<hbm>>
      %dma_wait3A_76 = arith.constant 0 : i32
      %dma_wait3A_77 = arith.constant 0 : i32
      %dma_wait3A_78 = tpu.memref_slice %arg7[%dma_wait3A_76, %dma_wait3A_77] : memref<40x128xi32, #tpu.memory_space<vmem>> -> memref<39x128xi32, #tpu.memory_space<vmem>>
      %dma_wait3A_79 = arith.constant 40 : i32
      %dma_wait3A_80 = arith.constant 0 : i32
      %dma_wait3A_81 = tpu.memref_slice %arg3[%add3A, %dma_wait3A_79, %dma_wait3A_80] : memref<32x79x128xi32, #tpu.memory_space<hbm>> -> memref<1x39x128xi32, #tpu.memory_space<hbm>>
      %dma_wait3A_82 = tpu.memref_squeeze %dma_wait3A_81 : memref<1x39x128xi32, #tpu.memory_space<hbm>> -> memref<39x128xi32, #tpu.memory_space<hbm>>
      tpu.wait_dma2 semaphore(%run_scoped3A_54 : memref<!tpu.dma_semaphore, #tpu.memory_space<semaphore_mem>>) src(%dma_wait3A_82 : memref<39x128xi32, #tpu.memory_space<hbm>>) dst(%dma_wait3A_78 : memref<39x128xi32, #tpu.memory_space<vmem>>)
      tpu.yield
    }) : () -> ()
    "tpu.region"() ({
      %run_scoped3A_54 = tpu.sem_alloc : memref<!tpu.dma_semaphore, #tpu.memory_space<semaphore_mem>>
      %dma_start3A_55 = arith.constant 0 : i32
      %dma_start3A_56 = arith.constant 0 : i32
      %dma_start3A_57 = tpu.memref_slice %arg8[%dma_start3A_55, %dma_start3A_56] : memref<40x128xi32, #tpu.memory_space<vmem>> -> memref<39x128xi32, #tpu.memory_space<vmem>>
      %dma_start3A_58 = arith.constant 40 : i32
      %dma_start3A_59 = arith.constant 0 : i32
      %dma_start3A_60 = tpu.memref_slice %arg4[%add3A, %dma_start3A_58, %dma_start3A_59] : memref<32x79x128xi32, #tpu.memory_space<hbm>> -> memref<1x39x128xi32, #tpu.memory_space<hbm>>
      %dma_start3A_61 = tpu.memref_squeeze %dma_start3A_60 : memref<1x39x128xi32, #tpu.memory_space<hbm>> -> memref<39x128xi32, #tpu.memory_space<hbm>>
      %dma_start3A_62 = arith.constant 0 : i32
      %dma_start3A_63 = arith.constant 0 : i32
      %dma_start3A_64 = tpu.memref_slice %arg8[%dma_start3A_62, %dma_start3A_63] : memref<40x128xi32, #tpu.memory_space<vmem>> -> memref<39x128xi32, #tpu.memory_space<vmem>>
      %dma_start3A_65 = arith.constant 40 : i32
      %dma_start3A_66 = arith.constant 0 : i32
      %dma_start3A_67 = tpu.memref_slice %arg4[%add3A, %dma_start3A_65, %dma_start3A_66] : memref<32x79x128xi32, #tpu.memory_space<hbm>> -> memref<1x39x128xi32, #tpu.memory_space<hbm>>
      %dma_start3A_68 = tpu.memref_squeeze %dma_start3A_67 : memref<1x39x128xi32, #tpu.memory_space<hbm>> -> memref<39x128xi32, #tpu.memory_space<hbm>>
      tpu.enqueue_dma source(%dma_start3A_68 : memref<39x128xi32, #tpu.memory_space<hbm>>) target(%dma_start3A_64 : memref<39x128xi32, #tpu.memory_space<vmem>>) target_semaphore(%run_scoped3A_54 : memref<!tpu.dma_semaphore, #tpu.memory_space<semaphore_mem>>)
      %dma_wait3A_69 = arith.constant 0 : i32
      %dma_wait3A_70 = arith.constant 0 : i32
      %dma_wait3A_71 = tpu.memref_slice %arg8[%dma_wait3A_69, %dma_wait3A_70] : memref<40x128xi32, #tpu.memory_space<vmem>> -> memref<39x128xi32, #tpu.memory_space<vmem>>
      %dma_wait3A_72 = arith.constant 40 : i32
      %dma_wait3A_73 = arith.constant 0 : i32
      %dma_wait3A_74 = tpu.memref_slice %arg4[%add3A, %dma_wait3A_72, %dma_wait3A_73] : memref<32x79x128xi32, #tpu.memory_space<hbm>> -> memref<1x39x128xi32, #tpu.memory_space<hbm>>
      %dma_wait3A_75 = tpu.memref_squeeze %dma_wait3A_74 : memref<1x39x128xi32, #tpu.memory_space<hbm>> -> memref<39x128xi32, #tpu.memory_space<hbm>>
      %dma_wait3A_76 = arith.constant 0 : i32
      %dma_wait3A_77 = arith.constant 0 : i32
      %dma_wait3A_78 = tpu.memref_slice %arg8[%dma_wait3A_76, %dma_wait3A_77] : memref<40x128xi32, #tpu.memory_space<vmem>> -> memref<39x128xi32, #tpu.memory_space<vmem>>
      %dma_wait3A_79 = arith.constant 40 : i32
      %dma_wait3A_80 = arith.constant 0 : i32
      %dma_wait3A_81 = tpu.memref_slice %arg4[%add3A, %dma_wait3A_79, %dma_wait3A_80] : memref<32x79x128xi32, #tpu.memory_space<hbm>> -> memref<1x39x128xi32, #tpu.memory_space<hbm>>
      %dma_wait3A_82 = tpu.memref_squeeze %dma_wait3A_81 : memref<1x39x128xi32, #tpu.memory_space<hbm>> -> memref<39x128xi32, #tpu.memory_space<hbm>>
      tpu.wait_dma2 semaphore(%run_scoped3A_54 : memref<!tpu.dma_semaphore, #tpu.memory_space<semaphore_mem>>) src(%dma_wait3A_82 : memref<39x128xi32, #tpu.memory_space<hbm>>) dst(%dma_wait3A_78 : memref<39x128xi32, #tpu.memory_space<vmem>>)
      tpu.yield
    }) : () -> ()
    %dma_start3A_19 = arith.constant 0 : i32
    %dma_start3A_20 = arith.constant 0 : i32
    %dma_start3A_21 = arith.constant 0 : i32
    %dma_start3A_22 = arith.constant 0 : i32
    %dma_start3A_23 = tpu.memref_slice %arg9[%dma_start3A_20, %dma_start3A_21, %dma_start3A_22] : memref<2x128x128xf32, #tpu.memory_space<vmem>> -> memref<1x128x128xf32, #tpu.memory_space<vmem>>
    %dma_start3A_24 = tpu.memref_squeeze %dma_start3A_23 : memref<1x128x128xf32, #tpu.memory_space<vmem>> -> memref<128x128xf32, #tpu.memory_space<vmem>>
    %dma_start3A_25 = arith.constant 0 : i32
    %dma_start3A_26 = tpu.memref_slice %arg7[%dma_start3A_19, %dma_start3A_25] : memref<40x128xi32, #tpu.memory_space<vmem>> -> memref<1x128xi32, #tpu.memory_space<vmem>>
    %dma_start3A_27 = tpu.memref_squeeze %dma_start3A_26 : memref<1x128xi32, #tpu.memory_space<vmem>> -> memref<128xi32, #tpu.memory_space<vmem>>
    %dma_start3A_28 = arith.constant 0 : i32
    %dma_start3A_29 = arith.constant 0 : i32
    %dma_start3A_30 = tpu.memref_slice %arg2[%dma_start3A_28, %dma_start3A_29] : memref<10240x128xf32, #tpu.memory_space<hbm>> -> memref<10240x128xf32, #tpu.memory_space<hbm>>
    tpu.enqueue_indirect_dma source(%dma_start3A_30 : memref<10240x128xf32, #tpu.memory_space<hbm>>) target(%dma_start3A_24 : memref<128x128xf32, #tpu.memory_space<vmem>>) offsets(%dma_start3A_27 : memref<128xi32, #tpu.memory_space<vmem>>) semaphore(%arg11 : memref<!tpu.dma_semaphore, #tpu.memory_space<semaphore_mem>>)
    %scan3A_31 = arith.constant 0 : i32
    %scan3A_32 = arith.constant 0 : i32
    %scan3A_33 = arith.constant 19 : i32
    %scan3A_34 = arith.addi %scan3A_32, %scan3A_33 : i32
    %scan3A_35 = arith.constant 1 : i32
    scf.for %scan3A_54 = %scan3A_32 to %scan3A_34 step %scan3A_35  : i32 {
      %mul3A_55 = arith.constant 2 : i32
      %mul3A_56 = arith.muli %scan3A_54, %mul3A_55 : i32
      %add3A_57 = arith.constant 1 : i32
      %add3A_58 = arith.addi %mul3A_56, %add3A_57 : i32
      %dma_start3A_59 = arith.constant 1 : i32
      %dma_start3A_60 = arith.constant 0 : i32
      %dma_start3A_61 = arith.constant 0 : i32
      %dma_start3A_62 = tpu.memref_slice %arg9[%dma_start3A_59, %dma_start3A_60, %dma_start3A_61] : memref<2x128x128xf32, #tpu.memory_space<vmem>> -> memref<1x128x128xf32, #tpu.memory_space<vmem>>
      %dma_start3A_63 = tpu.memref_squeeze %dma_start3A_62 : memref<1x128x128xf32, #tpu.memory_space<vmem>> -> memref<128x128xf32, #tpu.memory_space<vmem>>
      %dma_start3A_64 = arith.constant 0 : i32
      %dma_start3A_65 = tpu.memref_slice %arg7[%add3A_58, %dma_start3A_64] : memref<40x128xi32, #tpu.memory_space<vmem>> -> memref<1x128xi32, #tpu.memory_space<vmem>>
      %dma_start3A_66 = tpu.memref_squeeze %dma_start3A_65 : memref<1x128xi32, #tpu.memory_space<vmem>> -> memref<128xi32, #tpu.memory_space<vmem>>
      %dma_start3A_67 = arith.constant 0 : i32
      %dma_start3A_68 = arith.constant 0 : i32
      %dma_start3A_69 = tpu.memref_slice %arg2[%dma_start3A_67, %dma_start3A_68] : memref<10240x128xf32, #tpu.memory_space<hbm>> -> memref<10240x128xf32, #tpu.memory_space<hbm>>
      tpu.enqueue_indirect_dma source(%dma_start3A_69 : memref<10240x128xf32, #tpu.memory_space<hbm>>) target(%dma_start3A_63 : memref<128x128xf32, #tpu.memory_space<vmem>>) offsets(%dma_start3A_66 : memref<128xi32, #tpu.memory_space<vmem>>) semaphore(%arg12 : memref<!tpu.dma_semaphore, #tpu.memory_space<semaphore_mem>>)
      %dma_wait3A_70 = arith.constant 0 : i32
      %dma_wait3A_71 = arith.constant 0 : i32
      %dma_wait3A_72 = arith.constant 0 : i32
      %dma_wait3A_73 = tpu.memref_slice %arg9[%dma_wait3A_70, %dma_wait3A_71, %dma_wait3A_72] : memref<2x128x128xf32, #tpu.memory_space<vmem>> -> memref<1x128x128xf32, #tpu.memory_space<vmem>>
      %dma_wait3A_74 = tpu.memref_squeeze %dma_wait3A_73 : memref<1x128x128xf32, #tpu.memory_space<vmem>> -> memref<128x128xf32, #tpu.memory_space<vmem>>
      %dma_wait3A_75 = arith.constant 0 : i32
      %dma_wait3A_76 = tpu.memref_slice %arg7[%mul3A_56, %dma_wait3A_75] : memref<40x128xi32, #tpu.memory_space<vmem>> -> memref<1x128xi32, #tpu.memory_space<vmem>>
      %dma_wait3A_77 = tpu.memref_squeeze %dma_wait3A_76 : memref<1x128xi32, #tpu.memory_space<vmem>> -> memref<128xi32, #tpu.memory_space<vmem>>
      %dma_wait3A_78 = arith.constant 0 : i32
      %dma_wait3A_79 = arith.constant 0 : i32
      %dma_wait3A_80 = tpu.memref_slice %arg2[%dma_wait3A_78, %dma_wait3A_79] : memref<10240x128xf32, #tpu.memory_space<hbm>> -> memref<10240x128xf32, #tpu.memory_space<hbm>>
      tpu.wait_indirect_dma semaphore(%arg11 : memref<!tpu.dma_semaphore, #tpu.memory_space<semaphore_mem>>) src(%dma_wait3A_80 : memref<10240x128xf32, #tpu.memory_space<hbm>>) dst(%dma_wait3A_74 : memref<128x128xf32, #tpu.memory_space<vmem>>)
      %run_scoped3A_81 = arith.constant 0 : i32
      "tpu.region"() ({
        %run_scoped3A_102 = tpu.sem_alloc : memref<!tpu.dma_semaphore, #tpu.memory_space<semaphore_mem>>
        %dma_start3A_103 = arith.constant 0 : i32
        %dma_start3A_104 = arith.constant 0 : i32
        %dma_start3A_105 = tpu.memref_slice %arg9[%run_scoped3A_81, %dma_start3A_103, %dma_start3A_104] : memref<2x128x128xf32, #tpu.memory_space<vmem>> -> memref<1x128x128xf32, #tpu.memory_space<vmem>>
        %dma_start3A_106 = tpu.memref_squeeze %dma_start3A_105 : memref<1x128x128xf32, #tpu.memory_space<vmem>> -> memref<128x128xf32, #tpu.memory_space<vmem>>
        %dma_start3A_107 = arith.constant 0 : i32
        %dma_start3A_108 = tpu.memref_slice %arg8[%mul3A_56, %dma_start3A_107] : memref<40x128xi32, #tpu.memory_space<vmem>> -> memref<1x128xi32, #tpu.memory_space<vmem>>
        %dma_start3A_109 = tpu.memref_squeeze %dma_start3A_108 : memref<1x128xi32, #tpu.memory_space<vmem>> -> memref<128xi32, #tpu.memory_space<vmem>>
        %dma_start3A_110 = arith.constant 0 : i32
        %dma_start3A_111 = arith.constant 0 : i32
        %dma_start3A_112 = tpu.memref_slice %arg10[%dma_start3A_110, %dma_start3A_111] : memref<10240x128xf32, #tpu.memory_space<vmem_shared>> -> memref<10240x128xf32, #tpu.memory_space<vmem_shared>>
        tpu.enqueue_indirect_dma source(%dma_start3A_106 : memref<128x128xf32, #tpu.memory_space<vmem>>) target(%dma_start3A_112 : memref<10240x128xf32, #tpu.memory_space<vmem_shared>>) offsets(%dma_start3A_109 : memref<128xi32, #tpu.memory_space<vmem>>) semaphore(%run_scoped3A_102 : memref<!tpu.dma_semaphore, #tpu.memory_space<semaphore_mem>>) {add = true}
        %dma_wait3A_113 = arith.constant 0 : i32
        %dma_wait3A_114 = arith.constant 0 : i32
        %dma_wait3A_115 = tpu.memref_slice %arg9[%run_scoped3A_81, %dma_wait3A_113, %dma_wait3A_114] : memref<2x128x128xf32, #tpu.memory_space<vmem>> -> memref<1x128x128xf32, #tpu.memory_space<vmem>>
        %dma_wait3A_116 = tpu.memref_squeeze %dma_wait3A_115 : memref<1x128x128xf32, #tpu.memory_space<vmem>> -> memref<128x128xf32, #tpu.memory_space<vmem>>
        %dma_wait3A_117 = arith.constant 0 : i32
        %dma_wait3A_118 = tpu.memref_slice %arg8[%mul3A_56, %dma_wait3A_117] : memref<40x128xi32, #tpu.memory_space<vmem>> -> memref<1x128xi32, #tpu.memory_space<vmem>>
        %dma_wait3A_119 = tpu.memref_squeeze %dma_wait3A_118 : memref<1x128xi32, #tpu.memory_space<vmem>> -> memref<128xi32, #tpu.memory_space<vmem>>
        %dma_wait3A_120 = arith.constant 0 : i32
        %dma_wait3A_121 = arith.constant 0 : i32
        %dma_wait3A_122 = tpu.memref_slice %arg10[%dma_wait3A_120, %dma_wait3A_121] : memref<10240x128xf32, #tpu.memory_space<vmem_shared>> -> memref<10240x128xf32, #tpu.memory_space<vmem_shared>>
        tpu.wait_indirect_dma semaphore(%run_scoped3A_102 : memref<!tpu.dma_semaphore, #tpu.memory_space<semaphore_mem>>) src(%dma_wait3A_116 : memref<128x128xf32, #tpu.memory_space<vmem>>) dst(%dma_wait3A_122 : memref<10240x128xf32, #tpu.memory_space<vmem_shared>>)
        tpu.yield
      }) : () -> ()
      %add3A_82 = arith.constant 2 : i32
      %add3A_83 = arith.addi %mul3A_56, %add3A_82 : i32
      %lt3A = arith.constant 39 : i32
      %lt3A_84 = arith.cmpi slt, %add3A_83, %lt3A : i32
      %convert_element_type3A = arith.extui %lt3A_84 : i1 to i32
      %cond3A = arith.constant 0 : i32
      %cond3A_85 = arith.cmpi ne, %convert_element_type3A, %cond3A : i32
      scf.if %cond3A_85 {
        %add3A_102 = arith.constant 2 : i32
        %add3A_103 = arith.addi %mul3A_56, %add3A_102 : i32
        %dma_start3A_104 = arith.constant 0 : i32
        %dma_start3A_105 = arith.constant 0 : i32
        %dma_start3A_106 = arith.constant 0 : i32
        %dma_start3A_107 = tpu.memref_slice %arg9[%dma_start3A_104, %dma_start3A_105, %dma_start3A_106] : memref<2x128x128xf32, #tpu.memory_space<vmem>> -> memref<1x128x128xf32, #tpu.memory_space<vmem>>
        %dma_start3A_108 = tpu.memref_squeeze %dma_start3A_107 : memref<1x128x128xf32, #tpu.memory_space<vmem>> -> memref<128x128xf32, #tpu.memory_space<vmem>>
        %dma_start3A_109 = arith.constant 0 : i32
        %dma_start3A_110 = tpu.memref_slice %arg7[%add3A_103, %dma_start3A_109] : memref<40x128xi32, #tpu.memory_space<vmem>> -> memref<1x128xi32, #tpu.memory_space<vmem>>
        %dma_start3A_111 = tpu.memref_squeeze %dma_start3A_110 : memref<1x128xi32, #tpu.memory_space<vmem>> -> memref<128xi32, #tpu.memory_space<vmem>>
        %dma_start3A_112 = arith.constant 0 : i32
        %dma_start3A_113 = arith.constant 0 : i32
        %dma_start3A_114 = tpu.memref_slice %arg2[%dma_start3A_112, %dma_start3A_113] : memref<10240x128xf32, #tpu.memory_space<hbm>> -> memref<10240x128xf32, #tpu.memory_space<hbm>>
        tpu.enqueue_indirect_dma source(%dma_start3A_114 : memref<10240x128xf32, #tpu.memory_space<hbm>>) target(%dma_start3A_108 : memref<128x128xf32, #tpu.memory_space<vmem>>) offsets(%dma_start3A_111 : memref<128xi32, #tpu.memory_space<vmem>>) semaphore(%arg11 : memref<!tpu.dma_semaphore, #tpu.memory_space<semaphore_mem>>)
      } else {
      }
      %add3A_86 = arith.constant 1 : i32
      %add3A_87 = arith.addi %mul3A_56, %add3A_86 : i32
      %dma_wait3A_88 = arith.constant 1 : i32
      %dma_wait3A_89 = arith.constant 0 : i32
      %dma_wait3A_90 = arith.constant 0 : i32
      %dma_wait3A_91 = tpu.memref_slice %arg9[%dma_wait3A_88, %dma_wait3A_89, %dma_wait3A_90] : memref<2x128x128xf32, #tpu.memory_space<vmem>> -> memref<1x128x128xf32, #tpu.memory_space<vmem>>
      %dma_wait3A_92 = tpu.memref_squeeze %dma_wait3A_91 : memref<1x128x128xf32, #tpu.memory_space<vmem>> -> memref<128x128xf32, #tpu.memory_space<vmem>>
      %dma_wait3A_93 = arith.constant 0 : i32
      %dma_wait3A_94 = tpu.memref_slice %arg7[%add3A_87, %dma_wait3A_93] : memref<40x128xi32, #tpu.memory_space<vmem>> -> memref<1x128xi32, #tpu.memory_space<vmem>>
      %dma_wait3A_95 = tpu.memref_squeeze %dma_wait3A_94 : memref<1x128xi32, #tpu.memory_space<vmem>> -> memref<128xi32, #tpu.memory_space<vmem>>
      %dma_wait3A_96 = arith.constant 0 : i32
      %dma_wait3A_97 = arith.constant 0 : i32
      %dma_wait3A_98 = tpu.memref_slice %arg2[%dma_wait3A_96, %dma_wait3A_97] : memref<10240x128xf32, #tpu.memory_space<hbm>> -> memref<10240x128xf32, #tpu.memory_space<hbm>>
      tpu.wait_indirect_dma semaphore(%arg12 : memref<!tpu.dma_semaphore, #tpu.memory_space<semaphore_mem>>) src(%dma_wait3A_98 : memref<10240x128xf32, #tpu.memory_space<hbm>>) dst(%dma_wait3A_92 : memref<128x128xf32, #tpu.memory_space<vmem>>)
      %add3A_99 = arith.constant 1 : i32
      %add3A_100 = arith.addi %mul3A_56, %add3A_99 : i32
      %run_scoped3A_101 = arith.constant 1 : i32
      "tpu.region"() ({
        %run_scoped3A_102 = tpu.sem_alloc : memref<!tpu.dma_semaphore, #tpu.memory_space<semaphore_mem>>
        %dma_start3A_103 = arith.constant 0 : i32
        %dma_start3A_104 = arith.constant 0 : i32
        %dma_start3A_105 = tpu.memref_slice %arg9[%run_scoped3A_101, %dma_start3A_103, %dma_start3A_104] : memref<2x128x128xf32, #tpu.memory_space<vmem>> -> memref<1x128x128xf32, #tpu.memory_space<vmem>>
        %dma_start3A_106 = tpu.memref_squeeze %dma_start3A_105 : memref<1x128x128xf32, #tpu.memory_space<vmem>> -> memref<128x128xf32, #tpu.memory_space<vmem>>
        %dma_start3A_107 = arith.constant 0 : i32
        %dma_start3A_108 = tpu.memref_slice %arg8[%add3A_100, %dma_start3A_107] : memref<40x128xi32, #tpu.memory_space<vmem>> -> memref<1x128xi32, #tpu.memory_space<vmem>>
        %dma_start3A_109 = tpu.memref_squeeze %dma_start3A_108 : memref<1x128xi32, #tpu.memory_space<vmem>> -> memref<128xi32, #tpu.memory_space<vmem>>
        %dma_start3A_110 = arith.constant 0 : i32
        %dma_start3A_111 = arith.constant 0 : i32
        %dma_start3A_112 = tpu.memref_slice %arg10[%dma_start3A_110, %dma_start3A_111] : memref<10240x128xf32, #tpu.memory_space<vmem_shared>> -> memref<10240x128xf32, #tpu.memory_space<vmem_shared>>
        tpu.enqueue_indirect_dma source(%dma_start3A_106 : memref<128x128xf32, #tpu.memory_space<vmem>>) target(%dma_start3A_112 : memref<10240x128xf32, #tpu.memory_space<vmem_shared>>) offsets(%dma_start3A_109 : memref<128xi32, #tpu.memory_space<vmem>>) semaphore(%run_scoped3A_102 : memref<!tpu.dma_semaphore, #tpu.memory_space<semaphore_mem>>) {add = true}
        %dma_wait3A_113 = arith.constant 0 : i32
        %dma_wait3A_114 = arith.constant 0 : i32
        %dma_wait3A_115 = tpu.memref_slice %arg9[%run_scoped3A_101, %dma_wait3A_113, %dma_wait3A_114] : memref<2x128x128xf32, #tpu.memory_space<vmem>> -> memref<1x128x128xf32, #tpu.memory_space<vmem>>
        %dma_wait3A_116 = tpu.memref_squeeze %dma_wait3A_115 : memref<1x128x128xf32, #tpu.memory_space<vmem>> -> memref<128x128xf32, #tpu.memory_space<vmem>>
        %dma_wait3A_117 = arith.constant 0 : i32
        %dma_wait3A_118 = tpu.memref_slice %arg8[%add3A_100, %dma_wait3A_117] : memref<40x128xi32, #tpu.memory_space<vmem>> -> memref<1x128xi32, #tpu.memory_space<vmem>>
        %dma_wait3A_119 = tpu.memref_squeeze %dma_wait3A_118 : memref<1x128xi32, #tpu.memory_space<vmem>> -> memref<128xi32, #tpu.memory_space<vmem>>
        %dma_wait3A_120 = arith.constant 0 : i32
        %dma_wait3A_121 = arith.constant 0 : i32
        %dma_wait3A_122 = tpu.memref_slice %arg10[%dma_wait3A_120, %dma_wait3A_121] : memref<10240x128xf32, #tpu.memory_space<vmem_shared>> -> memref<10240x128xf32, #tpu.memory_space<vmem_shared>>
        tpu.wait_indirect_dma semaphore(%run_scoped3A_102 : memref<!tpu.dma_semaphore, #tpu.memory_space<semaphore_mem>>) src(%dma_wait3A_116 : memref<128x128xf32, #tpu.memory_space<vmem>>) dst(%dma_wait3A_122 : memref<10240x128xf32, #tpu.memory_space<vmem_shared>>)
        tpu.yield
      }) : () -> ()
    }
    %scan3A_36 = arith.constant 19 : i32
    %dma_wait3A = arith.constant 38 : i32
    %dma_wait3A_37 = arith.constant 0 : i32
    %dma_wait3A_38 = arith.constant 0 : i32
    %dma_wait3A_39 = arith.constant 0 : i32
    %dma_wait3A_40 = tpu.memref_slice %arg9[%dma_wait3A_37, %dma_wait3A_38, %dma_wait3A_39] : memref<2x128x128xf32, #tpu.memory_space<vmem>> -> memref<1x128x128xf32, #tpu.memory_space<vmem>>
    %dma_wait3A_41 = tpu.memref_squeeze %dma_wait3A_40 : memref<1x128x128xf32, #tpu.memory_space<vmem>> -> memref<128x128xf32, #tpu.memory_space<vmem>>
    %dma_wait3A_42 = arith.constant 0 : i32
    %dma_wait3A_43 = tpu.memref_slice %arg7[%dma_wait3A, %dma_wait3A_42] : memref<40x128xi32, #tpu.memory_space<vmem>> -> memref<1x128xi32, #tpu.memory_space<vmem>>
    %dma_wait3A_44 = tpu.memref_squeeze %dma_wait3A_43 : memref<1x128xi32, #tpu.memory_space<vmem>> -> memref<128xi32, #tpu.memory_space<vmem>>
    %dma_wait3A_45 = arith.constant 0 : i32
    %dma_wait3A_46 = arith.constant 0 : i32
    %dma_wait3A_47 = tpu.memref_slice %arg2[%dma_wait3A_45, %dma_wait3A_46] : memref<10240x128xf32, #tpu.memory_space<hbm>> -> memref<10240x128xf32, #tpu.memory_space<hbm>>
    tpu.wait_indirect_dma semaphore(%arg11 : memref<!tpu.dma_semaphore, #tpu.memory_space<semaphore_mem>>) src(%dma_wait3A_47 : memref<10240x128xf32, #tpu.memory_space<hbm>>) dst(%dma_wait3A_41 : memref<128x128xf32, #tpu.memory_space<vmem>>)
    %run_scoped3A = arith.constant 0 : i32
    %run_scoped3A_48 = arith.constant 38 : i32
    "tpu.region"() ({
      %run_scoped3A_54 = tpu.sem_alloc : memref<!tpu.dma_semaphore, #tpu.memory_space<semaphore_mem>>
      %dma_start3A_55 = arith.constant 0 : i32
      %dma_start3A_56 = arith.constant 0 : i32
      %dma_start3A_57 = tpu.memref_slice %arg9[%run_scoped3A, %dma_start3A_55, %dma_start3A_56] : memref<2x128x128xf32, #tpu.memory_space<vmem>> -> memref<1x128x128xf32, #tpu.memory_space<vmem>>
      %dma_start3A_58 = tpu.memref_squeeze %dma_start3A_57 : memref<1x128x128xf32, #tpu.memory_space<vmem>> -> memref<128x128xf32, #tpu.memory_space<vmem>>
      %dma_start3A_59 = arith.constant 0 : i32
      %dma_start3A_60 = tpu.memref_slice %arg8[%run_scoped3A_48, %dma_start3A_59] : memref<40x128xi32, #tpu.memory_space<vmem>> -> memref<1x128xi32, #tpu.memory_space<vmem>>
      %dma_start3A_61 = tpu.memref_squeeze %dma_start3A_60 : memref<1x128xi32, #tpu.memory_space<vmem>> -> memref<128xi32, #tpu.memory_space<vmem>>
      %dma_start3A_62 = arith.constant 0 : i32
      %dma_start3A_63 = arith.constant 0 : i32
      %dma_start3A_64 = tpu.memref_slice %arg10[%dma_start3A_62, %dma_start3A_63] : memref<10240x128xf32, #tpu.memory_space<vmem_shared>> -> memref<10240x128xf32, #tpu.memory_space<vmem_shared>>
      tpu.enqueue_indirect_dma source(%dma_start3A_58 : memref<128x128xf32, #tpu.memory_space<vmem>>) target(%dma_start3A_64 : memref<10240x128xf32, #tpu.memory_space<vmem_shared>>) offsets(%dma_start3A_61 : memref<128xi32, #tpu.memory_space<vmem>>) semaphore(%run_scoped3A_54 : memref<!tpu.dma_semaphore, #tpu.memory_space<semaphore_mem>>) {add = true}
      %dma_wait3A_65 = arith.constant 0 : i32
      %dma_wait3A_66 = arith.constant 0 : i32
      %dma_wait3A_67 = tpu.memref_slice %arg9[%run_scoped3A, %dma_wait3A_65, %dma_wait3A_66] : memref<2x128x128xf32, #tpu.memory_space<vmem>> -> memref<1x128x128xf32, #tpu.memory_space<vmem>>
      %dma_wait3A_68 = tpu.memref_squeeze %dma_wait3A_67 : memref<1x128x128xf32, #tpu.memory_space<vmem>> -> memref<128x128xf32, #tpu.memory_space<vmem>>
      %dma_wait3A_69 = arith.constant 0 : i32
      %dma_wait3A_70 = tpu.memref_slice %arg8[%run_scoped3A_48, %dma_wait3A_69] : memref<40x128xi32, #tpu.memory_space<vmem>> -> memref<1x128xi32, #tpu.memory_space<vmem>>
      %dma_wait3A_71 = tpu.memref_squeeze %dma_wait3A_70 : memref<1x128xi32, #tpu.memory_space<vmem>> -> memref<128xi32, #tpu.memory_space<vmem>>
      %dma_wait3A_72 = arith.constant 0 : i32
      %dma_wait3A_73 = arith.constant 0 : i32
      %dma_wait3A_74 = tpu.memref_slice %arg10[%dma_wait3A_72, %dma_wait3A_73] : memref<10240x128xf32, #tpu.memory_space<vmem_shared>> -> memref<10240x128xf32, #tpu.memory_space<vmem_shared>>
      tpu.wait_indirect_dma semaphore(%run_scoped3A_54 : memref<!tpu.dma_semaphore, #tpu.memory_space<semaphore_mem>>) src(%dma_wait3A_68 : memref<128x128xf32, #tpu.memory_space<vmem>>) dst(%dma_wait3A_74 : memref<10240x128xf32, #tpu.memory_space<vmem_shared>>)
      tpu.yield
    }) : () -> ()
    %barrier3A_49 = arith.constant 0 : index
    tpu.barrier barrier_id(%barrier3A_49)
    %mul3A_50 = arith.constant 640 : i32
    %mul3A_51 = arith.muli %arg1, %mul3A_50 : i32
    %mul3A_52 = arith.constant 640 : i32
    %mul3A_53 = arith.muli %arg1, %mul3A_52 : i32
    "tpu.region"() ({
      %run_scoped3A_54 = tpu.sem_alloc : memref<!tpu.dma_semaphore, #tpu.memory_space<semaphore_mem>>
      %dma_start3A_55 = arith.constant 0 : i32
      %dma_start3A_56 = tpu.memref_slice %arg6[%arg0, %mul3A_53, %dma_start3A_55] : memref<2x10240x128xf32, #tpu.memory_space<hbm>> -> memref<1x640x128xf32, #tpu.memory_space<hbm>>
      %dma_start3A_57 = tpu.memref_squeeze %dma_start3A_56 : memref<1x640x128xf32, #tpu.memory_space<hbm>> -> memref<640x128xf32, #tpu.memory_space<hbm>>
      %dma_start3A_58 = arith.constant 0 : i32
      %dma_start3A_59 = tpu.memref_slice %arg10[%mul3A_51, %dma_start3A_58] : memref<10240x128xf32, #tpu.memory_space<vmem_shared>> -> memref<640x128xf32, #tpu.memory_space<vmem_shared>>
      tpu.enqueue_dma source(%dma_start3A_59 : memref<640x128xf32, #tpu.memory_space<vmem_shared>>) target(%dma_start3A_57 : memref<640x128xf32, #tpu.memory_space<hbm>>) target_semaphore(%run_scoped3A_54 : memref<!tpu.dma_semaphore, #tpu.memory_space<semaphore_mem>>)
      %dma_wait3A_60 = arith.constant 0 : i32
      %dma_wait3A_61 = tpu.memref_slice %arg6[%arg0, %mul3A_53, %dma_wait3A_60] : memref<2x10240x128xf32, #tpu.memory_space<hbm>> -> memref<1x640x128xf32, #tpu.memory_space<hbm>>
      %dma_wait3A_62 = tpu.memref_squeeze %dma_wait3A_61 : memref<1x640x128xf32, #tpu.memory_space<hbm>> -> memref<640x128xf32, #tpu.memory_space<hbm>>
      %dma_wait3A_63 = arith.constant 0 : i32
      %dma_wait3A_64 = tpu.memref_slice %arg10[%mul3A_51, %dma_wait3A_63] : memref<10240x128xf32, #tpu.memory_space<vmem_shared>> -> memref<640x128xf32, #tpu.memory_space<vmem_shared>>
      tpu.wait_dma2 semaphore(%run_scoped3A_54 : memref<!tpu.dma_semaphore, #tpu.memory_space<semaphore_mem>>) src(%dma_wait3A_64 : memref<640x128xf32, #tpu.memory_space<vmem_shared>>) dst(%dma_wait3A_62 : memref<640x128xf32, #tpu.memory_space<hbm>>)
      tpu.yield
    }) : () -> ()
    return
  }
}

#map = affine_map<(d0, d1) -> (0, 0)>
#map1 = affine_map<(d0, d1) -> (0, 0, 0)>
module attributes {stable_mosaic.version = 14 : i64} {
  func.func @_sc_scatter(%arg0: i32, %arg1: i32, %arg2: memref<10240x128xf32, #tpu.memory_space<hbm>>, %arg3: memref<32x79x128xi32, #tpu.memory_space<hbm>>, %arg4: memref<32x79x128xi32, #tpu.memory_space<hbm>>, %arg5: memref<640x128xf32, #tpu.memory_space<hbm>>, %arg6: memref<2x10240x128xf32, #tpu.memory_space<hbm>>, %arg7: memref<40x128xi32, #tpu.memory_space<vmem>>, %arg8: memref<40x128xi32, #tpu.memory_space<vmem>>, %arg9: memref<2x128x128xf32, #tpu.memory_space<vmem>>, %arg10: memref<10240x128xf32, #tpu.memory_space<vmem_shared>>, %arg11: memref<!tpu.dma_semaphore, #tpu.memory_space<semaphore_mem>>, %arg12: memref<!tpu.dma_semaphore, #tpu.memory_space<semaphore_mem>>, %arg13: memref<!tpu.dma_semaphore, #tpu.memory_space<semaphore_mem>>, %arg14: memref<!tpu.dma_semaphore, #tpu.memory_space<semaphore_mem>>) attributes {dimension_semantics = [#tpu.dimension_semantics<core_parallel>, #tpu.dimension_semantics<subcore_parallel>], iteration_bounds = array<i64: 2, 16>, scalar_prefetch = 0 : i64, scratch_operands = 8 : i64, tpu.core_type = #tpu.core_type<sc_vector_subcore>, window_params = [{transform_indices = #map}, {transform_indices = #map1}, {transform_indices = #map1}, {transform_indices = #map}, {transform_indices = #map1}]} {
    %mul3A = arith.constant 16 : i32
    %mul3A_0 = arith.muli %arg0, %mul3A : i32
    %add3A = arith.addi %mul3A_0, %arg1 : i32
    %mul3A_1 = arith.constant 640 : i32
    %mul3A_2 = arith.muli %arg1, %mul3A_1 : i32
    "tpu.region"() ({
      %run_scoped3A_54 = tpu.sem_alloc : memref<!tpu.dma_semaphore, #tpu.memory_space<semaphore_mem>>
      %dma_start3A_55 = arith.constant 0 : i32
      %dma_start3A_56 = tpu.memref_slice %arg10[%mul3A_2, %dma_start3A_55] : memref<10240x128xf32, #tpu.memory_space<vmem_shared>> -> memref<640x128xf32, #tpu.memory_space<vmem_shared>>
      tpu.enqueue_dma source(%arg5 : memref<640x128xf32, #tpu.memory_space<hbm>>) target(%dma_start3A_56 : memref<640x128xf32, #tpu.memory_space<vmem_shared>>) target_semaphore(%run_scoped3A_54 : memref<!tpu.dma_semaphore, #tpu.memory_space<semaphore_mem>>)
      %dma_wait3A_57 = arith.constant 0 : i32
      %dma_wait3A_58 = tpu.memref_slice %arg10[%mul3A_2, %dma_wait3A_57] : memref<10240x128xf32, #tpu.memory_space<vmem_shared>> -> memref<640x128xf32, #tpu.memory_space<vmem_shared>>
      tpu.wait_dma2 semaphore(%run_scoped3A_54 : memref<!tpu.dma_semaphore, #tpu.memory_space<semaphore_mem>>) src(%arg5 : memref<640x128xf32, #tpu.memory_space<hbm>>) dst(%dma_wait3A_58 : memref<640x128xf32, #tpu.memory_space<vmem_shared>>)
      tpu.yield
    }) : () -> ()
    %barrier3A = arith.constant 0 : index
    tpu.barrier barrier_id(%barrier3A)
    "tpu.region"() ({
      %run_scoped3A_54 = tpu.sem_alloc : memref<!tpu.dma_semaphore, #tpu.memory_space<semaphore_mem>>
      %dma_start3A_55 = arith.constant 0 : i32
      %dma_start3A_56 = arith.constant 0 : i32
      %dma_start3A_57 = tpu.memref_slice %arg7[%dma_start3A_55, %dma_start3A_56] : memref<40x128xi32, #tpu.memory_space<vmem>> -> memref<40x128xi32, #tpu.memory_space<vmem>>
      %dma_start3A_58 = arith.constant 0 : i32
      %dma_start3A_59 = arith.constant 0 : i32
      %dma_start3A_60 = tpu.memref_slice %arg3[%add3A, %dma_start3A_58, %dma_start3A_59] : memref<32x79x128xi32, #tpu.memory_space<hbm>> -> memref<1x40x128xi32, #tpu.memory_space<hbm>>
      %dma_start3A_61 = tpu.memref_squeeze %dma_start3A_60 : memref<1x40x128xi32, #tpu.memory_space<hbm>> -> memref<40x128xi32, #tpu.memory_space<hbm>>
      %dma_start3A_62 = arith.constant 0 : i32
      %dma_start3A_63 = arith.constant 0 : i32
      %dma_start3A_64 = tpu.memref_slice %arg7[%dma_start3A_62, %dma_start3A_63] : memref<40x128xi32, #tpu.memory_space<vmem>> -> memref<40x128xi32, #tpu.memory_space<vmem>>
      %dma_start3A_65 = arith.constant 0 : i32
      %dma_start3A_66 = arith.constant 0 : i32
      %dma_start3A_67 = tpu.memref_slice %arg3[%add3A, %dma_start3A_65, %dma_start3A_66] : memref<32x79x128xi32, #tpu.memory_space<hbm>> -> memref<1x40x128xi32, #tpu.memory_space<hbm>>
      %dma_start3A_68 = tpu.memref_squeeze %dma_start3A_67 : memref<1x40x128xi32, #tpu.memory_space<hbm>> -> memref<40x128xi32, #tpu.memory_space<hbm>>
      tpu.enqueue_dma source(%dma_start3A_68 : memref<40x128xi32, #tpu.memory_space<hbm>>) target(%dma_start3A_64 : memref<40x128xi32, #tpu.memory_space<vmem>>) target_semaphore(%run_scoped3A_54 : memref<!tpu.dma_semaphore, #tpu.memory_space<semaphore_mem>>)
      %dma_wait3A_69 = arith.constant 0 : i32
      %dma_wait3A_70 = arith.constant 0 : i32
      %dma_wait3A_71 = tpu.memref_slice %arg7[%dma_wait3A_69, %dma_wait3A_70] : memref<40x128xi32, #tpu.memory_space<vmem>> -> memref<40x128xi32, #tpu.memory_space<vmem>>
      %dma_wait3A_72 = arith.constant 0 : i32
      %dma_wait3A_73 = arith.constant 0 : i32
      %dma_wait3A_74 = tpu.memref_slice %arg3[%add3A, %dma_wait3A_72, %dma_wait3A_73] : memref<32x79x128xi32, #tpu.memory_space<hbm>> -> memref<1x40x128xi32, #tpu.memory_space<hbm>>
      %dma_wait3A_75 = tpu.memref_squeeze %dma_wait3A_74 : memref<1x40x128xi32, #tpu.memory_space<hbm>> -> memref<40x128xi32, #tpu.memory_space<hbm>>
      %dma_wait3A_76 = arith.constant 0 : i32
      %dma_wait3A_77 = arith.constant 0 : i32
      %dma_wait3A_78 = tpu.memref_slice %arg7[%dma_wait3A_76, %dma_wait3A_77] : memref<40x128xi32, #tpu.memory_space<vmem>> -> memref<40x128xi32, #tpu.memory_space<vmem>>
      %dma_wait3A_79 = arith.constant 0 : i32
      %dma_wait3A_80 = arith.constant 0 : i32
      %dma_wait3A_81 = tpu.memref_slice %arg3[%add3A, %dma_wait3A_79, %dma_wait3A_80] : memref<32x79x128xi32, #tpu.memory_space<hbm>> -> memref<1x40x128xi32, #tpu.memory_space<hbm>>
      %dma_wait3A_82 = tpu.memref_squeeze %dma_wait3A_81 : memref<1x40x128xi32, #tpu.memory_space<hbm>> -> memref<40x128xi32, #tpu.memory_space<hbm>>
      tpu.wait_dma2 semaphore(%run_scoped3A_54 : memref<!tpu.dma_semaphore, #tpu.memory_space<semaphore_mem>>) src(%dma_wait3A_82 : memref<40x128xi32, #tpu.memory_space<hbm>>) dst(%dma_wait3A_78 : memref<40x128xi32, #tpu.memory_space<vmem>>)
      tpu.yield
    }) : () -> ()
    "tpu.region"() ({
      %run_scoped3A_54 = tpu.sem_alloc : memref<!tpu.dma_semaphore, #tpu.memory_space<semaphore_mem>>
      %dma_start3A_55 = arith.constant 0 : i32
      %dma_start3A_56 = arith.constant 0 : i32
      %dma_start3A_57 = tpu.memref_slice %arg8[%dma_start3A_55, %dma_start3A_56] : memref<40x128xi32, #tpu.memory_space<vmem>> -> memref<40x128xi32, #tpu.memory_space<vmem>>
      %dma_start3A_58 = arith.constant 0 : i32
      %dma_start3A_59 = arith.constant 0 : i32
      %dma_start3A_60 = tpu.memref_slice %arg4[%add3A, %dma_start3A_58, %dma_start3A_59] : memref<32x79x128xi32, #tpu.memory_space<hbm>> -> memref<1x40x128xi32, #tpu.memory_space<hbm>>
      %dma_start3A_61 = tpu.memref_squeeze %dma_start3A_60 : memref<1x40x128xi32, #tpu.memory_space<hbm>> -> memref<40x128xi32, #tpu.memory_space<hbm>>
      %dma_start3A_62 = arith.constant 0 : i32
      %dma_start3A_63 = arith.constant 0 : i32
      %dma_start3A_64 = tpu.memref_slice %arg8[%dma_start3A_62, %dma_start3A_63] : memref<40x128xi32, #tpu.memory_space<vmem>> -> memref<40x128xi32, #tpu.memory_space<vmem>>
      %dma_start3A_65 = arith.constant 0 : i32
      %dma_start3A_66 = arith.constant 0 : i32
      %dma_start3A_67 = tpu.memref_slice %arg4[%add3A, %dma_start3A_65, %dma_start3A_66] : memref<32x79x128xi32, #tpu.memory_space<hbm>> -> memref<1x40x128xi32, #tpu.memory_space<hbm>>
      %dma_start3A_68 = tpu.memref_squeeze %dma_start3A_67 : memref<1x40x128xi32, #tpu.memory_space<hbm>> -> memref<40x128xi32, #tpu.memory_space<hbm>>
      tpu.enqueue_dma source(%dma_start3A_68 : memref<40x128xi32, #tpu.memory_space<hbm>>) target(%dma_start3A_64 : memref<40x128xi32, #tpu.memory_space<vmem>>) target_semaphore(%run_scoped3A_54 : memref<!tpu.dma_semaphore, #tpu.memory_space<semaphore_mem>>)
      %dma_wait3A_69 = arith.constant 0 : i32
      %dma_wait3A_70 = arith.constant 0 : i32
      %dma_wait3A_71 = tpu.memref_slice %arg8[%dma_wait3A_69, %dma_wait3A_70] : memref<40x128xi32, #tpu.memory_space<vmem>> -> memref<40x128xi32, #tpu.memory_space<vmem>>
      %dma_wait3A_72 = arith.constant 0 : i32
      %dma_wait3A_73 = arith.constant 0 : i32
      %dma_wait3A_74 = tpu.memref_slice %arg4[%add3A, %dma_wait3A_72, %dma_wait3A_73] : memref<32x79x128xi32, #tpu.memory_space<hbm>> -> memref<1x40x128xi32, #tpu.memory_space<hbm>>
      %dma_wait3A_75 = tpu.memref_squeeze %dma_wait3A_74 : memref<1x40x128xi32, #tpu.memory_space<hbm>> -> memref<40x128xi32, #tpu.memory_space<hbm>>
      %dma_wait3A_76 = arith.constant 0 : i32
      %dma_wait3A_77 = arith.constant 0 : i32
      %dma_wait3A_78 = tpu.memref_slice %arg8[%dma_wait3A_76, %dma_wait3A_77] : memref<40x128xi32, #tpu.memory_space<vmem>> -> memref<40x128xi32, #tpu.memory_space<vmem>>
      %dma_wait3A_79 = arith.constant 0 : i32
      %dma_wait3A_80 = arith.constant 0 : i32
      %dma_wait3A_81 = tpu.memref_slice %arg4[%add3A, %dma_wait3A_79, %dma_wait3A_80] : memref<32x79x128xi32, #tpu.memory_space<hbm>> -> memref<1x40x128xi32, #tpu.memory_space<hbm>>
      %dma_wait3A_82 = tpu.memref_squeeze %dma_wait3A_81 : memref<1x40x128xi32, #tpu.memory_space<hbm>> -> memref<40x128xi32, #tpu.memory_space<hbm>>
      tpu.wait_dma2 semaphore(%run_scoped3A_54 : memref<!tpu.dma_semaphore, #tpu.memory_space<semaphore_mem>>) src(%dma_wait3A_82 : memref<40x128xi32, #tpu.memory_space<hbm>>) dst(%dma_wait3A_78 : memref<40x128xi32, #tpu.memory_space<vmem>>)
      tpu.yield
    }) : () -> ()
    %dma_start3A = arith.constant 0 : i32
    %dma_start3A_3 = arith.constant 0 : i32
    %dma_start3A_4 = arith.constant 0 : i32
    %dma_start3A_5 = arith.constant 0 : i32
    %dma_start3A_6 = tpu.memref_slice %arg9[%dma_start3A_3, %dma_start3A_4, %dma_start3A_5] : memref<2x128x128xf32, #tpu.memory_space<vmem>> -> memref<1x128x128xf32, #tpu.memory_space<vmem>>
    %dma_start3A_7 = tpu.memref_squeeze %dma_start3A_6 : memref<1x128x128xf32, #tpu.memory_space<vmem>> -> memref<128x128xf32, #tpu.memory_space<vmem>>
    %dma_start3A_8 = arith.constant 0 : i32
    %dma_start3A_9 = tpu.memref_slice %arg7[%dma_start3A, %dma_start3A_8] : memref<40x128xi32, #tpu.memory_space<vmem>> -> memref<1x128xi32, #tpu.memory_space<vmem>>
    %dma_start3A_10 = tpu.memref_squeeze %dma_start3A_9 : memref<1x128xi32, #tpu.memory_space<vmem>> -> memref<128xi32, #tpu.memory_space<vmem>>
    %dma_start3A_11 = arith.constant 0 : i32
    %dma_start3A_12 = arith.constant 0 : i32
    %dma_start3A_13 = tpu.memref_slice %arg2[%dma_start3A_11, %dma_start3A_12] : memref<10240x128xf32, #tpu.memory_space<hbm>> -> memref<10240x128xf32, #tpu.memory_space<hbm>>
    tpu.enqueue_indirect_dma source(%dma_start3A_13 : memref<10240x128xf32, #tpu.memory_space<hbm>>) target(%dma_start3A_7 : memref<128x128xf32, #tpu.memory_space<vmem>>) offsets(%dma_start3A_10 : memref<128xi32, #tpu.memory_space<vmem>>) semaphore(%arg11 : memref<!tpu.dma_semaphore, #tpu.memory_space<semaphore_mem>>)
    %scan3A = arith.constant 0 : i32
    %scan3A_14 = arith.constant 0 : i32
    %scan3A_15 = arith.constant 20 : i32
    %scan3A_16 = arith.addi %scan3A_14, %scan3A_15 : i32
    %scan3A_17 = arith.constant 1 : i32
    scf.for %scan3A_54 = %scan3A_14 to %scan3A_16 step %scan3A_17  : i32 {
      %mul3A_55 = arith.constant 2 : i32
      %mul3A_56 = arith.muli %scan3A_54, %mul3A_55 : i32
      %add3A_57 = arith.constant 1 : i32
      %add3A_58 = arith.addi %mul3A_56, %add3A_57 : i32
      %dma_start3A_59 = arith.constant 1 : i32
      %dma_start3A_60 = arith.constant 0 : i32
      %dma_start3A_61 = arith.constant 0 : i32
      %dma_start3A_62 = tpu.memref_slice %arg9[%dma_start3A_59, %dma_start3A_60, %dma_start3A_61] : memref<2x128x128xf32, #tpu.memory_space<vmem>> -> memref<1x128x128xf32, #tpu.memory_space<vmem>>
      %dma_start3A_63 = tpu.memref_squeeze %dma_start3A_62 : memref<1x128x128xf32, #tpu.memory_space<vmem>> -> memref<128x128xf32, #tpu.memory_space<vmem>>
      %dma_start3A_64 = arith.constant 0 : i32
      %dma_start3A_65 = tpu.memref_slice %arg7[%add3A_58, %dma_start3A_64] : memref<40x128xi32, #tpu.memory_space<vmem>> -> memref<1x128xi32, #tpu.memory_space<vmem>>
      %dma_start3A_66 = tpu.memref_squeeze %dma_start3A_65 : memref<1x128xi32, #tpu.memory_space<vmem>> -> memref<128xi32, #tpu.memory_space<vmem>>
      %dma_start3A_67 = arith.constant 0 : i32
      %dma_start3A_68 = arith.constant 0 : i32
      %dma_start3A_69 = tpu.memref_slice %arg2[%dma_start3A_67, %dma_start3A_68] : memref<10240x128xf32, #tpu.memory_space<hbm>> -> memref<10240x128xf32, #tpu.memory_space<hbm>>
      tpu.enqueue_indirect_dma source(%dma_start3A_69 : memref<10240x128xf32, #tpu.memory_space<hbm>>) target(%dma_start3A_63 : memref<128x128xf32, #tpu.memory_space<vmem>>) offsets(%dma_start3A_66 : memref<128xi32, #tpu.memory_space<vmem>>) semaphore(%arg12 : memref<!tpu.dma_semaphore, #tpu.memory_space<semaphore_mem>>)
      %dma_wait3A_70 = arith.constant 0 : i32
      %dma_wait3A_71 = arith.constant 0 : i32
      %dma_wait3A_72 = arith.constant 0 : i32
      %dma_wait3A_73 = tpu.memref_slice %arg9[%dma_wait3A_70, %dma_wait3A_71, %dma_wait3A_72] : memref<2x128x128xf32, #tpu.memory_space<vmem>> -> memref<1x128x128xf32, #tpu.memory_space<vmem>>
      %dma_wait3A_74 = tpu.memref_squeeze %dma_wait3A_73 : memref<1x128x128xf32, #tpu.memory_space<vmem>> -> memref<128x128xf32, #tpu.memory_space<vmem>>
      %dma_wait3A_75 = arith.constant 0 : i32
      %dma_wait3A_76 = tpu.memref_slice %arg7[%mul3A_56, %dma_wait3A_75] : memref<40x128xi32, #tpu.memory_space<vmem>> -> memref<1x128xi32, #tpu.memory_space<vmem>>
      %dma_wait3A_77 = tpu.memref_squeeze %dma_wait3A_76 : memref<1x128xi32, #tpu.memory_space<vmem>> -> memref<128xi32, #tpu.memory_space<vmem>>
      %dma_wait3A_78 = arith.constant 0 : i32
      %dma_wait3A_79 = arith.constant 0 : i32
      %dma_wait3A_80 = tpu.memref_slice %arg2[%dma_wait3A_78, %dma_wait3A_79] : memref<10240x128xf32, #tpu.memory_space<hbm>> -> memref<10240x128xf32, #tpu.memory_space<hbm>>
      tpu.wait_indirect_dma semaphore(%arg11 : memref<!tpu.dma_semaphore, #tpu.memory_space<semaphore_mem>>) src(%dma_wait3A_80 : memref<10240x128xf32, #tpu.memory_space<hbm>>) dst(%dma_wait3A_74 : memref<128x128xf32, #tpu.memory_space<vmem>>)
      %run_scoped3A_81 = arith.constant 0 : i32
      "tpu.region"() ({
        %run_scoped3A_102 = tpu.sem_alloc : memref<!tpu.dma_semaphore, #tpu.memory_space<semaphore_mem>>
        %dma_start3A_103 = arith.constant 0 : i32
        %dma_start3A_104 = arith.constant 0 : i32
        %dma_start3A_105 = tpu.memref_slice %arg9[%run_scoped3A_81, %dma_start3A_103, %dma_start3A_104] : memref<2x128x128xf32, #tpu.memory_space<vmem>> -> memref<1x128x128xf32, #tpu.memory_space<vmem>>
        %dma_start3A_106 = tpu.memref_squeeze %dma_start3A_105 : memref<1x128x128xf32, #tpu.memory_space<vmem>> -> memref<128x128xf32, #tpu.memory_space<vmem>>
        %dma_start3A_107 = arith.constant 0 : i32
        %dma_start3A_108 = tpu.memref_slice %arg8[%mul3A_56, %dma_start3A_107] : memref<40x128xi32, #tpu.memory_space<vmem>> -> memref<1x128xi32, #tpu.memory_space<vmem>>
        %dma_start3A_109 = tpu.memref_squeeze %dma_start3A_108 : memref<1x128xi32, #tpu.memory_space<vmem>> -> memref<128xi32, #tpu.memory_space<vmem>>
        %dma_start3A_110 = arith.constant 0 : i32
        %dma_start3A_111 = arith.constant 0 : i32
        %dma_start3A_112 = tpu.memref_slice %arg10[%dma_start3A_110, %dma_start3A_111] : memref<10240x128xf32, #tpu.memory_space<vmem_shared>> -> memref<10240x128xf32, #tpu.memory_space<vmem_shared>>
        tpu.enqueue_indirect_dma source(%dma_start3A_106 : memref<128x128xf32, #tpu.memory_space<vmem>>) target(%dma_start3A_112 : memref<10240x128xf32, #tpu.memory_space<vmem_shared>>) offsets(%dma_start3A_109 : memref<128xi32, #tpu.memory_space<vmem>>) semaphore(%run_scoped3A_102 : memref<!tpu.dma_semaphore, #tpu.memory_space<semaphore_mem>>) {add = true}
        %dma_wait3A_113 = arith.constant 0 : i32
        %dma_wait3A_114 = arith.constant 0 : i32
        %dma_wait3A_115 = tpu.memref_slice %arg9[%run_scoped3A_81, %dma_wait3A_113, %dma_wait3A_114] : memref<2x128x128xf32, #tpu.memory_space<vmem>> -> memref<1x128x128xf32, #tpu.memory_space<vmem>>
        %dma_wait3A_116 = tpu.memref_squeeze %dma_wait3A_115 : memref<1x128x128xf32, #tpu.memory_space<vmem>> -> memref<128x128xf32, #tpu.memory_space<vmem>>
        %dma_wait3A_117 = arith.constant 0 : i32
        %dma_wait3A_118 = tpu.memref_slice %arg8[%mul3A_56, %dma_wait3A_117] : memref<40x128xi32, #tpu.memory_space<vmem>> -> memref<1x128xi32, #tpu.memory_space<vmem>>
        %dma_wait3A_119 = tpu.memref_squeeze %dma_wait3A_118 : memref<1x128xi32, #tpu.memory_space<vmem>> -> memref<128xi32, #tpu.memory_space<vmem>>
        %dma_wait3A_120 = arith.constant 0 : i32
        %dma_wait3A_121 = arith.constant 0 : i32
        %dma_wait3A_122 = tpu.memref_slice %arg10[%dma_wait3A_120, %dma_wait3A_121] : memref<10240x128xf32, #tpu.memory_space<vmem_shared>> -> memref<10240x128xf32, #tpu.memory_space<vmem_shared>>
        tpu.wait_indirect_dma semaphore(%run_scoped3A_102 : memref<!tpu.dma_semaphore, #tpu.memory_space<semaphore_mem>>) src(%dma_wait3A_116 : memref<128x128xf32, #tpu.memory_space<vmem>>) dst(%dma_wait3A_122 : memref<10240x128xf32, #tpu.memory_space<vmem_shared>>)
        tpu.yield
      }) : () -> ()
      %add3A_82 = arith.constant 2 : i32
      %add3A_83 = arith.addi %mul3A_56, %add3A_82 : i32
      %lt3A = arith.constant 40 : i32
      %lt3A_84 = arith.cmpi slt, %add3A_83, %lt3A : i32
      %convert_element_type3A = arith.extui %lt3A_84 : i1 to i32
      %cond3A = arith.constant 0 : i32
      %cond3A_85 = arith.cmpi ne, %convert_element_type3A, %cond3A : i32
      scf.if %cond3A_85 {
        %add3A_102 = arith.constant 2 : i32
        %add3A_103 = arith.addi %mul3A_56, %add3A_102 : i32
        %dma_start3A_104 = arith.constant 0 : i32
        %dma_start3A_105 = arith.constant 0 : i32
        %dma_start3A_106 = arith.constant 0 : i32
        %dma_start3A_107 = tpu.memref_slice %arg9[%dma_start3A_104, %dma_start3A_105, %dma_start3A_106] : memref<2x128x128xf32, #tpu.memory_space<vmem>> -> memref<1x128x128xf32, #tpu.memory_space<vmem>>
        %dma_start3A_108 = tpu.memref_squeeze %dma_start3A_107 : memref<1x128x128xf32, #tpu.memory_space<vmem>> -> memref<128x128xf32, #tpu.memory_space<vmem>>
        %dma_start3A_109 = arith.constant 0 : i32
        %dma_start3A_110 = tpu.memref_slice %arg7[%add3A_103, %dma_start3A_109] : memref<40x128xi32, #tpu.memory_space<vmem>> -> memref<1x128xi32, #tpu.memory_space<vmem>>
        %dma_start3A_111 = tpu.memref_squeeze %dma_start3A_110 : memref<1x128xi32, #tpu.memory_space<vmem>> -> memref<128xi32, #tpu.memory_space<vmem>>
        %dma_start3A_112 = arith.constant 0 : i32
        %dma_start3A_113 = arith.constant 0 : i32
        %dma_start3A_114 = tpu.memref_slice %arg2[%dma_start3A_112, %dma_start3A_113] : memref<10240x128xf32, #tpu.memory_space<hbm>> -> memref<10240x128xf32, #tpu.memory_space<hbm>>
        tpu.enqueue_indirect_dma source(%dma_start3A_114 : memref<10240x128xf32, #tpu.memory_space<hbm>>) target(%dma_start3A_108 : memref<128x128xf32, #tpu.memory_space<vmem>>) offsets(%dma_start3A_111 : memref<128xi32, #tpu.memory_space<vmem>>) semaphore(%arg11 : memref<!tpu.dma_semaphore, #tpu.memory_space<semaphore_mem>>)
      } else {
      }
      %add3A_86 = arith.constant 1 : i32
      %add3A_87 = arith.addi %mul3A_56, %add3A_86 : i32
      %dma_wait3A_88 = arith.constant 1 : i32
      %dma_wait3A_89 = arith.constant 0 : i32
      %dma_wait3A_90 = arith.constant 0 : i32
      %dma_wait3A_91 = tpu.memref_slice %arg9[%dma_wait3A_88, %dma_wait3A_89, %dma_wait3A_90] : memref<2x128x128xf32, #tpu.memory_space<vmem>> -> memref<1x128x128xf32, #tpu.memory_space<vmem>>
      %dma_wait3A_92 = tpu.memref_squeeze %dma_wait3A_91 : memref<1x128x128xf32, #tpu.memory_space<vmem>> -> memref<128x128xf32, #tpu.memory_space<vmem>>
      %dma_wait3A_93 = arith.constant 0 : i32
      %dma_wait3A_94 = tpu.memref_slice %arg7[%add3A_87, %dma_wait3A_93] : memref<40x128xi32, #tpu.memory_space<vmem>> -> memref<1x128xi32, #tpu.memory_space<vmem>>
      %dma_wait3A_95 = tpu.memref_squeeze %dma_wait3A_94 : memref<1x128xi32, #tpu.memory_space<vmem>> -> memref<128xi32, #tpu.memory_space<vmem>>
      %dma_wait3A_96 = arith.constant 0 : i32
      %dma_wait3A_97 = arith.constant 0 : i32
      %dma_wait3A_98 = tpu.memref_slice %arg2[%dma_wait3A_96, %dma_wait3A_97] : memref<10240x128xf32, #tpu.memory_space<hbm>> -> memref<10240x128xf32, #tpu.memory_space<hbm>>
      tpu.wait_indirect_dma semaphore(%arg12 : memref<!tpu.dma_semaphore, #tpu.memory_space<semaphore_mem>>) src(%dma_wait3A_98 : memref<10240x128xf32, #tpu.memory_space<hbm>>) dst(%dma_wait3A_92 : memref<128x128xf32, #tpu.memory_space<vmem>>)
      %add3A_99 = arith.constant 1 : i32
      %add3A_100 = arith.addi %mul3A_56, %add3A_99 : i32
      %run_scoped3A_101 = arith.constant 1 : i32
      "tpu.region"() ({
        %run_scoped3A_102 = tpu.sem_alloc : memref<!tpu.dma_semaphore, #tpu.memory_space<semaphore_mem>>
        %dma_start3A_103 = arith.constant 0 : i32
        %dma_start3A_104 = arith.constant 0 : i32
        %dma_start3A_105 = tpu.memref_slice %arg9[%run_scoped3A_101, %dma_start3A_103, %dma_start3A_104] : memref<2x128x128xf32, #tpu.memory_space<vmem>> -> memref<1x128x128xf32, #tpu.memory_space<vmem>>
        %dma_start3A_106 = tpu.memref_squeeze %dma_start3A_105 : memref<1x128x128xf32, #tpu.memory_space<vmem>> -> memref<128x128xf32, #tpu.memory_space<vmem>>
        %dma_start3A_107 = arith.constant 0 : i32
        %dma_start3A_108 = tpu.memref_slice %arg8[%add3A_100, %dma_start3A_107] : memref<40x128xi32, #tpu.memory_space<vmem>> -> memref<1x128xi32, #tpu.memory_space<vmem>>
        %dma_start3A_109 = tpu.memref_squeeze %dma_start3A_108 : memref<1x128xi32, #tpu.memory_space<vmem>> -> memref<128xi32, #tpu.memory_space<vmem>>
        %dma_start3A_110 = arith.constant 0 : i32
        %dma_start3A_111 = arith.constant 0 : i32
        %dma_start3A_112 = tpu.memref_slice %arg10[%dma_start3A_110, %dma_start3A_111] : memref<10240x128xf32, #tpu.memory_space<vmem_shared>> -> memref<10240x128xf32, #tpu.memory_space<vmem_shared>>
        tpu.enqueue_indirect_dma source(%dma_start3A_106 : memref<128x128xf32, #tpu.memory_space<vmem>>) target(%dma_start3A_112 : memref<10240x128xf32, #tpu.memory_space<vmem_shared>>) offsets(%dma_start3A_109 : memref<128xi32, #tpu.memory_space<vmem>>) semaphore(%run_scoped3A_102 : memref<!tpu.dma_semaphore, #tpu.memory_space<semaphore_mem>>) {add = true}
        %dma_wait3A_113 = arith.constant 0 : i32
        %dma_wait3A_114 = arith.constant 0 : i32
        %dma_wait3A_115 = tpu.memref_slice %arg9[%run_scoped3A_101, %dma_wait3A_113, %dma_wait3A_114] : memref<2x128x128xf32, #tpu.memory_space<vmem>> -> memref<1x128x128xf32, #tpu.memory_space<vmem>>
        %dma_wait3A_116 = tpu.memref_squeeze %dma_wait3A_115 : memref<1x128x128xf32, #tpu.memory_space<vmem>> -> memref<128x128xf32, #tpu.memory_space<vmem>>
        %dma_wait3A_117 = arith.constant 0 : i32
        %dma_wait3A_118 = tpu.memref_slice %arg8[%add3A_100, %dma_wait3A_117] : memref<40x128xi32, #tpu.memory_space<vmem>> -> memref<1x128xi32, #tpu.memory_space<vmem>>
        %dma_wait3A_119 = tpu.memref_squeeze %dma_wait3A_118 : memref<1x128xi32, #tpu.memory_space<vmem>> -> memref<128xi32, #tpu.memory_space<vmem>>
        %dma_wait3A_120 = arith.constant 0 : i32
        %dma_wait3A_121 = arith.constant 0 : i32
        %dma_wait3A_122 = tpu.memref_slice %arg10[%dma_wait3A_120, %dma_wait3A_121] : memref<10240x128xf32, #tpu.memory_space<vmem_shared>> -> memref<10240x128xf32, #tpu.memory_space<vmem_shared>>
        tpu.wait_indirect_dma semaphore(%run_scoped3A_102 : memref<!tpu.dma_semaphore, #tpu.memory_space<semaphore_mem>>) src(%dma_wait3A_116 : memref<128x128xf32, #tpu.memory_space<vmem>>) dst(%dma_wait3A_122 : memref<10240x128xf32, #tpu.memory_space<vmem_shared>>)
        tpu.yield
      }) : () -> ()
    }
    %scan3A_18 = arith.constant 20 : i32
    "tpu.region"() ({
      %run_scoped3A_54 = tpu.sem_alloc : memref<!tpu.dma_semaphore, #tpu.memory_space<semaphore_mem>>
      %dma_start3A_55 = arith.constant 0 : i32
      %dma_start3A_56 = arith.constant 0 : i32
      %dma_start3A_57 = tpu.memref_slice %arg7[%dma_start3A_55, %dma_start3A_56] : memref<40x128xi32, #tpu.memory_space<vmem>> -> memref<39x128xi32, #tpu.memory_space<vmem>>
      %dma_start3A_58 = arith.constant 40 : i32
      %dma_start3A_59 = arith.constant 0 : i32
      %dma_start3A_60 = tpu.memref_slice %arg3[%add3A, %dma_start3A_58, %dma_start3A_59] : memref<32x79x128xi32, #tpu.memory_space<hbm>> -> memref<1x39x128xi32, #tpu.memory_space<hbm>>
      %dma_start3A_61 = tpu.memref_squeeze %dma_start3A_60 : memref<1x39x128xi32, #tpu.memory_space<hbm>> -> memref<39x128xi32, #tpu.memory_space<hbm>>
      %dma_start3A_62 = arith.constant 0 : i32
      %dma_start3A_63 = arith.constant 0 : i32
      %dma_start3A_64 = tpu.memref_slice %arg7[%dma_start3A_62, %dma_start3A_63] : memref<40x128xi32, #tpu.memory_space<vmem>> -> memref<39x128xi32, #tpu.memory_space<vmem>>
      %dma_start3A_65 = arith.constant 40 : i32
      %dma_start3A_66 = arith.constant 0 : i32
      %dma_start3A_67 = tpu.memref_slice %arg3[%add3A, %dma_start3A_65, %dma_start3A_66] : memref<32x79x128xi32, #tpu.memory_space<hbm>> -> memref<1x39x128xi32, #tpu.memory_space<hbm>>
      %dma_start3A_68 = tpu.memref_squeeze %dma_start3A_67 : memref<1x39x128xi32, #tpu.memory_space<hbm>> -> memref<39x128xi32, #tpu.memory_space<hbm>>
      tpu.enqueue_dma source(%dma_start3A_68 : memref<39x128xi32, #tpu.memory_space<hbm>>) target(%dma_start3A_64 : memref<39x128xi32, #tpu.memory_space<vmem>>) target_semaphore(%run_scoped3A_54 : memref<!tpu.dma_semaphore, #tpu.memory_space<semaphore_mem>>)
      %dma_wait3A_69 = arith.constant 0 : i32
      %dma_wait3A_70 = arith.constant 0 : i32
      %dma_wait3A_71 = tpu.memref_slice %arg7[%dma_wait3A_69, %dma_wait3A_70] : memref<40x128xi32, #tpu.memory_space<vmem>> -> memref<39x128xi32, #tpu.memory_space<vmem>>
      %dma_wait3A_72 = arith.constant 40 : i32
      %dma_wait3A_73 = arith.constant 0 : i32
      %dma_wait3A_74 = tpu.memref_slice %arg3[%add3A, %dma_wait3A_72, %dma_wait3A_73] : memref<32x79x128xi32, #tpu.memory_space<hbm>> -> memref<1x39x128xi32, #tpu.memory_space<hbm>>
      %dma_wait3A_75 = tpu.memref_squeeze %dma_wait3A_74 : memref<1x39x128xi32, #tpu.memory_space<hbm>> -> memref<39x128xi32, #tpu.memory_space<hbm>>
      %dma_wait3A_76 = arith.constant 0 : i32
      %dma_wait3A_77 = arith.constant 0 : i32
      %dma_wait3A_78 = tpu.memref_slice %arg7[%dma_wait3A_76, %dma_wait3A_77] : memref<40x128xi32, #tpu.memory_space<vmem>> -> memref<39x128xi32, #tpu.memory_space<vmem>>
      %dma_wait3A_79 = arith.constant 40 : i32
      %dma_wait3A_80 = arith.constant 0 : i32
      %dma_wait3A_81 = tpu.memref_slice %arg3[%add3A, %dma_wait3A_79, %dma_wait3A_80] : memref<32x79x128xi32, #tpu.memory_space<hbm>> -> memref<1x39x128xi32, #tpu.memory_space<hbm>>
      %dma_wait3A_82 = tpu.memref_squeeze %dma_wait3A_81 : memref<1x39x128xi32, #tpu.memory_space<hbm>> -> memref<39x128xi32, #tpu.memory_space<hbm>>
      tpu.wait_dma2 semaphore(%run_scoped3A_54 : memref<!tpu.dma_semaphore, #tpu.memory_space<semaphore_mem>>) src(%dma_wait3A_82 : memref<39x128xi32, #tpu.memory_space<hbm>>) dst(%dma_wait3A_78 : memref<39x128xi32, #tpu.memory_space<vmem>>)
      tpu.yield
    }) : () -> ()
    "tpu.region"() ({
      %run_scoped3A_54 = tpu.sem_alloc : memref<!tpu.dma_semaphore, #tpu.memory_space<semaphore_mem>>
      %dma_start3A_55 = arith.constant 0 : i32
      %dma_start3A_56 = arith.constant 0 : i32
      %dma_start3A_57 = tpu.memref_slice %arg8[%dma_start3A_55, %dma_start3A_56] : memref<40x128xi32, #tpu.memory_space<vmem>> -> memref<39x128xi32, #tpu.memory_space<vmem>>
      %dma_start3A_58 = arith.constant 40 : i32
      %dma_start3A_59 = arith.constant 0 : i32
      %dma_start3A_60 = tpu.memref_slice %arg4[%add3A, %dma_start3A_58, %dma_start3A_59] : memref<32x79x128xi32, #tpu.memory_space<hbm>> -> memref<1x39x128xi32, #tpu.memory_space<hbm>>
      %dma_start3A_61 = tpu.memref_squeeze %dma_start3A_60 : memref<1x39x128xi32, #tpu.memory_space<hbm>> -> memref<39x128xi32, #tpu.memory_space<hbm>>
      %dma_start3A_62 = arith.constant 0 : i32
      %dma_start3A_63 = arith.constant 0 : i32
      %dma_start3A_64 = tpu.memref_slice %arg8[%dma_start3A_62, %dma_start3A_63] : memref<40x128xi32, #tpu.memory_space<vmem>> -> memref<39x128xi32, #tpu.memory_space<vmem>>
      %dma_start3A_65 = arith.constant 40 : i32
      %dma_start3A_66 = arith.constant 0 : i32
      %dma_start3A_67 = tpu.memref_slice %arg4[%add3A, %dma_start3A_65, %dma_start3A_66] : memref<32x79x128xi32, #tpu.memory_space<hbm>> -> memref<1x39x128xi32, #tpu.memory_space<hbm>>
      %dma_start3A_68 = tpu.memref_squeeze %dma_start3A_67 : memref<1x39x128xi32, #tpu.memory_space<hbm>> -> memref<39x128xi32, #tpu.memory_space<hbm>>
      tpu.enqueue_dma source(%dma_start3A_68 : memref<39x128xi32, #tpu.memory_space<hbm>>) target(%dma_start3A_64 : memref<39x128xi32, #tpu.memory_space<vmem>>) target_semaphore(%run_scoped3A_54 : memref<!tpu.dma_semaphore, #tpu.memory_space<semaphore_mem>>)
      %dma_wait3A_69 = arith.constant 0 : i32
      %dma_wait3A_70 = arith.constant 0 : i32
      %dma_wait3A_71 = tpu.memref_slice %arg8[%dma_wait3A_69, %dma_wait3A_70] : memref<40x128xi32, #tpu.memory_space<vmem>> -> memref<39x128xi32, #tpu.memory_space<vmem>>
      %dma_wait3A_72 = arith.constant 40 : i32
      %dma_wait3A_73 = arith.constant 0 : i32
      %dma_wait3A_74 = tpu.memref_slice %arg4[%add3A, %dma_wait3A_72, %dma_wait3A_73] : memref<32x79x128xi32, #tpu.memory_space<hbm>> -> memref<1x39x128xi32, #tpu.memory_space<hbm>>
      %dma_wait3A_75 = tpu.memref_squeeze %dma_wait3A_74 : memref<1x39x128xi32, #tpu.memory_space<hbm>> -> memref<39x128xi32, #tpu.memory_space<hbm>>
      %dma_wait3A_76 = arith.constant 0 : i32
      %dma_wait3A_77 = arith.constant 0 : i32
      %dma_wait3A_78 = tpu.memref_slice %arg8[%dma_wait3A_76, %dma_wait3A_77] : memref<40x128xi32, #tpu.memory_space<vmem>> -> memref<39x128xi32, #tpu.memory_space<vmem>>
      %dma_wait3A_79 = arith.constant 40 : i32
      %dma_wait3A_80 = arith.constant 0 : i32
      %dma_wait3A_81 = tpu.memref_slice %arg4[%add3A, %dma_wait3A_79, %dma_wait3A_80] : memref<32x79x128xi32, #tpu.memory_space<hbm>> -> memref<1x39x128xi32, #tpu.memory_space<hbm>>
      %dma_wait3A_82 = tpu.memref_squeeze %dma_wait3A_81 : memref<1x39x128xi32, #tpu.memory_space<hbm>> -> memref<39x128xi32, #tpu.memory_space<hbm>>
      tpu.wait_dma2 semaphore(%run_scoped3A_54 : memref<!tpu.dma_semaphore, #tpu.memory_space<semaphore_mem>>) src(%dma_wait3A_82 : memref<39x128xi32, #tpu.memory_space<hbm>>) dst(%dma_wait3A_78 : memref<39x128xi32, #tpu.memory_space<vmem>>)
      tpu.yield
    }) : () -> ()
    %dma_start3A_19 = arith.constant 0 : i32
    %dma_start3A_20 = arith.constant 0 : i32
    %dma_start3A_21 = arith.constant 0 : i32
    %dma_start3A_22 = arith.constant 0 : i32
    %dma_start3A_23 = tpu.memref_slice %arg9[%dma_start3A_20, %dma_start3A_21, %dma_start3A_22] : memref<2x128x128xf32, #tpu.memory_space<vmem>> -> memref<1x128x128xf32, #tpu.memory_space<vmem>>
    %dma_start3A_24 = tpu.memref_squeeze %dma_start3A_23 : memref<1x128x128xf32, #tpu.memory_space<vmem>> -> memref<128x128xf32, #tpu.memory_space<vmem>>
    %dma_start3A_25 = arith.constant 0 : i32
    %dma_start3A_26 = tpu.memref_slice %arg7[%dma_start3A_19, %dma_start3A_25] : memref<40x128xi32, #tpu.memory_space<vmem>> -> memref<1x128xi32, #tpu.memory_space<vmem>>
    %dma_start3A_27 = tpu.memref_squeeze %dma_start3A_26 : memref<1x128xi32, #tpu.memory_space<vmem>> -> memref<128xi32, #tpu.memory_space<vmem>>
    %dma_start3A_28 = arith.constant 0 : i32
    %dma_start3A_29 = arith.constant 0 : i32
    %dma_start3A_30 = tpu.memref_slice %arg2[%dma_start3A_28, %dma_start3A_29] : memref<10240x128xf32, #tpu.memory_space<hbm>> -> memref<10240x128xf32, #tpu.memory_space<hbm>>
    tpu.enqueue_indirect_dma source(%dma_start3A_30 : memref<10240x128xf32, #tpu.memory_space<hbm>>) target(%dma_start3A_24 : memref<128x128xf32, #tpu.memory_space<vmem>>) offsets(%dma_start3A_27 : memref<128xi32, #tpu.memory_space<vmem>>) semaphore(%arg11 : memref<!tpu.dma_semaphore, #tpu.memory_space<semaphore_mem>>)
    %scan3A_31 = arith.constant 0 : i32
    %scan3A_32 = arith.constant 0 : i32
    %scan3A_33 = arith.constant 19 : i32
    %scan3A_34 = arith.addi %scan3A_32, %scan3A_33 : i32
    %scan3A_35 = arith.constant 1 : i32
    scf.for %scan3A_54 = %scan3A_32 to %scan3A_34 step %scan3A_35  : i32 {
      %mul3A_55 = arith.constant 2 : i32
      %mul3A_56 = arith.muli %scan3A_54, %mul3A_55 : i32
      %add3A_57 = arith.constant 1 : i32
      %add3A_58 = arith.addi %mul3A_56, %add3A_57 : i32
      %dma_start3A_59 = arith.constant 1 : i32
      %dma_start3A_60 = arith.constant 0 : i32
      %dma_start3A_61 = arith.constant 0 : i32
      %dma_start3A_62 = tpu.memref_slice %arg9[%dma_start3A_59, %dma_start3A_60, %dma_start3A_61] : memref<2x128x128xf32, #tpu.memory_space<vmem>> -> memref<1x128x128xf32, #tpu.memory_space<vmem>>
      %dma_start3A_63 = tpu.memref_squeeze %dma_start3A_62 : memref<1x128x128xf32, #tpu.memory_space<vmem>> -> memref<128x128xf32, #tpu.memory_space<vmem>>
      %dma_start3A_64 = arith.constant 0 : i32
      %dma_start3A_65 = tpu.memref_slice %arg7[%add3A_58, %dma_start3A_64] : memref<40x128xi32, #tpu.memory_space<vmem>> -> memref<1x128xi32, #tpu.memory_space<vmem>>
      %dma_start3A_66 = tpu.memref_squeeze %dma_start3A_65 : memref<1x128xi32, #tpu.memory_space<vmem>> -> memref<128xi32, #tpu.memory_space<vmem>>
      %dma_start3A_67 = arith.constant 0 : i32
      %dma_start3A_68 = arith.constant 0 : i32
      %dma_start3A_69 = tpu.memref_slice %arg2[%dma_start3A_67, %dma_start3A_68] : memref<10240x128xf32, #tpu.memory_space<hbm>> -> memref<10240x128xf32, #tpu.memory_space<hbm>>
      tpu.enqueue_indirect_dma source(%dma_start3A_69 : memref<10240x128xf32, #tpu.memory_space<hbm>>) target(%dma_start3A_63 : memref<128x128xf32, #tpu.memory_space<vmem>>) offsets(%dma_start3A_66 : memref<128xi32, #tpu.memory_space<vmem>>) semaphore(%arg12 : memref<!tpu.dma_semaphore, #tpu.memory_space<semaphore_mem>>)
      %dma_wait3A_70 = arith.constant 0 : i32
      %dma_wait3A_71 = arith.constant 0 : i32
      %dma_wait3A_72 = arith.constant 0 : i32
      %dma_wait3A_73 = tpu.memref_slice %arg9[%dma_wait3A_70, %dma_wait3A_71, %dma_wait3A_72] : memref<2x128x128xf32, #tpu.memory_space<vmem>> -> memref<1x128x128xf32, #tpu.memory_space<vmem>>
      %dma_wait3A_74 = tpu.memref_squeeze %dma_wait3A_73 : memref<1x128x128xf32, #tpu.memory_space<vmem>> -> memref<128x128xf32, #tpu.memory_space<vmem>>
      %dma_wait3A_75 = arith.constant 0 : i32
      %dma_wait3A_76 = tpu.memref_slice %arg7[%mul3A_56, %dma_wait3A_75] : memref<40x128xi32, #tpu.memory_space<vmem>> -> memref<1x128xi32, #tpu.memory_space<vmem>>
      %dma_wait3A_77 = tpu.memref_squeeze %dma_wait3A_76 : memref<1x128xi32, #tpu.memory_space<vmem>> -> memref<128xi32, #tpu.memory_space<vmem>>
      %dma_wait3A_78 = arith.constant 0 : i32
      %dma_wait3A_79 = arith.constant 0 : i32
      %dma_wait3A_80 = tpu.memref_slice %arg2[%dma_wait3A_78, %dma_wait3A_79] : memref<10240x128xf32, #tpu.memory_space<hbm>> -> memref<10240x128xf32, #tpu.memory_space<hbm>>
      tpu.wait_indirect_dma semaphore(%arg11 : memref<!tpu.dma_semaphore, #tpu.memory_space<semaphore_mem>>) src(%dma_wait3A_80 : memref<10240x128xf32, #tpu.memory_space<hbm>>) dst(%dma_wait3A_74 : memref<128x128xf32, #tpu.memory_space<vmem>>)
      %run_scoped3A_81 = arith.constant 0 : i32
      "tpu.region"() ({
        %run_scoped3A_102 = tpu.sem_alloc : memref<!tpu.dma_semaphore, #tpu.memory_space<semaphore_mem>>
        %dma_start3A_103 = arith.constant 0 : i32
        %dma_start3A_104 = arith.constant 0 : i32
        %dma_start3A_105 = tpu.memref_slice %arg9[%run_scoped3A_81, %dma_start3A_103, %dma_start3A_104] : memref<2x128x128xf32, #tpu.memory_space<vmem>> -> memref<1x128x128xf32, #tpu.memory_space<vmem>>
        %dma_start3A_106 = tpu.memref_squeeze %dma_start3A_105 : memref<1x128x128xf32, #tpu.memory_space<vmem>> -> memref<128x128xf32, #tpu.memory_space<vmem>>
        %dma_start3A_107 = arith.constant 0 : i32
        %dma_start3A_108 = tpu.memref_slice %arg8[%mul3A_56, %dma_start3A_107] : memref<40x128xi32, #tpu.memory_space<vmem>> -> memref<1x128xi32, #tpu.memory_space<vmem>>
        %dma_start3A_109 = tpu.memref_squeeze %dma_start3A_108 : memref<1x128xi32, #tpu.memory_space<vmem>> -> memref<128xi32, #tpu.memory_space<vmem>>
        %dma_start3A_110 = arith.constant 0 : i32
        %dma_start3A_111 = arith.constant 0 : i32
        %dma_start3A_112 = tpu.memref_slice %arg10[%dma_start3A_110, %dma_start3A_111] : memref<10240x128xf32, #tpu.memory_space<vmem_shared>> -> memref<10240x128xf32, #tpu.memory_space<vmem_shared>>
        tpu.enqueue_indirect_dma source(%dma_start3A_106 : memref<128x128xf32, #tpu.memory_space<vmem>>) target(%dma_start3A_112 : memref<10240x128xf32, #tpu.memory_space<vmem_shared>>) offsets(%dma_start3A_109 : memref<128xi32, #tpu.memory_space<vmem>>) semaphore(%run_scoped3A_102 : memref<!tpu.dma_semaphore, #tpu.memory_space<semaphore_mem>>) {add = true}
        %dma_wait3A_113 = arith.constant 0 : i32
        %dma_wait3A_114 = arith.constant 0 : i32
        %dma_wait3A_115 = tpu.memref_slice %arg9[%run_scoped3A_81, %dma_wait3A_113, %dma_wait3A_114] : memref<2x128x128xf32, #tpu.memory_space<vmem>> -> memref<1x128x128xf32, #tpu.memory_space<vmem>>
        %dma_wait3A_116 = tpu.memref_squeeze %dma_wait3A_115 : memref<1x128x128xf32, #tpu.memory_space<vmem>> -> memref<128x128xf32, #tpu.memory_space<vmem>>
        %dma_wait3A_117 = arith.constant 0 : i32
        %dma_wait3A_118 = tpu.memref_slice %arg8[%mul3A_56, %dma_wait3A_117] : memref<40x128xi32, #tpu.memory_space<vmem>> -> memref<1x128xi32, #tpu.memory_space<vmem>>
        %dma_wait3A_119 = tpu.memref_squeeze %dma_wait3A_118 : memref<1x128xi32, #tpu.memory_space<vmem>> -> memref<128xi32, #tpu.memory_space<vmem>>
        %dma_wait3A_120 = arith.constant 0 : i32
        %dma_wait3A_121 = arith.constant 0 : i32
        %dma_wait3A_122 = tpu.memref_slice %arg10[%dma_wait3A_120, %dma_wait3A_121] : memref<10240x128xf32, #tpu.memory_space<vmem_shared>> -> memref<10240x128xf32, #tpu.memory_space<vmem_shared>>
        tpu.wait_indirect_dma semaphore(%run_scoped3A_102 : memref<!tpu.dma_semaphore, #tpu.memory_space<semaphore_mem>>) src(%dma_wait3A_116 : memref<128x128xf32, #tpu.memory_space<vmem>>) dst(%dma_wait3A_122 : memref<10240x128xf32, #tpu.memory_space<vmem_shared>>)
        tpu.yield
      }) : () -> ()
      %add3A_82 = arith.constant 2 : i32
      %add3A_83 = arith.addi %mul3A_56, %add3A_82 : i32
      %lt3A = arith.constant 39 : i32
      %lt3A_84 = arith.cmpi slt, %add3A_83, %lt3A : i32
      %convert_element_type3A = arith.extui %lt3A_84 : i1 to i32
      %cond3A = arith.constant 0 : i32
      %cond3A_85 = arith.cmpi ne, %convert_element_type3A, %cond3A : i32
      scf.if %cond3A_85 {
        %add3A_102 = arith.constant 2 : i32
        %add3A_103 = arith.addi %mul3A_56, %add3A_102 : i32
        %dma_start3A_104 = arith.constant 0 : i32
        %dma_start3A_105 = arith.constant 0 : i32
        %dma_start3A_106 = arith.constant 0 : i32
        %dma_start3A_107 = tpu.memref_slice %arg9[%dma_start3A_104, %dma_start3A_105, %dma_start3A_106] : memref<2x128x128xf32, #tpu.memory_space<vmem>> -> memref<1x128x128xf32, #tpu.memory_space<vmem>>
        %dma_start3A_108 = tpu.memref_squeeze %dma_start3A_107 : memref<1x128x128xf32, #tpu.memory_space<vmem>> -> memref<128x128xf32, #tpu.memory_space<vmem>>
        %dma_start3A_109 = arith.constant 0 : i32
        %dma_start3A_110 = tpu.memref_slice %arg7[%add3A_103, %dma_start3A_109] : memref<40x128xi32, #tpu.memory_space<vmem>> -> memref<1x128xi32, #tpu.memory_space<vmem>>
        %dma_start3A_111 = tpu.memref_squeeze %dma_start3A_110 : memref<1x128xi32, #tpu.memory_space<vmem>> -> memref<128xi32, #tpu.memory_space<vmem>>
        %dma_start3A_112 = arith.constant 0 : i32
        %dma_start3A_113 = arith.constant 0 : i32
        %dma_start3A_114 = tpu.memref_slice %arg2[%dma_start3A_112, %dma_start3A_113] : memref<10240x128xf32, #tpu.memory_space<hbm>> -> memref<10240x128xf32, #tpu.memory_space<hbm>>
        tpu.enqueue_indirect_dma source(%dma_start3A_114 : memref<10240x128xf32, #tpu.memory_space<hbm>>) target(%dma_start3A_108 : memref<128x128xf32, #tpu.memory_space<vmem>>) offsets(%dma_start3A_111 : memref<128xi32, #tpu.memory_space<vmem>>) semaphore(%arg11 : memref<!tpu.dma_semaphore, #tpu.memory_space<semaphore_mem>>)
      } else {
      }
      %add3A_86 = arith.constant 1 : i32
      %add3A_87 = arith.addi %mul3A_56, %add3A_86 : i32
      %dma_wait3A_88 = arith.constant 1 : i32
      %dma_wait3A_89 = arith.constant 0 : i32
      %dma_wait3A_90 = arith.constant 0 : i32
      %dma_wait3A_91 = tpu.memref_slice %arg9[%dma_wait3A_88, %dma_wait3A_89, %dma_wait3A_90] : memref<2x128x128xf32, #tpu.memory_space<vmem>> -> memref<1x128x128xf32, #tpu.memory_space<vmem>>
      %dma_wait3A_92 = tpu.memref_squeeze %dma_wait3A_91 : memref<1x128x128xf32, #tpu.memory_space<vmem>> -> memref<128x128xf32, #tpu.memory_space<vmem>>
      %dma_wait3A_93 = arith.constant 0 : i32
      %dma_wait3A_94 = tpu.memref_slice %arg7[%add3A_87, %dma_wait3A_93] : memref<40x128xi32, #tpu.memory_space<vmem>> -> memref<1x128xi32, #tpu.memory_space<vmem>>
      %dma_wait3A_95 = tpu.memref_squeeze %dma_wait3A_94 : memref<1x128xi32, #tpu.memory_space<vmem>> -> memref<128xi32, #tpu.memory_space<vmem>>
      %dma_wait3A_96 = arith.constant 0 : i32
      %dma_wait3A_97 = arith.constant 0 : i32
      %dma_wait3A_98 = tpu.memref_slice %arg2[%dma_wait3A_96, %dma_wait3A_97] : memref<10240x128xf32, #tpu.memory_space<hbm>> -> memref<10240x128xf32, #tpu.memory_space<hbm>>
      tpu.wait_indirect_dma semaphore(%arg12 : memref<!tpu.dma_semaphore, #tpu.memory_space<semaphore_mem>>) src(%dma_wait3A_98 : memref<10240x128xf32, #tpu.memory_space<hbm>>) dst(%dma_wait3A_92 : memref<128x128xf32, #tpu.memory_space<vmem>>)
      %add3A_99 = arith.constant 1 : i32
      %add3A_100 = arith.addi %mul3A_56, %add3A_99 : i32
      %run_scoped3A_101 = arith.constant 1 : i32
      "tpu.region"() ({
        %run_scoped3A_102 = tpu.sem_alloc : memref<!tpu.dma_semaphore, #tpu.memory_space<semaphore_mem>>
        %dma_start3A_103 = arith.constant 0 : i32
        %dma_start3A_104 = arith.constant 0 : i32
        %dma_start3A_105 = tpu.memref_slice %arg9[%run_scoped3A_101, %dma_start3A_103, %dma_start3A_104] : memref<2x128x128xf32, #tpu.memory_space<vmem>> -> memref<1x128x128xf32, #tpu.memory_space<vmem>>
        %dma_start3A_106 = tpu.memref_squeeze %dma_start3A_105 : memref<1x128x128xf32, #tpu.memory_space<vmem>> -> memref<128x128xf32, #tpu.memory_space<vmem>>
        %dma_start3A_107 = arith.constant 0 : i32
        %dma_start3A_108 = tpu.memref_slice %arg8[%add3A_100, %dma_start3A_107] : memref<40x128xi32, #tpu.memory_space<vmem>> -> memref<1x128xi32, #tpu.memory_space<vmem>>
        %dma_start3A_109 = tpu.memref_squeeze %dma_start3A_108 : memref<1x128xi32, #tpu.memory_space<vmem>> -> memref<128xi32, #tpu.memory_space<vmem>>
        %dma_start3A_110 = arith.constant 0 : i32
        %dma_start3A_111 = arith.constant 0 : i32
        %dma_start3A_112 = tpu.memref_slice %arg10[%dma_start3A_110, %dma_start3A_111] : memref<10240x128xf32, #tpu.memory_space<vmem_shared>> -> memref<10240x128xf32, #tpu.memory_space<vmem_shared>>
        tpu.enqueue_indirect_dma source(%dma_start3A_106 : memref<128x128xf32, #tpu.memory_space<vmem>>) target(%dma_start3A_112 : memref<10240x128xf32, #tpu.memory_space<vmem_shared>>) offsets(%dma_start3A_109 : memref<128xi32, #tpu.memory_space<vmem>>) semaphore(%run_scoped3A_102 : memref<!tpu.dma_semaphore, #tpu.memory_space<semaphore_mem>>) {add = true}
        %dma_wait3A_113 = arith.constant 0 : i32
        %dma_wait3A_114 = arith.constant 0 : i32
        %dma_wait3A_115 = tpu.memref_slice %arg9[%run_scoped3A_101, %dma_wait3A_113, %dma_wait3A_114] : memref<2x128x128xf32, #tpu.memory_space<vmem>> -> memref<1x128x128xf32, #tpu.memory_space<vmem>>
        %dma_wait3A_116 = tpu.memref_squeeze %dma_wait3A_115 : memref<1x128x128xf32, #tpu.memory_space<vmem>> -> memref<128x128xf32, #tpu.memory_space<vmem>>
        %dma_wait3A_117 = arith.constant 0 : i32
        %dma_wait3A_118 = tpu.memref_slice %arg8[%add3A_100, %dma_wait3A_117] : memref<40x128xi32, #tpu.memory_space<vmem>> -> memref<1x128xi32, #tpu.memory_space<vmem>>
        %dma_wait3A_119 = tpu.memref_squeeze %dma_wait3A_118 : memref<1x128xi32, #tpu.memory_space<vmem>> -> memref<128xi32, #tpu.memory_space<vmem>>
        %dma_wait3A_120 = arith.constant 0 : i32
        %dma_wait3A_121 = arith.constant 0 : i32
        %dma_wait3A_122 = tpu.memref_slice %arg10[%dma_wait3A_120, %dma_wait3A_121] : memref<10240x128xf32, #tpu.memory_space<vmem_shared>> -> memref<10240x128xf32, #tpu.memory_space<vmem_shared>>
        tpu.wait_indirect_dma semaphore(%run_scoped3A_102 : memref<!tpu.dma_semaphore, #tpu.memory_space<semaphore_mem>>) src(%dma_wait3A_116 : memref<128x128xf32, #tpu.memory_space<vmem>>) dst(%dma_wait3A_122 : memref<10240x128xf32, #tpu.memory_space<vmem_shared>>)
        tpu.yield
      }) : () -> ()
    }
    %scan3A_36 = arith.constant 19 : i32
    %dma_wait3A = arith.constant 38 : i32
    %dma_wait3A_37 = arith.constant 0 : i32
    %dma_wait3A_38 = arith.constant 0 : i32
    %dma_wait3A_39 = arith.constant 0 : i32
    %dma_wait3A_40 = tpu.memref_slice %arg9[%dma_wait3A_37, %dma_wait3A_38, %dma_wait3A_39] : memref<2x128x128xf32, #tpu.memory_space<vmem>> -> memref<1x128x128xf32, #tpu.memory_space<vmem>>
    %dma_wait3A_41 = tpu.memref_squeeze %dma_wait3A_40 : memref<1x128x128xf32, #tpu.memory_space<vmem>> -> memref<128x128xf32, #tpu.memory_space<vmem>>
    %dma_wait3A_42 = arith.constant 0 : i32
    %dma_wait3A_43 = tpu.memref_slice %arg7[%dma_wait3A, %dma_wait3A_42] : memref<40x128xi32, #tpu.memory_space<vmem>> -> memref<1x128xi32, #tpu.memory_space<vmem>>
    %dma_wait3A_44 = tpu.memref_squeeze %dma_wait3A_43 : memref<1x128xi32, #tpu.memory_space<vmem>> -> memref<128xi32, #tpu.memory_space<vmem>>
    %dma_wait3A_45 = arith.constant 0 : i32
    %dma_wait3A_46 = arith.constant 0 : i32
    %dma_wait3A_47 = tpu.memref_slice %arg2[%dma_wait3A_45, %dma_wait3A_46] : memref<10240x128xf32, #tpu.memory_space<hbm>> -> memref<10240x128xf32, #tpu.memory_space<hbm>>
    tpu.wait_indirect_dma semaphore(%arg11 : memref<!tpu.dma_semaphore, #tpu.memory_space<semaphore_mem>>) src(%dma_wait3A_47 : memref<10240x128xf32, #tpu.memory_space<hbm>>) dst(%dma_wait3A_41 : memref<128x128xf32, #tpu.memory_space<vmem>>)
    %run_scoped3A = arith.constant 0 : i32
    %run_scoped3A_48 = arith.constant 38 : i32
    "tpu.region"() ({
      %run_scoped3A_54 = tpu.sem_alloc : memref<!tpu.dma_semaphore, #tpu.memory_space<semaphore_mem>>
      %dma_start3A_55 = arith.constant 0 : i32
      %dma_start3A_56 = arith.constant 0 : i32
      %dma_start3A_57 = tpu.memref_slice %arg9[%run_scoped3A, %dma_start3A_55, %dma_start3A_56] : memref<2x128x128xf32, #tpu.memory_space<vmem>> -> memref<1x128x128xf32, #tpu.memory_space<vmem>>
      %dma_start3A_58 = tpu.memref_squeeze %dma_start3A_57 : memref<1x128x128xf32, #tpu.memory_space<vmem>> -> memref<128x128xf32, #tpu.memory_space<vmem>>
      %dma_start3A_59 = arith.constant 0 : i32
      %dma_start3A_60 = tpu.memref_slice %arg8[%run_scoped3A_48, %dma_start3A_59] : memref<40x128xi32, #tpu.memory_space<vmem>> -> memref<1x128xi32, #tpu.memory_space<vmem>>
      %dma_start3A_61 = tpu.memref_squeeze %dma_start3A_60 : memref<1x128xi32, #tpu.memory_space<vmem>> -> memref<128xi32, #tpu.memory_space<vmem>>
      %dma_start3A_62 = arith.constant 0 : i32
      %dma_start3A_63 = arith.constant 0 : i32
      %dma_start3A_64 = tpu.memref_slice %arg10[%dma_start3A_62, %dma_start3A_63] : memref<10240x128xf32, #tpu.memory_space<vmem_shared>> -> memref<10240x128xf32, #tpu.memory_space<vmem_shared>>
      tpu.enqueue_indirect_dma source(%dma_start3A_58 : memref<128x128xf32, #tpu.memory_space<vmem>>) target(%dma_start3A_64 : memref<10240x128xf32, #tpu.memory_space<vmem_shared>>) offsets(%dma_start3A_61 : memref<128xi32, #tpu.memory_space<vmem>>) semaphore(%run_scoped3A_54 : memref<!tpu.dma_semaphore, #tpu.memory_space<semaphore_mem>>) {add = true}
      %dma_wait3A_65 = arith.constant 0 : i32
      %dma_wait3A_66 = arith.constant 0 : i32
      %dma_wait3A_67 = tpu.memref_slice %arg9[%run_scoped3A, %dma_wait3A_65, %dma_wait3A_66] : memref<2x128x128xf32, #tpu.memory_space<vmem>> -> memref<1x128x128xf32, #tpu.memory_space<vmem>>
      %dma_wait3A_68 = tpu.memref_squeeze %dma_wait3A_67 : memref<1x128x128xf32, #tpu.memory_space<vmem>> -> memref<128x128xf32, #tpu.memory_space<vmem>>
      %dma_wait3A_69 = arith.constant 0 : i32
      %dma_wait3A_70 = tpu.memref_slice %arg8[%run_scoped3A_48, %dma_wait3A_69] : memref<40x128xi32, #tpu.memory_space<vmem>> -> memref<1x128xi32, #tpu.memory_space<vmem>>
      %dma_wait3A_71 = tpu.memref_squeeze %dma_wait3A_70 : memref<1x128xi32, #tpu.memory_space<vmem>> -> memref<128xi32, #tpu.memory_space<vmem>>
      %dma_wait3A_72 = arith.constant 0 : i32
      %dma_wait3A_73 = arith.constant 0 : i32
      %dma_wait3A_74 = tpu.memref_slice %arg10[%dma_wait3A_72, %dma_wait3A_73] : memref<10240x128xf32, #tpu.memory_space<vmem_shared>> -> memref<10240x128xf32, #tpu.memory_space<vmem_shared>>
      tpu.wait_indirect_dma semaphore(%run_scoped3A_54 : memref<!tpu.dma_semaphore, #tpu.memory_space<semaphore_mem>>) src(%dma_wait3A_68 : memref<128x128xf32, #tpu.memory_space<vmem>>) dst(%dma_wait3A_74 : memref<10240x128xf32, #tpu.memory_space<vmem_shared>>)
      tpu.yield
    }) : () -> ()
    %barrier3A_49 = arith.constant 0 : index
    tpu.barrier barrier_id(%barrier3A_49)
    %mul3A_50 = arith.constant 640 : i32
    %mul3A_51 = arith.muli %arg1, %mul3A_50 : i32
    %mul3A_52 = arith.constant 640 : i32
    %mul3A_53 = arith.muli %arg1, %mul3A_52 : i32
    "tpu.region"() ({
      %run_scoped3A_54 = tpu.sem_alloc : memref<!tpu.dma_semaphore, #tpu.memory_space<semaphore_mem>>
      %dma_start3A_55 = arith.constant 0 : i32
      %dma_start3A_56 = tpu.memref_slice %arg6[%arg0, %mul3A_53, %dma_start3A_55] : memref<2x10240x128xf32, #tpu.memory_space<hbm>> -> memref<1x640x128xf32, #tpu.memory_space<hbm>>
      %dma_start3A_57 = tpu.memref_squeeze %dma_start3A_56 : memref<1x640x128xf32, #tpu.memory_space<hbm>> -> memref<640x128xf32, #tpu.memory_space<hbm>>
      %dma_start3A_58 = arith.constant 0 : i32
      %dma_start3A_59 = tpu.memref_slice %arg10[%mul3A_51, %dma_start3A_58] : memref<10240x128xf32, #tpu.memory_space<vmem_shared>> -> memref<640x128xf32, #tpu.memory_space<vmem_shared>>
      tpu.enqueue_dma source(%dma_start3A_59 : memref<640x128xf32, #tpu.memory_space<vmem_shared>>) target(%dma_start3A_57 : memref<640x128xf32, #tpu.memory_space<hbm>>) target_semaphore(%run_scoped3A_54 : memref<!tpu.dma_semaphore, #tpu.memory_space<semaphore_mem>>)
      %dma_wait3A_60 = arith.constant 0 : i32
      %dma_wait3A_61 = tpu.memref_slice %arg6[%arg0, %mul3A_53, %dma_wait3A_60] : memref<2x10240x128xf32, #tpu.memory_space<hbm>> -> memref<1x640x128xf32, #tpu.memory_space<hbm>>
      %dma_wait3A_62 = tpu.memref_squeeze %dma_wait3A_61 : memref<1x640x128xf32, #tpu.memory_space<hbm>> -> memref<640x128xf32, #tpu.memory_space<hbm>>
      %dma_wait3A_63 = arith.constant 0 : i32
      %dma_wait3A_64 = tpu.memref_slice %arg10[%mul3A_51, %dma_wait3A_63] : memref<10240x128xf32, #tpu.memory_space<vmem_shared>> -> memref<640x128xf32, #tpu.memory_space<vmem_shared>>
      tpu.wait_dma2 semaphore(%run_scoped3A_54 : memref<!tpu.dma_semaphore, #tpu.memory_space<semaphore_mem>>) src(%dma_wait3A_64 : memref<640x128xf32, #tpu.memory_space<vmem_shared>>) dst(%dma_wait3A_62 : memref<640x128xf32, #tpu.memory_space<hbm>>)
      tpu.yield
    }) : () -> ()
    return
  }
}

module attributes {stable_mosaic.version = 14 : i64} {
  func.func @_t0_body(%arg0: memref<2x10240x128xf32, #tpu.memory_space<vmem>>, %arg1: memref<10240x128xf32, #tpu.memory_space<vmem>>, %arg2: memref<128x128xf32, #tpu.memory_space<vmem>>, %arg3: memref<10240x1xf32, #tpu.memory_space<vmem>>, %arg4: memref<10240x128xf32, #tpu.memory_space<vmem>>) attributes {dimension_semantics = [], scalar_prefetch = 0 : i64, scratch_operands = 0 : i64, tpu.core_type = #tpu.core_type<tc>} {
    %get3A = arith.constant 0 : index
    %get3A_0 = arith.constant 0 : index
    %get3A_1 = arith.constant 0 : index
    %get3A_2 = vector.load %arg0[%get3A, %get3A_0, %get3A_1] : memref<2x10240x128xf32, #tpu.memory_space<vmem>>, vector<1x10240x1xf32>
    %get3A_3 = vector.shape_cast %get3A_2 : vector<1x10240x1xf32> to vector<10240x1xf32>
    %get3A_4 = arith.constant 1 : index
    %get3A_5 = arith.constant 0 : index
    %get3A_6 = arith.constant 0 : index
    %get3A_7 = vector.load %arg0[%get3A_4, %get3A_5, %get3A_6] : memref<2x10240x128xf32, #tpu.memory_space<vmem>>, vector<1x10240x1xf32>
    %get3A_8 = vector.shape_cast %get3A_7 : vector<1x10240x1xf32> to vector<10240x1xf32>
    %add3A = arith.addf %get3A_3, %get3A_8 : vector<10240x1xf32>
    %add3A_9 = arith.constant 1.000000e+00 : f32
    %add3A_10 = vector.broadcast %add3A_9 : f32 to vector<10240x1xf32>
    %add3A_11 = arith.addf %add3A, %add3A_10 : vector<10240x1xf32>
    %iota3A = tpu.iota {dimensions = array<i32: 0>} : vector<10240x1xi32>
    %lt3A = arith.constant 10000 : i32
    %lt3A_12 = vector.broadcast %lt3A : i32 to vector<10240x1xi32>
    %lt3A_13 = arith.cmpi slt, %iota3A, %lt3A_12 : vector<10240x1xi32>
    %rsqrt3A = math.rsqrt %add3A_11 : vector<10240x1xf32>
    %jit3A = arith.constant 0.000000e+00 : f32
    %broadcast_in_dim3A = vector.broadcast %jit3A : f32 to vector<10240x1xf32>
    %select_n3A = arith.select %lt3A_13, %rsqrt3A, %broadcast_in_dim3A : vector<10240x1xi1>, vector<10240x1xf32>
    %swap3A = arith.constant 0 : index
    %swap3A_14 = arith.constant 0 : index
    %swap3A_15 = vector.load %arg3[%swap3A, %swap3A_14] : memref<10240x1xf32, #tpu.memory_space<vmem>>, vector<10240x1xf32>
    tpu.vector_store %arg3[%swap3A, %swap3A_14], %select_n3A {strides = array<i32>} : memref<10240x1xf32, #tpu.memory_space<vmem>>, vector<10240x1xf32>,
    %get3A_16 = arith.constant 0 : index
    %get3A_17 = arith.constant 0 : index
    %get3A_18 = vector.load %arg1[%get3A_16, %get3A_17] : memref<10240x128xf32, #tpu.memory_space<vmem>>, vector<10240x128xf32>
    %get3A_19 = arith.constant 0 : index
    %get3A_20 = arith.constant 0 : index
    %get3A_21 = vector.load %arg2[%get3A_19, %get3A_20] : memref<128x128xf32, #tpu.memory_space<vmem>>, vector<128x128xf32>
    %dot_general3A = arith.constant dense<0.000000e+00> : vector<10240x128xf32>
    %dot_general3A_22 = tpu.matmul %get3A_18, %get3A_21, %dot_general3A {dimension_numbers = #tpu.dot_dimension_numbers<[1], [0], [0], [1], [0, 0, 1, 1], [], []>, transpose_lhs_hint = false} : vector<10240x128xf32>, vector<128x128xf32>, vector<10240x128xf32> -> vector<10240x128xf32>
    %mul3A = vector.broadcast %select_n3A : vector<10240x1xf32> to vector<10240x128xf32>
    %mul3A_23 = arith.mulf %mul3A, %dot_general3A_22 : vector<10240x128xf32>
    %swap3A_24 = arith.constant 0 : index
    %swap3A_25 = arith.constant 0 : index
    %swap3A_26 = vector.load %arg4[%swap3A_24, %swap3A_25] : memref<10240x128xf32, #tpu.memory_space<vmem>>, vector<10240x128xf32>
    tpu.vector_store %arg4[%swap3A_24, %swap3A_25], %mul3A_23 {strides = array<i32>} : memref<10240x128xf32, #tpu.memory_space<vmem>>, vector<10240x128xf32>,
    return
  }
}

module attributes {stable_mosaic.version = 14 : i64} {
  func.func @_t1_body(%arg0: memref<2x10240x128xf32, #tpu.memory_space<vmem>>, %arg1: memref<10240x128xf32, #tpu.memory_space<vmem>>, %arg2: memref<10240x1xf32, #tpu.memory_space<vmem>>, %arg3: memref<1x128xf32, #tpu.memory_space<vmem>>, %arg4: memref<128x128xf32, #tpu.memory_space<vmem>>, %arg5: memref<10240x128xf32, #tpu.memory_space<vmem>>, %arg6: memref<10240x128xf32, #tpu.memory_space<vmem>>) attributes {dimension_semantics = [], scalar_prefetch = 0 : i64, scratch_operands = 0 : i64, tpu.core_type = #tpu.core_type<tc>} {
    %get3A = arith.constant 0 : index
    %get3A_0 = arith.constant 0 : index
    %get3A_1 = vector.load %arg2[%get3A, %get3A_0] : memref<10240x1xf32, #tpu.memory_space<vmem>>, vector<10240x1xf32>
    %gt3A = arith.constant 0.000000e+00 : f32
    %gt3A_2 = vector.broadcast %gt3A : f32 to vector<10240x1xf32>
    %gt3A_3 = arith.cmpf ogt, %get3A_1, %gt3A_2 : vector<10240x1xf32>
    %convert_element_type3A = arith.extui %gt3A_3 : vector<10240x1xi1> to vector<10240x1xi32>
    %convert_element_type3A_4 = arith.sitofp %convert_element_type3A : vector<10240x1xi32> to vector<10240x1xf32>
    %get3A_5 = arith.constant 0 : index
    %get3A_6 = arith.constant 0 : index
    %get3A_7 = arith.constant 0 : index
    %get3A_8 = vector.load %arg0[%get3A_5, %get3A_6, %get3A_7] : memref<2x10240x128xf32, #tpu.memory_space<vmem>>, vector<1x10240x128xf32>
    %get3A_9 = vector.shape_cast %get3A_8 : vector<1x10240x128xf32> to vector<10240x128xf32>
    %get3A_10 = arith.constant 1 : index
    %get3A_11 = arith.constant 0 : index
    %get3A_12 = arith.constant 0 : index
    %get3A_13 = vector.load %arg0[%get3A_10, %get3A_11, %get3A_12] : memref<2x10240x128xf32, #tpu.memory_space<vmem>>, vector<1x10240x128xf32>
    %get3A_14 = vector.shape_cast %get3A_13 : vector<1x10240x128xf32> to vector<10240x128xf32>
    %add3A = arith.addf %get3A_9, %get3A_14 : vector<10240x128xf32>
    %get3A_15 = arith.constant 0 : index
    %get3A_16 = arith.constant 0 : index
    %get3A_17 = vector.load %arg1[%get3A_15, %get3A_16] : memref<10240x128xf32, #tpu.memory_space<vmem>>, vector<10240x128xf32>
    %add3A_18 = arith.addf %add3A, %get3A_17 : vector<10240x128xf32>
    %mul3A = vector.broadcast %get3A_1 : vector<10240x1xf32> to vector<10240x128xf32>
    %mul3A_19 = arith.mulf %mul3A, %add3A_18 : vector<10240x128xf32>
    %get3A_20 = arith.constant 0 : index
    %get3A_21 = arith.constant 0 : index
    %get3A_22 = vector.load %arg3[%get3A_20, %get3A_21] : memref<1x128xf32, #tpu.memory_space<vmem>>, vector<1x128xf32>
    %add3A_23 = vector.broadcast %get3A_22 : vector<1x128xf32> to vector<10240x128xf32>
    %add3A_24 = arith.addf %mul3A_19, %add3A_23 : vector<10240x128xf32>
    %mul3A_25 = vector.broadcast %convert_element_type3A_4 : vector<10240x1xf32> to vector<10240x128xf32>
    %mul3A_26 = arith.mulf %add3A_24, %mul3A_25 : vector<10240x128xf32>
    %max3A = arith.constant 0.000000e+00 : f32
    %max3A_27 = vector.broadcast %max3A : f32 to vector<10240x128xf32>
    %max3A_28 = arith.maximumf %mul3A_26, %max3A_27 : vector<10240x128xf32>
    %swap3A = arith.constant 0 : index
    %swap3A_29 = arith.constant 0 : index
    %swap3A_30 = vector.load %arg5[%swap3A, %swap3A_29] : memref<10240x128xf32, #tpu.memory_space<vmem>>, vector<10240x128xf32>
    tpu.vector_store %arg5[%swap3A, %swap3A_29], %max3A_28 {strides = array<i32>} : memref<10240x128xf32, #tpu.memory_space<vmem>>, vector<10240x128xf32>,
    %get3A_31 = arith.constant 0 : index
    %get3A_32 = arith.constant 0 : index
    %get3A_33 = vector.load %arg4[%get3A_31, %get3A_32] : memref<128x128xf32, #tpu.memory_space<vmem>>, vector<128x128xf32>
    %dot_general3A = arith.constant dense<0.000000e+00> : vector<10240x128xf32>
    %dot_general3A_34 = tpu.matmul %max3A_28, %get3A_33, %dot_general3A {dimension_numbers = #tpu.dot_dimension_numbers<[1], [0], [0], [1], [0, 0, 1, 1], [], []>, transpose_lhs_hint = false} : vector<10240x128xf32>, vector<128x128xf32>, vector<10240x128xf32> -> vector<10240x128xf32>
    %mul3A_35 = vector.broadcast %get3A_1 : vector<10240x1xf32> to vector<10240x128xf32>
    %mul3A_36 = arith.mulf %mul3A_35, %dot_general3A_34 : vector<10240x128xf32>
    %swap3A_37 = arith.constant 0 : index
    %swap3A_38 = arith.constant 0 : index
    %swap3A_39 = vector.load %arg6[%swap3A_37, %swap3A_38] : memref<10240x128xf32, #tpu.memory_space<vmem>>, vector<10240x128xf32>
    tpu.vector_store %arg6[%swap3A_37, %swap3A_38], %mul3A_36 {strides = array<i32>} : memref<10240x128xf32, #tpu.memory_space<vmem>>, vector<10240x128xf32>,
    return
  }
}

module attributes {stable_mosaic.version = 14 : i64} {
  func.func @_tmid_body(%arg0: memref<2x10240x128xf32, #tpu.memory_space<vmem>>, %arg1: memref<10240x128xf32, #tpu.memory_space<vmem>>, %arg2: memref<10240x128xf32, #tpu.memory_space<vmem>>, %arg3: memref<10240x1xf32, #tpu.memory_space<vmem>>, %arg4: memref<1x128xf32, #tpu.memory_space<vmem>>, %arg5: memref<1x128xf32, #tpu.memory_space<vmem>>, %arg6: memref<1x128xf32, #tpu.memory_space<vmem>>, %arg7: memref<128x128xf32, #tpu.memory_space<vmem>>, %arg8: memref<10240x128xf32, #tpu.memory_space<vmem>>, %arg9: memref<10240x128xf32, #tpu.memory_space<vmem>>) attributes {dimension_semantics = [], scalar_prefetch = 0 : i64, scratch_operands = 0 : i64, tpu.core_type = #tpu.core_type<tc>} {
    %get3A = arith.constant 0 : index
    %get3A_0 = arith.constant 0 : index
    %get3A_1 = vector.load %arg3[%get3A, %get3A_0] : memref<10240x1xf32, #tpu.memory_space<vmem>>, vector<10240x1xf32>
    %gt3A = arith.constant 0.000000e+00 : f32
    %gt3A_2 = vector.broadcast %gt3A : f32 to vector<10240x1xf32>
    %gt3A_3 = arith.cmpf ogt, %get3A_1, %gt3A_2 : vector<10240x1xf32>
    %convert_element_type3A = arith.extui %gt3A_3 : vector<10240x1xi1> to vector<10240x1xi32>
    %convert_element_type3A_4 = arith.sitofp %convert_element_type3A : vector<10240x1xi32> to vector<10240x1xf32>
    %get3A_5 = arith.constant 0 : index
    %get3A_6 = arith.constant 0 : index
    %get3A_7 = arith.constant 0 : index
    %get3A_8 = vector.load %arg0[%get3A_5, %get3A_6, %get3A_7] : memref<2x10240x128xf32, #tpu.memory_space<vmem>>, vector<1x10240x128xf32>
    %get3A_9 = vector.shape_cast %get3A_8 : vector<1x10240x128xf32> to vector<10240x128xf32>
    %get3A_10 = arith.constant 1 : index
    %get3A_11 = arith.constant 0 : index
    %get3A_12 = arith.constant 0 : index
    %get3A_13 = vector.load %arg0[%get3A_10, %get3A_11, %get3A_12] : memref<2x10240x128xf32, #tpu.memory_space<vmem>>, vector<1x10240x128xf32>
    %get3A_14 = vector.shape_cast %get3A_13 : vector<1x10240x128xf32> to vector<10240x128xf32>
    %add3A = arith.addf %get3A_9, %get3A_14 : vector<10240x128xf32>
    %get3A_15 = arith.constant 0 : index
    %get3A_16 = arith.constant 0 : index
    %get3A_17 = vector.load %arg1[%get3A_15, %get3A_16] : memref<10240x128xf32, #tpu.memory_space<vmem>>, vector<10240x128xf32>
    %add3A_18 = arith.addf %add3A, %get3A_17 : vector<10240x128xf32>
    %mul3A = vector.broadcast %get3A_1 : vector<10240x1xf32> to vector<10240x128xf32>
    %mul3A_19 = arith.mulf %mul3A, %add3A_18 : vector<10240x128xf32>
    %get3A_20 = arith.constant 0 : index
    %get3A_21 = arith.constant 0 : index
    %get3A_22 = vector.load %arg4[%get3A_20, %get3A_21] : memref<1x128xf32, #tpu.memory_space<vmem>>, vector<1x128xf32>
    %add3A_23 = vector.broadcast %get3A_22 : vector<1x128xf32> to vector<10240x128xf32>
    %add3A_24 = arith.addf %mul3A_19, %add3A_23 : vector<10240x128xf32>
    %mul3A_25 = vector.broadcast %convert_element_type3A_4 : vector<10240x1xf32> to vector<10240x128xf32>
    %mul3A_26 = arith.mulf %add3A_24, %mul3A_25 : vector<10240x128xf32>
    %reduce_sum3A = arith.constant dense<0.000000e+00> : vector<128xf32>
    %reduce_sum3A_27 = vector.multi_reduction <add>, %mul3A_26, %reduce_sum3A [0] : vector<10240x128xf32> to vector<128xf32>
    %broadcast_in_dim3A = vector.shape_cast %reduce_sum3A_27 : vector<128xf32> to vector<1x128xf32>
    %mul3A_28 = arith.constant 9.99999974E-5 : f32
    %mul3A_29 = vector.broadcast %mul3A_28 : f32 to vector<1x128xf32>
    %mul3A_30 = arith.mulf %broadcast_in_dim3A, %mul3A_29 : vector<1x128xf32>
    %sub3A = vector.broadcast %mul3A_30 : vector<1x128xf32> to vector<10240x128xf32>
    %sub3A_31 = arith.subf %mul3A_26, %sub3A : vector<10240x128xf32>
    %mul3A_32 = vector.broadcast %convert_element_type3A_4 : vector<10240x1xf32> to vector<10240x128xf32>
    %mul3A_33 = arith.mulf %sub3A_31, %mul3A_32 : vector<10240x128xf32>
    %mul3A_34 = arith.mulf %mul3A_33, %mul3A_33 : vector<10240x128xf32>
    %reduce_sum3A_35 = arith.constant dense<0.000000e+00> : vector<128xf32>
    %reduce_sum3A_36 = vector.multi_reduction <add>, %mul3A_34, %reduce_sum3A_35 [0] : vector<10240x128xf32> to vector<128xf32>
    %broadcast_in_dim3A_37 = vector.shape_cast %reduce_sum3A_36 : vector<128xf32> to vector<1x128xf32>
    %mul3A_38 = arith.constant 9.99999974E-5 : f32
    %mul3A_39 = vector.broadcast %mul3A_38 : f32 to vector<1x128xf32>
    %mul3A_40 = arith.mulf %broadcast_in_dim3A_37, %mul3A_39 : vector<1x128xf32>
    %sub3A_41 = vector.broadcast %mul3A_30 : vector<1x128xf32> to vector<10240x128xf32>
    %sub3A_42 = arith.subf %mul3A_26, %sub3A_41 : vector<10240x128xf32>
    %add3A_43 = arith.constant 9.99999974E-6 : f32
    %add3A_44 = vector.broadcast %add3A_43 : f32 to vector<1x128xf32>
    %add3A_45 = arith.addf %mul3A_40, %add3A_44 : vector<1x128xf32>
    %rsqrt3A = math.rsqrt %add3A_45 : vector<1x128xf32>
    %mul3A_46 = vector.broadcast %rsqrt3A : vector<1x128xf32> to vector<10240x128xf32>
    %mul3A_47 = arith.mulf %sub3A_42, %mul3A_46 : vector<10240x128xf32>
    %get3A_48 = arith.constant 0 : index
    %get3A_49 = arith.constant 0 : index
    %get3A_50 = vector.load %arg5[%get3A_48, %get3A_49] : memref<1x128xf32, #tpu.memory_space<vmem>>, vector<1x128xf32>
    %mul3A_51 = vector.broadcast %get3A_50 : vector<1x128xf32> to vector<10240x128xf32>
    %mul3A_52 = arith.mulf %mul3A_47, %mul3A_51 : vector<10240x128xf32>
    %get3A_53 = arith.constant 0 : index
    %get3A_54 = arith.constant 0 : index
    %get3A_55 = vector.load %arg6[%get3A_53, %get3A_54] : memref<1x128xf32, #tpu.memory_space<vmem>>, vector<1x128xf32>
    %add3A_56 = vector.broadcast %get3A_55 : vector<1x128xf32> to vector<10240x128xf32>
    %add3A_57 = arith.addf %mul3A_52, %add3A_56 : vector<10240x128xf32>
    %get3A_58 = arith.constant 0 : index
    %get3A_59 = arith.constant 0 : index
    %get3A_60 = vector.load %arg2[%get3A_58, %get3A_59] : memref<10240x128xf32, #tpu.memory_space<vmem>>, vector<10240x128xf32>
    %max3A = arith.constant 0.000000e+00 : f32
    %max3A_61 = vector.broadcast %max3A : f32 to vector<10240x128xf32>
    %max3A_62 = arith.maximumf %add3A_57, %max3A_61 : vector<10240x128xf32>
    %add3A_63 = arith.addf %get3A_60, %max3A_62 : vector<10240x128xf32>
    %swap3A = arith.constant 0 : index
    %swap3A_64 = arith.constant 0 : index
    %swap3A_65 = vector.load %arg8[%swap3A, %swap3A_64] : memref<10240x128xf32, #tpu.memory_space<vmem>>, vector<10240x128xf32>
    tpu.vector_store %arg8[%swap3A, %swap3A_64], %add3A_63 {strides = array<i32>} : memref<10240x128xf32, #tpu.memory_space<vmem>>, vector<10240x128xf32>,
    %get3A_66 = arith.constant 0 : index
    %get3A_67 = arith.constant 0 : index
    %get3A_68 = vector.load %arg7[%get3A_66, %get3A_67] : memref<128x128xf32, #tpu.memory_space<vmem>>, vector<128x128xf32>
    %dot_general3A = arith.constant dense<0.000000e+00> : vector<10240x128xf32>
    %dot_general3A_69 = tpu.matmul %add3A_63, %get3A_68, %dot_general3A {dimension_numbers = #tpu.dot_dimension_numbers<[1], [0], [0], [1], [0, 0, 1, 1], [], []>, transpose_lhs_hint = false} : vector<10240x128xf32>, vector<128x128xf32>, vector<10240x128xf32> -> vector<10240x128xf32>
    %mul3A_70 = vector.broadcast %get3A_1 : vector<10240x1xf32> to vector<10240x128xf32>
    %mul3A_71 = arith.mulf %mul3A_70, %dot_general3A_69 : vector<10240x128xf32>
    %swap3A_72 = arith.constant 0 : index
    %swap3A_73 = arith.constant 0 : index
    %swap3A_74 = vector.load %arg9[%swap3A_72, %swap3A_73] : memref<10240x128xf32, #tpu.memory_space<vmem>>, vector<10240x128xf32>
    tpu.vector_store %arg9[%swap3A_72, %swap3A_73], %mul3A_71 {strides = array<i32>} : memref<10240x128xf32, #tpu.memory_space<vmem>>, vector<10240x128xf32>,
    return
  }
}

module attributes {stable_mosaic.version = 14 : i64} {
  func.func @_tlast_body(%arg0: memref<2x10240x128xf32, #tpu.memory_space<vmem>>, %arg1: memref<10240x128xf32, #tpu.memory_space<vmem>>, %arg2: memref<10240x128xf32, #tpu.memory_space<vmem>>, %arg3: memref<10240x1xf32, #tpu.memory_space<vmem>>, %arg4: memref<1x128xf32, #tpu.memory_space<vmem>>, %arg5: memref<1x128xf32, #tpu.memory_space<vmem>>, %arg6: memref<1x128xf32, #tpu.memory_space<vmem>>, %arg7: memref<10240x1xi32, #tpu.memory_space<vmem>>, %arg8: memref<128x64xf32, #tpu.memory_space<vmem>>, %arg9: memref<1x64xf32, #tpu.memory_space<vmem>>, %arg10: memref<64x32xf32, #tpu.memory_space<vmem>>, %arg11: memref<1x32xf32, #tpu.memory_space<vmem>>, %arg12: memref<32x10xf32, #tpu.memory_space<vmem>>, %arg13: memref<1x10xf32, #tpu.memory_space<vmem>>, %arg14: memref<128x10xf32, #tpu.memory_space<vmem>>) attributes {dimension_semantics = [], scalar_prefetch = 0 : i64, scratch_operands = 0 : i64, tpu.core_type = #tpu.core_type<tc>} {
    %get3A = arith.constant 0 : index
    %get3A_0 = arith.constant 0 : index
    %get3A_1 = vector.load %arg3[%get3A, %get3A_0] : memref<10240x1xf32, #tpu.memory_space<vmem>>, vector<10240x1xf32>
    %gt3A = arith.constant 0.000000e+00 : f32
    %gt3A_2 = vector.broadcast %gt3A : f32 to vector<10240x1xf32>
    %gt3A_3 = arith.cmpf ogt, %get3A_1, %gt3A_2 : vector<10240x1xf32>
    %convert_element_type3A = arith.extui %gt3A_3 : vector<10240x1xi1> to vector<10240x1xi32>
    %convert_element_type3A_4 = arith.sitofp %convert_element_type3A : vector<10240x1xi32> to vector<10240x1xf32>
    %get3A_5 = arith.constant 0 : index
    %get3A_6 = arith.constant 0 : index
    %get3A_7 = arith.constant 0 : index
    %get3A_8 = vector.load %arg0[%get3A_5, %get3A_6, %get3A_7] : memref<2x10240x128xf32, #tpu.memory_space<vmem>>, vector<1x10240x128xf32>
    %get3A_9 = vector.shape_cast %get3A_8 : vector<1x10240x128xf32> to vector<10240x128xf32>
    %get3A_10 = arith.constant 1 : index
    %get3A_11 = arith.constant 0 : index
    %get3A_12 = arith.constant 0 : index
    %get3A_13 = vector.load %arg0[%get3A_10, %get3A_11, %get3A_12] : memref<2x10240x128xf32, #tpu.memory_space<vmem>>, vector<1x10240x128xf32>
    %get3A_14 = vector.shape_cast %get3A_13 : vector<1x10240x128xf32> to vector<10240x128xf32>
    %add3A = arith.addf %get3A_9, %get3A_14 : vector<10240x128xf32>
    %get3A_15 = arith.constant 0 : index
    %get3A_16 = arith.constant 0 : index
    %get3A_17 = vector.load %arg1[%get3A_15, %get3A_16] : memref<10240x128xf32, #tpu.memory_space<vmem>>, vector<10240x128xf32>
    %add3A_18 = arith.addf %add3A, %get3A_17 : vector<10240x128xf32>
    %mul3A = vector.broadcast %get3A_1 : vector<10240x1xf32> to vector<10240x128xf32>
    %mul3A_19 = arith.mulf %mul3A, %add3A_18 : vector<10240x128xf32>
    %get3A_20 = arith.constant 0 : index
    %get3A_21 = arith.constant 0 : index
    %get3A_22 = vector.load %arg4[%get3A_20, %get3A_21] : memref<1x128xf32, #tpu.memory_space<vmem>>, vector<1x128xf32>
    %add3A_23 = vector.broadcast %get3A_22 : vector<1x128xf32> to vector<10240x128xf32>
    %add3A_24 = arith.addf %mul3A_19, %add3A_23 : vector<10240x128xf32>
    %mul3A_25 = vector.broadcast %convert_element_type3A_4 : vector<10240x1xf32> to vector<10240x128xf32>
    %mul3A_26 = arith.mulf %add3A_24, %mul3A_25 : vector<10240x128xf32>
    %reduce_sum3A = arith.constant dense<0.000000e+00> : vector<128xf32>
    %reduce_sum3A_27 = vector.multi_reduction <add>, %mul3A_26, %reduce_sum3A [0] : vector<10240x128xf32> to vector<128xf32>
    %broadcast_in_dim3A = vector.shape_cast %reduce_sum3A_27 : vector<128xf32> to vector<1x128xf32>
    %mul3A_28 = arith.constant 9.99999974E-5 : f32
    %mul3A_29 = vector.broadcast %mul3A_28 : f32 to vector<1x128xf32>
    %mul3A_30 = arith.mulf %broadcast_in_dim3A, %mul3A_29 : vector<1x128xf32>
    %sub3A = vector.broadcast %mul3A_30 : vector<1x128xf32> to vector<10240x128xf32>
    %sub3A_31 = arith.subf %mul3A_26, %sub3A : vector<10240x128xf32>
    %mul3A_32 = vector.broadcast %convert_element_type3A_4 : vector<10240x1xf32> to vector<10240x128xf32>
    %mul3A_33 = arith.mulf %sub3A_31, %mul3A_32 : vector<10240x128xf32>
    %mul3A_34 = arith.mulf %mul3A_33, %mul3A_33 : vector<10240x128xf32>
    %reduce_sum3A_35 = arith.constant dense<0.000000e+00> : vector<128xf32>
    %reduce_sum3A_36 = vector.multi_reduction <add>, %mul3A_34, %reduce_sum3A_35 [0] : vector<10240x128xf32> to vector<128xf32>
    %broadcast_in_dim3A_37 = vector.shape_cast %reduce_sum3A_36 : vector<128xf32> to vector<1x128xf32>
    %mul3A_38 = arith.constant 9.99999974E-5 : f32
    %mul3A_39 = vector.broadcast %mul3A_38 : f32 to vector<1x128xf32>
    %mul3A_40 = arith.mulf %broadcast_in_dim3A_37, %mul3A_39 : vector<1x128xf32>
    %sub3A_41 = vector.broadcast %mul3A_30 : vector<1x128xf32> to vector<10240x128xf32>
    %sub3A_42 = arith.subf %mul3A_26, %sub3A_41 : vector<10240x128xf32>
    %add3A_43 = arith.constant 9.99999974E-6 : f32
    %add3A_44 = vector.broadcast %add3A_43 : f32 to vector<1x128xf32>
    %add3A_45 = arith.addf %mul3A_40, %add3A_44 : vector<1x128xf32>
    %rsqrt3A = math.rsqrt %add3A_45 : vector<1x128xf32>
    %mul3A_46 = vector.broadcast %rsqrt3A : vector<1x128xf32> to vector<10240x128xf32>
    %mul3A_47 = arith.mulf %sub3A_42, %mul3A_46 : vector<10240x128xf32>
    %get3A_48 = arith.constant 0 : index
    %get3A_49 = arith.constant 0 : index
    %get3A_50 = vector.load %arg5[%get3A_48, %get3A_49] : memref<1x128xf32, #tpu.memory_space<vmem>>, vector<1x128xf32>
    %mul3A_51 = vector.broadcast %get3A_50 : vector<1x128xf32> to vector<10240x128xf32>
    %mul3A_52 = arith.mulf %mul3A_47, %mul3A_51 : vector<10240x128xf32>
    %get3A_53 = arith.constant 0 : index
    %get3A_54 = arith.constant 0 : index
    %get3A_55 = vector.load %arg6[%get3A_53, %get3A_54] : memref<1x128xf32, #tpu.memory_space<vmem>>, vector<1x128xf32>
    %add3A_56 = vector.broadcast %get3A_55 : vector<1x128xf32> to vector<10240x128xf32>
    %add3A_57 = arith.addf %mul3A_52, %add3A_56 : vector<10240x128xf32>
    %get3A_58 = arith.constant 0 : index
    %get3A_59 = arith.constant 0 : index
    %get3A_60 = vector.load %arg2[%get3A_58, %get3A_59] : memref<10240x128xf32, #tpu.memory_space<vmem>>, vector<10240x128xf32>
    %max3A = arith.constant 0.000000e+00 : f32
    %max3A_61 = vector.broadcast %max3A : f32 to vector<10240x128xf32>
    %max3A_62 = arith.maximumf %add3A_57, %max3A_61 : vector<10240x128xf32>
    %add3A_63 = arith.addf %get3A_60, %max3A_62 : vector<10240x128xf32>
    %get3A_64 = arith.constant 0 : index
    %get3A_65 = arith.constant 0 : index
    %get3A_66 = vector.load %arg7[%get3A_64, %get3A_65] : memref<10240x1xi32, #tpu.memory_space<vmem>>, vector<10240x1xi32>
    %iota3A = tpu.iota {dimensions = array<i32: 1>} : vector<10240x128xi32>
    %eq3A = vector.broadcast %get3A_66 : vector<10240x1xi32> to vector<10240x128xi32>
    %eq3A_67 = arith.cmpi eq, %eq3A, %iota3A : vector<10240x128xi32>
    %convert_element_type3A_68 = arith.extui %eq3A_67 : vector<10240x128xi1> to vector<10240x128xi32>
    %convert_element_type3A_69 = arith.sitofp %convert_element_type3A_68 : vector<10240x128xi32> to vector<10240x128xf32>
    %dot_general3A = arith.constant dense<0.000000e+00> : vector<128x128xf32>
    %dot_general3A_70 = tpu.matmul %convert_element_type3A_69, %add3A_63, %dot_general3A {dimension_numbers = #tpu.dot_dimension_numbers<[0], [0], [1], [1], [0, 1, 1, 1], [], []>, transpose_lhs_hint = false} : vector<10240x128xf32>, vector<10240x128xf32>, vector<128x128xf32> -> vector<128x128xf32>
    %broadcast_in_dim3A_71 = arith.constant 1.000000e+00 : f32
    %broadcast_in_dim3A_72 = vector.broadcast %broadcast_in_dim3A_71 : f32 to vector<10240x1xf32>
    %dot_general3A_73 = arith.constant dense<0.000000e+00> : vector<128x1xf32>
    %dot_general3A_74 = tpu.matmul %convert_element_type3A_69, %broadcast_in_dim3A_72, %dot_general3A_73 {dimension_numbers = #tpu.dot_dimension_numbers<[0], [0], [1], [1], [0, 1, 1, 1], [], []>, transpose_lhs_hint = false} : vector<10240x128xf32>, vector<10240x1xf32>, vector<128x1xf32> -> vector<128x1xf32>
    %max3A_75 = arith.constant 1.000000e+00 : f32
    %max3A_76 = vector.broadcast %max3A_75 : f32 to vector<128x1xf32>
    %max3A_77 = arith.maximumf %dot_general3A_74, %max3A_76 : vector<128x1xf32>
    %div3A = vector.broadcast %max3A_77 : vector<128x1xf32> to vector<128x128xf32>
    %div3A_78 = arith.divf %dot_general3A_70, %div3A : vector<128x128xf32>
    %get3A_79 = arith.constant 0 : index
    %get3A_80 = arith.constant 0 : index
    %get3A_81 = vector.load %arg8[%get3A_79, %get3A_80] : memref<128x64xf32, #tpu.memory_space<vmem>>, vector<128x64xf32>
    %dot_general3A_82 = arith.constant dense<0.000000e+00> : vector<128x64xf32>
    %dot_general3A_83 = tpu.matmul %div3A_78, %get3A_81, %dot_general3A_82 {dimension_numbers = #tpu.dot_dimension_numbers<[1], [0], [0], [1], [0, 0, 1, 1], [], []>, transpose_lhs_hint = false} : vector<128x128xf32>, vector<128x64xf32>, vector<128x64xf32> -> vector<128x64xf32>
    %get3A_84 = arith.constant 0 : index
    %get3A_85 = arith.constant 0 : index
    %get3A_86 = vector.load %arg9[%get3A_84, %get3A_85] : memref<1x64xf32, #tpu.memory_space<vmem>>, vector<1x64xf32>
    %add3A_87 = vector.broadcast %get3A_86 : vector<1x64xf32> to vector<128x64xf32>
    %add3A_88 = arith.addf %dot_general3A_83, %add3A_87 : vector<128x64xf32>
    %max3A_89 = arith.constant 0.000000e+00 : f32
    %max3A_90 = vector.broadcast %max3A_89 : f32 to vector<128x64xf32>
    %max3A_91 = arith.maximumf %add3A_88, %max3A_90 : vector<128x64xf32>
    %get3A_92 = arith.constant 0 : index
    %get3A_93 = arith.constant 0 : index
    %get3A_94 = vector.load %arg10[%get3A_92, %get3A_93] : memref<64x32xf32, #tpu.memory_space<vmem>>, vector<64x32xf32>
    %dot_general3A_95 = arith.constant dense<0.000000e+00> : vector<128x32xf32>
    %dot_general3A_96 = tpu.matmul %max3A_91, %get3A_94, %dot_general3A_95 {dimension_numbers = #tpu.dot_dimension_numbers<[1], [0], [0], [1], [0, 0, 1, 1], [], []>, transpose_lhs_hint = false} : vector<128x64xf32>, vector<64x32xf32>, vector<128x32xf32> -> vector<128x32xf32>
    %get3A_97 = arith.constant 0 : index
    %get3A_98 = arith.constant 0 : index
    %get3A_99 = vector.load %arg11[%get3A_97, %get3A_98] : memref<1x32xf32, #tpu.memory_space<vmem>>, vector<1x32xf32>
    %add3A_100 = vector.broadcast %get3A_99 : vector<1x32xf32> to vector<128x32xf32>
    %add3A_101 = arith.addf %dot_general3A_96, %add3A_100 : vector<128x32xf32>
    %max3A_102 = arith.constant 0.000000e+00 : f32
    %max3A_103 = vector.broadcast %max3A_102 : f32 to vector<128x32xf32>
    %max3A_104 = arith.maximumf %add3A_101, %max3A_103 : vector<128x32xf32>
    %get3A_105 = arith.constant 0 : index
    %get3A_106 = arith.constant 0 : index
    %get3A_107 = vector.load %arg12[%get3A_105, %get3A_106] : memref<32x10xf32, #tpu.memory_space<vmem>>, vector<32x10xf32>
    %dot_general3A_108 = arith.constant dense<0.000000e+00> : vector<128x10xf32>
    %dot_general3A_109 = tpu.matmul %max3A_104, %get3A_107, %dot_general3A_108 {dimension_numbers = #tpu.dot_dimension_numbers<[1], [0], [0], [1], [0, 0, 1, 1], [], []>, transpose_lhs_hint = false} : vector<128x32xf32>, vector<32x10xf32>, vector<128x10xf32> -> vector<128x10xf32>
    %get3A_110 = arith.constant 0 : index
    %get3A_111 = arith.constant 0 : index
    %get3A_112 = vector.load %arg13[%get3A_110, %get3A_111] : memref<1x10xf32, #tpu.memory_space<vmem>>, vector<1x10xf32>
    %add3A_113 = vector.broadcast %get3A_112 : vector<1x10xf32> to vector<128x10xf32>
    %add3A_114 = arith.addf %dot_general3A_109, %add3A_113 : vector<128x10xf32>
    %swap3A = arith.constant 0 : index
    %swap3A_115 = arith.constant 0 : index
    %swap3A_116 = vector.load %arg14[%swap3A, %swap3A_115] : memref<128x10xf32, #tpu.memory_space<vmem>>, vector<128x10xf32>
    tpu.vector_store %arg14[%swap3A, %swap3A_115], %add3A_114 {strides = array<i32>} : memref<128x10xf32, #tpu.memory_space<vmem>>, vector<128x10xf32>,
    return
  }
}

</mosaic_0001>

<sc_bundles>
// kernel: kernel.12.cloned.1.call-start
scs
__scs_entry_jumppad:
0x0: {  	(pc) =	sbr.rel $0x88, $3  }
0x1: {  	(tag) =	ssettag $0x0;
	lr =	simm.s32 $0x1  }
0x2: {  	[smem:$0x3F8E] =	sst lr;
	_ =	strace $0xD0000000  }
0x3: {  	_ = 	snop  }
0x4: {  	_ = 	snop  }
0x5: {  	_ = 	snop  }
0x6: {  	_ = 	snop  }
0x7: {  	_ = 	snop  }
__scs_overlays_trampoline_lowered:
0x8: {  	[smem:$0x3F9D] =	sst s0  }
0x9: {  	[smem:$0x3F9E] =	sst s1  }
0xa: {  	[smem:$0x3F9F] =	sst s2  }
0xb: {  	[smem:$0x3FA0] =	sst s3  }
0xc: {  	[smem:$0x3FA1] =	sst s4  }
0xd: {  	[smem:$0x3FA2] =	sst s5  }
0xe: {  	[smem:$0x3FA3] =	sst s6  }
0xf: {  	[smem:$0x3FA4] =	sst s7  }
0x10: {  	[smem:$0x3FA5] =	sst s8  }
0x11: {  	[smem:$0x3FA6] =	sst s9;
	s0 =	simm.s32 @!p0 $0x0  }
0x12: {  	s1 =	sld [smem:$0x3F8C];
	s0 =	simm.s32 @p0 $0x1  }
0x13: {  	[smem:$0x3FA7] =	sst s0;
	s0 =	simm.s32 @!p1 $0x0  }
0x14: {  	s2 =	sld [smem:$0x3F8B];
	s0 =	simm.s32 @p1 $0x1  }
0x15: {  	[smem:$0x3FA8] =	sst s0;
	s0 =	simm.s32 @!p2 $0x0  }
0x16: {  	s3 =	sld [smem:$0x3FDB];
	s0 =	simm.s32 @p2 $0x1  }
0x17: {  	s4 =	simm.s32 $0x1BF5;
	[smem:$0x3FAA] =	sst s0  }
0x18: {  	s0 =	sld [smem:$0x3F8D];
	_ =	swait.ge [sflag:s4], $0x0  }
0x19: {  	s7 =	sld [smem:$0x3F8E]  }
0x1a: {  	s8 =	sadd.s32 $0xFFFFE003, lr  }
0x1b: {  	s9 =	sadd.s32 $0xFFFFFEF7, lr;
	s5 =	simm.s32 $0xFFFFFFFF;
	p2 =	slt.u32 s8, $0xFFFFF086  }
0x1c: {  	p1 =	slt.u32 s9, $0xF7A;
	s5 =	simm.s32 @!p2 $0x0  }
0x1d: {  	s5 =	simm.s32 @p1 $0x1;
	p0 =	seq.s32 s7, s2  }
0x1e: {  	s7 =	smul.u32 @!p0 $0xF7A, s2;
	p2 =	seq.s32 @!p0 s5, $0x0  }
0x1f: {  	s9 =	smul.u32 $0xF7A, s1;
	s8 =	simm.s32 @!p0 $0x1BF5;
	p2 =	por !p2, p0  }
0x20: {  	[sflag:s8] =	ssyncset.s32 @!p0 $0xFFFFF086;
	s6 =	sadd.s32 @!p0 s3, s7;
	s7 =	simm.s32 @!p0 $0x108  }
0x21: {  	s3 =	sadd.s32 s3, s9;
	s6 =	sadd.s32 @!p0 $0x88, s6;
	s7 =	simm.s32 @p2 $0x1082  }
0x22: {  	[simem:s7], [sflag:s8] =	dma.local @!p0 [hbm:s6], $0xF7A  }
0x23: {  	s9 =	sor.u32 $0xD0000000, s2;
	s6 =	simm.s32 $0x108;
	_ =	swait.ge @!p0 [sflag:s8], $0x0  }
0x24: {  	s3 =	sadd.s32 $0x88, s3;
	s6 =	simm.s32 @!p1 $0x1082;
	[sflag:s4] =	ssyncset.s32 $0xFFFFF086  }
0x25: {  	[simem:s6], [sflag:s4] =	dma.local [hbm:s3], $0xF7A  }
0x26: {  	[smem:$0x3F8E] =	sst s1;
	(tag) =	ssettag s2;
	_ =	strace s9  }
0x27: {  	s1 =	sld [smem:$0x3F9E]  }
0x28: {  	s2 =	sld [smem:$0x3F9F]  }
0x29: {  	s4 =	sld [smem:$0x3FA1]  }
0x2a: {  	p0 =	seq.s32 s5, $0x0;
	s5 =	sld [smem:$0x3FA2]  }
0x2b: {  	s6 =	sld [smem:$0x3FA3]  }
0x2c: {  	s7 =	sld [smem:$0x3FA4]  }
0x2d: {  	s3 =	simm.s32 $0x108;
	s8 =	sld [smem:$0x3FA5]  }
0x2e: {  	s3 =	simm.s32 @!p0 $0x1082;
	s9 =	sld [smem:$0x3FA6]  }
0x2f: {  	lr =	sadd.s32 s0, s3;
	s0 =	sld [smem:$0x3F9D]  }
0x30: {  	s3 =	sld [smem:$0x3FA0]  }
0x31: {  	[smem:$0x3FA9] =	sst s10  }
0x32: {  	s10 =	sld [smem:$0x3FA7];
	_ =	sdelay $0x3  }
0x33: {  	p0 =	seq.s32 s10, $0x1;
	s10 =	sld [smem:$0x3FA9];
	_ =	sdelay $0x3  }
0x34: {  	[smem:$0x3FA9] =	sst s10  }
0x35: {  	s10 =	sld [smem:$0x3FA8];
	_ =	sdelay $0x3  }
0x36: {  	p1 =	seq.s32 s10, $0x1;
	s10 =	sld [smem:$0x3FA9];
	_ =	sdelay $0x3  }
0x37: {  	[smem:$0x3FA9] =	sst s10  }
0x38: {  	s10 =	sld [smem:$0x3FAA]  }
0x39: {  	_ = 	snop;
	(pc) =	sbr.ind lr, $3  }
0x3a: {  	_ = 	snop  }
0x3b: {  	_ = 	snop  }
0x3c: {  	p2 =	seq.s32 s10, $0x1;
	s10 =	sld [smem:$0x3FA9]  }
0x3d: {  	_ =	shalt  }
0x3e: {  	_ =	shalt  }
0x3f: {  	_ =	shalt  }
0x40: {  	_ =	shalt  }
0x41: {  	_ =	shalt  }
0x42: {  	_ =	shalt  }
0x43: {  	_ =	shalt  }
0x44: {  	_ =	shalt  }
0x45: {  	_ =	shalt  }
0x46: {  	_ =	shalt  }
0x47: {  	_ =	shalt  }
0x48: {  	_ =	shalt  }
0x49: {  	_ =	shalt  }
0x4a: {  	_ =	shalt  }
0x4b: {  	_ =	shalt  }
0x4c: {  	_ =	shalt  }
0x4d: {  	_ =	shalt  }
0x4e: {  	_ =	shalt  }
0x4f: {  	_ =	shalt  }
0x50: {  	_ =	shalt  }
0x51: {  	_ =	shalt  }
0x52: {  	_ =	shalt  }
0x53: {  	_ =	shalt  }
0x54: {  	_ =	shalt  }
0x55: {  	_ =	shalt  }
0x56: {  	_ =	shalt  }
0x57: {  	_ =	shalt  }
0x58: {  	_ =	shalt  }
0x59: {  	_ =	shalt  }
0x5a: {  	_ =	shalt  }
0x5b: {  	_ =	shalt  }
0x5c: {  	_ =	shalt  }
0x5d: {  	_ =	shalt  }
0x5e: {  	_ =	shalt  }
0x5f: {  	_ =	shalt  }
0x60: {  	_ =	shalt  }
0x61: {  	_ =	shalt  }
0x62: {  	_ =	shalt  }
0x63: {  	_ =	shalt  }
0x64: {  	_ =	shalt  }
0x65: {  	_ =	shalt  }
0x66: {  	_ =	shalt  }
0x67: {  	_ =	shalt  }
0x68: {  	_ =	shalt  }
0x69: {  	_ =	shalt  }
0x6a: {  	_ =	shalt  }
0x6b: {  	_ =	shalt  }
0x6c: {  	_ =	shalt  }
0x6d: {  	_ =	shalt  }
0x6e: {  	_ =	shalt  }
0x6f: {  	_ =	shalt  }
0x70: {  	_ =	shalt  }
0x71: {  	_ =	shalt  }
0x72: {  	_ =	shalt  }
0x73: {  	_ =	shalt  }
0x74: {  	_ =	shalt  }
0x75: {  	_ =	shalt  }
0x76: {  	_ =	shalt  }
0x77: {  	_ =	shalt  }
0x78: {  	_ =	shalt  }
0x79: {  	_ =	shalt  }
0x7a: {  	_ =	shalt  }
0x7b: {  	_ =	shalt  }
0x7c: {  	_ =	shalt  }
0x7d: {  	_ =	shalt  }
0x7e: {  	_ =	shalt  }
0x7f: {  	_ =	shalt  }
0x80: {  	_ =	shalt  }
0x81: {  	_ =	shalt  }
0x82: {  	_ =	shalt  }
0x83: {  	_ =	shalt  }
0x84: {  	_ =	shalt  }
0x85: {  	_ =	shalt  }
0x86: {  	_ =	shalt  }
0x87: {  	_ =	shalt  }
.Lfunc_end0:
.L_simem_size_0:
called_computation_lowered:
.L_overlay_start_0:
0x88: {  	s2 =	sld [smem:$0x3FD9]  }
0x89: {  	s3 =	sld [smem:$0x3FFE];
	_ =	sdelay $0x1  }
0x8a: {  	s1 =	srdreg.scid  }
0x8b: {  	s0 =	sand.u32 $0x1, s1  }
0x8c: {  	s16 =	sshll.u32 s0, $0xA;
	s2 =	sadd.s32 s3, s2  }
0x8d: {  	s2 =	sadd.s32 s2, s16  }
0x8e: {  	[smem:$0x3FB5] =	sst s2  }
0x8f: {  	_ = 	snop  }
0x90: {  	(tm) =	ssettm $0x1  }
0x91: {  	s17 =	sld [smem:$0x3FFB];
	_ =	sdelay $0x3  }
0x92: {  	_ =	strace s17  }
0x93: {  	s2 =	sld [smem:$0x3FFC];
	_ =	sdelay $0x3  }
0x94: {  	_ =	strace s2  }
0x95: {  	s2 =	sld [smem:$0x3FFD];
	_ =	sdelay $0x3  }
0x96: {  	_ =	strace s2  }
0x97: {  	_ =	strace $0x8FFFFFFF  }
0x98: {  	s18 =	sld [smem:$0x3FDB];
	_ =	sdelay $0x1  }
0x99: {  	s19 =	simm.s32 $_scs_section_size  }
0x9a: {  	s4 =	simm.s32 $_size__tile_overlayer_lowered;
	s5 =	simm.s32 $_tile_overlayer_lowered  }
0x9b: {  	s22 =	simm.s32 $0x1BFF;
	s21 =	sshll.u32 s5, $0x1;
	s2 =	sadd.s32 s19, s18  }
0x9c: {  	s6 =	simm.s32 $0x0;
	s20 =	sshll.u32 s4, $0x1;
	s4 =	sadd.s32 s21, s2  }
0x9d: {  	[timem:s6], [sflag:s22] =	dma.local [hbm:s4], s20  }
0x9e: {  	_ =	swait.ge [sflag:s22], s20  }
0x9f: {  	s3 =	ssub.s32 $0x0, s20;
	[sflag:s22] =	ssyncset.done $0x0  }
0xa0: {  	[sflag:s22] =	ssyncadd.s32 s3;
	_ =	sdelay $0x1  }
0xa1: {  	s23 =	simm.s32 $0x1B8B  }
0xa2: {  	_ =	swait.ge [sflag:s23], $0x1  }
0xa3: {  	[sflag:s23] =	ssyncset.done $0x0  }
0xa4: {  	s25 =	simm.s32 $0x1B8E;
	s24 =	sld [smem:$0x3FFE];
	[sflag:s23] =	ssyncadd.s32 $0xFFFFFFFF  }
0xa5: {  	s26 =	simm.s32 $execute0_lowered;
	[smem:$0x3FD2] =	sst s25  }
0xa6: {  	s4 =	sshll.u32 s26, $0x1;
	_ =	strace $0x80000046;
	[dreg:$0x1] =	wrdreg $0xFFFFFFFF  }
0xa7: {  	s28 =	simm.s32 $_size_execute0_lowered;
	s2 =	sadd.s32 s2, s4;
	[dreg:$0x0] =	wrdreg $0x0  }
0xa8: {  	s4 =	sshll.u32 s28, $0x1;
	[dreg:$0x2] =	wrdreg s2  }
0xa9: {  	[dreg:$0x3] =	wrdreg s4  }
0xaa: {  	[dreg:$0x4] =	wrdreg $0xC0  }
0xab: {  	_ =	task [dreg:s6], $0x5FFFF  }
0xac: {  	[dreg:$0x1] =	wrdreg $0xFFFFFFFF  }
0xad: {  	[dreg:$0x0] =	wrdreg $0x60  }
0xae: {  	[dreg:$0x2] =	wrdreg s24  }
0xaf: {  	[dreg:$0x3] =	wrdreg $0x68000  }
0xb0: {  	[dreg:$0x4] =	wrdreg $0x9  }
0xb1: {  	_ =	task.clear_ibuf [dreg:s6], $0x5FFFF;
	_ =	strace $0x90000046  }
0xb2: {  	s29 =	simm.s32 $0x9;
	_ =	strace $0x80000048  }
0xb3: {  	_ =	swait.ge [sflag:s29], $0x1  }
0xb4: {  	[sflag:s29] =	ssyncadd.s32 $0xFFFFFFFF  }
0xb5: {  	_ =	strace $0x90000048  }
0xb6: {  	_ =	sfence  }
0xb7: {  	s30 =	sld [smem:$0x0];
	_ =	sdelay $0x2  }
0xb8: {  	s31 =	sshll.u32 s1, $0xD;
	s1 =	sshrl.u32 s1, $0x2  }
0xb9: {  	s3 =	sand.u32 $0x4000, s31;
	s1 =	sadd.s32 s1, s30  }
0xba: {  	s0 =	sor.u32 s3, s0;
	s1 =	sshll.u32 s1, $0x11  }
0xbb: {  	s0 =	sor.u32 s1, s0  }
0xbc: {  	s0 =	sadd.s32 $0x8F2B, s0  }
0xbd: {  	[sflag:s0] =	ssyncadd.remote.s32 $0x1  }
0xbe: {  	_ =	sfence.sel $0xFFFF  }
0xbf: {  	[dreg:$0x0] =	wrdreg $0xFFFFFFFF;
	(pc) =	sbr.abs _section_cstart, $3  }
0xc0: {  	[dreg:$0x1] =	wrdreg $0xFFFFFFFF  }
0xc1: {  	_ =	task.clear_ibuf [dreg:s6], $0x2FFFF;
	_ =	strace $0x9FFFFFFF  }
0xc2: {  	(tm) =	ssettm $0x7FFFFFFF  }
0xc3: {  	_ =	shalt  }
tec
execute0_lowered:
.L_overlay_start_1:
0x0: {  	(tag) =	ssettag $0x1  }
0x1: {  	s7 =	rddreg [dreg:$0x0]  }
0x2: {  	s0 =	srdreg.scid;
	s2 =	rddreg [dreg:$0x1]  }
0x3: {  	s3 =	simm.s32 $0x0;
	s12 =	simm.s32 $0x2800;
	s6 =	sand.u32 $0x1, s0  }
0x4: {  	s13 =	simm.s32 $0x80;
	s0 =	stileid.u32;
	s5 =	smul.u32 $0x140000, s6  }
0x5: {  	s14 =	simm.s32 $0x0;
	[smem:$0x7FF] =	sst s3;
	s8 =	smul.u32 $0x14000, s0  }
0x6: {  	s1 =	sshll.u32 s6, $0x4;
	s10 =	smul.u32 $0x50000, s0;
	s6 =	ssub.s32 $0x2, s6  }
0x7: {  	s31 =	sshll.u32 s0, $0x6;
	s1 =	sor.u32 s0, s1;
	s30 =	sshrl.u32 s6, $0x1  }
0x8: {  	s4 =	smul.u32 $0x500, s1;
	s1 =	rddreg [dreg:$0x2];
	_ =	strace $0x80000047  }
0x9: {  	s8 =	sadd.s32 s8, s5;
	s5 =	sadd.s32 $0x13A00, s7;
	s10 =	sshrl.u32 s10, $0x2  }
0xa: {  	s11 =	ssub.s32 s6, s30;
	s6 =	sor.u32 $0x1C01, s31;
	s8 =	sshrl.u32 s8, $0x3  }
0xb: {  	s10 =	sadd.s32 s10, s2;
	s9 =	sadd.s32 s4, s7;
	s4 =	sadd.s32 $0x11200, s7  }
0xc: {  	s8 =	sadd.s32 s8, s7;
	s10 =	sshrl.u32 s10, $0x3;
	s7 =	sadd.s32 $0x7200, s9  }
0xd: {  	s8 =	sadd.s32 $0x14200, s8;
	s9 =	smax.u32 s11, $0x1;
	s11 =	simm.s32 $0x1  }
.LBB2_1:
0xe: {  	[spmem:s10], [sflag:s6] =	dma.local [hbm:s4], $0x2800  }
0xf: {  	_ =	swait.ge [sflag:s11], $0x2800  }
0x10: {  	[sflag:s11] =	ssyncset.done $0x0  }
0x11: {  	[sflag:s11] =	ssyncadd.s32 $0xFFFFD800  }
0x12: {  	[tilespmem:s12], [sflag:$0x1] =	stream.linear.gather [hbm4b:s5+s3], $0x4000, $0x38;
	[tilespmem:$0x1A800] =	vst v63  }
0x13: {  	_ =	swait.ge [sflag:s11], $0x4000  }
0x14: {  	[sflag:s11] =	ssyncset.done $0x0  }
0x15: {  	[sflag:s11] =	ssyncadd.s32 $0xFFFFC000  }
0x16: {  	[tilespmem:s3], [sflag:$0x1] =	stream.linear.gather [hbm4b:s7+s3], $0x2780, $0x38;
	[tilespmem:$0x1A800] =	vst v63  }
0x17: {  	_ =	swait.ge [sflag:s11], $0x2780  }
0x18: {  	[sflag:s11] =	ssyncset.done $0x0  }
0x19: {  	[sflag:s11] =	ssyncadd.s32 $0xFFFFD880  }
0x1a: {  	s15 =	simm.s32 $0x0;
	[bflag:$0x0] =	sbarrier.arrive $0xFFFF  }
0x1b: {  	[spmem:s2] =	stream.indirect.scatter.add.f32 [tilespmem:s12], [sflag:$0x1], $0x80, s15, s13, $0xb8;
	[tilespmem:$0x1A800] =	vst v63  }
0x1c: {  	_ =	swait.ge [sflag:s11], $0x4000  }
0x1d: {  	s15 =	simm.s32 $0x200;
	[sflag:s11] =	ssyncset.done $0x0  }
.LBB2_2:
0x1e: {  	s16 =	sshra.s32 s15, $0x2;
	[sflag:s11] =	ssyncadd.s32 $0xFFFFC000;
	p0 =	sne.s32 s15, $0x9C00  }
0x1f: {  	[spmem:s2] =	stream.indirect.scatter.add.f32 [tilespmem:s12], [sflag:$0x1], $0x80, s16, s13, $0xb8;
	[tilespmem:$0x1A800] =	vst v63  }
.Ltmp0:
0x20: {  	_ = 	snop;
	(pc) =	sbr.rel @p0 .LBB2_2-.Ltmp0, $4  }
0x21: {  	_ = 	snop  }
0x22: {  	s15 =	sadd.s32 $0x200, s15  }
0x23: {  	_ =	swait.ge [sflag:s11], $0x4000  }
0x24: {  	[sflag:s11] =	ssyncset.done $0x0  }
0x25: {  	s14 =	sadd.s32 $0x1, s14  }
0x26: {  	[sflag:s11] =	ssyncadd.s32 $0xFFFFC000;
	p0 =	sne.s32 s14, s9  }
.Ltmp1:
0x27: {  	[bflag:$0x0] =	sbarrier.arrive $0xFFFF;
	(pc) =	sbr.rel @p0 .LBB2_1-.Ltmp1, $4  }
0x28: {  	[hbm:s8], [sflag:s6] =	dma.local [spmem:s10], $0x2800  }
0x29: {  	_ =	swait.ge [sflag:s11], $0x2800  }
0x2a: {  	[sflag:s11] =	ssyncset.done $0x0  }
0x2b: {  	[sflag:s11] =	ssyncadd.s32 $0xFFFFD800  }
0x2c: {  	_ =	sfence.sel $0x180000  }
0x2d: {  	[bflag:$0x0] =	sbarrier.arrive $0xFFFF  }
0x2e: {  	p0 =	sne.s32 s0, $0x0;
	_ =	strace $0x90000047  }
0x2f: {  	s0 =	sadd.s32 @!p0 $0x100000, s1;
	[bflag:$0x2] =	sbarrier.arrive $0xFFFF  }
0x30: {  	[sflag:s0] =	ssyncadd.tile.s32 @!p0 $0x1;
	_ =	shalt  }
.Lfunc_end2:
_tile_overlayer_lowered:
.L_overlay_start_2:
0x31: {  	(tag) =	ssettag $0x2  }
0x32: {  	s0 =	rddreg [dreg:$0x0];
	s2 =	stileid.u32  }
0x33: {  	s1 =	rddreg [dreg:$0x1];
	p0 =	sne.s32 s2, $0x0  }
0x34: {  	s3 =	rddreg [dreg:$0x2];
	[bflag:$0x3] =	sbarrier.arrive $0xFFFF;
	s2 =	simm.s32 @!p0 $0x1C01  }
0x35: {  	[timem:s3], [sflag:s2] =	dma.local @!p0 [hbm:s0], s1  }
0x36: {  	s0 =	simm.s32 @!p0 $0x1  }
0x37: {  	_ =	swait.ge @!p0 [sflag:s0], s1  }
0x38: {  	s1 =	ssub.s32 @!p0 $0x0, s1;
	[sflag:s0] =	ssyncset.done @!p0 $0x0  }
0x39: {  	[sflag:s0] =	ssyncadd.s32 @!p0 s1  }
0x3a: {  	[bflag:$0x3] =	sbarrier.arrive $0xFFFF  }
0x3b: {  	_ =	shalt  }

// kernel: kernel.15.cloned.1.call-start
scs
__scs_entry_jumppad:
0x0: {  	(pc) =	sbr.rel $0x88, $3  }
0x1: {  	(tag) =	ssettag $0x0;
	lr =	simm.s32 $0x1  }
0x2: {  	[smem:$0x3F8E] =	sst lr;
	_ =	strace $0xD0000000  }
0x3: {  	_ = 	snop  }
0x4: {  	_ = 	snop  }
0x5: {  	_ = 	snop  }
0x6: {  	_ = 	snop  }
0x7: {  	_ = 	snop  }
__scs_overlays_trampoline_lowered:
0x8: {  	[smem:$0x3F9D] =	sst s0  }
0x9: {  	[smem:$0x3F9E] =	sst s1  }
0xa: {  	[smem:$0x3F9F] =	sst s2  }
0xb: {  	[smem:$0x3FA0] =	sst s3  }
0xc: {  	[smem:$0x3FA1] =	sst s4  }
0xd: {  	[smem:$0x3FA2] =	sst s5  }
0xe: {  	[smem:$0x3FA3] =	sst s6  }
0xf: {  	[smem:$0x3FA4] =	sst s7  }
0x10: {  	[smem:$0x3FA5] =	sst s8  }
0x11: {  	[smem:$0x3FA6] =	sst s9;
	s0 =	simm.s32 @!p0 $0x0  }
0x12: {  	s1 =	sld [smem:$0x3F8C];
	s0 =	simm.s32 @p0 $0x1  }
0x13: {  	[smem:$0x3FA7] =	sst s0;
	s0 =	simm.s32 @!p1 $0x0  }
0x14: {  	s2 =	sld [smem:$0x3F8B];
	s0 =	simm.s32 @p1 $0x1  }
0x15: {  	[smem:$0x3FA8] =	sst s0;
	s0 =	simm.s32 @!p2 $0x0  }
0x16: {  	s3 =	sld [smem:$0x3FDB];
	s0 =	simm.s32 @p2 $0x1  }
0x17: {  	s4 =	simm.s32 $0x1BF5;
	[smem:$0x3FAA] =	sst s0  }
0x18: {  	s0 =	sld [smem:$0x3F8D];
	_ =	swait.ge [sflag:s4], $0x0  }
0x19: {  	s7 =	sld [smem:$0x3F8E]  }
0x1a: {  	s8 =	sadd.s32 $0xFFFFE003, lr  }
0x1b: {  	s9 =	sadd.s32 $0xFFFFFEF7, lr;
	s5 =	simm.s32 $0xFFFFFFFF;
	p2 =	slt.u32 s8, $0xFFFFF086  }
0x1c: {  	p1 =	slt.u32 s9, $0xF7A;
	s5 =	simm.s32 @!p2 $0x0  }
0x1d: {  	s5 =	simm.s32 @p1 $0x1;
	p0 =	seq.s32 s7, s2  }
0x1e: {  	s7 =	smul.u32 @!p0 $0xF7A, s2;
	p2 =	seq.s32 @!p0 s5, $0x0  }
0x1f: {  	s9 =	smul.u32 $0xF7A, s1;
	s8 =	simm.s32 @!p0 $0x1BF5;
	p2 =	por !p2, p0  }
0x20: {  	[sflag:s8] =	ssyncset.s32 @!p0 $0xFFFFF086;
	s6 =	sadd.s32 @!p0 s3, s7;
	s7 =	simm.s32 @!p0 $0x108  }
0x21: {  	s3 =	sadd.s32 s3, s9;
	s6 =	sadd.s32 @!p0 $0x88, s6;
	s7 =	simm.s32 @p2 $0x1082  }
0x22: {  	[simem:s7], [sflag:s8] =	dma.local @!p0 [hbm:s6], $0xF7A  }
0x23: {  	s9 =	sor.u32 $0xD0000000, s2;
	s6 =	simm.s32 $0x108;
	_ =	swait.ge @!p0 [sflag:s8], $0x0  }
0x24: {  	s3 =	sadd.s32 $0x88, s3;
	s6 =	simm.s32 @!p1 $0x1082;
	[sflag:s4] =	ssyncset.s32 $0xFFFFF086  }
0x25: {  	[simem:s6], [sflag:s4] =	dma.local [hbm:s3], $0xF7A  }
0x26: {  	[smem:$0x3F8E] =	sst s1;
	(tag) =	ssettag s2;
	_ =	strace s9  }
0x27: {  	s1 =	sld [smem:$0x3F9E]  }
0x28: {  	s2 =	sld [smem:$0x3F9F]  }
0x29: {  	s4 =	sld [smem:$0x3FA1]  }
0x2a: {  	p0 =	seq.s32 s5, $0x0;
	s5 =	sld [smem:$0x3FA2]  }
0x2b: {  	s6 =	sld [smem:$0x3FA3]  }
0x2c: {  	s7 =	sld [smem:$0x3FA4]  }
0x2d: {  	s3 =	simm.s32 $0x108;
	s8 =	sld [smem:$0x3FA5]  }
0x2e: {  	s3 =	simm.s32 @!p0 $0x1082;
	s9 =	sld [smem:$0x3FA6]  }
0x2f: {  	lr =	sadd.s32 s0, s3;
	s0 =	sld [smem:$0x3F9D]  }
0x30: {  	s3 =	sld [smem:$0x3FA0]  }
0x31: {  	[smem:$0x3FA9] =	sst s10  }
0x32: {  	s10 =	sld [smem:$0x3FA7];
	_ =	sdelay $0x3  }
0x33: {  	p0 =	seq.s32 s10, $0x1;
	s10 =	sld [smem:$0x3FA9];
	_ =	sdelay $0x3  }
0x34: {  	[smem:$0x3FA9] =	sst s10  }
0x35: {  	s10 =	sld [smem:$0x3FA8];
	_ =	sdelay $0x3  }
0x36: {  	p1 =	seq.s32 s10, $0x1;
	s10 =	sld [smem:$0x3FA9];
	_ =	sdelay $0x3  }
0x37: {  	[smem:$0x3FA9] =	sst s10  }
0x38: {  	s10 =	sld [smem:$0x3FAA]  }
0x39: {  	_ = 	snop;
	(pc) =	sbr.ind lr, $3  }
0x3a: {  	_ = 	snop  }
0x3b: {  	_ = 	snop  }
0x3c: {  	p2 =	seq.s32 s10, $0x1;
	s10 =	sld [smem:$0x3FA9]  }
0x3d: {  	_ =	shalt  }
0x3e: {  	_ =	shalt  }
0x3f: {  	_ =	shalt  }
0x40: {  	_ =	shalt  }
0x41: {  	_ =	shalt  }
0x42: {  	_ =	shalt  }
0x43: {  	_ =	shalt  }
0x44: {  	_ =	shalt  }
0x45: {  	_ =	shalt  }
0x46: {  	_ =	shalt  }
0x47: {  	_ =	shalt  }
0x48: {  	_ =	shalt  }
0x49: {  	_ =	shalt  }
0x4a: {  	_ =	shalt  }
0x4b: {  	_ =	shalt  }
0x4c: {  	_ =	shalt  }
0x4d: {  	_ =	shalt  }
0x4e: {  	_ =	shalt  }
0x4f: {  	_ =	shalt  }
0x50: {  	_ =	shalt  }
0x51: {  	_ =	shalt  }
0x52: {  	_ =	shalt  }
0x53: {  	_ =	shalt  }
0x54: {  	_ =	shalt  }
0x55: {  	_ =	shalt  }
0x56: {  	_ =	shalt  }
0x57: {  	_ =	shalt  }
0x58: {  	_ =	shalt  }
0x59: {  	_ =	shalt  }
0x5a: {  	_ =	shalt  }
0x5b: {  	_ =	shalt  }
0x5c: {  	_ =	shalt  }
0x5d: {  	_ =	shalt  }
0x5e: {  	_ =	shalt  }
0x5f: {  	_ =	shalt  }
0x60: {  	_ =	shalt  }
0x61: {  	_ =	shalt  }
0x62: {  	_ =	shalt  }
0x63: {  	_ =	shalt  }
0x64: {  	_ =	shalt  }
0x65: {  	_ =	shalt  }
0x66: {  	_ =	shalt  }
0x67: {  	_ =	shalt  }
0x68: {  	_ =	shalt  }
0x69: {  	_ =	shalt  }
0x6a: {  	_ =	shalt  }
0x6b: {  	_ =	shalt  }
0x6c: {  	_ =	shalt  }
0x6d: {  	_ =	shalt  }
0x6e: {  	_ =	shalt  }
0x6f: {  	_ =	shalt  }
0x70: {  	_ =	shalt  }
0x71: {  	_ =	shalt  }
0x72: {  	_ =	shalt  }
0x73: {  	_ =	shalt  }
0x74: {  	_ =	shalt  }
0x75: {  	_ =	shalt  }
0x76: {  	_ =	shalt  }
0x77: {  	_ =	shalt  }
0x78: {  	_ =	shalt  }
0x79: {  	_ =	shalt  }
0x7a: {  	_ =	shalt  }
0x7b: {  	_ =	shalt  }
0x7c: {  	_ =	shalt  }
0x7d: {  	_ =	shalt  }
0x7e: {  	_ =	shalt  }
0x7f: {  	_ =	shalt  }
0x80: {  	_ =	shalt  }
0x81: {  	_ =	shalt  }
0x82: {  	_ =	shalt  }
0x83: {  	_ =	shalt  }
0x84: {  	_ =	shalt  }
0x85: {  	_ =	shalt  }
0x86: {  	_ =	shalt  }
0x87: {  	_ =	shalt  }
.Lfunc_end0:
.L_simem_size_0:
called_computation.1_lowered:
.L_overlay_start_0:
0x88: {  	s2 =	sld [smem:$0x3FD9]  }
0x89: {  	s3 =	sld [smem:$0x3FFE];
	_ =	sdelay $0x1  }
0x8a: {  	s1 =	srdreg.scid  }
0x8b: {  	s0 =	sand.u32 $0x1, s1  }
0x8c: {  	s16 =	sshll.u32 s0, $0xA;
	s2 =	sadd.s32 s3, s2  }
0x8d: {  	s2 =	sadd.s32 s2, s16  }
0x8e: {  	[smem:$0x3FB5] =	sst s2  }
0x8f: {  	_ = 	snop  }
0x90: {  	(tm) =	ssettm $0x1  }
0x91: {  	s17 =	sld [smem:$0x3FFB];
	_ =	sdelay $0x3  }
0x92: {  	_ =	strace s17  }
0x93: {  	s2 =	sld [smem:$0x3FFC];
	_ =	sdelay $0x3  }
0x94: {  	_ =	strace s2  }
0x95: {  	s2 =	sld [smem:$0x3FFD];
	_ =	sdelay $0x3  }
0x96: {  	_ =	strace s2  }
0x97: {  	_ =	strace $0x8FFFFFFF  }
0x98: {  	s18 =	sld [smem:$0x3FDB];
	_ =	sdelay $0x1  }
0x99: {  	s19 =	simm.s32 $_scs_section_size  }
0x9a: {  	s4 =	simm.s32 $_size__tile_overlayer_lowered;
	s5 =	simm.s32 $_tile_overlayer_lowered  }
0x9b: {  	s22 =	simm.s32 $0x1BFF;
	s21 =	sshll.u32 s5, $0x1;
	s2 =	sadd.s32 s19, s18  }
0x9c: {  	s6 =	simm.s32 $0x0;
	s20 =	sshll.u32 s4, $0x1;
	s4 =	sadd.s32 s21, s2  }
0x9d: {  	[timem:s6], [sflag:s22] =	dma.local [hbm:s4], s20  }
0x9e: {  	_ =	swait.ge [sflag:s22], s20  }
0x9f: {  	s3 =	ssub.s32 $0x0, s20;
	[sflag:s22] =	ssyncset.done $0x0  }
0xa0: {  	[sflag:s22] =	ssyncadd.s32 s3;
	_ =	sdelay $0x1  }
0xa1: {  	s23 =	simm.s32 $0x1B8B  }
0xa2: {  	_ =	swait.ge [sflag:s23], $0x1  }
0xa3: {  	[sflag:s23] =	ssyncset.done $0x0  }
0xa4: {  	s25 =	simm.s32 $0x1B8E;
	s24 =	sld [smem:$0x3FFE];
	[sflag:s23] =	ssyncadd.s32 $0xFFFFFFFF  }
0xa5: {  	s26 =	simm.s32 $execute0_lowered;
	[smem:$0x3FD2] =	sst s25  }
0xa6: {  	s4 =	sshll.u32 s26, $0x1;
	_ =	strace $0x80000049;
	[dreg:$0x1] =	wrdreg $0xFFFFFFFF  }
0xa7: {  	s28 =	simm.s32 $_size_execute0_lowered;
	s2 =	sadd.s32 s2, s4;
	[dreg:$0x0] =	wrdreg $0x0  }
0xa8: {  	s4 =	sshll.u32 s28, $0x1;
	[dreg:$0x2] =	wrdreg s2  }
0xa9: {  	[dreg:$0x3] =	wrdreg s4  }
0xaa: {  	[dreg:$0x4] =	wrdreg $0xC0  }
0xab: {  	_ =	task [dreg:s6], $0x5FFFF  }
0xac: {  	[dreg:$0x1] =	wrdreg $0xFFFFFFFF  }
0xad: {  	[dreg:$0x0] =	wrdreg $0x60  }
0xae: {  	[dreg:$0x2] =	wrdreg s24  }
0xaf: {  	[dreg:$0x3] =	wrdreg $0xA8000  }
0xb0: {  	[dreg:$0x4] =	wrdreg $0x9  }
0xb1: {  	_ =	task.clear_ibuf [dreg:s6], $0x5FFFF;
	_ =	strace $0x90000049  }
0xb2: {  	s29 =	simm.s32 $0x9;
	_ =	strace $0x8000004B  }
0xb3: {  	_ =	swait.ge [sflag:s29], $0x1  }
0xb4: {  	[sflag:s29] =	ssyncadd.s32 $0xFFFFFFFF  }
0xb5: {  	_ =	strace $0x9000004B  }
0xb6: {  	_ =	sfence  }
0xb7: {  	s30 =	sld [smem:$0x0];
	_ =	sdelay $0x2  }
0xb8: {  	s31 =	sshll.u32 s1, $0xD;
	s1 =	sshrl.u32 s1, $0x2  }
0xb9: {  	s3 =	sand.u32 $0x4000, s31;
	s1 =	sadd.s32 s1, s30  }
0xba: {  	s0 =	sor.u32 s3, s0;
	s1 =	sshll.u32 s1, $0x11  }
0xbb: {  	s0 =	sor.u32 s1, s0  }
0xbc: {  	s0 =	sadd.s32 $0x8F2B, s0  }
0xbd: {  	[sflag:s0] =	ssyncadd.remote.s32 $0x1  }
0xbe: {  	_ =	sfence.sel $0xFFFF  }
0xbf: {  	[dreg:$0x0] =	wrdreg $0xFFFFFFFF;
	(pc) =	sbr.abs _section_cstart, $3  }
0xc0: {  	[dreg:$0x1] =	wrdreg $0xFFFFFFFF  }
0xc1: {  	_ =	task.clear_ibuf [dreg:s6], $0x2FFFF;
	_ =	strace $0x9FFFFFFF  }
0xc2: {  	(tm) =	ssettm $0x7FFFFFFF  }
0xc3: {  	_ =	shalt  }
tec
execute0_lowered:
.L_overlay_start_1:
0x0: {  	(tag) =	ssettag $0x1  }
0x1: {  	s6 =	rddreg [dreg:$0x0]  }
0x2: {  	s1 =	rddreg [dreg:$0x1]  }
0x3: {  	s2 =	srdreg.scid;
	s0 =	rddreg [dreg:$0x2]  }
0x4: {  	s3 =	simm.s32 $0x0;
	s15 =	simm.s32 $0x1400;
	s16 =	simm.s32 $0x80  }
0x5: {  	s17 =	simm.s32 $0x2800;
	s18 =	simm.s32 $0x6800;
	s19 =	simm.s32 $0x1  }
0x6: {  	s20 =	simm.s32 $0x2;
	s21 =	simm.s32 $0x1380;
	s22 =	simm.s32 $0x2700  }
0x7: {  	s5 =	sand.u32 $0x1, s2;
	s2 =	stileid.u32;
	[smem:$0x7FF] =	sst s3  }
0x8: {  	s4 =	sadd.s32 $0x13A00, s6;
	s9 =	sadd.s32 $0x64200, s6;
	s7 =	smul.u32 $0x140000, s5  }
0x9: {  	s10 =	sadd.s32 $0x7200, s6;
	s8 =	smul.u32 $0x14000, s2;
	_ =	strace $0x8000004A  }
0xa: {  	s23 =	sshll.u32 s5, $0x4;
	s11 =	ssub.s32 $0x2, s5;
	s25 =	smul.u32 $0x50000, s2  }
0xb: {  	s5 =	sadd.s32 $0x11200, s6;
	s28 =	sshll.u32 s2, $0x6;
	s24 =	sor.u32 s2, s23  }
0xc: {  	s12 =	sshrl.u32 s11, $0x1;
	s23 =	simm.s32 $0x2780;
	s7 =	sadd.s32 s8, s7  }
0xd: {  	s13 =	smul.u32 $0x2800, s24;
	s12 =	ssub.s32 s11, s12;
	s26 =	sshrl.u32 s25, $0x2  }
0xe: {  	s24 =	simm.s32 $0x0;
	s7 =	sshrl.u32 s7, $0x3;
	s30 =	sadd.s32 s26, s1  }
0xf: {  	s12 =	smax.u32 s12, $0x1;
	s14 =	sadd.s32 s7, s6;
	s29 =	sshrl.u32 s13, $0x3  }
0x10: {  	s6 =	sor.u32 $0x1C03, s28;
	s13 =	sshrl.u32 s30, $0x3;
	s31 =	sadd.s32 $0x280, s29  }
0x11: {  	s7 =	sadd.s32 s9, s29;
	s8 =	sadd.s32 s10, s29;
	s11 =	sadd.s32 $0x6E200, s14  }
0x12: {  	s14 =	simm.s32 $0x3;
	s9 =	sadd.s32 s9, s31;
	s10 =	sadd.s32 s10, s31  }
.LBB2_1:
0x13: {  	[spmem:s13], [sflag:s6] =	dma.local [hbm:s5], $0x2800  }
0x14: {  	_ =	swait.ge [sflag:s14], $0x2800  }
0x15: {  	[sflag:s14] =	ssyncset.done $0x0  }
0x16: {  	[sflag:s14] =	ssyncadd.s32 $0xFFFFD800  }
0x17: {  	[bflag:$0x0] =	sbarrier.arrive $0xFFFF  }
0x18: {  	[tilespmem:s3], [sflag:$0x3] =	stream.linear.gather [hbm4b:s7+s3], $0x1400, $0x38;
	[tilespmem:$0x1E800] =	vst v63  }
0x19: {  	_ =	swait.ge [sflag:s14], $0x1400  }
0x1a: {  	[sflag:s14] =	ssyncset.done $0x0  }
0x1b: {  	[sflag:s14] =	ssyncadd.s32 $0xFFFFEC00  }
0x1c: {  	[tilespmem:s15], [sflag:$0x3] =	stream.linear.gather [hbm4b:s8+s3], $0x1400, $0x38;
	[tilespmem:$0x1E800] =	vst v63  }
0x1d: {  	_ =	swait.ge [sflag:s14], $0x1400  }
0x1e: {  	[sflag:s14] =	ssyncset.done $0x0  }
0x1f: {  	[sflag:s14] =	ssyncadd.s32 $0xFFFFEC00  }
0x20: {  	[tilespmem:s17], [sflag:$0x1] =	stream.indirect.gather [hbm4b:s4+s16], $0x80, s3, s16, $0xb8;
	[tilespmem:$0x1E800] =	vst v63  }
0x21: {  	s25 =	simm.s32 $0x80  }
0x22: {  	[tilespmem:s18], [sflag:$0x2] =	stream.indirect.gather [hbm4b:s4+s16], $0x80, s25, s16, $0xb8;
	[tilespmem:$0x1E800] =	vst v63  }
0x23: {  	_ =	swait.ge [sflag:s19], $0x4000  }
0x24: {  	[sflag:s19] =	ssyncset.done $0x0  }
0x25: {  	s29 =	simm.s32 $0x1400;
	[sflag:s19] =	ssyncadd.s32 $0xFFFFC000  }
0x26: {  	[spmem:s1] =	stream.indirect.scatter.add.f32 [tilespmem:s17], [sflag:$0x3], $0x80, s29, s16, $0xb8;
	[tilespmem:$0x1E800] =	vst v63  }
0x27: {  	_ =	swait.ge [sflag:s14], $0x4000  }
0x28: {  	[sflag:s14] =	ssyncset.done $0x0  }
0x29: {  	s30 =	simm.s32 $0x100;
	[sflag:s14] =	ssyncadd.s32 $0xFFFFC000  }
0x2a: {  	[tilespmem:s17], [sflag:$0x1] =	stream.indirect.gather [hbm4b:s4+s16], $0x80, s30, s16, $0xb8;
	[tilespmem:$0x1E800] =	vst v63  }
0x2b: {  	_ =	swait.ge [sflag:s20], $0x4000  }
0x2c: {  	[sflag:s20] =	ssyncset.done $0x0  }
0x2d: {  	s31 =	simm.s32 $0x1480;
	[sflag:s20] =	ssyncadd.s32 $0xFFFFC000  }
0x2e: {  	[spmem:s1] =	stream.indirect.scatter.add.f32 [tilespmem:s18], [sflag:$0x3], $0x80, s31, s16, $0xb8;
	[tilespmem:$0x1E800] =	vst v63  }
0x2f: {  	_ =	swait.ge [sflag:s14], $0x4000  }
0x30: {  	s26 =	simm.s32 $0x800;
	s25 =	simm.s32 $0x100;
	[sflag:s14] =	ssyncset.done $0x0  }
.LBB2_2:
0x31: {  	s28 =	sadd.s32 $0x80, s25  }
0x32: {  	[sflag:s14] =	ssyncadd.s32 $0xFFFFC000;
	s29 =	smov.u32 s26;
	s30 =	sadd.s32 $0x400, s26  }
0x33: {  	[tilespmem:s18], [sflag:$0x2] =	stream.indirect.gather [hbm4b:s4+s16], $0x80, s28, s16, $0xb8;
	[tilespmem:$0x1E800] =	vst v63  }
0x34: {  	p0 =	sne.s32 s26, $0x4800;
	_ =	swait.ge [sflag:s19], $0x4000  }
0x35: {  	[sflag:s19] =	ssyncset.done $0x0  }
0x36: {  	s26 =	sadd.s32 $0x1400, s25;
	[sflag:s19] =	ssyncadd.s32 $0xFFFFC000  }
0x37: {  	[spmem:s1] =	stream.indirect.scatter.add.f32 [tilespmem:s17], [sflag:$0x3], $0x80, s26, s16, $0xb8;
	[tilespmem:$0x1E800] =	vst v63  }
0x38: {  	_ =	swait.ge [sflag:s14], $0x4000  }
0x39: {  	[sflag:s14] =	ssyncset.done $0x0  }
0x3a: {  	s26 =	sadd.s32 $0x100, s25;
	[sflag:s14] =	ssyncadd.s32 $0xFFFFC000  }
0x3b: {  	[tilespmem:s17], [sflag:$0x1] =	stream.indirect.gather [hbm4b:s4+s16], $0x80, s26, s16, $0xb8;
	[tilespmem:$0x1E800] =	vst v63  }
0x3c: {  	_ =	swait.ge [sflag:s20], $0x4000  }
.Ltmp0:
0x3d: {  	[sflag:s20] =	ssyncset.done $0x0;
	(pc) =	sbr.rel @p0 .LBB2_2-.Ltmp0, $4  }
0x3e: {  	s25 =	sadd.s32 $0x1480, s25;
	[sflag:s20] =	ssyncadd.s32 $0xFFFFC000  }
0x3f: {  	[spmem:s1] =	stream.indirect.scatter.add.f32 [tilespmem:s18], [sflag:$0x3], $0x80, s25, s16, $0xb8;
	[tilespmem:$0x1E800] =	vst v63  }
0x40: {  	_ =	swait.ge [sflag:s14], $0x4000  }
0x41: {  	s26 =	smov.u32 s30;
	s25 =	sshra.s32 s29, $0x2;
	[sflag:s14] =	ssyncset.done $0x0  }
0x42: {  	s26 =	sadd.s32 $0x80, s25;
	[sflag:s14] =	ssyncadd.s32 $0xFFFFC000  }
0x43: {  	[tilespmem:s18], [sflag:$0x2] =	stream.indirect.gather [hbm4b:s4+s16], $0x80, s26, s16, $0xb8;
	[tilespmem:$0x1E800] =	vst v63  }
0x44: {  	_ =	swait.ge [sflag:s19], $0x4000  }
0x45: {  	[sflag:s19] =	ssyncset.done $0x0  }
0x46: {  	s29 =	sadd.s32 $0x1400, s25;
	[sflag:s19] =	ssyncadd.s32 $0xFFFFC000  }
0x47: {  	[spmem:s1] =	stream.indirect.scatter.add.f32 [tilespmem:s17], [sflag:$0x3], $0x80, s29, s16, $0xb8;
	[tilespmem:$0x1E800] =	vst v63  }
0x48: {  	_ =	swait.ge [sflag:s14], $0x4000  }
0x49: {  	[sflag:s14] =	ssyncset.done $0x0  }
0x4a: {  	s30 =	sadd.s32 $0x100, s25;
	[sflag:s14] =	ssyncadd.s32 $0xFFFFC000  }
0x4b: {  	[tilespmem:s17], [sflag:$0x1] =	stream.indirect.gather [hbm4b:s4+s16], $0x80, s30, s16, $0xb8;
	[tilespmem:$0x1E800] =	vst v63  }
0x4c: {  	_ =	swait.ge [sflag:s20], $0x4000  }
0x4d: {  	[sflag:s20] =	ssyncset.done $0x0  }
0x4e: {  	s31 =	sadd.s32 $0x1480, s25;
	[sflag:s20] =	ssyncadd.s32 $0xFFFFC000  }
0x4f: {  	[spmem:s1] =	stream.indirect.scatter.add.f32 [tilespmem:s18], [sflag:$0x3], $0x80, s31, s16, $0xb8;
	[tilespmem:$0x1E800] =	vst v63  }
0x50: {  	_ =	swait.ge [sflag:s14], $0x4000  }
0x51: {  	[sflag:s14] =	ssyncset.done $0x0  }
0x52: {  	[sflag:s14] =	ssyncadd.s32 $0xFFFFC000  }
0x53: {  	[tilespmem:s18], [sflag:$0x2] =	stream.indirect.gather [hbm4b:s4+s16], $0x80, s21, s16, $0xb8;
	[tilespmem:$0x1E800] =	vst v63  }
0x54: {  	_ =	swait.ge [sflag:s19], $0x4000  }
0x55: {  	[sflag:s19] =	ssyncset.done $0x0  }
0x56: {  	[sflag:s19] =	ssyncadd.s32 $0xFFFFC000  }
0x57: {  	[spmem:s1] =	stream.indirect.scatter.add.f32 [tilespmem:s17], [sflag:$0x3], $0x80, s22, s16, $0xb8;
	[tilespmem:$0x1E800] =	vst v63  }
0x58: {  	_ =	swait.ge [sflag:s14], $0x4000  }
0x59: {  	[sflag:s14] =	ssyncset.done $0x0  }
0x5a: {  	[sflag:s14] =	ssyncadd.s32 $0xFFFFC000  }
0x5b: {  	_ =	swait.ge [sflag:s20], $0x4000  }
0x5c: {  	[sflag:s20] =	ssyncset.done $0x0  }
0x5d: {  	[sflag:s20] =	ssyncadd.s32 $0xFFFFC000  }
0x5e: {  	[spmem:s1] =	stream.indirect.scatter.add.f32 [tilespmem:s18], [sflag:$0x3], $0x80, s23, s16, $0xb8;
	[tilespmem:$0x1E800] =	vst v63  }
0x5f: {  	_ =	swait.ge [sflag:s14], $0x4000  }
0x60: {  	[sflag:s14] =	ssyncset.done $0x0  }
0x61: {  	s26 =	simm.s32 $0x0;
	[sflag:s14] =	ssyncadd.s32 $0xFFFFC000  }
0x62: {  	[tilespmem:s26], [sflag:$0x3] =	stream.linear.gather [hbm4b:s9+s26], $0x1380, $0x38;
	[tilespmem:$0x1E800] =	vst v63  }
0x63: {  	_ =	swait.ge [sflag:s14], $0x1380  }
0x64: {  	[sflag:s14] =	ssyncset.done $0x0  }
0x65: {  	[sflag:s14] =	ssyncadd.s32 $0xFFFFEC80  }
0x66: {  	[tilespmem:s15], [sflag:$0x3] =	stream.linear.gather [hbm4b:s10+s26], $0x1380, $0x38;
	[tilespmem:$0x1E800] =	vst v63  }
0x67: {  	_ =	swait.ge [sflag:s14], $0x1380  }
0x68: {  	[sflag:s14] =	ssyncset.done $0x0  }
0x69: {  	[sflag:s14] =	ssyncadd.s32 $0xFFFFEC80  }
0x6a: {  	[tilespmem:s17], [sflag:$0x1] =	stream.indirect.gather [hbm4b:s4+s16], $0x80, s26, s16, $0xb8;
	[tilespmem:$0x1E800] =	vst v63  }
0x6b: {  	s28 =	simm.s32 $0x80  }
0x6c: {  	[tilespmem:s18], [sflag:$0x2] =	stream.indirect.gather [hbm4b:s4+s16], $0x80, s28, s16, $0xb8;
	[tilespmem:$0x1E800] =	vst v63  }
0x6d: {  	_ =	swait.ge [sflag:s19], $0x4000  }
0x6e: {  	[sflag:s19] =	ssyncset.done $0x0  }
0x6f: {  	s29 =	simm.s32 $0x1400;
	[sflag:s19] =	ssyncadd.s32 $0xFFFFC000  }
0x70: {  	[spmem:s1] =	stream.indirect.scatter.add.f32 [tilespmem:s17], [sflag:$0x3], $0x80, s29, s16, $0xb8;
	[tilespmem:$0x1E800] =	vst v63  }
0x71: {  	_ =	swait.ge [sflag:s14], $0x4000  }
0x72: {  	[sflag:s14] =	ssyncset.done $0x0  }
0x73: {  	s30 =	simm.s32 $0x100;
	[sflag:s14] =	ssyncadd.s32 $0xFFFFC000  }
0x74: {  	[tilespmem:s17], [sflag:$0x1] =	stream.indirect.gather [hbm4b:s4+s16], $0x80, s30, s16, $0xb8;
	[tilespmem:$0x1E800] =	vst v63  }
0x75: {  	_ =	swait.ge [sflag:s20], $0x4000  }
0x76: {  	[sflag:s20] =	ssyncset.done $0x0  }
0x77: {  	s31 =	simm.s32 $0x1480;
	[sflag:s20] =	ssyncadd.s32 $0xFFFFC000  }
0x78: {  	[spmem:s1] =	stream.indirect.scatter.add.f32 [tilespmem:s18], [sflag:$0x3], $0x80, s31, s16, $0xb8;
	[tilespmem:$0x1E800] =	vst v63  }
0x79: {  	_ =	swait.ge [sflag:s14], $0x4000  }
0x7a: {  	s25 =	simm.s32 $0x100;
	s26 =	simm.s32 $0x800;
	[sflag:s14] =	ssyncset.done $0x0  }
.LBB2_4:
0x7b: {  	s28 =	sadd.s32 $0x80, s25  }
0x7c: {  	[sflag:s14] =	ssyncadd.s32 $0xFFFFC000;
	s29 =	smov.u32 s26;
	s30 =	sadd.s32 $0x400, s26  }
0x7d: {  	[tilespmem:s18], [sflag:$0x2] =	stream.indirect.gather [hbm4b:s4+s16], $0x80, s28, s16, $0xb8;
	[tilespmem:$0x1E800] =	vst v63  }
0x7e: {  	p0 =	sne.s32 s26, $0x4800;
	_ =	swait.ge [sflag:s19], $0x4000  }
0x7f: {  	[sflag:s19] =	ssyncset.done $0x0  }
0x80: {  	s26 =	sadd.s32 $0x1400, s25;
	[sflag:s19] =	ssyncadd.s32 $0xFFFFC000  }
0x81: {  	[spmem:s1] =	stream.indirect.scatter.add.f32 [tilespmem:s17], [sflag:$0x3], $0x80, s26, s16, $0xb8;
	[tilespmem:$0x1E800] =	vst v63  }
0x82: {  	_ =	swait.ge [sflag:s14], $0x4000  }
0x83: {  	[sflag:s14] =	ssyncset.done $0x0  }
0x84: {  	s26 =	sadd.s32 $0x100, s25;
	[sflag:s14] =	ssyncadd.s32 $0xFFFFC000  }
0x85: {  	[tilespmem:s17], [sflag:$0x1] =	stream.indirect.gather [hbm4b:s4+s16], $0x80, s26, s16, $0xb8;
	[tilespmem:$0x1E800] =	vst v63  }
0x86: {  	_ =	swait.ge [sflag:s20], $0x4000  }
.Ltmp1:
0x87: {  	[sflag:s20] =	ssyncset.done $0x0;
	(pc) =	sbr.rel @p0 .LBB2_4-.Ltmp1, $4  }
0x88: {  	s25 =	sadd.s32 $0x1480, s25;
	[sflag:s20] =	ssyncadd.s32 $0xFFFFC000  }
0x89: {  	[spmem:s1] =	stream.indirect.scatter.add.f32 [tilespmem:s18], [sflag:$0x3], $0x80, s25, s16, $0xb8;
	[tilespmem:$0x1E800] =	vst v63  }
0x8a: {  	_ =	swait.ge [sflag:s14], $0x4000  }
0x8b: {  	s26 =	smov.u32 s30;
	s25 =	sshra.s32 s29, $0x2;
	[sflag:s14] =	ssyncset.done $0x0  }
0x8c: {  	s26 =	sadd.s32 $0x80, s25;
	[sflag:s14] =	ssyncadd.s32 $0xFFFFC000  }
0x8d: {  	[tilespmem:s18], [sflag:$0x2] =	stream.indirect.gather [hbm4b:s4+s16], $0x80, s26, s16, $0xb8;
	[tilespmem:$0x1E800] =	vst v63  }
0x8e: {  	_ =	swait.ge [sflag:s19], $0x4000  }
0x8f: {  	[sflag:s19] =	ssyncset.done $0x0  }
0x90: {  	s29 =	sadd.s32 $0x1400, s25;
	[sflag:s19] =	ssyncadd.s32 $0xFFFFC000  }
0x91: {  	[spmem:s1] =	stream.indirect.scatter.add.f32 [tilespmem:s17], [sflag:$0x3], $0x80, s29, s16, $0xb8;
	[tilespmem:$0x1E800] =	vst v63  }
0x92: {  	_ =	swait.ge [sflag:s14], $0x4000  }
0x93: {  	[sflag:s14] =	ssyncset.done $0x0  }
0x94: {  	s30 =	sadd.s32 $0x100, s25;
	[sflag:s14] =	ssyncadd.s32 $0xFFFFC000  }
0x95: {  	[tilespmem:s17], [sflag:$0x1] =	stream.indirect.gather [hbm4b:s4+s16], $0x80, s30, s16, $0xb8;
	[tilespmem:$0x1E800] =	vst v63  }
0x96: {  	_ =	swait.ge [sflag:s20], $0x4000  }
0x97: {  	[sflag:s20] =	ssyncset.done $0x0  }
0x98: {  	s31 =	sadd.s32 $0x1480, s25;
	[sflag:s20] =	ssyncadd.s32 $0xFFFFC000  }
0x99: {  	[spmem:s1] =	stream.indirect.scatter.add.f32 [tilespmem:s18], [sflag:$0x3], $0x80, s31, s16, $0xb8;
	[tilespmem:$0x1E800] =	vst v63  }
0x9a: {  	_ =	swait.ge [sflag:s14], $0x4000  }
0x9b: {  	[sflag:s14] =	ssyncset.done $0x0  }
0x9c: {  	[sflag:s14] =	ssyncadd.s32 $0xFFFFC000  }
0x9d: {  	_ =	swait.ge [sflag:s19], $0x4000  }
0x9e: {  	[sflag:s19] =	ssyncset.done $0x0  }
0x9f: {  	[sflag:s19] =	ssyncadd.s32 $0xFFFFC000  }
0xa0: {  	[spmem:s1] =	stream.indirect.scatter.add.f32 [tilespmem:s17], [sflag:$0x3], $0x80, s22, s16, $0xb8;
	[tilespmem:$0x1E800] =	vst v63  }
0xa1: {  	_ =	swait.ge [sflag:s14], $0x4000  }
0xa2: {  	s24 =	sadd.s32 $0x1, s24;
	[sflag:s14] =	ssyncset.done $0x0  }
0xa3: {  	p0 =	sne.s32 s24, s12;
	[sflag:s14] =	ssyncadd.s32 $0xFFFFC000  }
.Ltmp2:
0xa4: {  	[bflag:$0x0] =	sbarrier.arrive $0xFFFF;
	(pc) =	sbr.rel @p0 .LBB2_1-.Ltmp2, $4  }
0xa5: {  	[hbm:s11], [sflag:s6] =	dma.local [spmem:s13], $0x2800  }
0xa6: {  	_ =	swait.ge [sflag:s14], $0x2800  }
0xa7: {  	[sflag:s14] =	ssyncset.done $0x0  }
0xa8: {  	[sflag:s14] =	ssyncadd.s32 $0xFFFFD800  }
0xa9: {  	_ =	sfence.sel $0x180000  }
0xaa: {  	[bflag:$0x0] =	sbarrier.arrive $0xFFFF  }
0xab: {  	p0 =	sne.s32 s2, $0x0;
	_ =	strace $0x9000004A  }
0xac: {  	s0 =	sadd.s32 @!p0 $0x100000, s0;
	[bflag:$0x2] =	sbarrier.arrive $0xFFFF  }
0xad: {  	[sflag:s0] =	ssyncadd.tile.s32 @!p0 $0x1;
	_ =	shalt  }
.Lfunc_end2:
_tile_overlayer_lowered:
.L_overlay_start_2:
0xae: {  	(tag) =	ssettag $0x2  }
0xaf: {  	s0 =	rddreg [dreg:$0x0];
	s2 =	stileid.u32  }
0xb0: {  	s1 =	rddreg [dreg:$0x1];
	p0 =	sne.s32 s2, $0x0  }
0xb1: {  	s3 =	rddreg [dreg:$0x2];
	[bflag:$0x3] =	sbarrier.arrive $0xFFFF;
	s2 =	simm.s32 @!p0 $0x1C03  }
0xb2: {  	[timem:s3], [sflag:s2] =	dma.local @!p0 [hbm:s0], s1  }
0xb3: {  	s0 =	simm.s32 @!p0 $0x3  }
0xb4: {  	_ =	swait.ge @!p0 [sflag:s0], s1  }
0xb5: {  	s1 =	ssub.s32 @!p0 $0x0, s1;
	[sflag:s0] =	ssyncset.done @!p0 $0x0  }
0xb6: {  	[sflag:s0] =	ssyncadd.s32 @!p0 s1  }
0xb7: {  	[bflag:$0x3] =	sbarrier.arrive $0xFFFF  }
0xb8: {  	_ =	shalt  }

// kernel: kernel.18.cloned.1.call-start
scs
__scs_entry_jumppad:
0x0: {  	(pc) =	sbr.rel $0x88, $3  }
0x1: {  	(tag) =	ssettag $0x0;
	lr =	simm.s32 $0x1  }
0x2: {  	[smem:$0x3F8E] =	sst lr;
	_ =	strace $0xD0000000  }
0x3: {  	_ = 	snop  }
0x4: {  	_ = 	snop  }
0x5: {  	_ = 	snop  }
0x6: {  	_ = 	snop  }
0x7: {  	_ = 	snop  }
__scs_overlays_trampoline_lowered:
0x8: {  	[smem:$0x3F9D] =	sst s0  }
0x9: {  	[smem:$0x3F9E] =	sst s1  }
0xa: {  	[smem:$0x3F9F] =	sst s2  }
0xb: {  	[smem:$0x3FA0] =	sst s3  }
0xc: {  	[smem:$0x3FA1] =	sst s4  }
0xd: {  	[smem:$0x3FA2] =	sst s5  }
0xe: {  	[smem:$0x3FA3] =	sst s6  }
0xf: {  	[smem:$0x3FA4] =	sst s7  }
0x10: {  	[smem:$0x3FA5] =	sst s8  }
0x11: {  	[smem:$0x3FA6] =	sst s9;
	s0 =	simm.s32 @!p0 $0x0  }
0x12: {  	s1 =	sld [smem:$0x3F8C];
	s0 =	simm.s32 @p0 $0x1  }
0x13: {  	[smem:$0x3FA7] =	sst s0;
	s0 =	simm.s32 @!p1 $0x0  }
0x14: {  	s2 =	sld [smem:$0x3F8B];
	s0 =	simm.s32 @p1 $0x1  }
0x15: {  	[smem:$0x3FA8] =	sst s0;
	s0 =	simm.s32 @!p2 $0x0  }
0x16: {  	s3 =	sld [smem:$0x3FDB];
	s0 =	simm.s32 @p2 $0x1  }
0x17: {  	s4 =	simm.s32 $0x1BF5;
	[smem:$0x3FAA] =	sst s0  }
0x18: {  	s0 =	sld [smem:$0x3F8D];
	_ =	swait.ge [sflag:s4], $0x0  }
0x19: {  	s7 =	sld [smem:$0x3F8E]  }
0x1a: {  	s8 =	sadd.s32 $0xFFFFE003, lr  }
0x1b: {  	s9 =	sadd.s32 $0xFFFFFEF7, lr;
	s5 =	simm.s32 $0xFFFFFFFF;
	p2 =	slt.u32 s8, $0xFFFFF086  }
0x1c: {  	p1 =	slt.u32 s9, $0xF7A;
	s5 =	simm.s32 @!p2 $0x0  }
0x1d: {  	s5 =	simm.s32 @p1 $0x1;
	p0 =	seq.s32 s7, s2  }
0x1e: {  	s7 =	smul.u32 @!p0 $0xF7A, s2;
	p2 =	seq.s32 @!p0 s5, $0x0  }
0x1f: {  	s9 =	smul.u32 $0xF7A, s1;
	s8 =	simm.s32 @!p0 $0x1BF5;
	p2 =	por !p2, p0  }
0x20: {  	[sflag:s8] =	ssyncset.s32 @!p0 $0xFFFFF086;
	s6 =	sadd.s32 @!p0 s3, s7;
	s7 =	simm.s32 @!p0 $0x108  }
0x21: {  	s3 =	sadd.s32 s3, s9;
	s6 =	sadd.s32 @!p0 $0x88, s6;
	s7 =	simm.s32 @p2 $0x1082  }
0x22: {  	[simem:s7], [sflag:s8] =	dma.local @!p0 [hbm:s6], $0xF7A  }
0x23: {  	s9 =	sor.u32 $0xD0000000, s2;
	s6 =	simm.s32 $0x108;
	_ =	swait.ge @!p0 [sflag:s8], $0x0  }
0x24: {  	s3 =	sadd.s32 $0x88, s3;
	s6 =	simm.s32 @!p1 $0x1082;
	[sflag:s4] =	ssyncset.s32 $0xFFFFF086  }
0x25: {  	[simem:s6], [sflag:s4] =	dma.local [hbm:s3], $0xF7A  }
0x26: {  	[smem:$0x3F8E] =	sst s1;
	(tag) =	ssettag s2;
	_ =	strace s9  }
0x27: {  	s1 =	sld [smem:$0x3F9E]  }
0x28: {  	s2 =	sld [smem:$0x3F9F]  }
0x29: {  	s4 =	sld [smem:$0x3FA1]  }
0x2a: {  	p0 =	seq.s32 s5, $0x0;
	s5 =	sld [smem:$0x3FA2]  }
0x2b: {  	s6 =	sld [smem:$0x3FA3]  }
0x2c: {  	s7 =	sld [smem:$0x3FA4]  }
0x2d: {  	s3 =	simm.s32 $0x108;
	s8 =	sld [smem:$0x3FA5]  }
0x2e: {  	s3 =	simm.s32 @!p0 $0x1082;
	s9 =	sld [smem:$0x3FA6]  }
0x2f: {  	lr =	sadd.s32 s0, s3;
	s0 =	sld [smem:$0x3F9D]  }
0x30: {  	s3 =	sld [smem:$0x3FA0]  }
0x31: {  	[smem:$0x3FA9] =	sst s10  }
0x32: {  	s10 =	sld [smem:$0x3FA7];
	_ =	sdelay $0x3  }
0x33: {  	p0 =	seq.s32 s10, $0x1;
	s10 =	sld [smem:$0x3FA9];
	_ =	sdelay $0x3  }
0x34: {  	[smem:$0x3FA9] =	sst s10  }
0x35: {  	s10 =	sld [smem:$0x3FA8];
	_ =	sdelay $0x3  }
0x36: {  	p1 =	seq.s32 s10, $0x1;
	s10 =	sld [smem:$0x3FA9];
	_ =	sdelay $0x3  }
0x37: {  	[smem:$0x3FA9] =	sst s10  }
0x38: {  	s10 =	sld [smem:$0x3FAA]  }
0x39: {  	_ = 	snop;
	(pc) =	sbr.ind lr, $3  }
0x3a: {  	_ = 	snop  }
0x3b: {  	_ = 	snop  }
0x3c: {  	p2 =	seq.s32 s10, $0x1;
	s10 =	sld [smem:$0x3FA9]  }
0x3d: {  	_ =	shalt  }
0x3e: {  	_ =	shalt  }
0x3f: {  	_ =	shalt  }
0x40: {  	_ =	shalt  }
0x41: {  	_ =	shalt  }
0x42: {  	_ =	shalt  }
0x43: {  	_ =	shalt  }
0x44: {  	_ =	shalt  }
0x45: {  	_ =	shalt  }
0x46: {  	_ =	shalt  }
0x47: {  	_ =	shalt  }
0x48: {  	_ =	shalt  }
0x49: {  	_ =	shalt  }
0x4a: {  	_ =	shalt  }
0x4b: {  	_ =	shalt  }
0x4c: {  	_ =	shalt  }
0x4d: {  	_ =	shalt  }
0x4e: {  	_ =	shalt  }
0x4f: {  	_ =	shalt  }
0x50: {  	_ =	shalt  }
0x51: {  	_ =	shalt  }
0x52: {  	_ =	shalt  }
0x53: {  	_ =	shalt  }
0x54: {  	_ =	shalt  }
0x55: {  	_ =	shalt  }
0x56: {  	_ =	shalt  }
0x57: {  	_ =	shalt  }
0x58: {  	_ =	shalt  }
0x59: {  	_ =	shalt  }
0x5a: {  	_ =	shalt  }
0x5b: {  	_ =	shalt  }
0x5c: {  	_ =	shalt  }
0x5d: {  	_ =	shalt  }
0x5e: {  	_ =	shalt  }
0x5f: {  	_ =	shalt  }
0x60: {  	_ =	shalt  }
0x61: {  	_ =	shalt  }
0x62: {  	_ =	shalt  }
0x63: {  	_ =	shalt  }
0x64: {  	_ =	shalt  }
0x65: {  	_ =	shalt  }
0x66: {  	_ =	shalt  }
0x67: {  	_ =	shalt  }
0x68: {  	_ =	shalt  }
0x69: {  	_ =	shalt  }
0x6a: {  	_ =	shalt  }
0x6b: {  	_ =	shalt  }
0x6c: {  	_ =	shalt  }
0x6d: {  	_ =	shalt  }
0x6e: {  	_ =	shalt  }
0x6f: {  	_ =	shalt  }
0x70: {  	_ =	shalt  }
0x71: {  	_ =	shalt  }
0x72: {  	_ =	shalt  }
0x73: {  	_ =	shalt  }
0x74: {  	_ =	shalt  }
0x75: {  	_ =	shalt  }
0x76: {  	_ =	shalt  }
0x77: {  	_ =	shalt  }
0x78: {  	_ =	shalt  }
0x79: {  	_ =	shalt  }
0x7a: {  	_ =	shalt  }
0x7b: {  	_ =	shalt  }
0x7c: {  	_ =	shalt  }
0x7d: {  	_ =	shalt  }
0x7e: {  	_ =	shalt  }
0x7f: {  	_ =	shalt  }
0x80: {  	_ =	shalt  }
0x81: {  	_ =	shalt  }
0x82: {  	_ =	shalt  }
0x83: {  	_ =	shalt  }
0x84: {  	_ =	shalt  }
0x85: {  	_ =	shalt  }
0x86: {  	_ =	shalt  }
0x87: {  	_ =	shalt  }
.Lfunc_end0:
.L_simem_size_0:
called_computation.2_lowered:
.L_overlay_start_0:
0x88: {  	s2 =	sld [smem:$0x3FD9]  }
0x89: {  	s3 =	sld [smem:$0x3FFE];
	_ =	sdelay $0x1  }
0x8a: {  	s1 =	srdreg.scid  }
0x8b: {  	s0 =	sand.u32 $0x1, s1  }
0x8c: {  	s16 =	sshll.u32 s0, $0xA;
	s2 =	sadd.s32 s3, s2  }
0x8d: {  	s2 =	sadd.s32 s2, s16  }
0x8e: {  	[smem:$0x3FB5] =	sst s2  }
0x8f: {  	_ = 	snop  }
0x90: {  	(tm) =	ssettm $0x1  }
0x91: {  	s17 =	sld [smem:$0x3FFB];
	_ =	sdelay $0x3  }
0x92: {  	_ =	strace s17  }
0x93: {  	s2 =	sld [smem:$0x3FFC];
	_ =	sdelay $0x3  }
0x94: {  	_ =	strace s2  }
0x95: {  	s2 =	sld [smem:$0x3FFD];
	_ =	sdelay $0x3  }
0x96: {  	_ =	strace s2  }
0x97: {  	_ =	strace $0x8FFFFFFF  }
0x98: {  	s18 =	sld [smem:$0x3FDB];
	_ =	sdelay $0x1  }
0x99: {  	s19 =	simm.s32 $_scs_section_size  }
0x9a: {  	s4 =	simm.s32 $_size__tile_overlayer_lowered;
	s5 =	simm.s32 $_tile_overlayer_lowered  }
0x9b: {  	s22 =	simm.s32 $0x1BFF;
	s21 =	sshll.u32 s5, $0x1;
	s2 =	sadd.s32 s19, s18  }
0x9c: {  	s6 =	simm.s32 $0x0;
	s20 =	sshll.u32 s4, $0x1;
	s4 =	sadd.s32 s21, s2  }
0x9d: {  	[timem:s6], [sflag:s22] =	dma.local [hbm:s4], s20  }
0x9e: {  	_ =	swait.ge [sflag:s22], s20  }
0x9f: {  	s3 =	ssub.s32 $0x0, s20;
	[sflag:s22] =	ssyncset.done $0x0  }
0xa0: {  	[sflag:s22] =	ssyncadd.s32 s3;
	_ =	sdelay $0x1  }
0xa1: {  	s23 =	simm.s32 $0x1B8B  }
0xa2: {  	_ =	swait.ge [sflag:s23], $0x1  }
0xa3: {  	[sflag:s23] =	ssyncset.done $0x0  }
0xa4: {  	s25 =	simm.s32 $0x1B8E;
	s24 =	sld [smem:$0x3FFE];
	[sflag:s23] =	ssyncadd.s32 $0xFFFFFFFF  }
0xa5: {  	s26 =	simm.s32 $execute0_lowered;
	[smem:$0x3FD2] =	sst s25  }
0xa6: {  	s4 =	sshll.u32 s26, $0x1;
	_ =	strace $0x8000004C;
	[dreg:$0x1] =	wrdreg $0xFFFFFFFF  }
0xa7: {  	s28 =	simm.s32 $_size_execute0_lowered;
	s2 =	sadd.s32 s2, s4;
	[dreg:$0x0] =	wrdreg $0x0  }
0xa8: {  	s4 =	sshll.u32 s28, $0x1;
	[dreg:$0x2] =	wrdreg s2  }
0xa9: {  	[dreg:$0x3] =	wrdreg s4  }
0xaa: {  	[dreg:$0x4] =	wrdreg $0xC0  }
0xab: {  	_ =	task [dreg:s6], $0x5FFFF  }
0xac: {  	[dreg:$0x1] =	wrdreg $0xFFFFFFFF  }
0xad: {  	[dreg:$0x0] =	wrdreg $0x60  }
0xae: {  	[dreg:$0x2] =	wrdreg s24  }
0xaf: {  	[dreg:$0x3] =	wrdreg $0xA8000  }
0xb0: {  	[dreg:$0x4] =	wrdreg $0x9  }
0xb1: {  	_ =	task.clear_ibuf [dreg:s6], $0x5FFFF;
	_ =	strace $0x9000004C  }
0xb2: {  	s29 =	simm.s32 $0x9;
	_ =	strace $0x8000004E  }
0xb3: {  	_ =	swait.ge [sflag:s29], $0x1  }
0xb4: {  	[sflag:s29] =	ssyncadd.s32 $0xFFFFFFFF  }
0xb5: {  	_ =	strace $0x9000004E  }
0xb6: {  	_ =	sfence  }
0xb7: {  	s30 =	sld [smem:$0x0];
	_ =	sdelay $0x2  }
0xb8: {  	s31 =	sshll.u32 s1, $0xD;
	s1 =	sshrl.u32 s1, $0x2  }
0xb9: {  	s3 =	sand.u32 $0x4000, s31;
	s1 =	sadd.s32 s1, s30  }
0xba: {  	s0 =	sor.u32 s3, s0;
	s1 =	sshll.u32 s1, $0x11  }
0xbb: {  	s0 =	sor.u32 s1, s0  }
0xbc: {  	s0 =	sadd.s32 $0x8F2B, s0  }
0xbd: {  	[sflag:s0] =	ssyncadd.remote.s32 $0x1  }
0xbe: {  	_ =	sfence.sel $0xFFFF  }
0xbf: {  	[dreg:$0x0] =	wrdreg $0xFFFFFFFF;
	(pc) =	sbr.abs _section_cstart, $3  }
0xc0: {  	[dreg:$0x1] =	wrdreg $0xFFFFFFFF  }
0xc1: {  	_ =	task.clear_ibuf [dreg:s6], $0x2FFFF;
	_ =	strace $0x9FFFFFFF  }
0xc2: {  	(tm) =	ssettm $0x7FFFFFFF  }
0xc3: {  	_ =	shalt  }
tec
execute0_lowered:
.L_overlay_start_1:
0x0: {  	(tag) =	ssettag $0x1  }
0x1: {  	s6 =	rddreg [dreg:$0x0]  }
0x2: {  	s1 =	rddreg [dreg:$0x1]  }
0x3: {  	s2 =	srdreg.scid;
	s0 =	rddreg [dreg:$0x2]  }
0x4: {  	s3 =	simm.s32 $0x0;
	s15 =	simm.s32 $0x1400;
	s16 =	simm.s32 $0x80  }
0x5: {  	s17 =	simm.s32 $0x2800;
	s18 =	simm.s32 $0x6800;
	s19 =	simm.s32 $0x1  }
0x6: {  	s20 =	simm.s32 $0x2;
	s21 =	simm.s32 $0x1380;
	s22 =	simm.s32 $0x2700  }
0x7: {  	s5 =	sand.u32 $0x1, s2;
	s2 =	stileid.u32;
	[smem:$0x7FF] =	sst s3  }
0x8: {  	s4 =	sadd.s32 $0x13A00, s6;
	s9 =	sadd.s32 $0x64200, s6;
	s7 =	smul.u32 $0x140000, s5  }
0x9: {  	s10 =	sadd.s32 $0x7200, s6;
	s8 =	smul.u32 $0x14000, s2;
	_ =	strace $0x8000004D  }
0xa: {  	s23 =	sshll.u32 s5, $0x4;
	s11 =	ssub.s32 $0x2, s5;
	s25 =	smul.u32 $0x50000, s2  }
0xb: {  	s5 =	sadd.s32 $0x11200, s6;
	s28 =	sshll.u32 s2, $0x6;
	s24 =	sor.u32 s2, s23  }
0xc: {  	s12 =	sshrl.u32 s11, $0x1;
	s23 =	simm.s32 $0x2780;
	s7 =	sadd.s32 s8, s7  }
0xd: {  	s13 =	smul.u32 $0x2800, s24;
	s12 =	ssub.s32 s11, s12;
	s26 =	sshrl.u32 s25, $0x2  }
0xe: {  	s24 =	simm.s32 $0x0;
	s7 =	sshrl.u32 s7, $0x3;
	s30 =	sadd.s32 s26, s1  }
0xf: {  	s12 =	smax.u32 s12, $0x1;
	s14 =	sadd.s32 s7, s6;
	s29 =	sshrl.u32 s13, $0x3  }
0x10: {  	s6 =	sor.u32 $0x1C03, s28;
	s13 =	sshrl.u32 s30, $0x3;
	s31 =	sadd.s32 $0x280, s29  }
0x11: {  	s7 =	sadd.s32 s9, s29;
	s8 =	sadd.s32 s10, s29;
	s11 =	sadd.s32 $0x6E200, s14  }
0x12: {  	s14 =	simm.s32 $0x3;
	s9 =	sadd.s32 s9, s31;
	s10 =	sadd.s32 s10, s31  }
.LBB2_1:
0x13: {  	[spmem:s13], [sflag:s6] =	dma.local [hbm:s5], $0x2800  }
0x14: {  	_ =	swait.ge [sflag:s14], $0x2800  }
0x15: {  	[sflag:s14] =	ssyncset.done $0x0  }
0x16: {  	[sflag:s14] =	ssyncadd.s32 $0xFFFFD800  }
0x17: {  	[bflag:$0x0] =	sbarrier.arrive $0xFFFF  }
0x18: {  	[tilespmem:s3], [sflag:$0x3] =	stream.linear.gather [hbm4b:s7+s3], $0x1400, $0x38;
	[tilespmem:$0x1E800] =	vst v63  }
0x19: {  	_ =	swait.ge [sflag:s14], $0x1400  }
0x1a: {  	[sflag:s14] =	ssyncset.done $0x0  }
0x1b: {  	[sflag:s14] =	ssyncadd.s32 $0xFFFFEC00  }
0x1c: {  	[tilespmem:s15], [sflag:$0x3] =	stream.linear.gather [hbm4b:s8+s3], $0x1400, $0x38;
	[tilespmem:$0x1E800] =	vst v63  }
0x1d: {  	_ =	swait.ge [sflag:s14], $0x1400  }
0x1e: {  	[sflag:s14] =	ssyncset.done $0x0  }
0x1f: {  	[sflag:s14] =	ssyncadd.s32 $0xFFFFEC00  }
0x20: {  	[tilespmem:s17], [sflag:$0x1] =	stream.indirect.gather [hbm4b:s4+s16], $0x80, s3, s16, $0xb8;
	[tilespmem:$0x1E800] =	vst v63  }
0x21: {  	s25 =	simm.s32 $0x80  }
0x22: {  	[tilespmem:s18], [sflag:$0x2] =	stream.indirect.gather [hbm4b:s4+s16], $0x80, s25, s16, $0xb8;
	[tilespmem:$0x1E800] =	vst v63  }
0x23: {  	_ =	swait.ge [sflag:s19], $0x4000  }
0x24: {  	[sflag:s19] =	ssyncset.done $0x0  }
0x25: {  	s29 =	simm.s32 $0x1400;
	[sflag:s19] =	ssyncadd.s32 $0xFFFFC000  }
0x26: {  	[spmem:s1] =	stream.indirect.scatter.add.f32 [tilespmem:s17], [sflag:$0x3], $0x80, s29, s16, $0xb8;
	[tilespmem:$0x1E800] =	vst v63  }
0x27: {  	_ =	swait.ge [sflag:s14], $0x4000  }
0x28: {  	[sflag:s14] =	ssyncset.done $0x0  }
0x29: {  	s30 =	simm.s32 $0x100;
	[sflag:s14] =	ssyncadd.s32 $0xFFFFC000  }
0x2a: {  	[tilespmem:s17], [sflag:$0x1] =	stream.indirect.gather [hbm4b:s4+s16], $0x80, s30, s16, $0xb8;
	[tilespmem:$0x1E800] =	vst v63  }
0x2b: {  	_ =	swait.ge [sflag:s20], $0x4000  }
0x2c: {  	[sflag:s20] =	ssyncset.done $0x0  }
0x2d: {  	s31 =	simm.s32 $0x1480;
	[sflag:s20] =	ssyncadd.s32 $0xFFFFC000  }
0x2e: {  	[spmem:s1] =	stream.indirect.scatter.add.f32 [tilespmem:s18], [sflag:$0x3], $0x80, s31, s16, $0xb8;
	[tilespmem:$0x1E800] =	vst v63  }
0x2f: {  	_ =	swait.ge [sflag:s14], $0x4000  }
0x30: {  	s26 =	simm.s32 $0x800;
	s25 =	simm.s32 $0x100;
	[sflag:s14] =	ssyncset.done $0x0  }
.LBB2_2:
0x31: {  	s28 =	sadd.s32 $0x80, s25  }
0x32: {  	[sflag:s14] =	ssyncadd.s32 $0xFFFFC000;
	s29 =	smov.u32 s26;
	s30 =	sadd.s32 $0x400, s26  }
0x33: {  	[tilespmem:s18], [sflag:$0x2] =	stream.indirect.gather [hbm4b:s4+s16], $0x80, s28, s16, $0xb8;
	[tilespmem:$0x1E800] =	vst v63  }
0x34: {  	p0 =	sne.s32 s26, $0x4800;
	_ =	swait.ge [sflag:s19], $0x4000  }
0x35: {  	[sflag:s19] =	ssyncset.done $0x0  }
0x36: {  	s26 =	sadd.s32 $0x1400, s25;
	[sflag:s19] =	ssyncadd.s32 $0xFFFFC000  }
0x37: {  	[spmem:s1] =	stream.indirect.scatter.add.f32 [tilespmem:s17], [sflag:$0x3], $0x80, s26, s16, $0xb8;
	[tilespmem:$0x1E800] =	vst v63  }
0x38: {  	_ =	swait.ge [sflag:s14], $0x4000  }
0x39: {  	[sflag:s14] =	ssyncset.done $0x0  }
0x3a: {  	s26 =	sadd.s32 $0x100, s25;
	[sflag:s14] =	ssyncadd.s32 $0xFFFFC000  }
0x3b: {  	[tilespmem:s17], [sflag:$0x1] =	stream.indirect.gather [hbm4b:s4+s16], $0x80, s26, s16, $0xb8;
	[tilespmem:$0x1E800] =	vst v63  }
0x3c: {  	_ =	swait.ge [sflag:s20], $0x4000  }
.Ltmp0:
0x3d: {  	[sflag:s20] =	ssyncset.done $0x0;
	(pc) =	sbr.rel @p0 .LBB2_2-.Ltmp0, $4  }
0x3e: {  	s25 =	sadd.s32 $0x1480, s25;
	[sflag:s20] =	ssyncadd.s32 $0xFFFFC000  }
0x3f: {  	[spmem:s1] =	stream.indirect.scatter.add.f32 [tilespmem:s18], [sflag:$0x3], $0x80, s25, s16, $0xb8;
	[tilespmem:$0x1E800] =	vst v63  }
0x40: {  	_ =	swait.ge [sflag:s14], $0x4000  }
0x41: {  	s26 =	smov.u32 s30;
	s25 =	sshra.s32 s29, $0x2;
	[sflag:s14] =	ssyncset.done $0x0  }
0x42: {  	s26 =	sadd.s32 $0x80, s25;
	[sflag:s14] =	ssyncadd.s32 $0xFFFFC000  }
0x43: {  	[tilespmem:s18], [sflag:$0x2] =	stream.indirect.gather [hbm4b:s4+s16], $0x80, s26, s16, $0xb8;
	[tilespmem:$0x1E800] =	vst v63  }
0x44: {  	_ =	swait.ge [sflag:s19], $0x4000  }
0x45: {  	[sflag:s19] =	ssyncset.done $0x0  }
0x46: {  	s29 =	sadd.s32 $0x1400, s25;
	[sflag:s19] =	ssyncadd.s32 $0xFFFFC000  }
0x47: {  	[spmem:s1] =	stream.indirect.scatter.add.f32 [tilespmem:s17], [sflag:$0x3], $0x80, s29, s16, $0xb8;
	[tilespmem:$0x1E800] =	vst v63  }
0x48: {  	_ =	swait.ge [sflag:s14], $0x4000  }
0x49: {  	[sflag:s14] =	ssyncset.done $0x0  }
0x4a: {  	s30 =	sadd.s32 $0x100, s25;
	[sflag:s14] =	ssyncadd.s32 $0xFFFFC000  }
0x4b: {  	[tilespmem:s17], [sflag:$0x1] =	stream.indirect.gather [hbm4b:s4+s16], $0x80, s30, s16, $0xb8;
	[tilespmem:$0x1E800] =	vst v63  }
0x4c: {  	_ =	swait.ge [sflag:s20], $0x4000  }
0x4d: {  	[sflag:s20] =	ssyncset.done $0x0  }
0x4e: {  	s31 =	sadd.s32 $0x1480, s25;
	[sflag:s20] =	ssyncadd.s32 $0xFFFFC000  }
0x4f: {  	[spmem:s1] =	stream.indirect.scatter.add.f32 [tilespmem:s18], [sflag:$0x3], $0x80, s31, s16, $0xb8;
	[tilespmem:$0x1E800] =	vst v63  }
0x50: {  	_ =	swait.ge [sflag:s14], $0x4000  }
0x51: {  	[sflag:s14] =	ssyncset.done $0x0  }
0x52: {  	[sflag:s14] =	ssyncadd.s32 $0xFFFFC000  }
0x53: {  	[tilespmem:s18], [sflag:$0x2] =	stream.indirect.gather [hbm4b:s4+s16], $0x80, s21, s16, $0xb8;
	[tilespmem:$0x1E800] =	vst v63  }
0x54: {  	_ =	swait.ge [sflag:s19], $0x4000  }
0x55: {  	[sflag:s19] =	ssyncset.done $0x0  }
0x56: {  	[sflag:s19] =	ssyncadd.s32 $0xFFFFC000  }
0x57: {  	[spmem:s1] =	stream.indirect.scatter.add.f32 [tilespmem:s17], [sflag:$0x3], $0x80, s22, s16, $0xb8;
	[tilespmem:$0x1E800] =	vst v63  }
0x58: {  	_ =	swait.ge [sflag:s14], $0x4000  }
0x59: {  	[sflag:s14] =	ssyncset.done $0x0  }
0x5a: {  	[sflag:s14] =	ssyncadd.s32 $0xFFFFC000  }
0x5b: {  	_ =	swait.ge [sflag:s20], $0x4000  }
0x5c: {  	[sflag:s20] =	ssyncset.done $0x0  }
0x5d: {  	[sflag:s20] =	ssyncadd.s32 $0xFFFFC000  }
0x5e: {  	[spmem:s1] =	stream.indirect.scatter.add.f32 [tilespmem:s18], [sflag:$0x3], $0x80, s23, s16, $0xb8;
	[tilespmem:$0x1E800] =	vst v63  }
0x5f: {  	_ =	swait.ge [sflag:s14], $0x4000  }
0x60: {  	[sflag:s14] =	ssyncset.done $0x0  }
0x61: {  	s26 =	simm.s32 $0x0;
	[sflag:s14] =	ssyncadd.s32 $0xFFFFC000  }
0x62: {  	[tilespmem:s26], [sflag:$0x3] =	stream.linear.gather [hbm4b:s9+s26], $0x1380, $0x38;
	[tilespmem:$0x1E800] =	vst v63  }
0x63: {  	_ =	swait.ge [sflag:s14], $0x1380  }
0x64: {  	[sflag:s14] =	ssyncset.done $0x0  }
0x65: {  	[sflag:s14] =	ssyncadd.s32 $0xFFFFEC80  }
0x66: {  	[tilespmem:s15], [sflag:$0x3] =	stream.linear.gather [hbm4b:s10+s26], $0x1380, $0x38;
	[tilespmem:$0x1E800] =	vst v63  }
0x67: {  	_ =	swait.ge [sflag:s14], $0x1380  }
0x68: {  	[sflag:s14] =	ssyncset.done $0x0  }
0x69: {  	[sflag:s14] =	ssyncadd.s32 $0xFFFFEC80  }
0x6a: {  	[tilespmem:s17], [sflag:$0x1] =	stream.indirect.gather [hbm4b:s4+s16], $0x80, s26, s16, $0xb8;
	[tilespmem:$0x1E800] =	vst v63  }
0x6b: {  	s28 =	simm.s32 $0x80  }
0x6c: {  	[tilespmem:s18], [sflag:$0x2] =	stream.indirect.gather [hbm4b:s4+s16], $0x80, s28, s16, $0xb8;
	[tilespmem:$0x1E800] =	vst v63  }
0x6d: {  	_ =	swait.ge [sflag:s19], $0x4000  }
0x6e: {  	[sflag:s19] =	ssyncset.done $0x0  }
0x6f: {  	s29 =	simm.s32 $0x1400;
	[sflag:s19] =	ssyncadd.s32 $0xFFFFC000  }
0x70: {  	[spmem:s1] =	stream.indirect.scatter.add.f32 [tilespmem:s17], [sflag:$0x3], $0x80, s29, s16, $0xb8;
	[tilespmem:$0x1E800] =	vst v63  }
0x71: {  	_ =	swait.ge [sflag:s14], $0x4000  }
0x72: {  	[sflag:s14] =	ssyncset.done $0x0  }
0x73: {  	s30 =	simm.s32 $0x100;
	[sflag:s14] =	ssyncadd.s32 $0xFFFFC000  }
0x74: {  	[tilespmem:s17], [sflag:$0x1] =	stream.indirect.gather [hbm4b:s4+s16], $0x80, s30, s16, $0xb8;
	[tilespmem:$0x1E800] =	vst v63  }
0x75: {  	_ =	swait.ge [sflag:s20], $0x4000  }
0x76: {  	[sflag:s20] =	ssyncset.done $0x0  }
0x77: {  	s31 =	simm.s32 $0x1480;
	[sflag:s20] =	ssyncadd.s32 $0xFFFFC000  }
0x78: {  	[spmem:s1] =	stream.indirect.scatter.add.f32 [tilespmem:s18], [sflag:$0x3], $0x80, s31, s16, $0xb8;
	[tilespmem:$0x1E800] =	vst v63  }
0x79: {  	_ =	swait.ge [sflag:s14], $0x4000  }
0x7a: {  	s25 =	simm.s32 $0x100;
	s26 =	simm.s32 $0x800;
	[sflag:s14] =	ssyncset.done $0x0  }
.LBB2_4:
0x7b: {  	s28 =	sadd.s32 $0x80, s25  }
0x7c: {  	[sflag:s14] =	ssyncadd.s32 $0xFFFFC000;
	s29 =	smov.u32 s26;
	s30 =	sadd.s32 $0x400, s26  }
0x7d: {  	[tilespmem:s18], [sflag:$0x2] =	stream.indirect.gather [hbm4b:s4+s16], $0x80, s28, s16, $0xb8;
	[tilespmem:$0x1E800] =	vst v63  }
0x7e: {  	p0 =	sne.s32 s26, $0x4800;
	_ =	swait.ge [sflag:s19], $0x4000  }
0x7f: {  	[sflag:s19] =	ssyncset.done $0x0  }
0x80: {  	s26 =	sadd.s32 $0x1400, s25;
	[sflag:s19] =	ssyncadd.s32 $0xFFFFC000  }
0x81: {  	[spmem:s1] =	stream.indirect.scatter.add.f32 [tilespmem:s17], [sflag:$0x3], $0x80, s26, s16, $0xb8;
	[tilespmem:$0x1E800] =	vst v63  }
0x82: {  	_ =	swait.ge [sflag:s14], $0x4000  }
0x83: {  	[sflag:s14] =	ssyncset.done $0x0  }
0x84: {  	s26 =	sadd.s32 $0x100, s25;
	[sflag:s14] =	ssyncadd.s32 $0xFFFFC000  }
0x85: {  	[tilespmem:s17], [sflag:$0x1] =	stream.indirect.gather [hbm4b:s4+s16], $0x80, s26, s16, $0xb8;
	[tilespmem:$0x1E800] =	vst v63  }
0x86: {  	_ =	swait.ge [sflag:s20], $0x4000  }
.Ltmp1:
0x87: {  	[sflag:s20] =	ssyncset.done $0x0;
	(pc) =	sbr.rel @p0 .LBB2_4-.Ltmp1, $4  }
0x88: {  	s25 =	sadd.s32 $0x1480, s25;
	[sflag:s20] =	ssyncadd.s32 $0xFFFFC000  }
0x89: {  	[spmem:s1] =	stream.indirect.scatter.add.f32 [tilespmem:s18], [sflag:$0x3], $0x80, s25, s16, $0xb8;
	[tilespmem:$0x1E800] =	vst v63  }
0x8a: {  	_ =	swait.ge [sflag:s14], $0x4000  }
0x8b: {  	s26 =	smov.u32 s30;
	s25 =	sshra.s32 s29, $0x2;
	[sflag:s14] =	ssyncset.done $0x0  }
0x8c: {  	s26 =	sadd.s32 $0x80, s25;
	[sflag:s14] =	ssyncadd.s32 $0xFFFFC000  }
0x8d: {  	[tilespmem:s18], [sflag:$0x2] =	stream.indirect.gather [hbm4b:s4+s16], $0x80, s26, s16, $0xb8;
	[tilespmem:$0x1E800] =	vst v63  }
0x8e: {  	_ =	swait.ge [sflag:s19], $0x4000  }
0x8f: {  	[sflag:s19] =	ssyncset.done $0x0  }
0x90: {  	s29 =	sadd.s32 $0x1400, s25;
	[sflag:s19] =	ssyncadd.s32 $0xFFFFC000  }
0x91: {  	[spmem:s1] =	stream.indirect.scatter.add.f32 [tilespmem:s17], [sflag:$0x3], $0x80, s29, s16, $0xb8;
	[tilespmem:$0x1E800] =	vst v63  }
0x92: {  	_ =	swait.ge [sflag:s14], $0x4000  }
0x93: {  	[sflag:s14] =	ssyncset.done $0x0  }
0x94: {  	s30 =	sadd.s32 $0x100, s25;
	[sflag:s14] =	ssyncadd.s32 $0xFFFFC000  }
0x95: {  	[tilespmem:s17], [sflag:$0x1] =	stream.indirect.gather [hbm4b:s4+s16], $0x80, s30, s16, $0xb8;
	[tilespmem:$0x1E800] =	vst v63  }
0x96: {  	_ =	swait.ge [sflag:s20], $0x4000  }
0x97: {  	[sflag:s20] =	ssyncset.done $0x0  }
0x98: {  	s31 =	sadd.s32 $0x1480, s25;
	[sflag:s20] =	ssyncadd.s32 $0xFFFFC000  }
0x99: {  	[spmem:s1] =	stream.indirect.scatter.add.f32 [tilespmem:s18], [sflag:$0x3], $0x80, s31, s16, $0xb8;
	[tilespmem:$0x1E800] =	vst v63  }
0x9a: {  	_ =	swait.ge [sflag:s14], $0x4000  }
0x9b: {  	[sflag:s14] =	ssyncset.done $0x0  }
0x9c: {  	[sflag:s14] =	ssyncadd.s32 $0xFFFFC000  }
0x9d: {  	_ =	swait.ge [sflag:s19], $0x4000  }
0x9e: {  	[sflag:s19] =	ssyncset.done $0x0  }
0x9f: {  	[sflag:s19] =	ssyncadd.s32 $0xFFFFC000  }
0xa0: {  	[spmem:s1] =	stream.indirect.scatter.add.f32 [tilespmem:s17], [sflag:$0x3], $0x80, s22, s16, $0xb8;
	[tilespmem:$0x1E800] =	vst v63  }
0xa1: {  	_ =	swait.ge [sflag:s14], $0x4000  }
0xa2: {  	s24 =	sadd.s32 $0x1, s24;
	[sflag:s14] =	ssyncset.done $0x0  }
0xa3: {  	p0 =	sne.s32 s24, s12;
	[sflag:s14] =	ssyncadd.s32 $0xFFFFC000  }
.Ltmp2:
0xa4: {  	[bflag:$0x0] =	sbarrier.arrive $0xFFFF;
	(pc) =	sbr.rel @p0 .LBB2_1-.Ltmp2, $4  }
0xa5: {  	[hbm:s11], [sflag:s6] =	dma.local [spmem:s13], $0x2800  }
0xa6: {  	_ =	swait.ge [sflag:s14], $0x2800  }
0xa7: {  	[sflag:s14] =	ssyncset.done $0x0  }
0xa8: {  	[sflag:s14] =	ssyncadd.s32 $0xFFFFD800  }
0xa9: {  	_ =	sfence.sel $0x180000  }
0xaa: {  	[bflag:$0x0] =	sbarrier.arrive $0xFFFF  }
0xab: {  	p0 =	sne.s32 s2, $0x0;
	_ =	strace $0x9000004D  }
0xac: {  	s0 =	sadd.s32 @!p0 $0x100000, s0;
	[bflag:$0x2] =	sbarrier.arrive $0xFFFF  }
0xad: {  	[sflag:s0] =	ssyncadd.tile.s32 @!p0 $0x1;
	_ =	shalt  }
.Lfunc_end2:
_tile_overlayer_lowered:
.L_overlay_start_2:
0xae: {  	(tag) =	ssettag $0x2  }
0xaf: {  	s0 =	rddreg [dreg:$0x0];
	s2 =	stileid.u32  }
0xb0: {  	s1 =	rddreg [dreg:$0x1];
	p0 =	sne.s32 s2, $0x0  }
0xb1: {  	s3 =	rddreg [dreg:$0x2];
	[bflag:$0x3] =	sbarrier.arrive $0xFFFF;
	s2 =	simm.s32 @!p0 $0x1C03  }
0xb2: {  	[timem:s3], [sflag:s2] =	dma.local @!p0 [hbm:s0], s1  }
0xb3: {  	s0 =	simm.s32 @!p0 $0x3  }
0xb4: {  	_ =	swait.ge @!p0 [sflag:s0], s1  }
0xb5: {  	s1 =	ssub.s32 @!p0 $0x0, s1;
	[sflag:s0] =	ssyncset.done @!p0 $0x0  }
0xb6: {  	[sflag:s0] =	ssyncadd.s32 @!p0 s1  }
0xb7: {  	[bflag:$0x3] =	sbarrier.arrive $0xFFFF  }
0xb8: {  	_ =	shalt  }

// kernel: kernel.21.cloned.1.call-start
scs
__scs_entry_jumppad:
0x0: {  	(pc) =	sbr.rel $0x88, $3  }
0x1: {  	(tag) =	ssettag $0x0;
	lr =	simm.s32 $0x1  }
0x2: {  	[smem:$0x3F8E] =	sst lr;
	_ =	strace $0xD0000000  }
0x3: {  	_ = 	snop  }
0x4: {  	_ = 	snop  }
0x5: {  	_ = 	snop  }
0x6: {  	_ = 	snop  }
0x7: {  	_ = 	snop  }
__scs_overlays_trampoline_lowered:
0x8: {  	[smem:$0x3F9D] =	sst s0  }
0x9: {  	[smem:$0x3F9E] =	sst s1  }
0xa: {  	[smem:$0x3F9F] =	sst s2  }
0xb: {  	[smem:$0x3FA0] =	sst s3  }
0xc: {  	[smem:$0x3FA1] =	sst s4  }
0xd: {  	[smem:$0x3FA2] =	sst s5  }
0xe: {  	[smem:$0x3FA3] =	sst s6  }
0xf: {  	[smem:$0x3FA4] =	sst s7  }
0x10: {  	[smem:$0x3FA5] =	sst s8  }
0x11: {  	[smem:$0x3FA6] =	sst s9;
	s0 =	simm.s32 @!p0 $0x0  }
0x12: {  	s1 =	sld [smem:$0x3F8C];
	s0 =	simm.s32 @p0 $0x1  }
0x13: {  	[smem:$0x3FA7] =	sst s0;
	s0 =	simm.s32 @!p1 $0x0  }
0x14: {  	s2 =	sld [smem:$0x3F8B];
	s0 =	simm.s32 @p1 $0x1  }
0x15: {  	[smem:$0x3FA8] =	sst s0;
	s0 =	simm.s32 @!p2 $0x0  }
0x16: {  	s3 =	sld [smem:$0x3FDB];
	s0 =	simm.s32 @p2 $0x1  }
0x17: {  	s4 =	simm.s32 $0x1BF5;
	[smem:$0x3FAA] =	sst s0  }
0x18: {  	s0 =	sld [smem:$0x3F8D];
	_ =	swait.ge [sflag:s4], $0x0  }
0x19: {  	s7 =	sld [smem:$0x3F8E]  }
0x1a: {  	s8 =	sadd.s32 $0xFFFFE003, lr  }
0x1b: {  	s9 =	sadd.s32 $0xFFFFFEF7, lr;
	s5 =	simm.s32 $0xFFFFFFFF;
	p2 =	slt.u32 s8, $0xFFFFF086  }
0x1c: {  	p1 =	slt.u32 s9, $0xF7A;
	s5 =	simm.s32 @!p2 $0x0  }
0x1d: {  	s5 =	simm.s32 @p1 $0x1;
	p0 =	seq.s32 s7, s2  }
0x1e: {  	s7 =	smul.u32 @!p0 $0xF7A, s2;
	p2 =	seq.s32 @!p0 s5, $0x0  }
0x1f: {  	s9 =	smul.u32 $0xF7A, s1;
	s8 =	simm.s32 @!p0 $0x1BF5;
	p2 =	por !p2, p0  }
0x20: {  	[sflag:s8] =	ssyncset.s32 @!p0 $0xFFFFF086;
	s6 =	sadd.s32 @!p0 s3, s7;
	s7 =	simm.s32 @!p0 $0x108  }
0x21: {  	s3 =	sadd.s32 s3, s9;
	s6 =	sadd.s32 @!p0 $0x88, s6;
	s7 =	simm.s32 @p2 $0x1082  }
0x22: {  	[simem:s7], [sflag:s8] =	dma.local @!p0 [hbm:s6], $0xF7A  }
0x23: {  	s9 =	sor.u32 $0xD0000000, s2;
	s6 =	simm.s32 $0x108;
	_ =	swait.ge @!p0 [sflag:s8], $0x0  }
0x24: {  	s3 =	sadd.s32 $0x88, s3;
	s6 =	simm.s32 @!p1 $0x1082;
	[sflag:s4] =	ssyncset.s32 $0xFFFFF086  }
0x25: {  	[simem:s6], [sflag:s4] =	dma.local [hbm:s3], $0xF7A  }
0x26: {  	[smem:$0x3F8E] =	sst s1;
	(tag) =	ssettag s2;
	_ =	strace s9  }
0x27: {  	s1 =	sld [smem:$0x3F9E]  }
0x28: {  	s2 =	sld [smem:$0x3F9F]  }
0x29: {  	s4 =	sld [smem:$0x3FA1]  }
0x2a: {  	p0 =	seq.s32 s5, $0x0;
	s5 =	sld [smem:$0x3FA2]  }
0x2b: {  	s6 =	sld [smem:$0x3FA3]  }
0x2c: {  	s7 =	sld [smem:$0x3FA4]  }
0x2d: {  	s3 =	simm.s32 $0x108;
	s8 =	sld [smem:$0x3FA5]  }
0x2e: {  	s3 =	simm.s32 @!p0 $0x1082;
	s9 =	sld [smem:$0x3FA6]  }
0x2f: {  	lr =	sadd.s32 s0, s3;
	s0 =	sld [smem:$0x3F9D]  }
0x30: {  	s3 =	sld [smem:$0x3FA0]  }
0x31: {  	[smem:$0x3FA9] =	sst s10  }
0x32: {  	s10 =	sld [smem:$0x3FA7];
	_ =	sdelay $0x3  }
0x33: {  	p0 =	seq.s32 s10, $0x1;
	s10 =	sld [smem:$0x3FA9];
	_ =	sdelay $0x3  }
0x34: {  	[smem:$0x3FA9] =	sst s10  }
0x35: {  	s10 =	sld [smem:$0x3FA8];
	_ =	sdelay $0x3  }
0x36: {  	p1 =	seq.s32 s10, $0x1;
	s10 =	sld [smem:$0x3FA9];
	_ =	sdelay $0x3  }
0x37: {  	[smem:$0x3FA9] =	sst s10  }
0x38: {  	s10 =	sld [smem:$0x3FAA]  }
0x39: {  	_ = 	snop;
	(pc) =	sbr.ind lr, $3  }
0x3a: {  	_ = 	snop  }
0x3b: {  	_ = 	snop  }
0x3c: {  	p2 =	seq.s32 s10, $0x1;
	s10 =	sld [smem:$0x3FA9]  }
0x3d: {  	_ =	shalt  }
0x3e: {  	_ =	shalt  }
0x3f: {  	_ =	shalt  }
0x40: {  	_ =	shalt  }
0x41: {  	_ =	shalt  }
0x42: {  	_ =	shalt  }
0x43: {  	_ =	shalt  }
0x44: {  	_ =	shalt  }
0x45: {  	_ =	shalt  }
0x46: {  	_ =	shalt  }
0x47: {  	_ =	shalt  }
0x48: {  	_ =	shalt  }
0x49: {  	_ =	shalt  }
0x4a: {  	_ =	shalt  }
0x4b: {  	_ =	shalt  }
0x4c: {  	_ =	shalt  }
0x4d: {  	_ =	shalt  }
0x4e: {  	_ =	shalt  }
0x4f: {  	_ =	shalt  }
0x50: {  	_ =	shalt  }
0x51: {  	_ =	shalt  }
0x52: {  	_ =	shalt  }
0x53: {  	_ =	shalt  }
0x54: {  	_ =	shalt  }
0x55: {  	_ =	shalt  }
0x56: {  	_ =	shalt  }
0x57: {  	_ =	shalt  }
0x58: {  	_ =	shalt  }
0x59: {  	_ =	shalt  }
0x5a: {  	_ =	shalt  }
0x5b: {  	_ =	shalt  }
0x5c: {  	_ =	shalt  }
0x5d: {  	_ =	shalt  }
0x5e: {  	_ =	shalt  }
0x5f: {  	_ =	shalt  }
0x60: {  	_ =	shalt  }
0x61: {  	_ =	shalt  }
0x62: {  	_ =	shalt  }
0x63: {  	_ =	shalt  }
0x64: {  	_ =	shalt  }
0x65: {  	_ =	shalt  }
0x66: {  	_ =	shalt  }
0x67: {  	_ =	shalt  }
0x68: {  	_ =	shalt  }
0x69: {  	_ =	shalt  }
0x6a: {  	_ =	shalt  }
0x6b: {  	_ =	shalt  }
0x6c: {  	_ =	shalt  }
0x6d: {  	_ =	shalt  }
0x6e: {  	_ =	shalt  }
0x6f: {  	_ =	shalt  }
0x70: {  	_ =	shalt  }
0x71: {  	_ =	shalt  }
0x72: {  	_ =	shalt  }
0x73: {  	_ =	shalt  }
0x74: {  	_ =	shalt  }
0x75: {  	_ =	shalt  }
0x76: {  	_ =	shalt  }
0x77: {  	_ =	shalt  }
0x78: {  	_ =	shalt  }
0x79: {  	_ =	shalt  }
0x7a: {  	_ =	shalt  }
0x7b: {  	_ =	shalt  }
0x7c: {  	_ =	shalt  }
0x7d: {  	_ =	shalt  }
0x7e: {  	_ =	shalt  }
0x7f: {  	_ =	shalt  }
0x80: {  	_ =	shalt  }
0x81: {  	_ =	shalt  }
0x82: {  	_ =	shalt  }
0x83: {  	_ =	shalt  }
0x84: {  	_ =	shalt  }
0x85: {  	_ =	shalt  }
0x86: {  	_ =	shalt  }
0x87: {  	_ =	shalt  }
.Lfunc_end0:
.L_simem_size_0:
called_computation.3_lowered:
.L_overlay_start_0:
0x88: {  	s2 =	sld [smem:$0x3FD9]  }
0x89: {  	s3 =	sld [smem:$0x3FFE];
	_ =	sdelay $0x1  }
0x8a: {  	s1 =	srdreg.scid  }
0x8b: {  	s0 =	sand.u32 $0x1, s1  }
0x8c: {  	s16 =	sshll.u32 s0, $0xA;
	s2 =	sadd.s32 s3, s2  }
0x8d: {  	s2 =	sadd.s32 s2, s16  }
0x8e: {  	[smem:$0x3FB5] =	sst s2  }
0x8f: {  	_ = 	snop  }
0x90: {  	(tm) =	ssettm $0x1  }
0x91: {  	s17 =	sld [smem:$0x3FFB];
	_ =	sdelay $0x3  }
0x92: {  	_ =	strace s17  }
0x93: {  	s2 =	sld [smem:$0x3FFC];
	_ =	sdelay $0x3  }
0x94: {  	_ =	strace s2  }
0x95: {  	s2 =	sld [smem:$0x3FFD];
	_ =	sdelay $0x3  }
0x96: {  	_ =	strace s2  }
0x97: {  	_ =	strace $0x8FFFFFFF  }
0x98: {  	s18 =	sld [smem:$0x3FDB];
	_ =	sdelay $0x1  }
0x99: {  	s19 =	simm.s32 $_scs_section_size  }
0x9a: {  	s4 =	simm.s32 $_size__tile_overlayer_lowered;
	s5 =	simm.s32 $_tile_overlayer_lowered  }
0x9b: {  	s22 =	simm.s32 $0x1BFF;
	s21 =	sshll.u32 s5, $0x1;
	s2 =	sadd.s32 s19, s18  }
0x9c: {  	s6 =	simm.s32 $0x0;
	s20 =	sshll.u32 s4, $0x1;
	s4 =	sadd.s32 s21, s2  }
0x9d: {  	[timem:s6], [sflag:s22] =	dma.local [hbm:s4], s20  }
0x9e: {  	_ =	swait.ge [sflag:s22], s20  }
0x9f: {  	s3 =	ssub.s32 $0x0, s20;
	[sflag:s22] =	ssyncset.done $0x0  }
0xa0: {  	[sflag:s22] =	ssyncadd.s32 s3;
	_ =	sdelay $0x1  }
0xa1: {  	s23 =	simm.s32 $0x1B8B  }
0xa2: {  	_ =	swait.ge [sflag:s23], $0x1  }
0xa3: {  	[sflag:s23] =	ssyncset.done $0x0  }
0xa4: {  	s25 =	simm.s32 $0x1B8E;
	s24 =	sld [smem:$0x3FFE];
	[sflag:s23] =	ssyncadd.s32 $0xFFFFFFFF  }
0xa5: {  	s26 =	simm.s32 $execute0_lowered;
	[smem:$0x3FD2] =	sst s25  }
0xa6: {  	s4 =	sshll.u32 s26, $0x1;
	_ =	strace $0x8000004F;
	[dreg:$0x1] =	wrdreg $0xFFFFFFFF  }
0xa7: {  	s28 =	simm.s32 $_size_execute0_lowered;
	s2 =	sadd.s32 s2, s4;
	[dreg:$0x0] =	wrdreg $0x0  }
0xa8: {  	s4 =	sshll.u32 s28, $0x1;
	[dreg:$0x2] =	wrdreg s2  }
0xa9: {  	[dreg:$0x3] =	wrdreg s4  }
0xaa: {  	[dreg:$0x4] =	wrdreg $0xC0  }
0xab: {  	_ =	task [dreg:s6], $0x5FFFF  }
0xac: {  	[dreg:$0x1] =	wrdreg $0xFFFFFFFF  }
0xad: {  	[dreg:$0x0] =	wrdreg $0x60  }
0xae: {  	[dreg:$0x2] =	wrdreg s24  }
0xaf: {  	[dreg:$0x3] =	wrdreg $0xA8000  }
0xb0: {  	[dreg:$0x4] =	wrdreg $0x9  }
0xb1: {  	_ =	task.clear_ibuf [dreg:s6], $0x5FFFF;
	_ =	strace $0x9000004F  }
0xb2: {  	s29 =	simm.s32 $0x9;
	_ =	strace $0x80000051  }
0xb3: {  	_ =	swait.ge [sflag:s29], $0x1  }
0xb4: {  	[sflag:s29] =	ssyncadd.s32 $0xFFFFFFFF  }
0xb5: {  	_ =	strace $0x90000051  }
0xb6: {  	_ =	sfence  }
0xb7: {  	s30 =	sld [smem:$0x0];
	_ =	sdelay $0x2  }
0xb8: {  	s31 =	sshll.u32 s1, $0xD;
	s1 =	sshrl.u32 s1, $0x2  }
0xb9: {  	s3 =	sand.u32 $0x4000, s31;
	s1 =	sadd.s32 s1, s30  }
0xba: {  	s0 =	sor.u32 s3, s0;
	s1 =	sshll.u32 s1, $0x11  }
0xbb: {  	s0 =	sor.u32 s1, s0  }
0xbc: {  	s0 =	sadd.s32 $0x8F2B, s0  }
0xbd: {  	[sflag:s0] =	ssyncadd.remote.s32 $0x1  }
0xbe: {  	_ =	sfence.sel $0xFFFF  }
0xbf: {  	[dreg:$0x0] =	wrdreg $0xFFFFFFFF;
	(pc) =	sbr.abs _section_cstart, $3  }
0xc0: {  	[dreg:$0x1] =	wrdreg $0xFFFFFFFF  }
0xc1: {  	_ =	task.clear_ibuf [dreg:s6], $0x2FFFF;
	_ =	strace $0x9FFFFFFF  }
0xc2: {  	(tm) =	ssettm $0x7FFFFFFF  }
0xc3: {  	_ =	shalt  }
tec
execute0_lowered:
.L_overlay_start_1:
0x0: {  	(tag) =	ssettag $0x1  }
0x1: {  	s6 =	rddreg [dreg:$0x0]  }
0x2: {  	s1 =	rddreg [dreg:$0x1]  }
0x3: {  	s2 =	srdreg.scid;
	s0 =	rddreg [dreg:$0x2]  }
0x4: {  	s3 =	simm.s32 $0x0;
	s15 =	simm.s32 $0x1400;
	s16 =	simm.s32 $0x80  }
0x5: {  	s17 =	simm.s32 $0x2800;
	s18 =	simm.s32 $0x6800;
	s19 =	simm.s32 $0x1  }
0x6: {  	s20 =	simm.s32 $0x2;
	s21 =	simm.s32 $0x1380;
	s22 =	simm.s32 $0x2700  }
0x7: {  	s5 =	sand.u32 $0x1, s2;
	s2 =	stileid.u32;
	[smem:$0x7FF] =	sst s3  }
0x8: {  	s4 =	sadd.s32 $0x13A00, s6;
	s9 =	sadd.s32 $0x64200, s6;
	s7 =	smul.u32 $0x140000, s5  }
0x9: {  	s10 =	sadd.s32 $0x7200, s6;
	s8 =	smul.u32 $0x14000, s2;
	_ =	strace $0x80000050  }
0xa: {  	s23 =	sshll.u32 s5, $0x4;
	s11 =	ssub.s32 $0x2, s5;
	s25 =	smul.u32 $0x50000, s2  }
0xb: {  	s5 =	sadd.s32 $0x11200, s6;
	s28 =	sshll.u32 s2, $0x6;
	s24 =	sor.u32 s2, s23  }
0xc: {  	s12 =	sshrl.u32 s11, $0x1;
	s23 =	simm.s32 $0x2780;
	s7 =	sadd.s32 s8, s7  }
0xd: {  	s13 =	smul.u32 $0x2800, s24;
	s12 =	ssub.s32 s11, s12;
	s26 =	sshrl.u32 s25, $0x2  }
0xe: {  	s24 =	simm.s32 $0x0;
	s7 =	sshrl.u32 s7, $0x3;
	s30 =	sadd.s32 s26, s1  }
0xf: {  	s12 =	smax.u32 s12, $0x1;
	s14 =	sadd.s32 s7, s6;
	s29 =	sshrl.u32 s13, $0x3  }
0x10: {  	s6 =	sor.u32 $0x1C03, s28;
	s13 =	sshrl.u32 s30, $0x3;
	s31 =	sadd.s32 $0x280, s29  }
0x11: {  	s7 =	sadd.s32 s9, s29;
	s8 =	sadd.s32 s10, s29;
	s11 =	sadd.s32 $0x6E200, s14  }
0x12: {  	s14 =	simm.s32 $0x3;
	s9 =	sadd.s32 s9, s31;
	s10 =	sadd.s32 s10, s31  }
.LBB2_1:
0x13: {  	[spmem:s13], [sflag:s6] =	dma.local [hbm:s5], $0x2800  }
0x14: {  	_ =	swait.ge [sflag:s14], $0x2800  }
0x15: {  	[sflag:s14] =	ssyncset.done $0x0  }
0x16: {  	[sflag:s14] =	ssyncadd.s32 $0xFFFFD800  }
0x17: {  	[bflag:$0x0] =	sbarrier.arrive $0xFFFF  }
0x18: {  	[tilespmem:s3], [sflag:$0x3] =	stream.linear.gather [hbm4b:s7+s3], $0x1400, $0x38;
	[tilespmem:$0x1E800] =	vst v63  }
0x19: {  	_ =	swait.ge [sflag:s14], $0x1400  }
0x1a: {  	[sflag:s14] =	ssyncset.done $0x0  }
0x1b: {  	[sflag:s14] =	ssyncadd.s32 $0xFFFFEC00  }
0x1c: {  	[tilespmem:s15], [sflag:$0x3] =	stream.linear.gather [hbm4b:s8+s3], $0x1400, $0x38;
	[tilespmem:$0x1E800] =	vst v63  }
0x1d: {  	_ =	swait.ge [sflag:s14], $0x1400  }
0x1e: {  	[sflag:s14] =	ssyncset.done $0x0  }
0x1f: {  	[sflag:s14] =	ssyncadd.s32 $0xFFFFEC00  }
0x20: {  	[tilespmem:s17], [sflag:$0x1] =	stream.indirect.gather [hbm4b:s4+s16], $0x80, s3, s16, $0xb8;
	[tilespmem:$0x1E800] =	vst v63  }
0x21: {  	s25 =	simm.s32 $0x80  }
0x22: {  	[tilespmem:s18], [sflag:$0x2] =	stream.indirect.gather [hbm4b:s4+s16], $0x80, s25, s16, $0xb8;
	[tilespmem:$0x1E800] =	vst v63  }
0x23: {  	_ =	swait.ge [sflag:s19], $0x4000  }
0x24: {  	[sflag:s19] =	ssyncset.done $0x0  }
0x25: {  	s29 =	simm.s32 $0x1400;
	[sflag:s19] =	ssyncadd.s32 $0xFFFFC000  }
0x26: {  	[spmem:s1] =	stream.indirect.scatter.add.f32 [tilespmem:s17], [sflag:$0x3], $0x80, s29, s16, $0xb8;
	[tilespmem:$0x1E800] =	vst v63  }
0x27: {  	_ =	swait.ge [sflag:s14], $0x4000  }
0x28: {  	[sflag:s14] =	ssyncset.done $0x0  }
0x29: {  	s30 =	simm.s32 $0x100;
	[sflag:s14] =	ssyncadd.s32 $0xFFFFC000  }
0x2a: {  	[tilespmem:s17], [sflag:$0x1] =	stream.indirect.gather [hbm4b:s4+s16], $0x80, s30, s16, $0xb8;
	[tilespmem:$0x1E800] =	vst v63  }
0x2b: {  	_ =	swait.ge [sflag:s20], $0x4000  }
0x2c: {  	[sflag:s20] =	ssyncset.done $0x0  }
0x2d: {  	s31 =	simm.s32 $0x1480;
	[sflag:s20] =	ssyncadd.s32 $0xFFFFC000  }
0x2e: {  	[spmem:s1] =	stream.indirect.scatter.add.f32 [tilespmem:s18], [sflag:$0x3], $0x80, s31, s16, $0xb8;
	[tilespmem:$0x1E800] =	vst v63  }
0x2f: {  	_ =	swait.ge [sflag:s14], $0x4000  }
0x30: {  	s26 =	simm.s32 $0x800;
	s25 =	simm.s32 $0x100;
	[sflag:s14] =	ssyncset.done $0x0  }
.LBB2_2:
0x31: {  	s28 =	sadd.s32 $0x80, s25  }
0x32: {  	[sflag:s14] =	ssyncadd.s32 $0xFFFFC000;
	s29 =	smov.u32 s26;
	s30 =	sadd.s32 $0x400, s26  }
0x33: {  	[tilespmem:s18], [sflag:$0x2] =	stream.indirect.gather [hbm4b:s4+s16], $0x80, s28, s16, $0xb8;
	[tilespmem:$0x1E800] =	vst v63  }
0x34: {  	p0 =	sne.s32 s26, $0x4800;
	_ =	swait.ge [sflag:s19], $0x4000  }
0x35: {  	[sflag:s19] =	ssyncset.done $0x0  }
0x36: {  	s26 =	sadd.s32 $0x1400, s25;
	[sflag:s19] =	ssyncadd.s32 $0xFFFFC000  }
0x37: {  	[spmem:s1] =	stream.indirect.scatter.add.f32 [tilespmem:s17], [sflag:$0x3], $0x80, s26, s16, $0xb8;
	[tilespmem:$0x1E800] =	vst v63  }
0x38: {  	_ =	swait.ge [sflag:s14], $0x4000  }
0x39: {  	[sflag:s14] =	ssyncset.done $0x0  }
0x3a: {  	s26 =	sadd.s32 $0x100, s25;
	[sflag:s14] =	ssyncadd.s32 $0xFFFFC000  }
0x3b: {  	[tilespmem:s17], [sflag:$0x1] =	stream.indirect.gather [hbm4b:s4+s16], $0x80, s26, s16, $0xb8;
	[tilespmem:$0x1E800] =	vst v63  }
0x3c: {  	_ =	swait.ge [sflag:s20], $0x4000  }
.Ltmp0:
0x3d: {  	[sflag:s20] =	ssyncset.done $0x0;
	(pc) =	sbr.rel @p0 .LBB2_2-.Ltmp0, $4  }
0x3e: {  	s25 =	sadd.s32 $0x1480, s25;
	[sflag:s20] =	ssyncadd.s32 $0xFFFFC000  }
0x3f: {  	[spmem:s1] =	stream.indirect.scatter.add.f32 [tilespmem:s18], [sflag:$0x3], $0x80, s25, s16, $0xb8;
	[tilespmem:$0x1E800] =	vst v63  }
0x40: {  	_ =	swait.ge [sflag:s14], $0x4000  }
0x41: {  	s26 =	smov.u32 s30;
	s25 =	sshra.s32 s29, $0x2;
	[sflag:s14] =	ssyncset.done $0x0  }
0x42: {  	s26 =	sadd.s32 $0x80, s25;
	[sflag:s14] =	ssyncadd.s32 $0xFFFFC000  }
0x43: {  	[tilespmem:s18], [sflag:$0x2] =	stream.indirect.gather [hbm4b:s4+s16], $0x80, s26, s16, $0xb8;
	[tilespmem:$0x1E800] =	vst v63  }
0x44: {  	_ =	swait.ge [sflag:s19], $0x4000  }
0x45: {  	[sflag:s19] =	ssyncset.done $0x0  }
0x46: {  	s29 =	sadd.s32 $0x1400, s25;
	[sflag:s19] =	ssyncadd.s32 $0xFFFFC000  }
0x47: {  	[spmem:s1] =	stream.indirect.scatter.add.f32 [tilespmem:s17], [sflag:$0x3], $0x80, s29, s16, $0xb8;
	[tilespmem:$0x1E800] =	vst v63  }
0x48: {  	_ =	swait.ge [sflag:s14], $0x4000  }
0x49: {  	[sflag:s14] =	ssyncset.done $0x0  }
0x4a: {  	s30 =	sadd.s32 $0x100, s25;
	[sflag:s14] =	ssyncadd.s32 $0xFFFFC000  }
0x4b: {  	[tilespmem:s17], [sflag:$0x1] =	stream.indirect.gather [hbm4b:s4+s16], $0x80, s30, s16, $0xb8;
	[tilespmem:$0x1E800] =	vst v63  }
0x4c: {  	_ =	swait.ge [sflag:s20], $0x4000  }
0x4d: {  	[sflag:s20] =	ssyncset.done $0x0  }
0x4e: {  	s31 =	sadd.s32 $0x1480, s25;
	[sflag:s20] =	ssyncadd.s32 $0xFFFFC000  }
0x4f: {  	[spmem:s1] =	stream.indirect.scatter.add.f32 [tilespmem:s18], [sflag:$0x3], $0x80, s31, s16, $0xb8;
	[tilespmem:$0x1E800] =	vst v63  }
0x50: {  	_ =	swait.ge [sflag:s14], $0x4000  }
0x51: {  	[sflag:s14] =	ssyncset.done $0x0  }
0x52: {  	[sflag:s14] =	ssyncadd.s32 $0xFFFFC000  }
0x53: {  	[tilespmem:s18], [sflag:$0x2] =	stream.indirect.gather [hbm4b:s4+s16], $0x80, s21, s16, $0xb8;
	[tilespmem:$0x1E800] =	vst v63  }
0x54: {  	_ =	swait.ge [sflag:s19], $0x4000  }
0x55: {  	[sflag:s19] =	ssyncset.done $0x0  }
0x56: {  	[sflag:s19] =	ssyncadd.s32 $0xFFFFC000  }
0x57: {  	[spmem:s1] =	stream.indirect.scatter.add.f32 [tilespmem:s17], [sflag:$0x3], $0x80, s22, s16, $0xb8;
	[tilespmem:$0x1E800] =	vst v63  }
0x58: {  	_ =	swait.ge [sflag:s14], $0x4000  }
0x59: {  	[sflag:s14] =	ssyncset.done $0x0  }
0x5a: {  	[sflag:s14] =	ssyncadd.s32 $0xFFFFC000  }
0x5b: {  	_ =	swait.ge [sflag:s20], $0x4000  }
0x5c: {  	[sflag:s20] =	ssyncset.done $0x0  }
0x5d: {  	[sflag:s20] =	ssyncadd.s32 $0xFFFFC000  }
0x5e: {  	[spmem:s1] =	stream.indirect.scatter.add.f32 [tilespmem:s18], [sflag:$0x3], $0x80, s23, s16, $0xb8;
	[tilespmem:$0x1E800] =	vst v63  }
0x5f: {  	_ =	swait.ge [sflag:s14], $0x4000  }
0x60: {  	[sflag:s14] =	ssyncset.done $0x0  }
0x61: {  	s26 =	simm.s32 $0x0;
	[sflag:s14] =	ssyncadd.s32 $0xFFFFC000  }
0x62: {  	[tilespmem:s26], [sflag:$0x3] =	stream.linear.gather [hbm4b:s9+s26], $0x1380, $0x38;
	[tilespmem:$0x1E800] =	vst v63  }
0x63: {  	_ =	swait.ge [sflag:s14], $0x1380  }
0x64: {  	[sflag:s14] =	ssyncset.done $0x0  }
0x65: {  	[sflag:s14] =	ssyncadd.s32 $0xFFFFEC80  }
0x66: {  	[tilespmem:s15], [sflag:$0x3] =	stream.linear.gather [hbm4b:s10+s26], $0x1380, $0x38;
	[tilespmem:$0x1E800] =	vst v63  }
0x67: {  	_ =	swait.ge [sflag:s14], $0x1380  }
0x68: {  	[sflag:s14] =	ssyncset.done $0x0  }
0x69: {  	[sflag:s14] =	ssyncadd.s32 $0xFFFFEC80  }
0x6a: {  	[tilespmem:s17], [sflag:$0x1] =	stream.indirect.gather [hbm4b:s4+s16], $0x80, s26, s16, $0xb8;
	[tilespmem:$0x1E800] =	vst v63  }
0x6b: {  	s28 =	simm.s32 $0x80  }
0x6c: {  	[tilespmem:s18], [sflag:$0x2] =	stream.indirect.gather [hbm4b:s4+s16], $0x80, s28, s16, $0xb8;
	[tilespmem:$0x1E800] =	vst v63  }
0x6d: {  	_ =	swait.ge [sflag:s19], $0x4000  }
0x6e: {  	[sflag:s19] =	ssyncset.done $0x0  }
0x6f: {  	s29 =	simm.s32 $0x1400;
	[sflag:s19] =	ssyncadd.s32 $0xFFFFC000  }
0x70: {  	[spmem:s1] =	stream.indirect.scatter.add.f32 [tilespmem:s17], [sflag:$0x3], $0x80, s29, s16, $0xb8;
	[tilespmem:$0x1E800] =	vst v63  }
0x71: {  	_ =	swait.ge [sflag:s14], $0x4000  }
0x72: {  	[sflag:s14] =	ssyncset.done $0x0  }
0x73: {  	s30 =	simm.s32 $0x100;
	[sflag:s14] =	ssyncadd.s32 $0xFFFFC000  }
0x74: {  	[tilespmem:s17], [sflag:$0x1] =	stream.indirect.gather [hbm4b:s4+s16], $0x80, s30, s16, $0xb8;
	[tilespmem:$0x1E800] =	vst v63  }
0x75: {  	_ =	swait.ge [sflag:s20], $0x4000  }
0x76: {  	[sflag:s20] =	ssyncset.done $0x0  }
0x77: {  	s31 =	simm.s32 $0x1480;
	[sflag:s20] =	ssyncadd.s32 $0xFFFFC000  }
0x78: {  	[spmem:s1] =	stream.indirect.scatter.add.f32 [tilespmem:s18], [sflag:$0x3], $0x80, s31, s16, $0xb8;
	[tilespmem:$0x1E800] =	vst v63  }
0x79: {  	_ =	swait.ge [sflag:s14], $0x4000  }
0x7a: {  	s25 =	simm.s32 $0x100;
	s26 =	simm.s32 $0x800;
	[sflag:s14] =	ssyncset.done $0x0  }
.LBB2_4:
0x7b: {  	s28 =	sadd.s32 $0x80, s25  }
0x7c: {  	[sflag:s14] =	ssyncadd.s32 $0xFFFFC000;
	s29 =	smov.u32 s26;
	s30 =	sadd.s32 $0x400, s26  }
0x7d: {  	[tilespmem:s18], [sflag:$0x2] =	stream.indirect.gather [hbm4b:s4+s16], $0x80, s28, s16, $0xb8;
	[tilespmem:$0x1E800] =	vst v63  }
0x7e: {  	p0 =	sne.s32 s26, $0x4800;
	_ =	swait.ge [sflag:s19], $0x4000  }
0x7f: {  	[sflag:s19] =	ssyncset.done $0x0  }
0x80: {  	s26 =	sadd.s32 $0x1400, s25;
	[sflag:s19] =	ssyncadd.s32 $0xFFFFC000  }
0x81: {  	[spmem:s1] =	stream.indirect.scatter.add.f32 [tilespmem:s17], [sflag:$0x3], $0x80, s26, s16, $0xb8;
	[tilespmem:$0x1E800] =	vst v63  }
0x82: {  	_ =	swait.ge [sflag:s14], $0x4000  }
0x83: {  	[sflag:s14] =	ssyncset.done $0x0  }
0x84: {  	s26 =	sadd.s32 $0x100, s25;
	[sflag:s14] =	ssyncadd.s32 $0xFFFFC000  }
0x85: {  	[tilespmem:s17], [sflag:$0x1] =	stream.indirect.gather [hbm4b:s4+s16], $0x80, s26, s16, $0xb8;
	[tilespmem:$0x1E800] =	vst v63  }
0x86: {  	_ =	swait.ge [sflag:s20], $0x4000  }
.Ltmp1:
0x87: {  	[sflag:s20] =	ssyncset.done $0x0;
	(pc) =	sbr.rel @p0 .LBB2_4-.Ltmp1, $4  }
0x88: {  	s25 =	sadd.s32 $0x1480, s25;
	[sflag:s20] =	ssyncadd.s32 $0xFFFFC000  }
0x89: {  	[spmem:s1] =	stream.indirect.scatter.add.f32 [tilespmem:s18], [sflag:$0x3], $0x80, s25, s16, $0xb8;
	[tilespmem:$0x1E800] =	vst v63  }
0x8a: {  	_ =	swait.ge [sflag:s14], $0x4000  }
0x8b: {  	s26 =	smov.u32 s30;
	s25 =	sshra.s32 s29, $0x2;
	[sflag:s14] =	ssyncset.done $0x0  }
0x8c: {  	s26 =	sadd.s32 $0x80, s25;
	[sflag:s14] =	ssyncadd.s32 $0xFFFFC000  }
0x8d: {  	[tilespmem:s18], [sflag:$0x2] =	stream.indirect.gather [hbm4b:s4+s16], $0x80, s26, s16, $0xb8;
	[tilespmem:$0x1E800] =	vst v63  }
0x8e: {  	_ =	swait.ge [sflag:s19], $0x4000  }
0x8f: {  	[sflag:s19] =	ssyncset.done $0x0  }
0x90: {  	s29 =	sadd.s32 $0x1400, s25;
	[sflag:s19] =	ssyncadd.s32 $0xFFFFC000  }
0x91: {  	[spmem:s1] =	stream.indirect.scatter.add.f32 [tilespmem:s17], [sflag:$0x3], $0x80, s29, s16, $0xb8;
	[tilespmem:$0x1E800] =	vst v63  }
0x92: {  	_ =	swait.ge [sflag:s14], $0x4000  }
0x93: {  	[sflag:s14] =	ssyncset.done $0x0  }
0x94: {  	s30 =	sadd.s32 $0x100, s25;
	[sflag:s14] =	ssyncadd.s32 $0xFFFFC000  }
0x95: {  	[tilespmem:s17], [sflag:$0x1] =	stream.indirect.gather [hbm4b:s4+s16], $0x80, s30, s16, $0xb8;
	[tilespmem:$0x1E800] =	vst v63  }
0x96: {  	_ =	swait.ge [sflag:s20], $0x4000  }
0x97: {  	[sflag:s20] =	ssyncset.done $0x0  }
0x98: {  	s31 =	sadd.s32 $0x1480, s25;
	[sflag:s20] =	ssyncadd.s32 $0xFFFFC000  }
0x99: {  	[spmem:s1] =	stream.indirect.scatter.add.f32 [tilespmem:s18], [sflag:$0x3], $0x80, s31, s16, $0xb8;
	[tilespmem:$0x1E800] =	vst v63  }
0x9a: {  	_ =	swait.ge [sflag:s14], $0x4000  }
0x9b: {  	[sflag:s14] =	ssyncset.done $0x0  }
0x9c: {  	[sflag:s14] =	ssyncadd.s32 $0xFFFFC000  }
0x9d: {  	_ =	swait.ge [sflag:s19], $0x4000  }
0x9e: {  	[sflag:s19] =	ssyncset.done $0x0  }
0x9f: {  	[sflag:s19] =	ssyncadd.s32 $0xFFFFC000  }
0xa0: {  	[spmem:s1] =	stream.indirect.scatter.add.f32 [tilespmem:s17], [sflag:$0x3], $0x80, s22, s16, $0xb8;
	[tilespmem:$0x1E800] =	vst v63  }
0xa1: {  	_ =	swait.ge [sflag:s14], $0x4000  }
0xa2: {  	s24 =	sadd.s32 $0x1, s24;
	[sflag:s14] =	ssyncset.done $0x0  }
0xa3: {  	p0 =	sne.s32 s24, s12;
	[sflag:s14] =	ssyncadd.s32 $0xFFFFC000  }
.Ltmp2:
0xa4: {  	[bflag:$0x0] =	sbarrier.arrive $0xFFFF;
	(pc) =	sbr.rel @p0 .LBB2_1-.Ltmp2, $4  }
0xa5: {  	[hbm:s11], [sflag:s6] =	dma.local [spmem:s13], $0x2800  }
0xa6: {  	_ =	swait.ge [sflag:s14], $0x2800  }
0xa7: {  	[sflag:s14] =	ssyncset.done $0x0  }
0xa8: {  	[sflag:s14] =	ssyncadd.s32 $0xFFFFD800  }
0xa9: {  	_ =	sfence.sel $0x180000  }
0xaa: {  	[bflag:$0x0] =	sbarrier.arrive $0xFFFF  }
0xab: {  	p0 =	sne.s32 s2, $0x0;
	_ =	strace $0x90000050  }
0xac: {  	s0 =	sadd.s32 @!p0 $0x100000, s0;
	[bflag:$0x2] =	sbarrier.arrive $0xFFFF  }
0xad: {  	[sflag:s0] =	ssyncadd.tile.s32 @!p0 $0x1;
	_ =	shalt  }
.Lfunc_end2:
_tile_overlayer_lowered:
.L_overlay_start_2:
0xae: {  	(tag) =	ssettag $0x2  }
0xaf: {  	s0 =	rddreg [dreg:$0x0];
	s2 =	stileid.u32  }
0xb0: {  	s1 =	rddreg [dreg:$0x1];
	p0 =	sne.s32 s2, $0x0  }
0xb1: {  	s3 =	rddreg [dreg:$0x2];
	[bflag:$0x3] =	sbarrier.arrive $0xFFFF;
	s2 =	simm.s32 @!p0 $0x1C03  }
0xb2: {  	[timem:s3], [sflag:s2] =	dma.local @!p0 [hbm:s0], s1  }
0xb3: {  	s0 =	simm.s32 @!p0 $0x3  }
0xb4: {  	_ =	swait.ge @!p0 [sflag:s0], s1  }
0xb5: {  	s1 =	ssub.s32 @!p0 $0x0, s1;
	[sflag:s0] =	ssyncset.done @!p0 $0x0  }
0xb6: {  	[sflag:s0] =	ssyncadd.s32 @!p0 s1  }
0xb7: {  	[bflag:$0x3] =	sbarrier.arrive $0xFFFF  }
0xb8: {  	_ =	shalt  }

// kernel: kernel.24.cloned.1.call-start
scs
__scs_entry_jumppad:
0x0: {  	(pc) =	sbr.rel $0x88, $3  }
0x1: {  	(tag) =	ssettag $0x0;
	lr =	simm.s32 $0x1  }
0x2: {  	[smem:$0x3F8E] =	sst lr;
	_ =	strace $0xD0000000  }
0x3: {  	_ = 	snop  }
0x4: {  	_ = 	snop  }
0x5: {  	_ = 	snop  }
0x6: {  	_ = 	snop  }
0x7: {  	_ = 	snop  }
__scs_overlays_trampoline_lowered:
0x8: {  	[smem:$0x3F9D] =	sst s0  }
0x9: {  	[smem:$0x3F9E] =	sst s1  }
0xa: {  	[smem:$0x3F9F] =	sst s2  }
0xb: {  	[smem:$0x3FA0] =	sst s3  }
0xc: {  	[smem:$0x3FA1] =	sst s4  }
0xd: {  	[smem:$0x3FA2] =	sst s5  }
0xe: {  	[smem:$0x3FA3] =	sst s6  }
0xf: {  	[smem:$0x3FA4] =	sst s7  }
0x10: {  	[smem:$0x3FA5] =	sst s8  }
0x11: {  	[smem:$0x3FA6] =	sst s9;
	s0 =	simm.s32 @!p0 $0x0  }
0x12: {  	s1 =	sld [smem:$0x3F8C];
	s0 =	simm.s32 @p0 $0x1  }
0x13: {  	[smem:$0x3FA7] =	sst s0;
	s0 =	simm.s32 @!p1 $0x0  }
0x14: {  	s2 =	sld [smem:$0x3F8B];
	s0 =	simm.s32 @p1 $0x1  }
0x15: {  	[smem:$0x3FA8] =	sst s0;
	s0 =	simm.s32 @!p2 $0x0  }
0x16: {  	s3 =	sld [smem:$0x3FDB];
	s0 =	simm.s32 @p2 $0x1  }
0x17: {  	s4 =	simm.s32 $0x1BF5;
	[smem:$0x3FAA] =	sst s0  }
0x18: {  	s0 =	sld [smem:$0x3F8D];
	_ =	swait.ge [sflag:s4], $0x0  }
0x19: {  	s7 =	sld [smem:$0x3F8E]  }
0x1a: {  	s8 =	sadd.s32 $0xFFFFE003, lr  }
0x1b: {  	s9 =	sadd.s32 $0xFFFFFEF7, lr;
	s5 =	simm.s32 $0xFFFFFFFF;
	p2 =	slt.u32 s8, $0xFFFFF086  }
0x1c: {  	p1 =	slt.u32 s9, $0xF7A;
	s5 =	simm.s32 @!p2 $0x0  }
0x1d: {  	s5 =	simm.s32 @p1 $0x1;
	p0 =	seq.s32 s7, s2  }
0x1e: {  	s7 =	smul.u32 @!p0 $0xF7A, s2;
	p2 =	seq.s32 @!p0 s5, $0x0  }
0x1f: {  	s9 =	smul.u32 $0xF7A, s1;
	s8 =	simm.s32 @!p0 $0x1BF5;
	p2 =	por !p2, p0  }
0x20: {  	[sflag:s8] =	ssyncset.s32 @!p0 $0xFFFFF086;
	s6 =	sadd.s32 @!p0 s3, s7;
	s7 =	simm.s32 @!p0 $0x108  }
0x21: {  	s3 =	sadd.s32 s3, s9;
	s6 =	sadd.s32 @!p0 $0x88, s6;
	s7 =	simm.s32 @p2 $0x1082  }
0x22: {  	[simem:s7], [sflag:s8] =	dma.local @!p0 [hbm:s6], $0xF7A  }
0x23: {  	s9 =	sor.u32 $0xD0000000, s2;
	s6 =	simm.s32 $0x108;
	_ =	swait.ge @!p0 [sflag:s8], $0x0  }
0x24: {  	s3 =	sadd.s32 $0x88, s3;
	s6 =	simm.s32 @!p1 $0x1082;
	[sflag:s4] =	ssyncset.s32 $0xFFFFF086  }
0x25: {  	[simem:s6], [sflag:s4] =	dma.local [hbm:s3], $0xF7A  }
0x26: {  	[smem:$0x3F8E] =	sst s1;
	(tag) =	ssettag s2;
	_ =	strace s9  }
0x27: {  	s1 =	sld [smem:$0x3F9E]  }
0x28: {  	s2 =	sld [smem:$0x3F9F]  }
0x29: {  	s4 =	sld [smem:$0x3FA1]  }
0x2a: {  	p0 =	seq.s32 s5, $0x0;
	s5 =	sld [smem:$0x3FA2]  }
0x2b: {  	s6 =	sld [smem:$0x3FA3]  }
0x2c: {  	s7 =	sld [smem:$0x3FA4]  }
0x2d: {  	s3 =	simm.s32 $0x108;
	s8 =	sld [smem:$0x3FA5]  }
0x2e: {  	s3 =	simm.s32 @!p0 $0x1082;
	s9 =	sld [smem:$0x3FA6]  }
0x2f: {  	lr =	sadd.s32 s0, s3;
	s0 =	sld [smem:$0x3F9D]  }
0x30: {  	s3 =	sld [smem:$0x3FA0]  }
0x31: {  	[smem:$0x3FA9] =	sst s10  }
0x32: {  	s10 =	sld [smem:$0x3FA7];
	_ =	sdelay $0x3  }
0x33: {  	p0 =	seq.s32 s10, $0x1;
	s10 =	sld [smem:$0x3FA9];
	_ =	sdelay $0x3  }
0x34: {  	[smem:$0x3FA9] =	sst s10  }
0x35: {  	s10 =	sld [smem:$0x3FA8];
	_ =	sdelay $0x3  }
0x36: {  	p1 =	seq.s32 s10, $0x1;
	s10 =	sld [smem:$0x3FA9];
	_ =	sdelay $0x3  }
0x37: {  	[smem:$0x3FA9] =	sst s10  }
0x38: {  	s10 =	sld [smem:$0x3FAA]  }
0x39: {  	_ = 	snop;
	(pc) =	sbr.ind lr, $3  }
0x3a: {  	_ = 	snop  }
0x3b: {  	_ = 	snop  }
0x3c: {  	p2 =	seq.s32 s10, $0x1;
	s10 =	sld [smem:$0x3FA9]  }
0x3d: {  	_ =	shalt  }
0x3e: {  	_ =	shalt  }
0x3f: {  	_ =	shalt  }
0x40: {  	_ =	shalt  }
0x41: {  	_ =	shalt  }
0x42: {  	_ =	shalt  }
0x43: {  	_ =	shalt  }
0x44: {  	_ =	shalt  }
0x45: {  	_ =	shalt  }
0x46: {  	_ =	shalt  }
0x47: {  	_ =	shalt  }
0x48: {  	_ =	shalt  }
0x49: {  	_ =	shalt  }
0x4a: {  	_ =	shalt  }
0x4b: {  	_ =	shalt  }
0x4c: {  	_ =	shalt  }
0x4d: {  	_ =	shalt  }
0x4e: {  	_ =	shalt  }
0x4f: {  	_ =	shalt  }
0x50: {  	_ =	shalt  }
0x51: {  	_ =	shalt  }
0x52: {  	_ =	shalt  }
0x53: {  	_ =	shalt  }
0x54: {  	_ =	shalt  }
0x55: {  	_ =	shalt  }
0x56: {  	_ =	shalt  }
0x57: {  	_ =	shalt  }
0x58: {  	_ =	shalt  }
0x59: {  	_ =	shalt  }
0x5a: {  	_ =	shalt  }
0x5b: {  	_ =	shalt  }
0x5c: {  	_ =	shalt  }
0x5d: {  	_ =	shalt  }
0x5e: {  	_ =	shalt  }
0x5f: {  	_ =	shalt  }
0x60: {  	_ =	shalt  }
0x61: {  	_ =	shalt  }
0x62: {  	_ =	shalt  }
0x63: {  	_ =	shalt  }
0x64: {  	_ =	shalt  }
0x65: {  	_ =	shalt  }
0x66: {  	_ =	shalt  }
0x67: {  	_ =	shalt  }
0x68: {  	_ =	shalt  }
0x69: {  	_ =	shalt  }
0x6a: {  	_ =	shalt  }
0x6b: {  	_ =	shalt  }
0x6c: {  	_ =	shalt  }
0x6d: {  	_ =	shalt  }
0x6e: {  	_ =	shalt  }
0x6f: {  	_ =	shalt  }
0x70: {  	_ =	shalt  }
0x71: {  	_ =	shalt  }
0x72: {  	_ =	shalt  }
0x73: {  	_ =	shalt  }
0x74: {  	_ =	shalt  }
0x75: {  	_ =	shalt  }
0x76: {  	_ =	shalt  }
0x77: {  	_ =	shalt  }
0x78: {  	_ =	shalt  }
0x79: {  	_ =	shalt  }
0x7a: {  	_ =	shalt  }
0x7b: {  	_ =	shalt  }
0x7c: {  	_ =	shalt  }
0x7d: {  	_ =	shalt  }
0x7e: {  	_ =	shalt  }
0x7f: {  	_ =	shalt  }
0x80: {  	_ =	shalt  }
0x81: {  	_ =	shalt  }
0x82: {  	_ =	shalt  }
0x83: {  	_ =	shalt  }
0x84: {  	_ =	shalt  }
0x85: {  	_ =	shalt  }
0x86: {  	_ =	shalt  }
0x87: {  	_ =	shalt  }
.Lfunc_end0:
.L_simem_size_0:
called_computation.4_lowered:
.L_overlay_start_0:
0x88: {  	s2 =	sld [smem:$0x3FD9]  }
0x89: {  	s3 =	sld [smem:$0x3FFE];
	_ =	sdelay $0x1  }
0x8a: {  	s1 =	srdreg.scid  }
0x8b: {  	s0 =	sand.u32 $0x1, s1  }
0x8c: {  	s16 =	sshll.u32 s0, $0xA;
	s2 =	sadd.s32 s3, s2  }
0x8d: {  	s2 =	sadd.s32 s2, s16  }
0x8e: {  	[smem:$0x3FB5] =	sst s2  }
0x8f: {  	_ = 	snop  }
0x90: {  	(tm) =	ssettm $0x1  }
0x91: {  	s17 =	sld [smem:$0x3FFB];
	_ =	sdelay $0x3  }
0x92: {  	_ =	strace s17  }
0x93: {  	s2 =	sld [smem:$0x3FFC];
	_ =	sdelay $0x3  }
0x94: {  	_ =	strace s2  }
0x95: {  	s2 =	sld [smem:$0x3FFD];
	_ =	sdelay $0x3  }
0x96: {  	_ =	strace s2  }
0x97: {  	_ =	strace $0x8FFFFFFF  }
0x98: {  	s18 =	sld [smem:$0x3FDB];
	_ =	sdelay $0x1  }
0x99: {  	s19 =	simm.s32 $_scs_section_size  }
0x9a: {  	s4 =	simm.s32 $_size__tile_overlayer_lowered;
	s5 =	simm.s32 $_tile_overlayer_lowered  }
0x9b: {  	s22 =	simm.s32 $0x1BFF;
	s21 =	sshll.u32 s5, $0x1;
	s2 =	sadd.s32 s19, s18  }
0x9c: {  	s6 =	simm.s32 $0x0;
	s20 =	sshll.u32 s4, $0x1;
	s4 =	sadd.s32 s21, s2  }
0x9d: {  	[timem:s6], [sflag:s22] =	dma.local [hbm:s4], s20  }
0x9e: {  	_ =	swait.ge [sflag:s22], s20  }
0x9f: {  	s3 =	ssub.s32 $0x0, s20;
	[sflag:s22] =	ssyncset.done $0x0  }
0xa0: {  	[sflag:s22] =	ssyncadd.s32 s3;
	_ =	sdelay $0x1  }
0xa1: {  	s23 =	simm.s32 $0x1B8B  }
0xa2: {  	_ =	swait.ge [sflag:s23], $0x1  }
0xa3: {  	[sflag:s23] =	ssyncset.done $0x0  }
0xa4: {  	s25 =	simm.s32 $0x1B8E;
	s24 =	sld [smem:$0x3FFE];
	[sflag:s23] =	ssyncadd.s32 $0xFFFFFFFF  }
0xa5: {  	s26 =	simm.s32 $execute0_lowered;
	[smem:$0x3FD2] =	sst s25  }
0xa6: {  	s4 =	sshll.u32 s26, $0x1;
	_ =	strace $0x80000052;
	[dreg:$0x1] =	wrdreg $0xFFFFFFFF  }
0xa7: {  	s28 =	simm.s32 $_size_execute0_lowered;
	s2 =	sadd.s32 s2, s4;
	[dreg:$0x0] =	wrdreg $0x0  }
0xa8: {  	s4 =	sshll.u32 s28, $0x1;
	[dreg:$0x2] =	wrdreg s2  }
0xa9: {  	[dreg:$0x3] =	wrdreg s4  }
0xaa: {  	[dreg:$0x4] =	wrdreg $0xC0  }
0xab: {  	_ =	task [dreg:s6], $0x5FFFF  }
0xac: {  	[dreg:$0x1] =	wrdreg $0xFFFFFFFF  }
0xad: {  	[dreg:$0x0] =	wrdreg $0x60  }
0xae: {  	[dreg:$0x2] =	wrdreg s24  }
0xaf: {  	[dreg:$0x3] =	wrdreg $0xA8000  }
0xb0: {  	[dreg:$0x4] =	wrdreg $0x9  }
0xb1: {  	_ =	task.clear_ibuf [dreg:s6], $0x5FFFF;
	_ =	strace $0x90000052  }
0xb2: {  	s29 =	simm.s32 $0x9;
	_ =	strace $0x80000054  }
0xb3: {  	_ =	swait.ge [sflag:s29], $0x1  }
0xb4: {  	[sflag:s29] =	ssyncadd.s32 $0xFFFFFFFF  }
0xb5: {  	_ =	strace $0x90000054  }
0xb6: {  	_ =	sfence  }
0xb7: {  	s30 =	sld [smem:$0x0];
	_ =	sdelay $0x2  }
0xb8: {  	s31 =	sshll.u32 s1, $0xD;
	s1 =	sshrl.u32 s1, $0x2  }
0xb9: {  	s3 =	sand.u32 $0x4000, s31;
	s1 =	sadd.s32 s1, s30  }
0xba: {  	s0 =	sor.u32 s3, s0;
	s1 =	sshll.u32 s1, $0x11  }
0xbb: {  	s0 =	sor.u32 s1, s0  }
0xbc: {  	s0 =	sadd.s32 $0x8F2B, s0  }
0xbd: {  	[sflag:s0] =	ssyncadd.remote.s32 $0x1  }
0xbe: {  	_ =	sfence.sel $0xFFFF  }
0xbf: {  	[dreg:$0x0] =	wrdreg $0xFFFFFFFF;
	(pc) =	sbr.abs _section_cstart, $3  }
0xc0: {  	[dreg:$0x1] =	wrdreg $0xFFFFFFFF  }
0xc1: {  	_ =	task.clear_ibuf [dreg:s6], $0x2FFFF;
	_ =	strace $0x9FFFFFFF  }
0xc2: {  	(tm) =	ssettm $0x7FFFFFFF  }
0xc3: {  	_ =	shalt  }
tec
execute0_lowered:
.L_overlay_start_1:
0x0: {  	(tag) =	ssettag $0x1  }
0x1: {  	s6 =	rddreg [dreg:$0x0]  }
0x2: {  	s1 =	rddreg [dreg:$0x1]  }
0x3: {  	s2 =	srdreg.scid;
	s0 =	rddreg [dreg:$0x2]  }
0x4: {  	s3 =	simm.s32 $0x0;
	s15 =	simm.s32 $0x1400;
	s16 =	simm.s32 $0x80  }
0x5: {  	s17 =	simm.s32 $0x2800;
	s18 =	simm.s32 $0x6800;
	s19 =	simm.s32 $0x1  }
0x6: {  	s20 =	simm.s32 $0x2;
	s21 =	simm.s32 $0x1380;
	s22 =	simm.s32 $0x2700  }
0x7: {  	s5 =	sand.u32 $0x1, s2;
	s2 =	stileid.u32;
	[smem:$0x7FF] =	sst s3  }
0x8: {  	s4 =	sadd.s32 $0x13A00, s6;
	s9 =	sadd.s32 $0x64200, s6;
	s7 =	smul.u32 $0x140000, s5  }
0x9: {  	s10 =	sadd.s32 $0x7200, s6;
	s8 =	smul.u32 $0x14000, s2;
	_ =	strace $0x80000053  }
0xa: {  	s23 =	sshll.u32 s5, $0x4;
	s11 =	ssub.s32 $0x2, s5;
	s25 =	smul.u32 $0x50000, s2  }
0xb: {  	s5 =	sadd.s32 $0x11200, s6;
	s28 =	sshll.u32 s2, $0x6;
	s24 =	sor.u32 s2, s23  }
0xc: {  	s12 =	sshrl.u32 s11, $0x1;
	s23 =	simm.s32 $0x2780;
	s7 =	sadd.s32 s8, s7  }
0xd: {  	s13 =	smul.u32 $0x2800, s24;
	s12 =	ssub.s32 s11, s12;
	s26 =	sshrl.u32 s25, $0x2  }
0xe: {  	s24 =	simm.s32 $0x0;
	s7 =	sshrl.u32 s7, $0x3;
	s30 =	sadd.s32 s26, s1  }
0xf: {  	s12 =	smax.u32 s12, $0x1;
	s14 =	sadd.s32 s7, s6;
	s29 =	sshrl.u32 s13, $0x3  }
0x10: {  	s6 =	sor.u32 $0x1C03, s28;
	s13 =	sshrl.u32 s30, $0x3;
	s31 =	sadd.s32 $0x280, s29  }
0x11: {  	s7 =	sadd.s32 s9, s29;
	s8 =	sadd.s32 s10, s29;
	s11 =	sadd.s32 $0x6E200, s14  }
0x12: {  	s14 =	simm.s32 $0x3;
	s9 =	sadd.s32 s9, s31;
	s10 =	sadd.s32 s10, s31  }
.LBB2_1:
0x13: {  	[spmem:s13], [sflag:s6] =	dma.local [hbm:s5], $0x2800  }
0x14: {  	_ =	swait.ge [sflag:s14], $0x2800  }
0x15: {  	[sflag:s14] =	ssyncset.done $0x0  }
0x16: {  	[sflag:s14] =	ssyncadd.s32 $0xFFFFD800  }
0x17: {  	[bflag:$0x0] =	sbarrier.arrive $0xFFFF  }
0x18: {  	[tilespmem:s3], [sflag:$0x3] =	stream.linear.gather [hbm4b:s7+s3], $0x1400, $0x38;
	[tilespmem:$0x1E800] =	vst v63  }
0x19: {  	_ =	swait.ge [sflag:s14], $0x1400  }
0x1a: {  	[sflag:s14] =	ssyncset.done $0x0  }
0x1b: {  	[sflag:s14] =	ssyncadd.s32 $0xFFFFEC00  }
0x1c: {  	[tilespmem:s15], [sflag:$0x3] =	stream.linear.gather [hbm4b:s8+s3], $0x1400, $0x38;
	[tilespmem:$0x1E800] =	vst v63  }
0x1d: {  	_ =	swait.ge [sflag:s14], $0x1400  }
0x1e: {  	[sflag:s14] =	ssyncset.done $0x0  }
0x1f: {  	[sflag:s14] =	ssyncadd.s32 $0xFFFFEC00  }
0x20: {  	[tilespmem:s17], [sflag:$0x1] =	stream.indirect.gather [hbm4b:s4+s16], $0x80, s3, s16, $0xb8;
	[tilespmem:$0x1E800] =	vst v63  }
0x21: {  	s25 =	simm.s32 $0x80  }
0x22: {  	[tilespmem:s18], [sflag:$0x2] =	stream.indirect.gather [hbm4b:s4+s16], $0x80, s25, s16, $0xb8;
	[tilespmem:$0x1E800] =	vst v63  }
0x23: {  	_ =	swait.ge [sflag:s19], $0x4000  }
0x24: {  	[sflag:s19] =	ssyncset.done $0x0  }
0x25: {  	s29 =	simm.s32 $0x1400;
	[sflag:s19] =	ssyncadd.s32 $0xFFFFC000  }
0x26: {  	[spmem:s1] =	stream.indirect.scatter.add.f32 [tilespmem:s17], [sflag:$0x3], $0x80, s29, s16, $0xb8;
	[tilespmem:$0x1E800] =	vst v63  }
0x27: {  	_ =	swait.ge [sflag:s14], $0x4000  }
0x28: {  	[sflag:s14] =	ssyncset.done $0x0  }
0x29: {  	s30 =	simm.s32 $0x100;
	[sflag:s14] =	ssyncadd.s32 $0xFFFFC000  }
0x2a: {  	[tilespmem:s17], [sflag:$0x1] =	stream.indirect.gather [hbm4b:s4+s16], $0x80, s30, s16, $0xb8;
	[tilespmem:$0x1E800] =	vst v63  }
0x2b: {  	_ =	swait.ge [sflag:s20], $0x4000  }
0x2c: {  	[sflag:s20] =	ssyncset.done $0x0  }
0x2d: {  	s31 =	simm.s32 $0x1480;
	[sflag:s20] =	ssyncadd.s32 $0xFFFFC000  }
0x2e: {  	[spmem:s1] =	stream.indirect.scatter.add.f32 [tilespmem:s18], [sflag:$0x3], $0x80, s31, s16, $0xb8;
	[tilespmem:$0x1E800] =	vst v63  }
0x2f: {  	_ =	swait.ge [sflag:s14], $0x4000  }
0x30: {  	s26 =	simm.s32 $0x800;
	s25 =	simm.s32 $0x100;
	[sflag:s14] =	ssyncset.done $0x0  }
.LBB2_2:
0x31: {  	s28 =	sadd.s32 $0x80, s25  }
0x32: {  	[sflag:s14] =	ssyncadd.s32 $0xFFFFC000;
	s29 =	smov.u32 s26;
	s30 =	sadd.s32 $0x400, s26  }
0x33: {  	[tilespmem:s18], [sflag:$0x2] =	stream.indirect.gather [hbm4b:s4+s16], $0x80, s28, s16, $0xb8;
	[tilespmem:$0x1E800] =	vst v63  }
0x34: {  	p0 =	sne.s32 s26, $0x4800;
	_ =	swait.ge [sflag:s19], $0x4000  }
0x35: {  	[sflag:s19] =	ssyncset.done $0x0  }
0x36: {  	s26 =	sadd.s32 $0x1400, s25;
	[sflag:s19] =	ssyncadd.s32 $0xFFFFC000  }
0x37: {  	[spmem:s1] =	stream.indirect.scatter.add.f32 [tilespmem:s17], [sflag:$0x3], $0x80, s26, s16, $0xb8;
	[tilespmem:$0x1E800] =	vst v63  }
0x38: {  	_ =	swait.ge [sflag:s14], $0x4000  }
0x39: {  	[sflag:s14] =	ssyncset.done $0x0  }
0x3a: {  	s26 =	sadd.s32 $0x100, s25;
	[sflag:s14] =	ssyncadd.s32 $0xFFFFC000  }
0x3b: {  	[tilespmem:s17], [sflag:$0x1] =	stream.indirect.gather [hbm4b:s4+s16], $0x80, s26, s16, $0xb8;
	[tilespmem:$0x1E800] =	vst v63  }
0x3c: {  	_ =	swait.ge [sflag:s20], $0x4000  }
.Ltmp0:
0x3d: {  	[sflag:s20] =	ssyncset.done $0x0;
	(pc) =	sbr.rel @p0 .LBB2_2-.Ltmp0, $4  }
0x3e: {  	s25 =	sadd.s32 $0x1480, s25;
	[sflag:s20] =	ssyncadd.s32 $0xFFFFC000  }
0x3f: {  	[spmem:s1] =	stream.indirect.scatter.add.f32 [tilespmem:s18], [sflag:$0x3], $0x80, s25, s16, $0xb8;
	[tilespmem:$0x1E800] =	vst v63  }
0x40: {  	_ =	swait.ge [sflag:s14], $0x4000  }
0x41: {  	s26 =	smov.u32 s30;
	s25 =	sshra.s32 s29, $0x2;
	[sflag:s14] =	ssyncset.done $0x0  }
0x42: {  	s26 =	sadd.s32 $0x80, s25;
	[sflag:s14] =	ssyncadd.s32 $0xFFFFC000  }
0x43: {  	[tilespmem:s18], [sflag:$0x2] =	stream.indirect.gather [hbm4b:s4+s16], $0x80, s26, s16, $0xb8;
	[tilespmem:$0x1E800] =	vst v63  }
0x44: {  	_ =	swait.ge [sflag:s19], $0x4000  }
0x45: {  	[sflag:s19] =	ssyncset.done $0x0  }
0x46: {  	s29 =	sadd.s32 $0x1400, s25;
	[sflag:s19] =	ssyncadd.s32 $0xFFFFC000  }
0x47: {  	[spmem:s1] =	stream.indirect.scatter.add.f32 [tilespmem:s17], [sflag:$0x3], $0x80, s29, s16, $0xb8;
	[tilespmem:$0x1E800] =	vst v63  }
0x48: {  	_ =	swait.ge [sflag:s14], $0x4000  }
0x49: {  	[sflag:s14] =	ssyncset.done $0x0  }
0x4a: {  	s30 =	sadd.s32 $0x100, s25;
	[sflag:s14] =	ssyncadd.s32 $0xFFFFC000  }
0x4b: {  	[tilespmem:s17], [sflag:$0x1] =	stream.indirect.gather [hbm4b:s4+s16], $0x80, s30, s16, $0xb8;
	[tilespmem:$0x1E800] =	vst v63  }
0x4c: {  	_ =	swait.ge [sflag:s20], $0x4000  }
0x4d: {  	[sflag:s20] =	ssyncset.done $0x0  }
0x4e: {  	s31 =	sadd.s32 $0x1480, s25;
	[sflag:s20] =	ssyncadd.s32 $0xFFFFC000  }
0x4f: {  	[spmem:s1] =	stream.indirect.scatter.add.f32 [tilespmem:s18], [sflag:$0x3], $0x80, s31, s16, $0xb8;
	[tilespmem:$0x1E800] =	vst v63  }
0x50: {  	_ =	swait.ge [sflag:s14], $0x4000  }
0x51: {  	[sflag:s14] =	ssyncset.done $0x0  }
0x52: {  	[sflag:s14] =	ssyncadd.s32 $0xFFFFC000  }
0x53: {  	[tilespmem:s18], [sflag:$0x2] =	stream.indirect.gather [hbm4b:s4+s16], $0x80, s21, s16, $0xb8;
	[tilespmem:$0x1E800] =	vst v63  }
0x54: {  	_ =	swait.ge [sflag:s19], $0x4000  }
0x55: {  	[sflag:s19] =	ssyncset.done $0x0  }
0x56: {  	[sflag:s19] =	ssyncadd.s32 $0xFFFFC000  }
0x57: {  	[spmem:s1] =	stream.indirect.scatter.add.f32 [tilespmem:s17], [sflag:$0x3], $0x80, s22, s16, $0xb8;
	[tilespmem:$0x1E800] =	vst v63  }
0x58: {  	_ =	swait.ge [sflag:s14], $0x4000  }
0x59: {  	[sflag:s14] =	ssyncset.done $0x0  }
0x5a: {  	[sflag:s14] =	ssyncadd.s32 $0xFFFFC000  }
0x5b: {  	_ =	swait.ge [sflag:s20], $0x4000  }
0x5c: {  	[sflag:s20] =	ssyncset.done $0x0  }
0x5d: {  	[sflag:s20] =	ssyncadd.s32 $0xFFFFC000  }
0x5e: {  	[spmem:s1] =	stream.indirect.scatter.add.f32 [tilespmem:s18], [sflag:$0x3], $0x80, s23, s16, $0xb8;
	[tilespmem:$0x1E800] =	vst v63  }
0x5f: {  	_ =	swait.ge [sflag:s14], $0x4000  }
0x60: {  	[sflag:s14] =	ssyncset.done $0x0  }
0x61: {  	s26 =	simm.s32 $0x0;
	[sflag:s14] =	ssyncadd.s32 $0xFFFFC000  }
0x62: {  	[tilespmem:s26], [sflag:$0x3] =	stream.linear.gather [hbm4b:s9+s26], $0x1380, $0x38;
	[tilespmem:$0x1E800] =	vst v63  }
0x63: {  	_ =	swait.ge [sflag:s14], $0x1380  }
0x64: {  	[sflag:s14] =	ssyncset.done $0x0  }
0x65: {  	[sflag:s14] =	ssyncadd.s32 $0xFFFFEC80  }
0x66: {  	[tilespmem:s15], [sflag:$0x3] =	stream.linear.gather [hbm4b:s10+s26], $0x1380, $0x38;
	[tilespmem:$0x1E800] =	vst v63  }
0x67: {  	_ =	swait.ge [sflag:s14], $0x1380  }
0x68: {  	[sflag:s14] =	ssyncset.done $0x0  }
0x69: {  	[sflag:s14] =	ssyncadd.s32 $0xFFFFEC80  }
0x6a: {  	[tilespmem:s17], [sflag:$0x1] =	stream.indirect.gather [hbm4b:s4+s16], $0x80, s26, s16, $0xb8;
	[tilespmem:$0x1E800] =	vst v63  }
0x6b: {  	s28 =	simm.s32 $0x80  }
0x6c: {  	[tilespmem:s18], [sflag:$0x2] =	stream.indirect.gather [hbm4b:s4+s16], $0x80, s28, s16, $0xb8;
	[tilespmem:$0x1E800] =	vst v63  }
0x6d: {  	_ =	swait.ge [sflag:s19], $0x4000  }
0x6e: {  	[sflag:s19] =	ssyncset.done $0x0  }
0x6f: {  	s29 =	simm.s32 $0x1400;
	[sflag:s19] =	ssyncadd.s32 $0xFFFFC000  }
0x70: {  	[spmem:s1] =	stream.indirect.scatter.add.f32 [tilespmem:s17], [sflag:$0x3], $0x80, s29, s16, $0xb8;
	[tilespmem:$0x1E800] =	vst v63  }
0x71: {  	_ =	swait.ge [sflag:s14], $0x4000  }
0x72: {  	[sflag:s14] =	ssyncset.done $0x0  }
0x73: {  	s30 =	simm.s32 $0x100;
	[sflag:s14] =	ssyncadd.s32 $0xFFFFC000  }
0x74: {  	[tilespmem:s17], [sflag:$0x1] =	stream.indirect.gather [hbm4b:s4+s16], $0x80, s30, s16, $0xb8;
	[tilespmem:$0x1E800] =	vst v63  }
0x75: {  	_ =	swait.ge [sflag:s20], $0x4000  }
0x76: {  	[sflag:s20] =	ssyncset.done $0x0  }
0x77: {  	s31 =	simm.s32 $0x1480;
	[sflag:s20] =	ssyncadd.s32 $0xFFFFC000  }
0x78: {  	[spmem:s1] =	stream.indirect.scatter.add.f32 [tilespmem:s18], [sflag:$0x3], $0x80, s31, s16, $0xb8;
	[tilespmem:$0x1E800] =	vst v63  }
0x79: {  	_ =	swait.ge [sflag:s14], $0x4000  }
0x7a: {  	s25 =	simm.s32 $0x100;
	s26 =	simm.s32 $0x800;
	[sflag:s14] =	ssyncset.done $0x0  }
.LBB2_4:
0x7b: {  	s28 =	sadd.s32 $0x80, s25  }
0x7c: {  	[sflag:s14] =	ssyncadd.s32 $0xFFFFC000;
	s29 =	smov.u32 s26;
	s30 =	sadd.s32 $0x400, s26  }
0x7d: {  	[tilespmem:s18], [sflag:$0x2] =	stream.indirect.gather [hbm4b:s4+s16], $0x80, s28, s16, $0xb8;
	[tilespmem:$0x1E800] =	vst v63  }
0x7e: {  	p0 =	sne.s32 s26, $0x4800;
	_ =	swait.ge [sflag:s19], $0x4000  }
0x7f: {  	[sflag:s19] =	ssyncset.done $0x0  }
0x80: {  	s26 =	sadd.s32 $0x1400, s25;
	[sflag:s19] =	ssyncadd.s32 $0xFFFFC000  }
0x81: {  	[spmem:s1] =	stream.indirect.scatter.add.f32 [tilespmem:s17], [sflag:$0x3], $0x80, s26, s16, $0xb8;
	[tilespmem:$0x1E800] =	vst v63  }
0x82: {  	_ =	swait.ge [sflag:s14], $0x4000  }
0x83: {  	[sflag:s14] =	ssyncset.done $0x0  }
0x84: {  	s26 =	sadd.s32 $0x100, s25;
	[sflag:s14] =	ssyncadd.s32 $0xFFFFC000  }
0x85: {  	[tilespmem:s17], [sflag:$0x1] =	stream.indirect.gather [hbm4b:s4+s16], $0x80, s26, s16, $0xb8;
	[tilespmem:$0x1E800] =	vst v63  }
0x86: {  	_ =	swait.ge [sflag:s20], $0x4000  }
.Ltmp1:
0x87: {  	[sflag:s20] =	ssyncset.done $0x0;
	(pc) =	sbr.rel @p0 .LBB2_4-.Ltmp1, $4  }
0x88: {  	s25 =	sadd.s32 $0x1480, s25;
	[sflag:s20] =	ssyncadd.s32 $0xFFFFC000  }
0x89: {  	[spmem:s1] =	stream.indirect.scatter.add.f32 [tilespmem:s18], [sflag:$0x3], $0x80, s25, s16, $0xb8;
	[tilespmem:$0x1E800] =	vst v63  }
0x8a: {  	_ =	swait.ge [sflag:s14], $0x4000  }
0x8b: {  	s26 =	smov.u32 s30;
	s25 =	sshra.s32 s29, $0x2;
	[sflag:s14] =	ssyncset.done $0x0  }
0x8c: {  	s26 =	sadd.s32 $0x80, s25;
	[sflag:s14] =	ssyncadd.s32 $0xFFFFC000  }
0x8d: {  	[tilespmem:s18], [sflag:$0x2] =	stream.indirect.gather [hbm4b:s4+s16], $0x80, s26, s16, $0xb8;
	[tilespmem:$0x1E800] =	vst v63  }
0x8e: {  	_ =	swait.ge [sflag:s19], $0x4000  }
0x8f: {  	[sflag:s19] =	ssyncset.done $0x0  }
0x90: {  	s29 =	sadd.s32 $0x1400, s25;
	[sflag:s19] =	ssyncadd.s32 $0xFFFFC000  }
0x91: {  	[spmem:s1] =	stream.indirect.scatter.add.f32 [tilespmem:s17], [sflag:$0x3], $0x80, s29, s16, $0xb8;
	[tilespmem:$0x1E800] =	vst v63  }
0x92: {  	_ =	swait.ge [sflag:s14], $0x4000  }
0x93: {  	[sflag:s14] =	ssyncset.done $0x0  }
0x94: {  	s30 =	sadd.s32 $0x100, s25;
	[sflag:s14] =	ssyncadd.s32 $0xFFFFC000  }
0x95: {  	[tilespmem:s17], [sflag:$0x1] =	stream.indirect.gather [hbm4b:s4+s16], $0x80, s30, s16, $0xb8;
	[tilespmem:$0x1E800] =	vst v63  }
0x96: {  	_ =	swait.ge [sflag:s20], $0x4000  }
0x97: {  	[sflag:s20] =	ssyncset.done $0x0  }
0x98: {  	s31 =	sadd.s32 $0x1480, s25;
	[sflag:s20] =	ssyncadd.s32 $0xFFFFC000  }
0x99: {  	[spmem:s1] =	stream.indirect.scatter.add.f32 [tilespmem:s18], [sflag:$0x3], $0x80, s31, s16, $0xb8;
	[tilespmem:$0x1E800] =	vst v63  }
0x9a: {  	_ =	swait.ge [sflag:s14], $0x4000  }
0x9b: {  	[sflag:s14] =	ssyncset.done $0x0  }
0x9c: {  	[sflag:s14] =	ssyncadd.s32 $0xFFFFC000  }
0x9d: {  	_ =	swait.ge [sflag:s19], $0x4000  }
0x9e: {  	[sflag:s19] =	ssyncset.done $0x0  }
0x9f: {  	[sflag:s19] =	ssyncadd.s32 $0xFFFFC000  }
0xa0: {  	[spmem:s1] =	stream.indirect.scatter.add.f32 [tilespmem:s17], [sflag:$0x3], $0x80, s22, s16, $0xb8;
	[tilespmem:$0x1E800] =	vst v63  }
0xa1: {  	_ =	swait.ge [sflag:s14], $0x4000  }
0xa2: {  	s24 =	sadd.s32 $0x1, s24;
	[sflag:s14] =	ssyncset.done $0x0  }
0xa3: {  	p0 =	sne.s32 s24, s12;
	[sflag:s14] =	ssyncadd.s32 $0xFFFFC000  }
.Ltmp2:
0xa4: {  	[bflag:$0x0] =	sbarrier.arrive $0xFFFF;
	(pc) =	sbr.rel @p0 .LBB2_1-.Ltmp2, $4  }
0xa5: {  	[hbm:s11], [sflag:s6] =	dma.local [spmem:s13], $0x2800  }
0xa6: {  	_ =	swait.ge [sflag:s14], $0x2800  }
0xa7: {  	[sflag:s14] =	ssyncset.done $0x0  }
0xa8: {  	[sflag:s14] =	ssyncadd.s32 $0xFFFFD800  }
0xa9: {  	_ =	sfence.sel $0x180000  }
0xaa: {  	[bflag:$0x0] =	sbarrier.arrive $0xFFFF  }
0xab: {  	p0 =	sne.s32 s2, $0x0;
	_ =	strace $0x90000053  }
0xac: {  	s0 =	sadd.s32 @!p0 $0x100000, s0;
	[bflag:$0x2] =	sbarrier.arrive $0xFFFF  }
0xad: {  	[sflag:s0] =	ssyncadd.tile.s32 @!p0 $0x1;
	_ =	shalt  }
.Lfunc_end2:
_tile_overlayer_lowered:
.L_overlay_start_2:
0xae: {  	(tag) =	ssettag $0x2  }
0xaf: {  	s0 =	rddreg [dreg:$0x0];
	s2 =	stileid.u32  }
0xb0: {  	s1 =	rddreg [dreg:$0x1];
	p0 =	sne.s32 s2, $0x0  }
0xb1: {  	s3 =	rddreg [dreg:$0x2];
	[bflag:$0x3] =	sbarrier.arrive $0xFFFF;
	s2 =	simm.s32 @!p0 $0x1C03  }
0xb2: {  	[timem:s3], [sflag:s2] =	dma.local @!p0 [hbm:s0], s1  }
0xb3: {  	s0 =	simm.s32 @!p0 $0x3  }
0xb4: {  	_ =	swait.ge @!p0 [sflag:s0], s1  }
0xb5: {  	s1 =	ssub.s32 @!p0 $0x0, s1;
	[sflag:s0] =	ssyncset.done @!p0 $0x0  }
0xb6: {  	[sflag:s0] =	ssyncadd.s32 @!p0 s1  }
0xb7: {  	[bflag:$0x3] =	sbarrier.arrive $0xFFFF  }
0xb8: {  	_ =	shalt  }

</sc_bundles>
